<compile_context>
chip_gen: v7x
topology: tpu7x:2x2x1
jax: 0.10.2.dev20260603
libtpu: 0.0.44.dev20260713+nightly
codegen_flags: <defaults>
</compile_context>

<pallas_src>
import functools

import jax
import jax.numpy as jnp
from jax import lax
from jax.experimental import pallas as pl
from jax.experimental.pallas import tpu as pltpu
from jax.experimental.pallas import tpu_sc as plsc

N_NODES = 10000
N_EDGES = 320000
F = 128
NC = 2
NS = 16
EC = 32
CPS = 32
NSLOT = 8
SCT = 10
CHT = CPS * SCT
E_PAD = NC * NS * CHT * EC
NP = 10240
ROWS_PT = NP // NS
BRF = 2048


def _tc_final_body(a0_ref, a1_ref, w_ref, norm_ref, bias_ref, out_ref):
    agg = a0_ref[...] + a1_ref[...]
    mm = jnp.dot(agg, w_ref[...], preferred_element_type=jnp.float32)
    out_ref[...] = mm * norm_ref[...] + bias_ref[...]


def _tc_final(parts, weight, norm, bias2):
    nb = NP // BRF
    return pl.pallas_call(
        _tc_final_body,
        grid=(nb,),
        in_specs=[
            pl.BlockSpec((BRF, F), lambda r: (r, 0)),
            pl.BlockSpec((BRF, F), lambda r: (nb + r, 0)),
            pl.BlockSpec((F, F), lambda r: (0, 0)),
            pl.BlockSpec((BRF, 1), lambda r: (r, 0)),
            pl.BlockSpec((1, F), lambda r: (0, 0)),
        ],
        out_specs=pl.BlockSpec((BRF, F), lambda r: (r, 0)),
        out_shape=jax.ShapeDtypeStruct((N_NODES, F), jnp.float32),
    )(parts, parts, weight, norm, bias2)


def _sc_agg_body(table_hbm, sd_hbm, out_hbm,
                 ibs0, ibs1, ibd0, ibd1, *rest):
    rows = rest[:NSLOT]
    acc_sh = rest[NSLOT]
    isem = rest[NSLOT + 1:NSLOT + 3]
    gsem = rest[NSLOT + 3:2 * NSLOT + 3]
    csem = rest[2 * NSLOT + 3:]
    c = lax.axis_index("c")
    s = lax.axis_index("s")
    wid = c * NS + s
    base = wid * CHT
    ibs = (ibs0, ibs1)
    ibd = (ibd0, ibd1)

    for par in range(2):
        pltpu.async_copy(sd_hbm.at[0, pl.ds(base + par * CPS, CPS)],
                         ibs[par], isem[par])
        pltpu.async_copy(sd_hbm.at[1, pl.ds(base + par * CPS, CPS)],
                         ibd[par], isem[par])

    zvec = jnp.zeros((16,), jnp.float32)

    def zrow(i, carry):
        for t in range(F // 16):
            rows[0][i, pl.ds(t * 16, 16)] = zvec
        return carry

    lax.fori_loop(0, EC, zrow, 0)
    for q in range(ROWS_PT // EC):
        pltpu.sync_copy(rows[0],
                        acc_sh.at[pl.ds(s * ROWS_PT + q * EC, EC)])
    plsc.subcore_barrier()

    def two_supers(t, carry):
        for par in range(2):
            sc_i = 2 * t + par
            pltpu.make_async_copy(sd_hbm.at[0, pl.ds(base, CPS)],
                                  ibs[par], isem[par]).wait()
            pltpu.make_async_copy(sd_hbm.at[1, pl.ds(base, CPS)],
                                  ibd[par], isem[par]).wait()
            gd = {}
            cd = {}
            for b in range(NSLOT):
                gd[b] = pltpu.async_copy(table_hbm.at[ibs[par].at[b]],
                                         rows[b], gsem[b])
            for b in range(CPS):
                gd[b].wait()
                cd[b] = pltpu.async_copy(rows[b % NSLOT],
                                         acc_sh.at[ibd[par].at[b]],
                                         csem[b % NSLOT], add=True)
                if b + NSLOT < CPS:
                    cd[b].wait()
                    gd[b + NSLOT] = pltpu.async_copy(
                        table_hbm.at[ibs[par].at[b + NSLOT]],
                        rows[b % NSLOT], gsem[b % NSLOT])
            for b in range(CPS - NSLOT, CPS):
                cd[b].wait()
            nxt = base + jnp.minimum(sc_i + 2, SCT - 1) * CPS
            pltpu.async_copy(sd_hbm.at[0, pl.ds(nxt, CPS)], ibs[par],
                             isem[par])
            pltpu.async_copy(sd_hbm.at[1, pl.ds(nxt, CPS)], ibd[par],
                             isem[par])
        return carry

    lax.fori_loop(0, SCT // 2, two_supers, 0)
    for par in range(2):
        pltpu.make_async_copy(sd_hbm.at[0, pl.ds(base, CPS)],
                              ibs[par], isem[par]).wait()
        pltpu.make_async_copy(sd_hbm.at[1, pl.ds(base, CPS)],
                              ibd[par], isem[par]).wait()
    plsc.subcore_barrier()

    pltpu.sync_copy(acc_sh.at[pl.ds(s * ROWS_PT, ROWS_PT)],
                    out_hbm.at[pl.ds(c * NP + s * ROWS_PT, ROWS_PT)])


_sc_agg = functools.partial(
    pl.kernel,
    mesh=plsc.VectorSubcoreMesh(core_axis_name="c", subcore_axis_name="s",
                                num_cores=NC, num_subcores=NS),
    out_type=jax.ShapeDtypeStruct((NC * NP, F), jnp.float32),
    scratch_types=[
        pltpu.VMEM((CPS, EC), jnp.int32),
        pltpu.VMEM((CPS, EC), jnp.int32),
        pltpu.VMEM((CPS, EC), jnp.int32),
        pltpu.VMEM((CPS, EC), jnp.int32),
    ] + [pltpu.VMEM((EC, F), jnp.float32) for _ in range(NSLOT)] + [
        pltpu.VMEM_SHARED((NP, F), jnp.float32),
    ] + [pltpu.SemaphoreType.DMA for _ in range(2 + 2 * NSLOT)],
)(_sc_agg_body)


def kernel(h, edge_index, norm, weight, bias):
    hs = h * norm
    npad = E_PAD - N_EDGES
    pad_iota = lax.iota(jnp.int32, npad)
    pads = jnp.stack([pad_iota % N_NODES,
                      N_NODES + pad_iota % (NP - N_NODES)])
    sdp = jnp.concatenate([edge_index.astype(jnp.int32), pads],
                          axis=1).reshape(2, -1, EC)
    parts = _sc_agg(hs, sdp)
    return _tc_final(parts, weight, norm, bias.reshape(1, F))

# --- scband reference (transcript-rebuilt; emitter-appended) ---
"""Pipeline reference for scband-gcnlayer-4080218931696 (READ-ONLY COPY).

The authoritative reference and input builder live on the scoring server;
editing this copy changes nothing except your own understanding.
"""

import jax, jax.numpy as jnp
import numpy as np

N_NODES = 10000
N_EDGES = 320000
IN_FEATS = 128
OUT_FEATS = 128


def setup_inputs(seed: int = 0) -> dict:
    key = jax.random.key(seed)
    k_h, k_e, k_n, k_w = jax.random.split(key, 4)
    h = jax.random.normal(k_h, (N_NODES, IN_FEATS), dtype=jnp.float32)
    edge_index = jax.random.randint(k_e, (2, N_EDGES), 0, N_NODES, dtype=jnp.int64)
    norm = jax.random.uniform(k_n, (N_NODES, 1), dtype=jnp.float32)
    # xavier_uniform_ for weight [in_feats, out_feats]
    limit = float(np.sqrt(6.0 / (IN_FEATS + OUT_FEATS)))
    weight = jax.random.uniform(k_w, (IN_FEATS, OUT_FEATS), dtype=jnp.float32,
                                minval=-limit, maxval=limit)
    bias = jnp.zeros((OUT_FEATS,), dtype=jnp.float32)
    return {"h": h, "edge_index": edge_index, "norm": norm,
            "weight": weight, "bias": bias}


def reference(h, edge_index, norm, weight, bias):
    # h = torch.matmul(h, self.weight)
    h = jnp.matmul(h, weight)
    # g.ndata['h'] = h * g.ndata['norm']
    h = h * norm
    # update_all(copy_u('h','m'), sum('m','h')) -> gather from src, scatter-add to dst
    src = edge_index[0]
    dst = edge_index[1]
    m = jnp.take(h, src, axis=0)
    h = jax.ops.segment_sum(m, dst, num_segments=N_NODES)
    # h = h * norm
    h = h * norm
    # bias
    h = h + bias
    return h

if __name__ == "__main__":
    import jax
    _d = setup_inputs()
    print(jax.jit(kernel)(*tuple(_d.values())))

</pallas_src>

<mosaic_0001>
#map = affine_map<(d0, d1) -> (0, 0)>
#map1 = affine_map<(d0, d1) -> (0, 0, 0)>
module attributes {stable_mosaic.version = 14 : i64} {
  func.func @_sc_agg_body(%arg0: i32, %arg1: i32, %arg2: memref<10000x128xf32, #tpu.memory_space<hbm>>, %arg3: memref<2x10240x32xi32, #tpu.memory_space<hbm>>, %arg4: memref<20480x128xf32, #tpu.memory_space<hbm>>, %arg5: memref<32x32xi32, #tpu.memory_space<vmem>>, %arg6: memref<32x32xi32, #tpu.memory_space<vmem>>, %arg7: memref<32x32xi32, #tpu.memory_space<vmem>>, %arg8: memref<32x32xi32, #tpu.memory_space<vmem>>, %arg9: memref<32x128xf32, #tpu.memory_space<vmem>>, %arg10: memref<32x128xf32, #tpu.memory_space<vmem>>, %arg11: memref<32x128xf32, #tpu.memory_space<vmem>>, %arg12: memref<32x128xf32, #tpu.memory_space<vmem>>, %arg13: memref<32x128xf32, #tpu.memory_space<vmem>>, %arg14: memref<32x128xf32, #tpu.memory_space<vmem>>, %arg15: memref<32x128xf32, #tpu.memory_space<vmem>>, %arg16: memref<32x128xf32, #tpu.memory_space<vmem>>, %arg17: memref<10240x128xf32, #tpu.memory_space<vmem_shared>>, %arg18: memref<!tpu.dma_semaphore, #tpu.memory_space<semaphore_mem>>, %arg19: memref<!tpu.dma_semaphore, #tpu.memory_space<semaphore_mem>>, %arg20: memref<!tpu.dma_semaphore, #tpu.memory_space<semaphore_mem>>, %arg21: memref<!tpu.dma_semaphore, #tpu.memory_space<semaphore_mem>>, %arg22: memref<!tpu.dma_semaphore, #tpu.memory_space<semaphore_mem>>, %arg23: memref<!tpu.dma_semaphore, #tpu.memory_space<semaphore_mem>>, %arg24: memref<!tpu.dma_semaphore, #tpu.memory_space<semaphore_mem>>, %arg25: memref<!tpu.dma_semaphore, #tpu.memory_space<semaphore_mem>>, %arg26: memref<!tpu.dma_semaphore, #tpu.memory_space<semaphore_mem>>, %arg27: memref<!tpu.dma_semaphore, #tpu.memory_space<semaphore_mem>>, %arg28: memref<!tpu.dma_semaphore, #tpu.memory_space<semaphore_mem>>, %arg29: memref<!tpu.dma_semaphore, #tpu.memory_space<semaphore_mem>>, %arg30: memref<!tpu.dma_semaphore, #tpu.memory_space<semaphore_mem>>, %arg31: memref<!tpu.dma_semaphore, #tpu.memory_space<semaphore_mem>>, %arg32: memref<!tpu.dma_semaphore, #tpu.memory_space<semaphore_mem>>, %arg33: memref<!tpu.dma_semaphore, #tpu.memory_space<semaphore_mem>>, %arg34: memref<!tpu.dma_semaphore, #tpu.memory_space<semaphore_mem>>, %arg35: memref<!tpu.dma_semaphore, #tpu.memory_space<semaphore_mem>>) attributes {dimension_semantics = [#tpu.dimension_semantics<core_parallel>, #tpu.dimension_semantics<subcore_parallel>], iteration_bounds = array<i64: 2, 16>, scalar_prefetch = 0 : i64, scratch_operands = 31 : i64, tpu.core_type = #tpu.core_type<sc_vector_subcore>, window_params = [{transform_indices = #map}, {transform_indices = #map1}, {transform_indices = #map}]} {
    %mul3A = arith.constant 16 : i32
    %mul3A_0 = arith.muli %arg0, %mul3A : i32
    %add3A = arith.addi %mul3A_0, %arg1 : i32
    %mul3A_1 = arith.constant 320 : i32
    %mul3A_2 = arith.muli %add3A, %mul3A_1 : i32
    %add3A_3 = arith.constant 0 : i32
    %add3A_4 = arith.addi %mul3A_2, %add3A_3 : i32
    %dma_start3A = arith.constant 0 : i32
    %dma_start3A_5 = arith.constant 0 : i32
    %dma_start3A_6 = tpu.memref_slice %arg3[%dma_start3A, %add3A_4, %dma_start3A_5] : memref<2x10240x32xi32, #tpu.memory_space<hbm>> -> memref<1x32x32xi32, #tpu.memory_space<hbm>>
    %dma_start3A_7 = tpu.memref_squeeze %dma_start3A_6 : memref<1x32x32xi32, #tpu.memory_space<hbm>> -> memref<32x32xi32, #tpu.memory_space<hbm>>
    %dma_start3A_8 = arith.constant 0 : i32
    %dma_start3A_9 = tpu.memref_slice %arg3[%dma_start3A, %add3A_4, %dma_start3A_8] : memref<2x10240x32xi32, #tpu.memory_space<hbm>> -> memref<1x32x32xi32, #tpu.memory_space<hbm>>
    %dma_start3A_10 = tpu.memref_squeeze %dma_start3A_9 : memref<1x32x32xi32, #tpu.memory_space<hbm>> -> memref<32x32xi32, #tpu.memory_space<hbm>>
    tpu.enqueue_dma source(%dma_start3A_10 : memref<32x32xi32, #tpu.memory_space<hbm>>) target(%arg5 : memref<32x32xi32, #tpu.memory_space<vmem>>) target_semaphore(%arg18 : memref<!tpu.dma_semaphore, #tpu.memory_space<semaphore_mem>>)
    %add3A_11 = arith.constant 0 : i32
    %add3A_12 = arith.addi %mul3A_2, %add3A_11 : i32
    %dma_start3A_13 = arith.constant 1 : i32
    %dma_start3A_14 = arith.constant 0 : i32
    %dma_start3A_15 = tpu.memref_slice %arg3[%dma_start3A_13, %add3A_12, %dma_start3A_14] : memref<2x10240x32xi32, #tpu.memory_space<hbm>> -> memref<1x32x32xi32, #tpu.memory_space<hbm>>
    %dma_start3A_16 = tpu.memref_squeeze %dma_start3A_15 : memref<1x32x32xi32, #tpu.memory_space<hbm>> -> memref<32x32xi32, #tpu.memory_space<hbm>>
    %dma_start3A_17 = arith.constant 0 : i32
    %dma_start3A_18 = tpu.memref_slice %arg3[%dma_start3A_13, %add3A_12, %dma_start3A_17] : memref<2x10240x32xi32, #tpu.memory_space<hbm>> -> memref<1x32x32xi32, #tpu.memory_space<hbm>>
    %dma_start3A_19 = tpu.memref_squeeze %dma_start3A_18 : memref<1x32x32xi32, #tpu.memory_space<hbm>> -> memref<32x32xi32, #tpu.memory_space<hbm>>
    tpu.enqueue_dma source(%dma_start3A_19 : memref<32x32xi32, #tpu.memory_space<hbm>>) target(%arg7 : memref<32x32xi32, #tpu.memory_space<vmem>>) target_semaphore(%arg18 : memref<!tpu.dma_semaphore, #tpu.memory_space<semaphore_mem>>)
    %add3A_20 = arith.constant 32 : i32
    %add3A_21 = arith.addi %mul3A_2, %add3A_20 : i32
    %dma_start3A_22 = arith.constant 0 : i32
    %dma_start3A_23 = arith.constant 0 : i32
    %dma_start3A_24 = tpu.memref_slice %arg3[%dma_start3A_22, %add3A_21, %dma_start3A_23] : memref<2x10240x32xi32, #tpu.memory_space<hbm>> -> memref<1x32x32xi32, #tpu.memory_space<hbm>>
    %dma_start3A_25 = tpu.memref_squeeze %dma_start3A_24 : memref<1x32x32xi32, #tpu.memory_space<hbm>> -> memref<32x32xi32, #tpu.memory_space<hbm>>
    %dma_start3A_26 = arith.constant 0 : i32
    %dma_start3A_27 = tpu.memref_slice %arg3[%dma_start3A_22, %add3A_21, %dma_start3A_26] : memref<2x10240x32xi32, #tpu.memory_space<hbm>> -> memref<1x32x32xi32, #tpu.memory_space<hbm>>
    %dma_start3A_28 = tpu.memref_squeeze %dma_start3A_27 : memref<1x32x32xi32, #tpu.memory_space<hbm>> -> memref<32x32xi32, #tpu.memory_space<hbm>>
    tpu.enqueue_dma source(%dma_start3A_28 : memref<32x32xi32, #tpu.memory_space<hbm>>) target(%arg6 : memref<32x32xi32, #tpu.memory_space<vmem>>) target_semaphore(%arg19 : memref<!tpu.dma_semaphore, #tpu.memory_space<semaphore_mem>>)
    %add3A_29 = arith.constant 32 : i32
    %add3A_30 = arith.addi %mul3A_2, %add3A_29 : i32
    %dma_start3A_31 = arith.constant 1 : i32
    %dma_start3A_32 = arith.constant 0 : i32
    %dma_start3A_33 = tpu.memref_slice %arg3[%dma_start3A_31, %add3A_30, %dma_start3A_32] : memref<2x10240x32xi32, #tpu.memory_space<hbm>> -> memref<1x32x32xi32, #tpu.memory_space<hbm>>
    %dma_start3A_34 = tpu.memref_squeeze %dma_start3A_33 : memref<1x32x32xi32, #tpu.memory_space<hbm>> -> memref<32x32xi32, #tpu.memory_space<hbm>>
    %dma_start3A_35 = arith.constant 0 : i32
    %dma_start3A_36 = tpu.memref_slice %arg3[%dma_start3A_31, %add3A_30, %dma_start3A_35] : memref<2x10240x32xi32, #tpu.memory_space<hbm>> -> memref<1x32x32xi32, #tpu.memory_space<hbm>>
    %dma_start3A_37 = tpu.memref_squeeze %dma_start3A_36 : memref<1x32x32xi32, #tpu.memory_space<hbm>> -> memref<32x32xi32, #tpu.memory_space<hbm>>
    tpu.enqueue_dma source(%dma_start3A_37 : memref<32x32xi32, #tpu.memory_space<hbm>>) target(%arg8 : memref<32x32xi32, #tpu.memory_space<vmem>>) target_semaphore(%arg19 : memref<!tpu.dma_semaphore, #tpu.memory_space<semaphore_mem>>)
    %broadcast_in_dim3A = arith.constant 0.000000e+00 : f32
    %broadcast_in_dim3A_38 = vector.broadcast %broadcast_in_dim3A : f32 to vector<16xf32>
    %scan3A = arith.constant 0 : i32
    %scan3A_39 = arith.constant 0 : i32
    %scan3A_40 = arith.constant 32 : i32
    %scan3A_41 = arith.addi %scan3A_39, %scan3A_40 : i32
    %scan3A_42 = arith.constant 1 : i32
    scf.for %scan3A_165 = %scan3A_39 to %scan3A_41 step %scan3A_42  : i32 {
      %swap3A = arith.index_cast %scan3A_165 : i32 to index
      %swap3A_166 = arith.constant 0 : index
      %swap3A_167 = tpu.vector_load %arg9[%swap3A, %swap3A_166] {strides = array<i32>} : memref<32x128xf32, #tpu.memory_space<vmem>>, vector<1x16xf32>,
      %swap3A_168 = vector.shape_cast %swap3A_167 : vector<1x16xf32> to vector<16xf32>
      %swap3A_169 = vector.shape_cast %broadcast_in_dim3A_38 : vector<16xf32> to vector<1x16xf32>
      tpu.vector_store %arg9[%swap3A, %swap3A_166], %swap3A_169 {strides = array<i32>} : memref<32x128xf32, #tpu.memory_space<vmem>>, vector<1x16xf32>,
      %swap3A_170 = arith.index_cast %scan3A_165 : i32 to index
      %swap3A_171 = arith.constant 16 : index
      %swap3A_172 = tpu.vector_load %arg9[%swap3A_170, %swap3A_171] {strides = array<i32>} : memref<32x128xf32, #tpu.memory_space<vmem>>, vector<1x16xf32>,
      %swap3A_173 = vector.shape_cast %swap3A_172 : vector<1x16xf32> to vector<16xf32>
      %swap3A_174 = vector.shape_cast %broadcast_in_dim3A_38 : vector<16xf32> to vector<1x16xf32>
      tpu.vector_store %arg9[%swap3A_170, %swap3A_171], %swap3A_174 {strides = array<i32>} : memref<32x128xf32, #tpu.memory_space<vmem>>, vector<1x16xf32>,
      %swap3A_175 = arith.index_cast %scan3A_165 : i32 to index
      %swap3A_176 = arith.constant 32 : index
      %swap3A_177 = tpu.vector_load %arg9[%swap3A_175, %swap3A_176] {strides = array<i32>} : memref<32x128xf32, #tpu.memory_space<vmem>>, vector<1x16xf32>,
      %swap3A_178 = vector.shape_cast %swap3A_177 : vector<1x16xf32> to vector<16xf32>
      %swap3A_179 = vector.shape_cast %broadcast_in_dim3A_38 : vector<16xf32> to vector<1x16xf32>
      tpu.vector_store %arg9[%swap3A_175, %swap3A_176], %swap3A_179 {strides = array<i32>} : memref<32x128xf32, #tpu.memory_space<vmem>>, vector<1x16xf32>,
      %swap3A_180 = arith.index_cast %scan3A_165 : i32 to index
      %swap3A_181 = arith.constant 48 : index
      %swap3A_182 = tpu.vector_load %arg9[%swap3A_180, %swap3A_181] {strides = array<i32>} : memref<32x128xf32, #tpu.memory_space<vmem>>, vector<1x16xf32>,
      %swap3A_183 = vector.shape_cast %swap3A_182 : vector<1x16xf32> to vector<16xf32>
      %swap3A_184 = vector.shape_cast %broadcast_in_dim3A_38 : vector<16xf32> to vector<1x16xf32>
      tpu.vector_store %arg9[%swap3A_180, %swap3A_181], %swap3A_184 {strides = array<i32>} : memref<32x128xf32, #tpu.memory_space<vmem>>, vector<1x16xf32>,
      %swap3A_185 = arith.index_cast %scan3A_165 : i32 to index
      %swap3A_186 = arith.constant 64 : index
      %swap3A_187 = tpu.vector_load %arg9[%swap3A_185, %swap3A_186] {strides = array<i32>} : memref<32x128xf32, #tpu.memory_space<vmem>>, vector<1x16xf32>,
      %swap3A_188 = vector.shape_cast %swap3A_187 : vector<1x16xf32> to vector<16xf32>
      %swap3A_189 = vector.shape_cast %broadcast_in_dim3A_38 : vector<16xf32> to vector<1x16xf32>
      tpu.vector_store %arg9[%swap3A_185, %swap3A_186], %swap3A_189 {strides = array<i32>} : memref<32x128xf32, #tpu.memory_space<vmem>>, vector<1x16xf32>,
      %swap3A_190 = arith.index_cast %scan3A_165 : i32 to index
      %swap3A_191 = arith.constant 80 : index
      %swap3A_192 = tpu.vector_load %arg9[%swap3A_190, %swap3A_191] {strides = array<i32>} : memref<32x128xf32, #tpu.memory_space<vmem>>, vector<1x16xf32>,
      %swap3A_193 = vector.shape_cast %swap3A_192 : vector<1x16xf32> to vector<16xf32>
      %swap3A_194 = vector.shape_cast %broadcast_in_dim3A_38 : vector<16xf32> to vector<1x16xf32>
      tpu.vector_store %arg9[%swap3A_190, %swap3A_191], %swap3A_194 {strides = array<i32>} : memref<32x128xf32, #tpu.memory_space<vmem>>, vector<1x16xf32>,
      %swap3A_195 = arith.index_cast %scan3A_165 : i32 to index
      %swap3A_196 = arith.constant 96 : index
      %swap3A_197 = tpu.vector_load %arg9[%swap3A_195, %swap3A_196] {strides = array<i32>} : memref<32x128xf32, #tpu.memory_space<vmem>>, vector<1x16xf32>,
      %swap3A_198 = vector.shape_cast %swap3A_197 : vector<1x16xf32> to vector<16xf32>
      %swap3A_199 = vector.shape_cast %broadcast_in_dim3A_38 : vector<16xf32> to vector<1x16xf32>
      tpu.vector_store %arg9[%swap3A_195, %swap3A_196], %swap3A_199 {strides = array<i32>} : memref<32x128xf32, #tpu.memory_space<vmem>>, vector<1x16xf32>,
      %swap3A_200 = arith.index_cast %scan3A_165 : i32 to index
      %swap3A_201 = arith.constant 112 : index
      %swap3A_202 = tpu.vector_load %arg9[%swap3A_200, %swap3A_201] {strides = array<i32>} : memref<32x128xf32, #tpu.memory_space<vmem>>, vector<1x16xf32>,
      %swap3A_203 = vector.shape_cast %swap3A_202 : vector<1x16xf32> to vector<16xf32>
      %swap3A_204 = vector.shape_cast %broadcast_in_dim3A_38 : vector<16xf32> to vector<1x16xf32>
      tpu.vector_store %arg9[%swap3A_200, %swap3A_201], %swap3A_204 {strides = array<i32>} : memref<32x128xf32, #tpu.memory_space<vmem>>, vector<1x16xf32>,
    }
    %scan3A_43 = arith.constant 32 : i32
    %mul3A_44 = arith.constant 640 : i32
    %mul3A_45 = arith.muli %arg1, %mul3A_44 : i32
    %add3A_46 = arith.constant 0 : i32
    %add3A_47 = arith.addi %mul3A_45, %add3A_46 : i32
    "tpu.region"() ({
      %run_scoped3A = tpu.sem_alloc : memref<!tpu.dma_semaphore, #tpu.memory_space<semaphore_mem>>
      %dma_start3A_165 = arith.constant 0 : i32
      %dma_start3A_166 = tpu.memref_slice %arg17[%add3A_47, %dma_start3A_165] : memref<10240x128xf32, #tpu.memory_space<vmem_shared>> -> memref<32x128xf32, #tpu.memory_space<vmem_shared>>
      %dma_start3A_167 = arith.constant 0 : i32
      %dma_start3A_168 = tpu.memref_slice %arg17[%add3A_47, %dma_start3A_167] : memref<10240x128xf32, #tpu.memory_space<vmem_shared>> -> memref<32x128xf32, #tpu.memory_space<vmem_shared>>
      tpu.enqueue_dma source(%arg9 : memref<32x128xf32, #tpu.memory_space<vmem>>) target(%dma_start3A_168 : memref<32x128xf32, #tpu.memory_space<vmem_shared>>) target_semaphore(%run_scoped3A : memref<!tpu.dma_semaphore, #tpu.memory_space<semaphore_mem>>)
      %dma_wait3A_169 = arith.constant 0 : i32
      %dma_wait3A_170 = tpu.memref_slice %arg17[%add3A_47, %dma_wait3A_169] : memref<10240x128xf32, #tpu.memory_space<vmem_shared>> -> memref<32x128xf32, #tpu.memory_space<vmem_shared>>
      %dma_wait3A_171 = arith.constant 0 : i32
      %dma_wait3A_172 = tpu.memref_slice %arg17[%add3A_47, %dma_wait3A_171] : memref<10240x128xf32, #tpu.memory_space<vmem_shared>> -> memref<32x128xf32, #tpu.memory_space<vmem_shared>>
      tpu.wait_dma2 semaphore(%run_scoped3A : memref<!tpu.dma_semaphore, #tpu.memory_space<semaphore_mem>>) src(%arg9 : memref<32x128xf32, #tpu.memory_space<vmem>>) dst(%dma_wait3A_172 : memref<32x128xf32, #tpu.memory_space<vmem_shared>>)
      tpu.yield
    }) : () -> ()
    %mul3A_48 = arith.constant 640 : i32
    %mul3A_49 = arith.muli %arg1, %mul3A_48 : i32
    %add3A_50 = arith.constant 32 : i32
    %add3A_51 = arith.addi %mul3A_49, %add3A_50 : i32
    "tpu.region"() ({
      %run_scoped3A = tpu.sem_alloc : memref<!tpu.dma_semaphore, #tpu.memory_space<semaphore_mem>>
      %dma_start3A_165 = arith.constant 0 : i32
      %dma_start3A_166 = tpu.memref_slice %arg17[%add3A_51, %dma_start3A_165] : memref<10240x128xf32, #tpu.memory_space<vmem_shared>> -> memref<32x128xf32, #tpu.memory_space<vmem_shared>>
      %dma_start3A_167 = arith.constant 0 : i32
      %dma_start3A_168 = tpu.memref_slice %arg17[%add3A_51, %dma_start3A_167] : memref<10240x128xf32, #tpu.memory_space<vmem_shared>> -> memref<32x128xf32, #tpu.memory_space<vmem_shared>>
      tpu.enqueue_dma source(%arg9 : memref<32x128xf32, #tpu.memory_space<vmem>>) target(%dma_start3A_168 : memref<32x128xf32, #tpu.memory_space<vmem_shared>>) target_semaphore(%run_scoped3A : memref<!tpu.dma_semaphore, #tpu.memory_space<semaphore_mem>>)
      %dma_wait3A_169 = arith.constant 0 : i32
      %dma_wait3A_170 = tpu.memref_slice %arg17[%add3A_51, %dma_wait3A_169] : memref<10240x128xf32, #tpu.memory_space<vmem_shared>> -> memref<32x128xf32, #tpu.memory_space<vmem_shared>>
      %dma_wait3A_171 = arith.constant 0 : i32
      %dma_wait3A_172 = tpu.memref_slice %arg17[%add3A_51, %dma_wait3A_171] : memref<10240x128xf32, #tpu.memory_space<vmem_shared>> -> memref<32x128xf32, #tpu.memory_space<vmem_shared>>
      tpu.wait_dma2 semaphore(%run_scoped3A : memref<!tpu.dma_semaphore, #tpu.memory_space<semaphore_mem>>) src(%arg9 : memref<32x128xf32, #tpu.memory_space<vmem>>) dst(%dma_wait3A_172 : memref<32x128xf32, #tpu.memory_space<vmem_shared>>)
      tpu.yield
    }) : () -> ()
    %mul3A_52 = arith.constant 640 : i32
    %mul3A_53 = arith.muli %arg1, %mul3A_52 : i32
    %add3A_54 = arith.constant 64 : i32
    %add3A_55 = arith.addi %mul3A_53, %add3A_54 : i32
    "tpu.region"() ({
      %run_scoped3A = tpu.sem_alloc : memref<!tpu.dma_semaphore, #tpu.memory_space<semaphore_mem>>
      %dma_start3A_165 = arith.constant 0 : i32
      %dma_start3A_166 = tpu.memref_slice %arg17[%add3A_55, %dma_start3A_165] : memref<10240x128xf32, #tpu.memory_space<vmem_shared>> -> memref<32x128xf32, #tpu.memory_space<vmem_shared>>
      %dma_start3A_167 = arith.constant 0 : i32
      %dma_start3A_168 = tpu.memref_slice %arg17[%add3A_55, %dma_start3A_167] : memref<10240x128xf32, #tpu.memory_space<vmem_shared>> -> memref<32x128xf32, #tpu.memory_space<vmem_shared>>
      tpu.enqueue_dma source(%arg9 : memref<32x128xf32, #tpu.memory_space<vmem>>) target(%dma_start3A_168 : memref<32x128xf32, #tpu.memory_space<vmem_shared>>) target_semaphore(%run_scoped3A : memref<!tpu.dma_semaphore, #tpu.memory_space<semaphore_mem>>)
      %dma_wait3A_169 = arith.constant 0 : i32
      %dma_wait3A_170 = tpu.memref_slice %arg17[%add3A_55, %dma_wait3A_169] : memref<10240x128xf32, #tpu.memory_space<vmem_shared>> -> memref<32x128xf32, #tpu.memory_space<vmem_shared>>
      %dma_wait3A_171 = arith.constant 0 : i32
      %dma_wait3A_172 = tpu.memref_slice %arg17[%add3A_55, %dma_wait3A_171] : memref<10240x128xf32, #tpu.memory_space<vmem_shared>> -> memref<32x128xf32, #tpu.memory_space<vmem_shared>>
      tpu.wait_dma2 semaphore(%run_scoped3A : memref<!tpu.dma_semaphore, #tpu.memory_space<semaphore_mem>>) src(%arg9 : memref<32x128xf32, #tpu.memory_space<vmem>>) dst(%dma_wait3A_172 : memref<32x128xf32, #tpu.memory_space<vmem_shared>>)
      tpu.yield
    }) : () -> ()
    %mul3A_56 = arith.constant 640 : i32
    %mul3A_57 = arith.muli %arg1, %mul3A_56 : i32
    %add3A_58 = arith.constant 96 : i32
    %add3A_59 = arith.addi %mul3A_57, %add3A_58 : i32
    "tpu.region"() ({
      %run_scoped3A = tpu.sem_alloc : memref<!tpu.dma_semaphore, #tpu.memory_space<semaphore_mem>>
      %dma_start3A_165 = arith.constant 0 : i32
      %dma_start3A_166 = tpu.memref_slice %arg17[%add3A_59, %dma_start3A_165] : memref<10240x128xf32, #tpu.memory_space<vmem_shared>> -> memref<32x128xf32, #tpu.memory_space<vmem_shared>>
      %dma_start3A_167 = arith.constant 0 : i32
      %dma_start3A_168 = tpu.memref_slice %arg17[%add3A_59, %dma_start3A_167] : memref<10240x128xf32, #tpu.memory_space<vmem_shared>> -> memref<32x128xf32, #tpu.memory_space<vmem_shared>>
      tpu.enqueue_dma source(%arg9 : memref<32x128xf32, #tpu.memory_space<vmem>>) target(%dma_start3A_168 : memref<32x128xf32, #tpu.memory_space<vmem_shared>>) target_semaphore(%run_scoped3A : memref<!tpu.dma_semaphore, #tpu.memory_space<semaphore_mem>>)
      %dma_wait3A_169 = arith.constant 0 : i32
      %dma_wait3A_170 = tpu.memref_slice %arg17[%add3A_59, %dma_wait3A_169] : memref<10240x128xf32, #tpu.memory_space<vmem_shared>> -> memref<32x128xf32, #tpu.memory_space<vmem_shared>>
      %dma_wait3A_171 = arith.constant 0 : i32
      %dma_wait3A_172 = tpu.memref_slice %arg17[%add3A_59, %dma_wait3A_171] : memref<10240x128xf32, #tpu.memory_space<vmem_shared>> -> memref<32x128xf32, #tpu.memory_space<vmem_shared>>
      tpu.wait_dma2 semaphore(%run_scoped3A : memref<!tpu.dma_semaphore, #tpu.memory_space<semaphore_mem>>) src(%arg9 : memref<32x128xf32, #tpu.memory_space<vmem>>) dst(%dma_wait3A_172 : memref<32x128xf32, #tpu.memory_space<vmem_shared>>)
      tpu.yield
    }) : () -> ()
    %mul3A_60 = arith.constant 640 : i32
    %mul3A_61 = arith.muli %arg1, %mul3A_60 : i32
    %add3A_62 = arith.constant 128 : i32
    %add3A_63 = arith.addi %mul3A_61, %add3A_62 : i32
    "tpu.region"() ({
      %run_scoped3A = tpu.sem_alloc : memref<!tpu.dma_semaphore, #tpu.memory_space<semaphore_mem>>
      %dma_start3A_165 = arith.constant 0 : i32
      %dma_start3A_166 = tpu.memref_slice %arg17[%add3A_63, %dma_start3A_165] : memref<10240x128xf32, #tpu.memory_space<vmem_shared>> -> memref<32x128xf32, #tpu.memory_space<vmem_shared>>
      %dma_start3A_167 = arith.constant 0 : i32
      %dma_start3A_168 = tpu.memref_slice %arg17[%add3A_63, %dma_start3A_167] : memref<10240x128xf32, #tpu.memory_space<vmem_shared>> -> memref<32x128xf32, #tpu.memory_space<vmem_shared>>
      tpu.enqueue_dma source(%arg9 : memref<32x128xf32, #tpu.memory_space<vmem>>) target(%dma_start3A_168 : memref<32x128xf32, #tpu.memory_space<vmem_shared>>) target_semaphore(%run_scoped3A : memref<!tpu.dma_semaphore, #tpu.memory_space<semaphore_mem>>)
      %dma_wait3A_169 = arith.constant 0 : i32
      %dma_wait3A_170 = tpu.memref_slice %arg17[%add3A_63, %dma_wait3A_169] : memref<10240x128xf32, #tpu.memory_space<vmem_shared>> -> memref<32x128xf32, #tpu.memory_space<vmem_shared>>
      %dma_wait3A_171 = arith.constant 0 : i32
      %dma_wait3A_172 = tpu.memref_slice %arg17[%add3A_63, %dma_wait3A_171] : memref<10240x128xf32, #tpu.memory_space<vmem_shared>> -> memref<32x128xf32, #tpu.memory_space<vmem_shared>>
      tpu.wait_dma2 semaphore(%run_scoped3A : memref<!tpu.dma_semaphore, #tpu.memory_space<semaphore_mem>>) src(%arg9 : memref<32x128xf32, #tpu.memory_space<vmem>>) dst(%dma_wait3A_172 : memref<32x128xf32, #tpu.memory_space<vmem_shared>>)
      tpu.yield
    }) : () -> ()
    %mul3A_64 = arith.constant 640 : i32
    %mul3A_65 = arith.muli %arg1, %mul3A_64 : i32
    %add3A_66 = arith.constant 160 : i32
    %add3A_67 = arith.addi %mul3A_65, %add3A_66 : i32
    "tpu.region"() ({
      %run_scoped3A = tpu.sem_alloc : memref<!tpu.dma_semaphore, #tpu.memory_space<semaphore_mem>>
      %dma_start3A_165 = arith.constant 0 : i32
      %dma_start3A_166 = tpu.memref_slice %arg17[%add3A_67, %dma_start3A_165] : memref<10240x128xf32, #tpu.memory_space<vmem_shared>> -> memref<32x128xf32, #tpu.memory_space<vmem_shared>>
      %dma_start3A_167 = arith.constant 0 : i32
      %dma_start3A_168 = tpu.memref_slice %arg17[%add3A_67, %dma_start3A_167] : memref<10240x128xf32, #tpu.memory_space<vmem_shared>> -> memref<32x128xf32, #tpu.memory_space<vmem_shared>>
      tpu.enqueue_dma source(%arg9 : memref<32x128xf32, #tpu.memory_space<vmem>>) target(%dma_start3A_168 : memref<32x128xf32, #tpu.memory_space<vmem_shared>>) target_semaphore(%run_scoped3A : memref<!tpu.dma_semaphore, #tpu.memory_space<semaphore_mem>>)
      %dma_wait3A_169 = arith.constant 0 : i32
      %dma_wait3A_170 = tpu.memref_slice %arg17[%add3A_67, %dma_wait3A_169] : memref<10240x128xf32, #tpu.memory_space<vmem_shared>> -> memref<32x128xf32, #tpu.memory_space<vmem_shared>>
      %dma_wait3A_171 = arith.constant 0 : i32
      %dma_wait3A_172 = tpu.memref_slice %arg17[%add3A_67, %dma_wait3A_171] : memref<10240x128xf32, #tpu.memory_space<vmem_shared>> -> memref<32x128xf32, #tpu.memory_space<vmem_shared>>
      tpu.wait_dma2 semaphore(%run_scoped3A : memref<!tpu.dma_semaphore, #tpu.memory_space<semaphore_mem>>) src(%arg9 : memref<32x128xf32, #tpu.memory_space<vmem>>) dst(%dma_wait3A_172 : memref<32x128xf32, #tpu.memory_space<vmem_shared>>)
      tpu.yield
    }) : () -> ()
    %mul3A_68 = arith.constant 640 : i32
    %mul3A_69 = arith.muli %arg1, %mul3A_68 : i32
    %add3A_70 = arith.constant 192 : i32
    %add3A_71 = arith.addi %mul3A_69, %add3A_70 : i32
    "tpu.region"() ({
      %run_scoped3A = tpu.sem_alloc : memref<!tpu.dma_semaphore, #tpu.memory_space<semaphore_mem>>
      %dma_start3A_165 = arith.constant 0 : i32
      %dma_start3A_166 = tpu.memref_slice %arg17[%add3A_71, %dma_start3A_165] : memref<10240x128xf32, #tpu.memory_space<vmem_shared>> -> memref<32x128xf32, #tpu.memory_space<vmem_shared>>
      %dma_start3A_167 = arith.constant 0 : i32
      %dma_start3A_168 = tpu.memref_slice %arg17[%add3A_71, %dma_start3A_167] : memref<10240x128xf32, #tpu.memory_space<vmem_shared>> -> memref<32x128xf32, #tpu.memory_space<vmem_shared>>
      tpu.enqueue_dma source(%arg9 : memref<32x128xf32, #tpu.memory_space<vmem>>) target(%dma_start3A_168 : memref<32x128xf32, #tpu.memory_space<vmem_shared>>) target_semaphore(%run_scoped3A : memref<!tpu.dma_semaphore, #tpu.memory_space<semaphore_mem>>)
      %dma_wait3A_169 = arith.constant 0 : i32
      %dma_wait3A_170 = tpu.memref_slice %arg17[%add3A_71, %dma_wait3A_169] : memref<10240x128xf32, #tpu.memory_space<vmem_shared>> -> memref<32x128xf32, #tpu.memory_space<vmem_shared>>
      %dma_wait3A_171 = arith.constant 0 : i32
      %dma_wait3A_172 = tpu.memref_slice %arg17[%add3A_71, %dma_wait3A_171] : memref<10240x128xf32, #tpu.memory_space<vmem_shared>> -> memref<32x128xf32, #tpu.memory_space<vmem_shared>>
      tpu.wait_dma2 semaphore(%run_scoped3A : memref<!tpu.dma_semaphore, #tpu.memory_space<semaphore_mem>>) src(%arg9 : memref<32x128xf32, #tpu.memory_space<vmem>>) dst(%dma_wait3A_172 : memref<32x128xf32, #tpu.memory_space<vmem_shared>>)
      tpu.yield
    }) : () -> ()
    %mul3A_72 = arith.constant 640 : i32
    %mul3A_73 = arith.muli %arg1, %mul3A_72 : i32
    %add3A_74 = arith.constant 224 : i32
    %add3A_75 = arith.addi %mul3A_73, %add3A_74 : i32
    "tpu.region"() ({
      %run_scoped3A = tpu.sem_alloc : memref<!tpu.dma_semaphore, #tpu.memory_space<semaphore_mem>>
      %dma_start3A_165 = arith.constant 0 : i32
      %dma_start3A_166 = tpu.memref_slice %arg17[%add3A_75, %dma_start3A_165] : memref<10240x128xf32, #tpu.memory_space<vmem_shared>> -> memref<32x128xf32, #tpu.memory_space<vmem_shared>>
      %dma_start3A_167 = arith.constant 0 : i32
      %dma_start3A_168 = tpu.memref_slice %arg17[%add3A_75, %dma_start3A_167] : memref<10240x128xf32, #tpu.memory_space<vmem_shared>> -> memref<32x128xf32, #tpu.memory_space<vmem_shared>>
      tpu.enqueue_dma source(%arg9 : memref<32x128xf32, #tpu.memory_space<vmem>>) target(%dma_start3A_168 : memref<32x128xf32, #tpu.memory_space<vmem_shared>>) target_semaphore(%run_scoped3A : memref<!tpu.dma_semaphore, #tpu.memory_space<semaphore_mem>>)
      %dma_wait3A_169 = arith.constant 0 : i32
      %dma_wait3A_170 = tpu.memref_slice %arg17[%add3A_75, %dma_wait3A_169] : memref<10240x128xf32, #tpu.memory_space<vmem_shared>> -> memref<32x128xf32, #tpu.memory_space<vmem_shared>>
      %dma_wait3A_171 = arith.constant 0 : i32
      %dma_wait3A_172 = tpu.memref_slice %arg17[%add3A_75, %dma_wait3A_171] : memref<10240x128xf32, #tpu.memory_space<vmem_shared>> -> memref<32x128xf32, #tpu.memory_space<vmem_shared>>
      tpu.wait_dma2 semaphore(%run_scoped3A : memref<!tpu.dma_semaphore, #tpu.memory_space<semaphore_mem>>) src(%arg9 : memref<32x128xf32, #tpu.memory_space<vmem>>) dst(%dma_wait3A_172 : memref<32x128xf32, #tpu.memory_space<vmem_shared>>)
      tpu.yield
    }) : () -> ()
    %mul3A_76 = arith.constant 640 : i32
    %mul3A_77 = arith.muli %arg1, %mul3A_76 : i32
    %add3A_78 = arith.constant 256 : i32
    %add3A_79 = arith.addi %mul3A_77, %add3A_78 : i32
    "tpu.region"() ({
      %run_scoped3A = tpu.sem_alloc : memref<!tpu.dma_semaphore, #tpu.memory_space<semaphore_mem>>
      %dma_start3A_165 = arith.constant 0 : i32
      %dma_start3A_166 = tpu.memref_slice %arg17[%add3A_79, %dma_start3A_165] : memref<10240x128xf32, #tpu.memory_space<vmem_shared>> -> memref<32x128xf32, #tpu.memory_space<vmem_shared>>
      %dma_start3A_167 = arith.constant 0 : i32
      %dma_start3A_168 = tpu.memref_slice %arg17[%add3A_79, %dma_start3A_167] : memref<10240x128xf32, #tpu.memory_space<vmem_shared>> -> memref<32x128xf32, #tpu.memory_space<vmem_shared>>
      tpu.enqueue_dma source(%arg9 : memref<32x128xf32, #tpu.memory_space<vmem>>) target(%dma_start3A_168 : memref<32x128xf32, #tpu.memory_space<vmem_shared>>) target_semaphore(%run_scoped3A : memref<!tpu.dma_semaphore, #tpu.memory_space<semaphore_mem>>)
      %dma_wait3A_169 = arith.constant 0 : i32
      %dma_wait3A_170 = tpu.memref_slice %arg17[%add3A_79, %dma_wait3A_169] : memref<10240x128xf32, #tpu.memory_space<vmem_shared>> -> memref<32x128xf32, #tpu.memory_space<vmem_shared>>
      %dma_wait3A_171 = arith.constant 0 : i32
      %dma_wait3A_172 = tpu.memref_slice %arg17[%add3A_79, %dma_wait3A_171] : memref<10240x128xf32, #tpu.memory_space<vmem_shared>> -> memref<32x128xf32, #tpu.memory_space<vmem_shared>>
      tpu.wait_dma2 semaphore(%run_scoped3A : memref<!tpu.dma_semaphore, #tpu.memory_space<semaphore_mem>>) src(%arg9 : memref<32x128xf32, #tpu.memory_space<vmem>>) dst(%dma_wait3A_172 : memref<32x128xf32, #tpu.memory_space<vmem_shared>>)
      tpu.yield
    }) : () -> ()
    %mul3A_80 = arith.constant 640 : i32
    %mul3A_81 = arith.muli %arg1, %mul3A_80 : i32
    %add3A_82 = arith.constant 288 : i32
    %add3A_83 = arith.addi %mul3A_81, %add3A_82 : i32
    "tpu.region"() ({
      %run_scoped3A = tpu.sem_alloc : memref<!tpu.dma_semaphore, #tpu.memory_space<semaphore_mem>>
      %dma_start3A_165 = arith.constant 0 : i32
      %dma_start3A_166 = tpu.memref_slice %arg17[%add3A_83, %dma_start3A_165] : memref<10240x128xf32, #tpu.memory_space<vmem_shared>> -> memref<32x128xf32, #tpu.memory_space<vmem_shared>>
      %dma_start3A_167 = arith.constant 0 : i32
      %dma_start3A_168 = tpu.memref_slice %arg17[%add3A_83, %dma_start3A_167] : memref<10240x128xf32, #tpu.memory_space<vmem_shared>> -> memref<32x128xf32, #tpu.memory_space<vmem_shared>>
      tpu.enqueue_dma source(%arg9 : memref<32x128xf32, #tpu.memory_space<vmem>>) target(%dma_start3A_168 : memref<32x128xf32, #tpu.memory_space<vmem_shared>>) target_semaphore(%run_scoped3A : memref<!tpu.dma_semaphore, #tpu.memory_space<semaphore_mem>>)
      %dma_wait3A_169 = arith.constant 0 : i32
      %dma_wait3A_170 = tpu.memref_slice %arg17[%add3A_83, %dma_wait3A_169] : memref<10240x128xf32, #tpu.memory_space<vmem_shared>> -> memref<32x128xf32, #tpu.memory_space<vmem_shared>>
      %dma_wait3A_171 = arith.constant 0 : i32
      %dma_wait3A_172 = tpu.memref_slice %arg17[%add3A_83, %dma_wait3A_171] : memref<10240x128xf32, #tpu.memory_space<vmem_shared>> -> memref<32x128xf32, #tpu.memory_space<vmem_shared>>
      tpu.wait_dma2 semaphore(%run_scoped3A : memref<!tpu.dma_semaphore, #tpu.memory_space<semaphore_mem>>) src(%arg9 : memref<32x128xf32, #tpu.memory_space<vmem>>) dst(%dma_wait3A_172 : memref<32x128xf32, #tpu.memory_space<vmem_shared>>)
      tpu.yield
    }) : () -> ()
    %mul3A_84 = arith.constant 640 : i32
    %mul3A_85 = arith.muli %arg1, %mul3A_84 : i32
    %add3A_86 = arith.constant 320 : i32
    %add3A_87 = arith.addi %mul3A_85, %add3A_86 : i32
    "tpu.region"() ({
      %run_scoped3A = tpu.sem_alloc : memref<!tpu.dma_semaphore, #tpu.memory_space<semaphore_mem>>
      %dma_start3A_165 = arith.constant 0 : i32
      %dma_start3A_166 = tpu.memref_slice %arg17[%add3A_87, %dma_start3A_165] : memref<10240x128xf32, #tpu.memory_space<vmem_shared>> -> memref<32x128xf32, #tpu.memory_space<vmem_shared>>
      %dma_start3A_167 = arith.constant 0 : i32
      %dma_start3A_168 = tpu.memref_slice %arg17[%add3A_87, %dma_start3A_167] : memref<10240x128xf32, #tpu.memory_space<vmem_shared>> -> memref<32x128xf32, #tpu.memory_space<vmem_shared>>
      tpu.enqueue_dma source(%arg9 : memref<32x128xf32, #tpu.memory_space<vmem>>) target(%dma_start3A_168 : memref<32x128xf32, #tpu.memory_space<vmem_shared>>) target_semaphore(%run_scoped3A : memref<!tpu.dma_semaphore, #tpu.memory_space<semaphore_mem>>)
      %dma_wait3A_169 = arith.constant 0 : i32
      %dma_wait3A_170 = tpu.memref_slice %arg17[%add3A_87, %dma_wait3A_169] : memref<10240x128xf32, #tpu.memory_space<vmem_shared>> -> memref<32x128xf32, #tpu.memory_space<vmem_shared>>
      %dma_wait3A_171 = arith.constant 0 : i32
      %dma_wait3A_172 = tpu.memref_slice %arg17[%add3A_87, %dma_wait3A_171] : memref<10240x128xf32, #tpu.memory_space<vmem_shared>> -> memref<32x128xf32, #tpu.memory_space<vmem_shared>>
      tpu.wait_dma2 semaphore(%run_scoped3A : memref<!tpu.dma_semaphore, #tpu.memory_space<semaphore_mem>>) src(%arg9 : memref<32x128xf32, #tpu.memory_space<vmem>>) dst(%dma_wait3A_172 : memref<32x128xf32, #tpu.memory_space<vmem_shared>>)
      tpu.yield
    }) : () -> ()
    %mul3A_88 = arith.constant 640 : i32
    %mul3A_89 = arith.muli %arg1, %mul3A_88 : i32
    %add3A_90 = arith.constant 352 : i32
    %add3A_91 = arith.addi %mul3A_89, %add3A_90 : i32
    "tpu.region"() ({
      %run_scoped3A = tpu.sem_alloc : memref<!tpu.dma_semaphore, #tpu.memory_space<semaphore_mem>>
      %dma_start3A_165 = arith.constant 0 : i32
      %dma_start3A_166 = tpu.memref_slice %arg17[%add3A_91, %dma_start3A_165] : memref<10240x128xf32, #tpu.memory_space<vmem_shared>> -> memref<32x128xf32, #tpu.memory_space<vmem_shared>>
      %dma_start3A_167 = arith.constant 0 : i32
      %dma_start3A_168 = tpu.memref_slice %arg17[%add3A_91, %dma_start3A_167] : memref<10240x128xf32, #tpu.memory_space<vmem_shared>> -> memref<32x128xf32, #tpu.memory_space<vmem_shared>>
      tpu.enqueue_dma source(%arg9 : memref<32x128xf32, #tpu.memory_space<vmem>>) target(%dma_start3A_168 : memref<32x128xf32, #tpu.memory_space<vmem_shared>>) target_semaphore(%run_scoped3A : memref<!tpu.dma_semaphore, #tpu.memory_space<semaphore_mem>>)
      %dma_wait3A_169 = arith.constant 0 : i32
      %dma_wait3A_170 = tpu.memref_slice %arg17[%add3A_91, %dma_wait3A_169] : memref<10240x128xf32, #tpu.memory_space<vmem_shared>> -> memref<32x128xf32, #tpu.memory_space<vmem_shared>>
      %dma_wait3A_171 = arith.constant 0 : i32
      %dma_wait3A_172 = tpu.memref_slice %arg17[%add3A_91, %dma_wait3A_171] : memref<10240x128xf32, #tpu.memory_space<vmem_shared>> -> memref<32x128xf32, #tpu.memory_space<vmem_shared>>
      tpu.wait_dma2 semaphore(%run_scoped3A : memref<!tpu.dma_semaphore, #tpu.memory_space<semaphore_mem>>) src(%arg9 : memref<32x128xf32, #tpu.memory_space<vmem>>) dst(%dma_wait3A_172 : memref<32x128xf32, #tpu.memory_space<vmem_shared>>)
      tpu.yield
    }) : () -> ()
    %mul3A_92 = arith.constant 640 : i32
    %mul3A_93 = arith.muli %arg1, %mul3A_92 : i32
    %add3A_94 = arith.constant 384 : i32
    %add3A_95 = arith.addi %mul3A_93, %add3A_94 : i32
    "tpu.region"() ({
      %run_scoped3A = tpu.sem_alloc : memref<!tpu.dma_semaphore, #tpu.memory_space<semaphore_mem>>
      %dma_start3A_165 = arith.constant 0 : i32
      %dma_start3A_166 = tpu.memref_slice %arg17[%add3A_95, %dma_start3A_165] : memref<10240x128xf32, #tpu.memory_space<vmem_shared>> -> memref<32x128xf32, #tpu.memory_space<vmem_shared>>
      %dma_start3A_167 = arith.constant 0 : i32
      %dma_start3A_168 = tpu.memref_slice %arg17[%add3A_95, %dma_start3A_167] : memref<10240x128xf32, #tpu.memory_space<vmem_shared>> -> memref<32x128xf32, #tpu.memory_space<vmem_shared>>
      tpu.enqueue_dma source(%arg9 : memref<32x128xf32, #tpu.memory_space<vmem>>) target(%dma_start3A_168 : memref<32x128xf32, #tpu.memory_space<vmem_shared>>) target_semaphore(%run_scoped3A : memref<!tpu.dma_semaphore, #tpu.memory_space<semaphore_mem>>)
      %dma_wait3A_169 = arith.constant 0 : i32
      %dma_wait3A_170 = tpu.memref_slice %arg17[%add3A_95, %dma_wait3A_169] : memref<10240x128xf32, #tpu.memory_space<vmem_shared>> -> memref<32x128xf32, #tpu.memory_space<vmem_shared>>
      %dma_wait3A_171 = arith.constant 0 : i32
      %dma_wait3A_172 = tpu.memref_slice %arg17[%add3A_95, %dma_wait3A_171] : memref<10240x128xf32, #tpu.memory_space<vmem_shared>> -> memref<32x128xf32, #tpu.memory_space<vmem_shared>>
      tpu.wait_dma2 semaphore(%run_scoped3A : memref<!tpu.dma_semaphore, #tpu.memory_space<semaphore_mem>>) src(%arg9 : memref<32x128xf32, #tpu.memory_space<vmem>>) dst(%dma_wait3A_172 : memref<32x128xf32, #tpu.memory_space<vmem_shared>>)
      tpu.yield
    }) : () -> ()
    %mul3A_96 = arith.constant 640 : i32
    %mul3A_97 = arith.muli %arg1, %mul3A_96 : i32
    %add3A_98 = arith.constant 416 : i32
    %add3A_99 = arith.addi %mul3A_97, %add3A_98 : i32
    "tpu.region"() ({
      %run_scoped3A = tpu.sem_alloc : memref<!tpu.dma_semaphore, #tpu.memory_space<semaphore_mem>>
      %dma_start3A_165 = arith.constant 0 : i32
      %dma_start3A_166 = tpu.memref_slice %arg17[%add3A_99, %dma_start3A_165] : memref<10240x128xf32, #tpu.memory_space<vmem_shared>> -> memref<32x128xf32, #tpu.memory_space<vmem_shared>>
      %dma_start3A_167 = arith.constant 0 : i32
      %dma_start3A_168 = tpu.memref_slice %arg17[%add3A_99, %dma_start3A_167] : memref<10240x128xf32, #tpu.memory_space<vmem_shared>> -> memref<32x128xf32, #tpu.memory_space<vmem_shared>>
      tpu.enqueue_dma source(%arg9 : memref<32x128xf32, #tpu.memory_space<vmem>>) target(%dma_start3A_168 : memref<32x128xf32, #tpu.memory_space<vmem_shared>>) target_semaphore(%run_scoped3A : memref<!tpu.dma_semaphore, #tpu.memory_space<semaphore_mem>>)
      %dma_wait3A_169 = arith.constant 0 : i32
      %dma_wait3A_170 = tpu.memref_slice %arg17[%add3A_99, %dma_wait3A_169] : memref<10240x128xf32, #tpu.memory_space<vmem_shared>> -> memref<32x128xf32, #tpu.memory_space<vmem_shared>>
      %dma_wait3A_171 = arith.constant 0 : i32
      %dma_wait3A_172 = tpu.memref_slice %arg17[%add3A_99, %dma_wait3A_171] : memref<10240x128xf32, #tpu.memory_space<vmem_shared>> -> memref<32x128xf32, #tpu.memory_space<vmem_shared>>
      tpu.wait_dma2 semaphore(%run_scoped3A : memref<!tpu.dma_semaphore, #tpu.memory_space<semaphore_mem>>) src(%arg9 : memref<32x128xf32, #tpu.memory_space<vmem>>) dst(%dma_wait3A_172 : memref<32x128xf32, #tpu.memory_space<vmem_shared>>)
      tpu.yield
    }) : () -> ()
    %mul3A_100 = arith.constant 640 : i32
    %mul3A_101 = arith.muli %arg1, %mul3A_100 : i32
    %add3A_102 = arith.constant 448 : i32
    %add3A_103 = arith.addi %mul3A_101, %add3A_102 : i32
    "tpu.region"() ({
      %run_scoped3A = tpu.sem_alloc : memref<!tpu.dma_semaphore, #tpu.memory_space<semaphore_mem>>
      %dma_start3A_165 = arith.constant 0 : i32
      %dma_start3A_166 = tpu.memref_slice %arg17[%add3A_103, %dma_start3A_165] : memref<10240x128xf32, #tpu.memory_space<vmem_shared>> -> memref<32x128xf32, #tpu.memory_space<vmem_shared>>
      %dma_start3A_167 = arith.constant 0 : i32
      %dma_start3A_168 = tpu.memref_slice %arg17[%add3A_103, %dma_start3A_167] : memref<10240x128xf32, #tpu.memory_space<vmem_shared>> -> memref<32x128xf32, #tpu.memory_space<vmem_shared>>
      tpu.enqueue_dma source(%arg9 : memref<32x128xf32, #tpu.memory_space<vmem>>) target(%dma_start3A_168 : memref<32x128xf32, #tpu.memory_space<vmem_shared>>) target_semaphore(%run_scoped3A : memref<!tpu.dma_semaphore, #tpu.memory_space<semaphore_mem>>)
      %dma_wait3A_169 = arith.constant 0 : i32
      %dma_wait3A_170 = tpu.memref_slice %arg17[%add3A_103, %dma_wait3A_169] : memref<10240x128xf32, #tpu.memory_space<vmem_shared>> -> memref<32x128xf32, #tpu.memory_space<vmem_shared>>
      %dma_wait3A_171 = arith.constant 0 : i32
      %dma_wait3A_172 = tpu.memref_slice %arg17[%add3A_103, %dma_wait3A_171] : memref<10240x128xf32, #tpu.memory_space<vmem_shared>> -> memref<32x128xf32, #tpu.memory_space<vmem_shared>>
      tpu.wait_dma2 semaphore(%run_scoped3A : memref<!tpu.dma_semaphore, #tpu.memory_space<semaphore_mem>>) src(%arg9 : memref<32x128xf32, #tpu.memory_space<vmem>>) dst(%dma_wait3A_172 : memref<32x128xf32, #tpu.memory_space<vmem_shared>>)
      tpu.yield
    }) : () -> ()
    %mul3A_104 = arith.constant 640 : i32
    %mul3A_105 = arith.muli %arg1, %mul3A_104 : i32
    %add3A_106 = arith.constant 480 : i32
    %add3A_107 = arith.addi %mul3A_105, %add3A_106 : i32
    "tpu.region"() ({
      %run_scoped3A = tpu.sem_alloc : memref<!tpu.dma_semaphore, #tpu.memory_space<semaphore_mem>>
      %dma_start3A_165 = arith.constant 0 : i32
      %dma_start3A_166 = tpu.memref_slice %arg17[%add3A_107, %dma_start3A_165] : memref<10240x128xf32, #tpu.memory_space<vmem_shared>> -> memref<32x128xf32, #tpu.memory_space<vmem_shared>>
      %dma_start3A_167 = arith.constant 0 : i32
      %dma_start3A_168 = tpu.memref_slice %arg17[%add3A_107, %dma_start3A_167] : memref<10240x128xf32, #tpu.memory_space<vmem_shared>> -> memref<32x128xf32, #tpu.memory_space<vmem_shared>>
      tpu.enqueue_dma source(%arg9 : memref<32x128xf32, #tpu.memory_space<vmem>>) target(%dma_start3A_168 : memref<32x128xf32, #tpu.memory_space<vmem_shared>>) target_semaphore(%run_scoped3A : memref<!tpu.dma_semaphore, #tpu.memory_space<semaphore_mem>>)
      %dma_wait3A_169 = arith.constant 0 : i32
      %dma_wait3A_170 = tpu.memref_slice %arg17[%add3A_107, %dma_wait3A_169] : memref<10240x128xf32, #tpu.memory_space<vmem_shared>> -> memref<32x128xf32, #tpu.memory_space<vmem_shared>>
      %dma_wait3A_171 = arith.constant 0 : i32
      %dma_wait3A_172 = tpu.memref_slice %arg17[%add3A_107, %dma_wait3A_171] : memref<10240x128xf32, #tpu.memory_space<vmem_shared>> -> memref<32x128xf32, #tpu.memory_space<vmem_shared>>
      tpu.wait_dma2 semaphore(%run_scoped3A : memref<!tpu.dma_semaphore, #tpu.memory_space<semaphore_mem>>) src(%arg9 : memref<32x128xf32, #tpu.memory_space<vmem>>) dst(%dma_wait3A_172 : memref<32x128xf32, #tpu.memory_space<vmem_shared>>)
      tpu.yield
    }) : () -> ()
    %mul3A_108 = arith.constant 640 : i32
    %mul3A_109 = arith.muli %arg1, %mul3A_108 : i32
    %add3A_110 = arith.constant 512 : i32
    %add3A_111 = arith.addi %mul3A_109, %add3A_110 : i32
    "tpu.region"() ({
      %run_scoped3A = tpu.sem_alloc : memref<!tpu.dma_semaphore, #tpu.memory_space<semaphore_mem>>
      %dma_start3A_165 = arith.constant 0 : i32
      %dma_start3A_166 = tpu.memref_slice %arg17[%add3A_111, %dma_start3A_165] : memref<10240x128xf32, #tpu.memory_space<vmem_shared>> -> memref<32x128xf32, #tpu.memory_space<vmem_shared>>
      %dma_start3A_167 = arith.constant 0 : i32
      %dma_start3A_168 = tpu.memref_slice %arg17[%add3A_111, %dma_start3A_167] : memref<10240x128xf32, #tpu.memory_space<vmem_shared>> -> memref<32x128xf32, #tpu.memory_space<vmem_shared>>
      tpu.enqueue_dma source(%arg9 : memref<32x128xf32, #tpu.memory_space<vmem>>) target(%dma_start3A_168 : memref<32x128xf32, #tpu.memory_space<vmem_shared>>) target_semaphore(%run_scoped3A : memref<!tpu.dma_semaphore, #tpu.memory_space<semaphore_mem>>)
      %dma_wait3A_169 = arith.constant 0 : i32
      %dma_wait3A_170 = tpu.memref_slice %arg17[%add3A_111, %dma_wait3A_169] : memref<10240x128xf32, #tpu.memory_space<vmem_shared>> -> memref<32x128xf32, #tpu.memory_space<vmem_shared>>
      %dma_wait3A_171 = arith.constant 0 : i32
      %dma_wait3A_172 = tpu.memref_slice %arg17[%add3A_111, %dma_wait3A_171] : memref<10240x128xf32, #tpu.memory_space<vmem_shared>> -> memref<32x128xf32, #tpu.memory_space<vmem_shared>>
      tpu.wait_dma2 semaphore(%run_scoped3A : memref<!tpu.dma_semaphore, #tpu.memory_space<semaphore_mem>>) src(%arg9 : memref<32x128xf32, #tpu.memory_space<vmem>>) dst(%dma_wait3A_172 : memref<32x128xf32, #tpu.memory_space<vmem_shared>>)
      tpu.yield
    }) : () -> ()
    %mul3A_112 = arith.constant 640 : i32
    %mul3A_113 = arith.muli %arg1, %mul3A_112 : i32
    %add3A_114 = arith.constant 544 : i32
    %add3A_115 = arith.addi %mul3A_113, %add3A_114 : i32
    "tpu.region"() ({
      %run_scoped3A = tpu.sem_alloc : memref<!tpu.dma_semaphore, #tpu.memory_space<semaphore_mem>>
      %dma_start3A_165 = arith.constant 0 : i32
      %dma_start3A_166 = tpu.memref_slice %arg17[%add3A_115, %dma_start3A_165] : memref<10240x128xf32, #tpu.memory_space<vmem_shared>> -> memref<32x128xf32, #tpu.memory_space<vmem_shared>>
      %dma_start3A_167 = arith.constant 0 : i32
      %dma_start3A_168 = tpu.memref_slice %arg17[%add3A_115, %dma_start3A_167] : memref<10240x128xf32, #tpu.memory_space<vmem_shared>> -> memref<32x128xf32, #tpu.memory_space<vmem_shared>>
      tpu.enqueue_dma source(%arg9 : memref<32x128xf32, #tpu.memory_space<vmem>>) target(%dma_start3A_168 : memref<32x128xf32, #tpu.memory_space<vmem_shared>>) target_semaphore(%run_scoped3A : memref<!tpu.dma_semaphore, #tpu.memory_space<semaphore_mem>>)
      %dma_wait3A_169 = arith.constant 0 : i32
      %dma_wait3A_170 = tpu.memref_slice %arg17[%add3A_115, %dma_wait3A_169] : memref<10240x128xf32, #tpu.memory_space<vmem_shared>> -> memref<32x128xf32, #tpu.memory_space<vmem_shared>>
      %dma_wait3A_171 = arith.constant 0 : i32
      %dma_wait3A_172 = tpu.memref_slice %arg17[%add3A_115, %dma_wait3A_171] : memref<10240x128xf32, #tpu.memory_space<vmem_shared>> -> memref<32x128xf32, #tpu.memory_space<vmem_shared>>
      tpu.wait_dma2 semaphore(%run_scoped3A : memref<!tpu.dma_semaphore, #tpu.memory_space<semaphore_mem>>) src(%arg9 : memref<32x128xf32, #tpu.memory_space<vmem>>) dst(%dma_wait3A_172 : memref<32x128xf32, #tpu.memory_space<vmem_shared>>)
      tpu.yield
    }) : () -> ()
    %mul3A_116 = arith.constant 640 : i32
    %mul3A_117 = arith.muli %arg1, %mul3A_116 : i32
    %add3A_118 = arith.constant 576 : i32
    %add3A_119 = arith.addi %mul3A_117, %add3A_118 : i32
    "tpu.region"() ({
      %run_scoped3A = tpu.sem_alloc : memref<!tpu.dma_semaphore, #tpu.memory_space<semaphore_mem>>
      %dma_start3A_165 = arith.constant 0 : i32
      %dma_start3A_166 = tpu.memref_slice %arg17[%add3A_119, %dma_start3A_165] : memref<10240x128xf32, #tpu.memory_space<vmem_shared>> -> memref<32x128xf32, #tpu.memory_space<vmem_shared>>
      %dma_start3A_167 = arith.constant 0 : i32
      %dma_start3A_168 = tpu.memref_slice %arg17[%add3A_119, %dma_start3A_167] : memref<10240x128xf32, #tpu.memory_space<vmem_shared>> -> memref<32x128xf32, #tpu.memory_space<vmem_shared>>
      tpu.enqueue_dma source(%arg9 : memref<32x128xf32, #tpu.memory_space<vmem>>) target(%dma_start3A_168 : memref<32x128xf32, #tpu.memory_space<vmem_shared>>) target_semaphore(%run_scoped3A : memref<!tpu.dma_semaphore, #tpu.memory_space<semaphore_mem>>)
      %dma_wait3A_169 = arith.constant 0 : i32
      %dma_wait3A_170 = tpu.memref_slice %arg17[%add3A_119, %dma_wait3A_169] : memref<10240x128xf32, #tpu.memory_space<vmem_shared>> -> memref<32x128xf32, #tpu.memory_space<vmem_shared>>
      %dma_wait3A_171 = arith.constant 0 : i32
      %dma_wait3A_172 = tpu.memref_slice %arg17[%add3A_119, %dma_wait3A_171] : memref<10240x128xf32, #tpu.memory_space<vmem_shared>> -> memref<32x128xf32, #tpu.memory_space<vmem_shared>>
      tpu.wait_dma2 semaphore(%run_scoped3A : memref<!tpu.dma_semaphore, #tpu.memory_space<semaphore_mem>>) src(%arg9 : memref<32x128xf32, #tpu.memory_space<vmem>>) dst(%dma_wait3A_172 : memref<32x128xf32, #tpu.memory_space<vmem_shared>>)
      tpu.yield
    }) : () -> ()
    %mul3A_120 = arith.constant 640 : i32
    %mul3A_121 = arith.muli %arg1, %mul3A_120 : i32
    %add3A_122 = arith.constant 608 : i32
    %add3A_123 = arith.addi %mul3A_121, %add3A_122 : i32
    "tpu.region"() ({
      %run_scoped3A = tpu.sem_alloc : memref<!tpu.dma_semaphore, #tpu.memory_space<semaphore_mem>>
      %dma_start3A_165 = arith.constant 0 : i32
      %dma_start3A_166 = tpu.memref_slice %arg17[%add3A_123, %dma_start3A_165] : memref<10240x128xf32, #tpu.memory_space<vmem_shared>> -> memref<32x128xf32, #tpu.memory_space<vmem_shared>>
      %dma_start3A_167 = arith.constant 0 : i32
      %dma_start3A_168 = tpu.memref_slice %arg17[%add3A_123, %dma_start3A_167] : memref<10240x128xf32, #tpu.memory_space<vmem_shared>> -> memref<32x128xf32, #tpu.memory_space<vmem_shared>>
      tpu.enqueue_dma source(%arg9 : memref<32x128xf32, #tpu.memory_space<vmem>>) target(%dma_start3A_168 : memref<32x128xf32, #tpu.memory_space<vmem_shared>>) target_semaphore(%run_scoped3A : memref<!tpu.dma_semaphore, #tpu.memory_space<semaphore_mem>>)
      %dma_wait3A_169 = arith.constant 0 : i32
      %dma_wait3A_170 = tpu.memref_slice %arg17[%add3A_123, %dma_wait3A_169] : memref<10240x128xf32, #tpu.memory_space<vmem_shared>> -> memref<32x128xf32, #tpu.memory_space<vmem_shared>>
      %dma_wait3A_171 = arith.constant 0 : i32
      %dma_wait3A_172 = tpu.memref_slice %arg17[%add3A_123, %dma_wait3A_171] : memref<10240x128xf32, #tpu.memory_space<vmem_shared>> -> memref<32x128xf32, #tpu.memory_space<vmem_shared>>
      tpu.wait_dma2 semaphore(%run_scoped3A : memref<!tpu.dma_semaphore, #tpu.memory_space<semaphore_mem>>) src(%arg9 : memref<32x128xf32, #tpu.memory_space<vmem>>) dst(%dma_wait3A_172 : memref<32x128xf32, #tpu.memory_space<vmem_shared>>)
      tpu.yield
    }) : () -> ()
    %barrier3A = arith.constant 0 : index
    tpu.barrier barrier_id(%barrier3A)
    %scan3A_124 = arith.constant 0 : i32
    %scan3A_125 = arith.constant 0 : i32
    %scan3A_126 = arith.constant 5 : i32
    %scan3A_127 = arith.addi %scan3A_125, %scan3A_126 : i32
    %scan3A_128 = arith.constant 1 : i32
    scf.for %scan3A_165 = %scan3A_125 to %scan3A_127 step %scan3A_128  : i32 {
      %mul3A_166 = arith.constant 2 : i32
      %mul3A_167 = arith.muli %mul3A_166, %scan3A_165 : i32
      %add3A_168 = arith.constant 0 : i32
      %add3A_169 = arith.addi %mul3A_167, %add3A_168 : i32
      %dma_wait3A_170 = arith.constant 0 : i32
      %dma_wait3A_171 = arith.constant 0 : i32
      %dma_wait3A_172 = tpu.memref_slice %arg3[%dma_wait3A_170, %mul3A_2, %dma_wait3A_171] : memref<2x10240x32xi32, #tpu.memory_space<hbm>> -> memref<1x32x32xi32, #tpu.memory_space<hbm>>
      %dma_wait3A_173 = tpu.memref_squeeze %dma_wait3A_172 : memref<1x32x32xi32, #tpu.memory_space<hbm>> -> memref<32x32xi32, #tpu.memory_space<hbm>>
      %dma_wait3A_174 = arith.constant 0 : i32
      %dma_wait3A_175 = tpu.memref_slice %arg3[%dma_wait3A_170, %mul3A_2, %dma_wait3A_174] : memref<2x10240x32xi32, #tpu.memory_space<hbm>> -> memref<1x32x32xi32, #tpu.memory_space<hbm>>
      %dma_wait3A_176 = tpu.memref_squeeze %dma_wait3A_175 : memref<1x32x32xi32, #tpu.memory_space<hbm>> -> memref<32x32xi32, #tpu.memory_space<hbm>>
      tpu.wait_dma2 semaphore(%arg18 : memref<!tpu.dma_semaphore, #tpu.memory_space<semaphore_mem>>) src(%dma_wait3A_176 : memref<32x32xi32, #tpu.memory_space<hbm>>) dst(%arg5 : memref<32x32xi32, #tpu.memory_space<vmem>>)
      %dma_wait3A_177 = arith.constant 1 : i32
      %dma_wait3A_178 = arith.constant 0 : i32
      %dma_wait3A_179 = tpu.memref_slice %arg3[%dma_wait3A_177, %mul3A_2, %dma_wait3A_178] : memref<2x10240x32xi32, #tpu.memory_space<hbm>> -> memref<1x32x32xi32, #tpu.memory_space<hbm>>
      %dma_wait3A_180 = tpu.memref_squeeze %dma_wait3A_179 : memref<1x32x32xi32, #tpu.memory_space<hbm>> -> memref<32x32xi32, #tpu.memory_space<hbm>>
      %dma_wait3A_181 = arith.constant 0 : i32
      %dma_wait3A_182 = tpu.memref_slice %arg3[%dma_wait3A_177, %mul3A_2, %dma_wait3A_181] : memref<2x10240x32xi32, #tpu.memory_space<hbm>> -> memref<1x32x32xi32, #tpu.memory_space<hbm>>
      %dma_wait3A_183 = tpu.memref_squeeze %dma_wait3A_182 : memref<1x32x32xi32, #tpu.memory_space<hbm>> -> memref<32x32xi32, #tpu.memory_space<hbm>>
      tpu.wait_dma2 semaphore(%arg18 : memref<!tpu.dma_semaphore, #tpu.memory_space<semaphore_mem>>) src(%dma_wait3A_183 : memref<32x32xi32, #tpu.memory_space<hbm>>) dst(%arg7 : memref<32x32xi32, #tpu.memory_space<vmem>>)
      %dma_start3A_184 = arith.constant 0 : i32
      %dma_start3A_185 = arith.constant 0 : i32
      %dma_start3A_186 = tpu.memref_slice %arg5[%dma_start3A_184, %dma_start3A_185] : memref<32x32xi32, #tpu.memory_space<vmem>> -> memref<1x32xi32, #tpu.memory_space<vmem>>
      %dma_start3A_187 = tpu.memref_squeeze %dma_start3A_186 : memref<1x32xi32, #tpu.memory_space<vmem>> -> memref<32xi32, #tpu.memory_space<vmem>>
      %dma_start3A_188 = arith.constant 0 : i32
      %dma_start3A_189 = arith.constant 0 : i32
      %dma_start3A_190 = tpu.memref_slice %arg2[%dma_start3A_188, %dma_start3A_189] : memref<10000x128xf32, #tpu.memory_space<hbm>> -> memref<10000x128xf32, #tpu.memory_space<hbm>>
      tpu.enqueue_indirect_dma source(%dma_start3A_190 : memref<10000x128xf32, #tpu.memory_space<hbm>>) target(%arg9 : memref<32x128xf32, #tpu.memory_space<vmem>>) offsets(%dma_start3A_187 : memref<32xi32, #tpu.memory_space<vmem>>) semaphore(%arg20 : memref<!tpu.dma_semaphore, #tpu.memory_space<semaphore_mem>>)
      %dma_start3A_191 = arith.constant 1 : i32
      %dma_start3A_192 = arith.constant 0 : i32
      %dma_start3A_193 = tpu.memref_slice %arg5[%dma_start3A_191, %dma_start3A_192] : memref<32x32xi32, #tpu.memory_space<vmem>> -> memref<1x32xi32, #tpu.memory_space<vmem>>
      %dma_start3A_194 = tpu.memref_squeeze %dma_start3A_193 : memref<1x32xi32, #tpu.memory_space<vmem>> -> memref<32xi32, #tpu.memory_space<vmem>>
      %dma_start3A_195 = arith.constant 0 : i32
      %dma_start3A_196 = arith.constant 0 : i32
      %dma_start3A_197 = tpu.memref_slice %arg2[%dma_start3A_195, %dma_start3A_196] : memref<10000x128xf32, #tpu.memory_space<hbm>> -> memref<10000x128xf32, #tpu.memory_space<hbm>>
      tpu.enqueue_indirect_dma source(%dma_start3A_197 : memref<10000x128xf32, #tpu.memory_space<hbm>>) target(%arg10 : memref<32x128xf32, #tpu.memory_space<vmem>>) offsets(%dma_start3A_194 : memref<32xi32, #tpu.memory_space<vmem>>) semaphore(%arg21 : memref<!tpu.dma_semaphore, #tpu.memory_space<semaphore_mem>>)
      %dma_start3A_198 = arith.constant 2 : i32
      %dma_start3A_199 = arith.constant 0 : i32
      %dma_start3A_200 = tpu.memref_slice %arg5[%dma_start3A_198, %dma_start3A_199] : memref<32x32xi32, #tpu.memory_space<vmem>> -> memref<1x32xi32, #tpu.memory_space<vmem>>
      %dma_start3A_201 = tpu.memref_squeeze %dma_start3A_200 : memref<1x32xi32, #tpu.memory_space<vmem>> -> memref<32xi32, #tpu.memory_space<vmem>>
      %dma_start3A_202 = arith.constant 0 : i32
      %dma_start3A_203 = arith.constant 0 : i32
      %dma_start3A_204 = tpu.memref_slice %arg2[%dma_start3A_202, %dma_start3A_203] : memref<10000x128xf32, #tpu.memory_space<hbm>> -> memref<10000x128xf32, #tpu.memory_space<hbm>>
      tpu.enqueue_indirect_dma source(%dma_start3A_204 : memref<10000x128xf32, #tpu.memory_space<hbm>>) target(%arg11 : memref<32x128xf32, #tpu.memory_space<vmem>>) offsets(%dma_start3A_201 : memref<32xi32, #tpu.memory_space<vmem>>) semaphore(%arg22 : memref<!tpu.dma_semaphore, #tpu.memory_space<semaphore_mem>>)
      %dma_start3A_205 = arith.constant 3 : i32
      %dma_start3A_206 = arith.constant 0 : i32
      %dma_start3A_207 = tpu.memref_slice %arg5[%dma_start3A_205, %dma_start3A_206] : memref<32x32xi32, #tpu.memory_space<vmem>> -> memref<1x32xi32, #tpu.memory_space<vmem>>
      %dma_start3A_208 = tpu.memref_squeeze %dma_start3A_207 : memref<1x32xi32, #tpu.memory_space<vmem>> -> memref<32xi32, #tpu.memory_space<vmem>>
      %dma_start3A_209 = arith.constant 0 : i32
      %dma_start3A_210 = arith.constant 0 : i32
      %dma_start3A_211 = tpu.memref_slice %arg2[%dma_start3A_209, %dma_start3A_210] : memref<10000x128xf32, #tpu.memory_space<hbm>> -> memref<10000x128xf32, #tpu.memory_space<hbm>>
      tpu.enqueue_indirect_dma source(%dma_start3A_211 : memref<10000x128xf32, #tpu.memory_space<hbm>>) target(%arg12 : memref<32x128xf32, #tpu.memory_space<vmem>>) offsets(%dma_start3A_208 : memref<32xi32, #tpu.memory_space<vmem>>) semaphore(%arg23 : memref<!tpu.dma_semaphore, #tpu.memory_space<semaphore_mem>>)
      %dma_start3A_212 = arith.constant 4 : i32
      %dma_start3A_213 = arith.constant 0 : i32
      %dma_start3A_214 = tpu.memref_slice %arg5[%dma_start3A_212, %dma_start3A_213] : memref<32x32xi32, #tpu.memory_space<vmem>> -> memref<1x32xi32, #tpu.memory_space<vmem>>
      %dma_start3A_215 = tpu.memref_squeeze %dma_start3A_214 : memref<1x32xi32, #tpu.memory_space<vmem>> -> memref<32xi32, #tpu.memory_space<vmem>>
      %dma_start3A_216 = arith.constant 0 : i32
      %dma_start3A_217 = arith.constant 0 : i32
      %dma_start3A_218 = tpu.memref_slice %arg2[%dma_start3A_216, %dma_start3A_217] : memref<10000x128xf32, #tpu.memory_space<hbm>> -> memref<10000x128xf32, #tpu.memory_space<hbm>>
      tpu.enqueue_indirect_dma source(%dma_start3A_218 : memref<10000x128xf32, #tpu.memory_space<hbm>>) target(%arg13 : memref<32x128xf32, #tpu.memory_space<vmem>>) offsets(%dma_start3A_215 : memref<32xi32, #tpu.memory_space<vmem>>) semaphore(%arg24 : memref<!tpu.dma_semaphore, #tpu.memory_space<semaphore_mem>>)
      %dma_start3A_219 = arith.constant 5 : i32
      %dma_start3A_220 = arith.constant 0 : i32
      %dma_start3A_221 = tpu.memref_slice %arg5[%dma_start3A_219, %dma_start3A_220] : memref<32x32xi32, #tpu.memory_space<vmem>> -> memref<1x32xi32, #tpu.memory_space<vmem>>
      %dma_start3A_222 = tpu.memref_squeeze %dma_start3A_221 : memref<1x32xi32, #tpu.memory_space<vmem>> -> memref<32xi32, #tpu.memory_space<vmem>>
      %dma_start3A_223 = arith.constant 0 : i32
      %dma_start3A_224 = arith.constant 0 : i32
      %dma_start3A_225 = tpu.memref_slice %arg2[%dma_start3A_223, %dma_start3A_224] : memref<10000x128xf32, #tpu.memory_space<hbm>> -> memref<10000x128xf32, #tpu.memory_space<hbm>>
      tpu.enqueue_indirect_dma source(%dma_start3A_225 : memref<10000x128xf32, #tpu.memory_space<hbm>>) target(%arg14 : memref<32x128xf32, #tpu.memory_space<vmem>>) offsets(%dma_start3A_222 : memref<32xi32, #tpu.memory_space<vmem>>) semaphore(%arg25 : memref<!tpu.dma_semaphore, #tpu.memory_space<semaphore_mem>>)
      %dma_start3A_226 = arith.constant 6 : i32
      %dma_start3A_227 = arith.constant 0 : i32
      %dma_start3A_228 = tpu.memref_slice %arg5[%dma_start3A_226, %dma_start3A_227] : memref<32x32xi32, #tpu.memory_space<vmem>> -> memref<1x32xi32, #tpu.memory_space<vmem>>
      %dma_start3A_229 = tpu.memref_squeeze %dma_start3A_228 : memref<1x32xi32, #tpu.memory_space<vmem>> -> memref<32xi32, #tpu.memory_space<vmem>>
      %dma_start3A_230 = arith.constant 0 : i32
      %dma_start3A_231 = arith.constant 0 : i32
      %dma_start3A_232 = tpu.memref_slice %arg2[%dma_start3A_230, %dma_start3A_231] : memref<10000x128xf32, #tpu.memory_space<hbm>> -> memref<10000x128xf32, #tpu.memory_space<hbm>>
      tpu.enqueue_indirect_dma source(%dma_start3A_232 : memref<10000x128xf32, #tpu.memory_space<hbm>>) target(%arg15 : memref<32x128xf32, #tpu.memory_space<vmem>>) offsets(%dma_start3A_229 : memref<32xi32, #tpu.memory_space<vmem>>) semaphore(%arg26 : memref<!tpu.dma_semaphore, #tpu.memory_space<semaphore_mem>>)
      %dma_start3A_233 = arith.constant 7 : i32
      %dma_start3A_234 = arith.constant 0 : i32
      %dma_start3A_235 = tpu.memref_slice %arg5[%dma_start3A_233, %dma_start3A_234] : memref<32x32xi32, #tpu.memory_space<vmem>> -> memref<1x32xi32, #tpu.memory_space<vmem>>
      %dma_start3A_236 = tpu.memref_squeeze %dma_start3A_235 : memref<1x32xi32, #tpu.memory_space<vmem>> -> memref<32xi32, #tpu.memory_space<vmem>>
      %dma_start3A_237 = arith.constant 0 : i32
      %dma_start3A_238 = arith.constant 0 : i32
      %dma_start3A_239 = tpu.memref_slice %arg2[%dma_start3A_237, %dma_start3A_238] : memref<10000x128xf32, #tpu.memory_space<hbm>> -> memref<10000x128xf32, #tpu.memory_space<hbm>>
      tpu.enqueue_indirect_dma source(%dma_start3A_239 : memref<10000x128xf32, #tpu.memory_space<hbm>>) target(%arg16 : memref<32x128xf32, #tpu.memory_space<vmem>>) offsets(%dma_start3A_236 : memref<32xi32, #tpu.memory_space<vmem>>) semaphore(%arg27 : memref<!tpu.dma_semaphore, #tpu.memory_space<semaphore_mem>>)
      %dma_wait3A_240 = arith.constant 0 : i32
      %dma_wait3A_241 = arith.constant 0 : i32
      %dma_wait3A_242 = tpu.memref_slice %arg5[%dma_wait3A_240, %dma_wait3A_241] : memref<32x32xi32, #tpu.memory_space<vmem>> -> memref<1x32xi32, #tpu.memory_space<vmem>>
      %dma_wait3A_243 = tpu.memref_squeeze %dma_wait3A_242 : memref<1x32xi32, #tpu.memory_space<vmem>> -> memref<32xi32, #tpu.memory_space<vmem>>
      %dma_wait3A_244 = arith.constant 0 : i32
      %dma_wait3A_245 = arith.constant 0 : i32
      %dma_wait3A_246 = tpu.memref_slice %arg2[%dma_wait3A_244, %dma_wait3A_245] : memref<10000x128xf32, #tpu.memory_space<hbm>> -> memref<10000x128xf32, #tpu.memory_space<hbm>>
      tpu.wait_indirect_dma semaphore(%arg20 : memref<!tpu.dma_semaphore, #tpu.memory_space<semaphore_mem>>) src(%dma_wait3A_246 : memref<10000x128xf32, #tpu.memory_space<hbm>>) dst(%arg9 : memref<32x128xf32, #tpu.memory_space<vmem>>)
      %dma_start3A_247 = arith.constant 0 : i32
      %dma_start3A_248 = arith.constant 0 : i32
      %dma_start3A_249 = tpu.memref_slice %arg7[%dma_start3A_247, %dma_start3A_248] : memref<32x32xi32, #tpu.memory_space<vmem>> -> memref<1x32xi32, #tpu.memory_space<vmem>>
      %dma_start3A_250 = tpu.memref_squeeze %dma_start3A_249 : memref<1x32xi32, #tpu.memory_space<vmem>> -> memref<32xi32, #tpu.memory_space<vmem>>
      %dma_start3A_251 = arith.constant 0 : i32
      %dma_start3A_252 = arith.constant 0 : i32
      %dma_start3A_253 = tpu.memref_slice %arg17[%dma_start3A_251, %dma_start3A_252] : memref<10240x128xf32, #tpu.memory_space<vmem_shared>> -> memref<10240x128xf32, #tpu.memory_space<vmem_shared>>
      tpu.enqueue_indirect_dma source(%arg9 : memref<32x128xf32, #tpu.memory_space<vmem>>) target(%dma_start3A_253 : memref<10240x128xf32, #tpu.memory_space<vmem_shared>>) offsets(%dma_start3A_250 : memref<32xi32, #tpu.memory_space<vmem>>) semaphore(%arg28 : memref<!tpu.dma_semaphore, #tpu.memory_space<semaphore_mem>>) {add = true}
      %dma_wait3A_254 = arith.constant 0 : i32
      %dma_wait3A_255 = arith.constant 0 : i32
      %dma_wait3A_256 = tpu.memref_slice %arg7[%dma_wait3A_254, %dma_wait3A_255] : memref<32x32xi32, #tpu.memory_space<vmem>> -> memref<1x32xi32, #tpu.memory_space<vmem>>
      %dma_wait3A_257 = tpu.memref_squeeze %dma_wait3A_256 : memref<1x32xi32, #tpu.memory_space<vmem>> -> memref<32xi32, #tpu.memory_space<vmem>>
      %dma_wait3A_258 = arith.constant 0 : i32
      %dma_wait3A_259 = arith.constant 0 : i32
      %dma_wait3A_260 = tpu.memref_slice %arg17[%dma_wait3A_258, %dma_wait3A_259] : memref<10240x128xf32, #tpu.memory_space<vmem_shared>> -> memref<10240x128xf32, #tpu.memory_space<vmem_shared>>
      tpu.wait_indirect_dma semaphore(%arg28 : memref<!tpu.dma_semaphore, #tpu.memory_space<semaphore_mem>>) src(%arg9 : memref<32x128xf32, #tpu.memory_space<vmem>>) dst(%dma_wait3A_260 : memref<10240x128xf32, #tpu.memory_space<vmem_shared>>)
      %dma_start3A_261 = arith.constant 8 : i32
      %dma_start3A_262 = arith.constant 0 : i32
      %dma_start3A_263 = tpu.memref_slice %arg5[%dma_start3A_261, %dma_start3A_262] : memref<32x32xi32, #tpu.memory_space<vmem>> -> memref<1x32xi32, #tpu.memory_space<vmem>>
      %dma_start3A_264 = tpu.memref_squeeze %dma_start3A_263 : memref<1x32xi32, #tpu.memory_space<vmem>> -> memref<32xi32, #tpu.memory_space<vmem>>
      %dma_start3A_265 = arith.constant 0 : i32
      %dma_start3A_266 = arith.constant 0 : i32
      %dma_start3A_267 = tpu.memref_slice %arg2[%dma_start3A_265, %dma_start3A_266] : memref<10000x128xf32, #tpu.memory_space<hbm>> -> memref<10000x128xf32, #tpu.memory_space<hbm>>
      tpu.enqueue_indirect_dma source(%dma_start3A_267 : memref<10000x128xf32, #tpu.memory_space<hbm>>) target(%arg9 : memref<32x128xf32, #tpu.memory_space<vmem>>) offsets(%dma_start3A_264 : memref<32xi32, #tpu.memory_space<vmem>>) semaphore(%arg20 : memref<!tpu.dma_semaphore, #tpu.memory_space<semaphore_mem>>)
      %dma_wait3A_268 = arith.constant 1 : i32
      %dma_wait3A_269 = arith.constant 0 : i32
      %dma_wait3A_270 = tpu.memref_slice %arg5[%dma_wait3A_268, %dma_wait3A_269] : memref<32x32xi32, #tpu.memory_space<vmem>> -> memref<1x32xi32, #tpu.memory_space<vmem>>
      %dma_wait3A_271 = tpu.memref_squeeze %dma_wait3A_270 : memref<1x32xi32, #tpu.memory_space<vmem>> -> memref<32xi32, #tpu.memory_space<vmem>>
      %dma_wait3A_272 = arith.constant 0 : i32
      %dma_wait3A_273 = arith.constant 0 : i32
      %dma_wait3A_274 = tpu.memref_slice %arg2[%dma_wait3A_272, %dma_wait3A_273] : memref<10000x128xf32, #tpu.memory_space<hbm>> -> memref<10000x128xf32, #tpu.memory_space<hbm>>
      tpu.wait_indirect_dma semaphore(%arg21 : memref<!tpu.dma_semaphore, #tpu.memory_space<semaphore_mem>>) src(%dma_wait3A_274 : memref<10000x128xf32, #tpu.memory_space<hbm>>) dst(%arg10 : memref<32x128xf32, #tpu.memory_space<vmem>>)
      %dma_start3A_275 = arith.constant 1 : i32
      %dma_start3A_276 = arith.constant 0 : i32
      %dma_start3A_277 = tpu.memref_slice %arg7[%dma_start3A_275, %dma_start3A_276] : memref<32x32xi32, #tpu.memory_space<vmem>> -> memref<1x32xi32, #tpu.memory_space<vmem>>
      %dma_start3A_278 = tpu.memref_squeeze %dma_start3A_277 : memref<1x32xi32, #tpu.memory_space<vmem>> -> memref<32xi32, #tpu.memory_space<vmem>>
      %dma_start3A_279 = arith.constant 0 : i32
      %dma_start3A_280 = arith.constant 0 : i32
      %dma_start3A_281 = tpu.memref_slice %arg17[%dma_start3A_279, %dma_start3A_280] : memref<10240x128xf32, #tpu.memory_space<vmem_shared>> -> memref<10240x128xf32, #tpu.memory_space<vmem_shared>>
      tpu.enqueue_indirect_dma source(%arg10 : memref<32x128xf32, #tpu.memory_space<vmem>>) target(%dma_start3A_281 : memref<10240x128xf32, #tpu.memory_space<vmem_shared>>) offsets(%dma_start3A_278 : memref<32xi32, #tpu.memory_space<vmem>>) semaphore(%arg29 : memref<!tpu.dma_semaphore, #tpu.memory_space<semaphore_mem>>) {add = true}
      %dma_wait3A_282 = arith.constant 1 : i32
      %dma_wait3A_283 = arith.constant 0 : i32
      %dma_wait3A_284 = tpu.memref_slice %arg7[%dma_wait3A_282, %dma_wait3A_283] : memref<32x32xi32, #tpu.memory_space<vmem>> -> memref<1x32xi32, #tpu.memory_space<vmem>>
      %dma_wait3A_285 = tpu.memref_squeeze %dma_wait3A_284 : memref<1x32xi32, #tpu.memory_space<vmem>> -> memref<32xi32, #tpu.memory_space<vmem>>
      %dma_wait3A_286 = arith.constant 0 : i32
      %dma_wait3A_287 = arith.constant 0 : i32
      %dma_wait3A_288 = tpu.memref_slice %arg17[%dma_wait3A_286, %dma_wait3A_287] : memref<10240x128xf32, #tpu.memory_space<vmem_shared>> -> memref<10240x128xf32, #tpu.memory_space<vmem_shared>>
      tpu.wait_indirect_dma semaphore(%arg29 : memref<!tpu.dma_semaphore, #tpu.memory_space<semaphore_mem>>) src(%arg10 : memref<32x128xf32, #tpu.memory_space<vmem>>) dst(%dma_wait3A_288 : memref<10240x128xf32, #tpu.memory_space<vmem_shared>>)
      %dma_start3A_289 = arith.constant 9 : i32
      %dma_start3A_290 = arith.constant 0 : i32
      %dma_start3A_291 = tpu.memref_slice %arg5[%dma_start3A_289, %dma_start3A_290] : memref<32x32xi32, #tpu.memory_space<vmem>> -> memref<1x32xi32, #tpu.memory_space<vmem>>
      %dma_start3A_292 = tpu.memref_squeeze %dma_start3A_291 : memref<1x32xi32, #tpu.memory_space<vmem>> -> memref<32xi32, #tpu.memory_space<vmem>>
      %dma_start3A_293 = arith.constant 0 : i32
      %dma_start3A_294 = arith.constant 0 : i32
      %dma_start3A_295 = tpu.memref_slice %arg2[%dma_start3A_293, %dma_start3A_294] : memref<10000x128xf32, #tpu.memory_space<hbm>> -> memref<10000x128xf32, #tpu.memory_space<hbm>>
      tpu.enqueue_indirect_dma source(%dma_start3A_295 : memref<10000x128xf32, #tpu.memory_space<hbm>>) target(%arg10 : memref<32x128xf32, #tpu.memory_space<vmem>>) offsets(%dma_start3A_292 : memref<32xi32, #tpu.memory_space<vmem>>) semaphore(%arg21 : memref<!tpu.dma_semaphore, #tpu.memory_space<semaphore_mem>>)
      %dma_wait3A_296 = arith.constant 2 : i32
      %dma_wait3A_297 = arith.constant 0 : i32
      %dma_wait3A_298 = tpu.memref_slice %arg5[%dma_wait3A_296, %dma_wait3A_297] : memref<32x32xi32, #tpu.memory_space<vmem>> -> memref<1x32xi32, #tpu.memory_space<vmem>>
      %dma_wait3A_299 = tpu.memref_squeeze %dma_wait3A_298 : memref<1x32xi32, #tpu.memory_space<vmem>> -> memref<32xi32, #tpu.memory_space<vmem>>
      %dma_wait3A_300 = arith.constant 0 : i32
      %dma_wait3A_301 = arith.constant 0 : i32
      %dma_wait3A_302 = tpu.memref_slice %arg2[%dma_wait3A_300, %dma_wait3A_301] : memref<10000x128xf32, #tpu.memory_space<hbm>> -> memref<10000x128xf32, #tpu.memory_space<hbm>>
      tpu.wait_indirect_dma semaphore(%arg22 : memref<!tpu.dma_semaphore, #tpu.memory_space<semaphore_mem>>) src(%dma_wait3A_302 : memref<10000x128xf32, #tpu.memory_space<hbm>>) dst(%arg11 : memref<32x128xf32, #tpu.memory_space<vmem>>)
      %dma_start3A_303 = arith.constant 2 : i32
      %dma_start3A_304 = arith.constant 0 : i32
      %dma_start3A_305 = tpu.memref_slice %arg7[%dma_start3A_303, %dma_start3A_304] : memref<32x32xi32, #tpu.memory_space<vmem>> -> memref<1x32xi32, #tpu.memory_space<vmem>>
      %dma_start3A_306 = tpu.memref_squeeze %dma_start3A_305 : memref<1x32xi32, #tpu.memory_space<vmem>> -> memref<32xi32, #tpu.memory_space<vmem>>
      %dma_start3A_307 = arith.constant 0 : i32
      %dma_start3A_308 = arith.constant 0 : i32
      %dma_start3A_309 = tpu.memref_slice %arg17[%dma_start3A_307, %dma_start3A_308] : memref<10240x128xf32, #tpu.memory_space<vmem_shared>> -> memref<10240x128xf32, #tpu.memory_space<vmem_shared>>
      tpu.enqueue_indirect_dma source(%arg11 : memref<32x128xf32, #tpu.memory_space<vmem>>) target(%dma_start3A_309 : memref<10240x128xf32, #tpu.memory_space<vmem_shared>>) offsets(%dma_start3A_306 : memref<32xi32, #tpu.memory_space<vmem>>) semaphore(%arg30 : memref<!tpu.dma_semaphore, #tpu.memory_space<semaphore_mem>>) {add = true}
      %dma_wait3A_310 = arith.constant 2 : i32
      %dma_wait3A_311 = arith.constant 0 : i32
      %dma_wait3A_312 = tpu.memref_slice %arg7[%dma_wait3A_310, %dma_wait3A_311] : memref<32x32xi32, #tpu.memory_space<vmem>> -> memref<1x32xi32, #tpu.memory_space<vmem>>
      %dma_wait3A_313 = tpu.memref_squeeze %dma_wait3A_312 : memref<1x32xi32, #tpu.memory_space<vmem>> -> memref<32xi32, #tpu.memory_space<vmem>>
      %dma_wait3A_314 = arith.constant 0 : i32
      %dma_wait3A_315 = arith.constant 0 : i32
      %dma_wait3A_316 = tpu.memref_slice %arg17[%dma_wait3A_314, %dma_wait3A_315] : memref<10240x128xf32, #tpu.memory_space<vmem_shared>> -> memref<10240x128xf32, #tpu.memory_space<vmem_shared>>
      tpu.wait_indirect_dma semaphore(%arg30 : memref<!tpu.dma_semaphore, #tpu.memory_space<semaphore_mem>>) src(%arg11 : memref<32x128xf32, #tpu.memory_space<vmem>>) dst(%dma_wait3A_316 : memref<10240x128xf32, #tpu.memory_space<vmem_shared>>)
      %dma_start3A_317 = arith.constant 10 : i32
      %dma_start3A_318 = arith.constant 0 : i32
      %dma_start3A_319 = tpu.memref_slice %arg5[%dma_start3A_317, %dma_start3A_318] : memref<32x32xi32, #tpu.memory_space<vmem>> -> memref<1x32xi32, #tpu.memory_space<vmem>>
      %dma_start3A_320 = tpu.memref_squeeze %dma_start3A_319 : memref<1x32xi32, #tpu.memory_space<vmem>> -> memref<32xi32, #tpu.memory_space<vmem>>
      %dma_start3A_321 = arith.constant 0 : i32
      %dma_start3A_322 = arith.constant 0 : i32
      %dma_start3A_323 = tpu.memref_slice %arg2[%dma_start3A_321, %dma_start3A_322] : memref<10000x128xf32, #tpu.memory_space<hbm>> -> memref<10000x128xf32, #tpu.memory_space<hbm>>
      tpu.enqueue_indirect_dma source(%dma_start3A_323 : memref<10000x128xf32, #tpu.memory_space<hbm>>) target(%arg11 : memref<32x128xf32, #tpu.memory_space<vmem>>) offsets(%dma_start3A_320 : memref<32xi32, #tpu.memory_space<vmem>>) semaphore(%arg22 : memref<!tpu.dma_semaphore, #tpu.memory_space<semaphore_mem>>)
      %dma_wait3A_324 = arith.constant 3 : i32
      %dma_wait3A_325 = arith.constant 0 : i32
      %dma_wait3A_326 = tpu.memref_slice %arg5[%dma_wait3A_324, %dma_wait3A_325] : memref<32x32xi32, #tpu.memory_space<vmem>> -> memref<1x32xi32, #tpu.memory_space<vmem>>
      %dma_wait3A_327 = tpu.memref_squeeze %dma_wait3A_326 : memref<1x32xi32, #tpu.memory_space<vmem>> -> memref<32xi32, #tpu.memory_space<vmem>>
      %dma_wait3A_328 = arith.constant 0 : i32
      %dma_wait3A_329 = arith.constant 0 : i32
      %dma_wait3A_330 = tpu.memref_slice %arg2[%dma_wait3A_328, %dma_wait3A_329] : memref<10000x128xf32, #tpu.memory_space<hbm>> -> memref<10000x128xf32, #tpu.memory_space<hbm>>
      tpu.wait_indirect_dma semaphore(%arg23 : memref<!tpu.dma_semaphore, #tpu.memory_space<semaphore_mem>>) src(%dma_wait3A_330 : memref<10000x128xf32, #tpu.memory_space<hbm>>) dst(%arg12 : memref<32x128xf32, #tpu.memory_space<vmem>>)
      %dma_start3A_331 = arith.constant 3 : i32
      %dma_start3A_332 = arith.constant 0 : i32
      %dma_start3A_333 = tpu.memref_slice %arg7[%dma_start3A_331, %dma_start3A_332] : memref<32x32xi32, #tpu.memory_space<vmem>> -> memref<1x32xi32, #tpu.memory_space<vmem>>
      %dma_start3A_334 = tpu.memref_squeeze %dma_start3A_333 : memref<1x32xi32, #tpu.memory_space<vmem>> -> memref<32xi32, #tpu.memory_space<vmem>>
      %dma_start3A_335 = arith.constant 0 : i32
      %dma_start3A_336 = arith.constant 0 : i32
      %dma_start3A_337 = tpu.memref_slice %arg17[%dma_start3A_335, %dma_start3A_336] : memref<10240x128xf32, #tpu.memory_space<vmem_shared>> -> memref<10240x128xf32, #tpu.memory_space<vmem_shared>>
      tpu.enqueue_indirect_dma source(%arg12 : memref<32x128xf32, #tpu.memory_space<vmem>>) target(%dma_start3A_337 : memref<10240x128xf32, #tpu.memory_space<vmem_shared>>) offsets(%dma_start3A_334 : memref<32xi32, #tpu.memory_space<vmem>>) semaphore(%arg31 : memref<!tpu.dma_semaphore, #tpu.memory_space<semaphore_mem>>) {add = true}
      %dma_wait3A_338 = arith.constant 3 : i32
      %dma_wait3A_339 = arith.constant 0 : i32
      %dma_wait3A_340 = tpu.memref_slice %arg7[%dma_wait3A_338, %dma_wait3A_339] : memref<32x32xi32, #tpu.memory_space<vmem>> -> memref<1x32xi32, #tpu.memory_space<vmem>>
      %dma_wait3A_341 = tpu.memref_squeeze %dma_wait3A_340 : memref<1x32xi32, #tpu.memory_space<vmem>> -> memref<32xi32, #tpu.memory_space<vmem>>
      %dma_wait3A_342 = arith.constant 0 : i32
      %dma_wait3A_343 = arith.constant 0 : i32
      %dma_wait3A_344 = tpu.memref_slice %arg17[%dma_wait3A_342, %dma_wait3A_343] : memref<10240x128xf32, #tpu.memory_space<vmem_shared>> -> memref<10240x128xf32, #tpu.memory_space<vmem_shared>>
      tpu.wait_indirect_dma semaphore(%arg31 : memref<!tpu.dma_semaphore, #tpu.memory_space<semaphore_mem>>) src(%arg12 : memref<32x128xf32, #tpu.memory_space<vmem>>) dst(%dma_wait3A_344 : memref<10240x128xf32, #tpu.memory_space<vmem_shared>>)
      %dma_start3A_345 = arith.constant 11 : i32
      %dma_start3A_346 = arith.constant 0 : i32
      %dma_start3A_347 = tpu.memref_slice %arg5[%dma_start3A_345, %dma_start3A_346] : memref<32x32xi32, #tpu.memory_space<vmem>> -> memref<1x32xi32, #tpu.memory_space<vmem>>
      %dma_start3A_348 = tpu.memref_squeeze %dma_start3A_347 : memref<1x32xi32, #tpu.memory_space<vmem>> -> memref<32xi32, #tpu.memory_space<vmem>>
      %dma_start3A_349 = arith.constant 0 : i32
      %dma_start3A_350 = arith.constant 0 : i32
      %dma_start3A_351 = tpu.memref_slice %arg2[%dma_start3A_349, %dma_start3A_350] : memref<10000x128xf32, #tpu.memory_space<hbm>> -> memref<10000x128xf32, #tpu.memory_space<hbm>>
      tpu.enqueue_indirect_dma source(%dma_start3A_351 : memref<10000x128xf32, #tpu.memory_space<hbm>>) target(%arg12 : memref<32x128xf32, #tpu.memory_space<vmem>>) offsets(%dma_start3A_348 : memref<32xi32, #tpu.memory_space<vmem>>) semaphore(%arg23 : memref<!tpu.dma_semaphore, #tpu.memory_space<semaphore_mem>>)
      %dma_wait3A_352 = arith.constant 4 : i32
      %dma_wait3A_353 = arith.constant 0 : i32
      %dma_wait3A_354 = tpu.memref_slice %arg5[%dma_wait3A_352, %dma_wait3A_353] : memref<32x32xi32, #tpu.memory_space<vmem>> -> memref<1x32xi32, #tpu.memory_space<vmem>>
      %dma_wait3A_355 = tpu.memref_squeeze %dma_wait3A_354 : memref<1x32xi32, #tpu.memory_space<vmem>> -> memref<32xi32, #tpu.memory_space<vmem>>
      %dma_wait3A_356 = arith.constant 0 : i32
      %dma_wait3A_357 = arith.constant 0 : i32
      %dma_wait3A_358 = tpu.memref_slice %arg2[%dma_wait3A_356, %dma_wait3A_357] : memref<10000x128xf32, #tpu.memory_space<hbm>> -> memref<10000x128xf32, #tpu.memory_space<hbm>>
      tpu.wait_indirect_dma semaphore(%arg24 : memref<!tpu.dma_semaphore, #tpu.memory_space<semaphore_mem>>) src(%dma_wait3A_358 : memref<10000x128xf32, #tpu.memory_space<hbm>>) dst(%arg13 : memref<32x128xf32, #tpu.memory_space<vmem>>)
      %dma_start3A_359 = arith.constant 4 : i32
      %dma_start3A_360 = arith.constant 0 : i32
      %dma_start3A_361 = tpu.memref_slice %arg7[%dma_start3A_359, %dma_start3A_360] : memref<32x32xi32, #tpu.memory_space<vmem>> -> memref<1x32xi32, #tpu.memory_space<vmem>>
      %dma_start3A_362 = tpu.memref_squeeze %dma_start3A_361 : memref<1x32xi32, #tpu.memory_space<vmem>> -> memref<32xi32, #tpu.memory_space<vmem>>
      %dma_start3A_363 = arith.constant 0 : i32
      %dma_start3A_364 = arith.constant 0 : i32
      %dma_start3A_365 = tpu.memref_slice %arg17[%dma_start3A_363, %dma_start3A_364] : memref<10240x128xf32, #tpu.memory_space<vmem_shared>> -> memref<10240x128xf32, #tpu.memory_space<vmem_shared>>
      tpu.enqueue_indirect_dma source(%arg13 : memref<32x128xf32, #tpu.memory_space<vmem>>) target(%dma_start3A_365 : memref<10240x128xf32, #tpu.memory_space<vmem_shared>>) offsets(%dma_start3A_362 : memref<32xi32, #tpu.memory_space<vmem>>) semaphore(%arg32 : memref<!tpu.dma_semaphore, #tpu.memory_space<semaphore_mem>>) {add = true}
      %dma_wait3A_366 = arith.constant 4 : i32
      %dma_wait3A_367 = arith.constant 0 : i32
      %dma_wait3A_368 = tpu.memref_slice %arg7[%dma_wait3A_366, %dma_wait3A_367] : memref<32x32xi32, #tpu.memory_space<vmem>> -> memref<1x32xi32, #tpu.memory_space<vmem>>
      %dma_wait3A_369 = tpu.memref_squeeze %dma_wait3A_368 : memref<1x32xi32, #tpu.memory_space<vmem>> -> memref<32xi32, #tpu.memory_space<vmem>>
      %dma_wait3A_370 = arith.constant 0 : i32
      %dma_wait3A_371 = arith.constant 0 : i32
      %dma_wait3A_372 = tpu.memref_slice %arg17[%dma_wait3A_370, %dma_wait3A_371] : memref<10240x128xf32, #tpu.memory_space<vmem_shared>> -> memref<10240x128xf32, #tpu.memory_space<vmem_shared>>
      tpu.wait_indirect_dma semaphore(%arg32 : memref<!tpu.dma_semaphore, #tpu.memory_space<semaphore_mem>>) src(%arg13 : memref<32x128xf32, #tpu.memory_space<vmem>>) dst(%dma_wait3A_372 : memref<10240x128xf32, #tpu.memory_space<vmem_shared>>)
      %dma_start3A_373 = arith.constant 12 : i32
      %dma_start3A_374 = arith.constant 0 : i32
      %dma_start3A_375 = tpu.memref_slice %arg5[%dma_start3A_373, %dma_start3A_374] : memref<32x32xi32, #tpu.memory_space<vmem>> -> memref<1x32xi32, #tpu.memory_space<vmem>>
      %dma_start3A_376 = tpu.memref_squeeze %dma_start3A_375 : memref<1x32xi32, #tpu.memory_space<vmem>> -> memref<32xi32, #tpu.memory_space<vmem>>
      %dma_start3A_377 = arith.constant 0 : i32
      %dma_start3A_378 = arith.constant 0 : i32
      %dma_start3A_379 = tpu.memref_slice %arg2[%dma_start3A_377, %dma_start3A_378] : memref<10000x128xf32, #tpu.memory_space<hbm>> -> memref<10000x128xf32, #tpu.memory_space<hbm>>
      tpu.enqueue_indirect_dma source(%dma_start3A_379 : memref<10000x128xf32, #tpu.memory_space<hbm>>) target(%arg13 : memref<32x128xf32, #tpu.memory_space<vmem>>) offsets(%dma_start3A_376 : memref<32xi32, #tpu.memory_space<vmem>>) semaphore(%arg24 : memref<!tpu.dma_semaphore, #tpu.memory_space<semaphore_mem>>)
      %dma_wait3A_380 = arith.constant 5 : i32
      %dma_wait3A_381 = arith.constant 0 : i32
      %dma_wait3A_382 = tpu.memref_slice %arg5[%dma_wait3A_380, %dma_wait3A_381] : memref<32x32xi32, #tpu.memory_space<vmem>> -> memref<1x32xi32, #tpu.memory_space<vmem>>
      %dma_wait3A_383 = tpu.memref_squeeze %dma_wait3A_382 : memref<1x32xi32, #tpu.memory_space<vmem>> -> memref<32xi32, #tpu.memory_space<vmem>>
      %dma_wait3A_384 = arith.constant 0 : i32
      %dma_wait3A_385 = arith.constant 0 : i32
      %dma_wait3A_386 = tpu.memref_slice %arg2[%dma_wait3A_384, %dma_wait3A_385] : memref<10000x128xf32, #tpu.memory_space<hbm>> -> memref<10000x128xf32, #tpu.memory_space<hbm>>
      tpu.wait_indirect_dma semaphore(%arg25 : memref<!tpu.dma_semaphore, #tpu.memory_space<semaphore_mem>>) src(%dma_wait3A_386 : memref<10000x128xf32, #tpu.memory_space<hbm>>) dst(%arg14 : memref<32x128xf32, #tpu.memory_space<vmem>>)
      %dma_start3A_387 = arith.constant 5 : i32
      %dma_start3A_388 = arith.constant 0 : i32
      %dma_start3A_389 = tpu.memref_slice %arg7[%dma_start3A_387, %dma_start3A_388] : memref<32x32xi32, #tpu.memory_space<vmem>> -> memref<1x32xi32, #tpu.memory_space<vmem>>
      %dma_start3A_390 = tpu.memref_squeeze %dma_start3A_389 : memref<1x32xi32, #tpu.memory_space<vmem>> -> memref<32xi32, #tpu.memory_space<vmem>>
      %dma_start3A_391 = arith.constant 0 : i32
      %dma_start3A_392 = arith.constant 0 : i32
      %dma_start3A_393 = tpu.memref_slice %arg17[%dma_start3A_391, %dma_start3A_392] : memref<10240x128xf32, #tpu.memory_space<vmem_shared>> -> memref<10240x128xf32, #tpu.memory_space<vmem_shared>>
      tpu.enqueue_indirect_dma source(%arg14 : memref<32x128xf32, #tpu.memory_space<vmem>>) target(%dma_start3A_393 : memref<10240x128xf32, #tpu.memory_space<vmem_shared>>) offsets(%dma_start3A_390 : memref<32xi32, #tpu.memory_space<vmem>>) semaphore(%arg33 : memref<!tpu.dma_semaphore, #tpu.memory_space<semaphore_mem>>) {add = true}
      %dma_wait3A_394 = arith.constant 5 : i32
      %dma_wait3A_395 = arith.constant 0 : i32
      %dma_wait3A_396 = tpu.memref_slice %arg7[%dma_wait3A_394, %dma_wait3A_395] : memref<32x32xi32, #tpu.memory_space<vmem>> -> memref<1x32xi32, #tpu.memory_space<vmem>>
      %dma_wait3A_397 = tpu.memref_squeeze %dma_wait3A_396 : memref<1x32xi32, #tpu.memory_space<vmem>> -> memref<32xi32, #tpu.memory_space<vmem>>
      %dma_wait3A_398 = arith.constant 0 : i32
      %dma_wait3A_399 = arith.constant 0 : i32
      %dma_wait3A_400 = tpu.memref_slice %arg17[%dma_wait3A_398, %dma_wait3A_399] : memref<10240x128xf32, #tpu.memory_space<vmem_shared>> -> memref<10240x128xf32, #tpu.memory_space<vmem_shared>>
      tpu.wait_indirect_dma semaphore(%arg33 : memref<!tpu.dma_semaphore, #tpu.memory_space<semaphore_mem>>) src(%arg14 : memref<32x128xf32, #tpu.memory_space<vmem>>) dst(%dma_wait3A_400 : memref<10240x128xf32, #tpu.memory_space<vmem_shared>>)
      %dma_start3A_401 = arith.constant 13 : i32
      %dma_start3A_402 = arith.constant 0 : i32
      %dma_start3A_403 = tpu.memref_slice %arg5[%dma_start3A_401, %dma_start3A_402] : memref<32x32xi32, #tpu.memory_space<vmem>> -> memref<1x32xi32, #tpu.memory_space<vmem>>
      %dma_start3A_404 = tpu.memref_squeeze %dma_start3A_403 : memref<1x32xi32, #tpu.memory_space<vmem>> -> memref<32xi32, #tpu.memory_space<vmem>>
      %dma_start3A_405 = arith.constant 0 : i32
      %dma_start3A_406 = arith.constant 0 : i32
      %dma_start3A_407 = tpu.memref_slice %arg2[%dma_start3A_405, %dma_start3A_406] : memref<10000x128xf32, #tpu.memory_space<hbm>> -> memref<10000x128xf32, #tpu.memory_space<hbm>>
      tpu.enqueue_indirect_dma source(%dma_start3A_407 : memref<10000x128xf32, #tpu.memory_space<hbm>>) target(%arg14 : memref<32x128xf32, #tpu.memory_space<vmem>>) offsets(%dma_start3A_404 : memref<32xi32, #tpu.memory_space<vmem>>) semaphore(%arg25 : memref<!tpu.dma_semaphore, #tpu.memory_space<semaphore_mem>>)
      %dma_wait3A_408 = arith.constant 6 : i32
      %dma_wait3A_409 = arith.constant 0 : i32
      %dma_wait3A_410 = tpu.memref_slice %arg5[%dma_wait3A_408, %dma_wait3A_409] : memref<32x32xi32, #tpu.memory_space<vmem>> -> memref<1x32xi32, #tpu.memory_space<vmem>>
      %dma_wait3A_411 = tpu.memref_squeeze %dma_wait3A_410 : memref<1x32xi32, #tpu.memory_space<vmem>> -> memref<32xi32, #tpu.memory_space<vmem>>
      %dma_wait3A_412 = arith.constant 0 : i32
      %dma_wait3A_413 = arith.constant 0 : i32
      %dma_wait3A_414 = tpu.memref_slice %arg2[%dma_wait3A_412, %dma_wait3A_413] : memref<10000x128xf32, #tpu.memory_space<hbm>> -> memref<10000x128xf32, #tpu.memory_space<hbm>>
      tpu.wait_indirect_dma semaphore(%arg26 : memref<!tpu.dma_semaphore, #tpu.memory_space<semaphore_mem>>) src(%dma_wait3A_414 : memref<10000x128xf32, #tpu.memory_space<hbm>>) dst(%arg15 : memref<32x128xf32, #tpu.memory_space<vmem>>)
      %dma_start3A_415 = arith.constant 6 : i32
      %dma_start3A_416 = arith.constant 0 : i32
      %dma_start3A_417 = tpu.memref_slice %arg7[%dma_start3A_415, %dma_start3A_416] : memref<32x32xi32, #tpu.memory_space<vmem>> -> memref<1x32xi32, #tpu.memory_space<vmem>>
      %dma_start3A_418 = tpu.memref_squeeze %dma_start3A_417 : memref<1x32xi32, #tpu.memory_space<vmem>> -> memref<32xi32, #tpu.memory_space<vmem>>
      %dma_start3A_419 = arith.constant 0 : i32
      %dma_start3A_420 = arith.constant 0 : i32
      %dma_start3A_421 = tpu.memref_slice %arg17[%dma_start3A_419, %dma_start3A_420] : memref<10240x128xf32, #tpu.memory_space<vmem_shared>> -> memref<10240x128xf32, #tpu.memory_space<vmem_shared>>
      tpu.enqueue_indirect_dma source(%arg15 : memref<32x128xf32, #tpu.memory_space<vmem>>) target(%dma_start3A_421 : memref<10240x128xf32, #tpu.memory_space<vmem_shared>>) offsets(%dma_start3A_418 : memref<32xi32, #tpu.memory_space<vmem>>) semaphore(%arg34 : memref<!tpu.dma_semaphore, #tpu.memory_space<semaphore_mem>>) {add = true}
      %dma_wait3A_422 = arith.constant 6 : i32
      %dma_wait3A_423 = arith.constant 0 : i32
      %dma_wait3A_424 = tpu.memref_slice %arg7[%dma_wait3A_422, %dma_wait3A_423] : memref<32x32xi32, #tpu.memory_space<vmem>> -> memref<1x32xi32, #tpu.memory_space<vmem>>
      %dma_wait3A_425 = tpu.memref_squeeze %dma_wait3A_424 : memref<1x32xi32, #tpu.memory_space<vmem>> -> memref<32xi32, #tpu.memory_space<vmem>>
      %dma_wait3A_426 = arith.constant 0 : i32
      %dma_wait3A_427 = arith.constant 0 : i32
      %dma_wait3A_428 = tpu.memref_slice %arg17[%dma_wait3A_426, %dma_wait3A_427] : memref<10240x128xf32, #tpu.memory_space<vmem_shared>> -> memref<10240x128xf32, #tpu.memory_space<vmem_shared>>
      tpu.wait_indirect_dma semaphore(%arg34 : memref<!tpu.dma_semaphore, #tpu.memory_space<semaphore_mem>>) src(%arg15 : memref<32x128xf32, #tpu.memory_space<vmem>>) dst(%dma_wait3A_428 : memref<10240x128xf32, #tpu.memory_space<vmem_shared>>)
      %dma_start3A_429 = arith.constant 14 : i32
      %dma_start3A_430 = arith.constant 0 : i32
      %dma_start3A_431 = tpu.memref_slice %arg5[%dma_start3A_429, %dma_start3A_430] : memref<32x32xi32, #tpu.memory_space<vmem>> -> memref<1x32xi32, #tpu.memory_space<vmem>>
      %dma_start3A_432 = tpu.memref_squeeze %dma_start3A_431 : memref<1x32xi32, #tpu.memory_space<vmem>> -> memref<32xi32, #tpu.memory_space<vmem>>
      %dma_start3A_433 = arith.constant 0 : i32
      %dma_start3A_434 = arith.constant 0 : i32
      %dma_start3A_435 = tpu.memref_slice %arg2[%dma_start3A_433, %dma_start3A_434] : memref<10000x128xf32, #tpu.memory_space<hbm>> -> memref<10000x128xf32, #tpu.memory_space<hbm>>
      tpu.enqueue_indirect_dma source(%dma_start3A_435 : memref<10000x128xf32, #tpu.memory_space<hbm>>) target(%arg15 : memref<32x128xf32, #tpu.memory_space<vmem>>) offsets(%dma_start3A_432 : memref<32xi32, #tpu.memory_space<vmem>>) semaphore(%arg26 : memref<!tpu.dma_semaphore, #tpu.memory_space<semaphore_mem>>)
      %dma_wait3A_436 = arith.constant 7 : i32
      %dma_wait3A_437 = arith.constant 0 : i32
      %dma_wait3A_438 = tpu.memref_slice %arg5[%dma_wait3A_436, %dma_wait3A_437] : memref<32x32xi32, #tpu.memory_space<vmem>> -> memref<1x32xi32, #tpu.memory_space<vmem>>
      %dma_wait3A_439 = tpu.memref_squeeze %dma_wait3A_438 : memref<1x32xi32, #tpu.memory_space<vmem>> -> memref<32xi32, #tpu.memory_space<vmem>>
      %dma_wait3A_440 = arith.constant 0 : i32
      %dma_wait3A_441 = arith.constant 0 : i32
      %dma_wait3A_442 = tpu.memref_slice %arg2[%dma_wait3A_440, %dma_wait3A_441] : memref<10000x128xf32, #tpu.memory_space<hbm>> -> memref<10000x128xf32, #tpu.memory_space<hbm>>
      tpu.wait_indirect_dma semaphore(%arg27 : memref<!tpu.dma_semaphore, #tpu.memory_space<semaphore_mem>>) src(%dma_wait3A_442 : memref<10000x128xf32, #tpu.memory_space<hbm>>) dst(%arg16 : memref<32x128xf32, #tpu.memory_space<vmem>>)
      %dma_start3A_443 = arith.constant 7 : i32
      %dma_start3A_444 = arith.constant 0 : i32
      %dma_start3A_445 = tpu.memref_slice %arg7[%dma_start3A_443, %dma_start3A_444] : memref<32x32xi32, #tpu.memory_space<vmem>> -> memref<1x32xi32, #tpu.memory_space<vmem>>
      %dma_start3A_446 = tpu.memref_squeeze %dma_start3A_445 : memref<1x32xi32, #tpu.memory_space<vmem>> -> memref<32xi32, #tpu.memory_space<vmem>>
      %dma_start3A_447 = arith.constant 0 : i32
      %dma_start3A_448 = arith.constant 0 : i32
      %dma_start3A_449 = tpu.memref_slice %arg17[%dma_start3A_447, %dma_start3A_448] : memref<10240x128xf32, #tpu.memory_space<vmem_shared>> -> memref<10240x128xf32, #tpu.memory_space<vmem_shared>>
      tpu.enqueue_indirect_dma source(%arg16 : memref<32x128xf32, #tpu.memory_space<vmem>>) target(%dma_start3A_449 : memref<10240x128xf32, #tpu.memory_space<vmem_shared>>) offsets(%dma_start3A_446 : memref<32xi32, #tpu.memory_space<vmem>>) semaphore(%arg35 : memref<!tpu.dma_semaphore, #tpu.memory_space<semaphore_mem>>) {add = true}
      %dma_wait3A_450 = arith.constant 7 : i32
      %dma_wait3A_451 = arith.constant 0 : i32
      %dma_wait3A_452 = tpu.memref_slice %arg7[%dma_wait3A_450, %dma_wait3A_451] : memref<32x32xi32, #tpu.memory_space<vmem>> -> memref<1x32xi32, #tpu.memory_space<vmem>>
      %dma_wait3A_453 = tpu.memref_squeeze %dma_wait3A_452 : memref<1x32xi32, #tpu.memory_space<vmem>> -> memref<32xi32, #tpu.memory_space<vmem>>
      %dma_wait3A_454 = arith.constant 0 : i32
      %dma_wait3A_455 = arith.constant 0 : i32
      %dma_wait3A_456 = tpu.memref_slice %arg17[%dma_wait3A_454, %dma_wait3A_455] : memref<10240x128xf32, #tpu.memory_space<vmem_shared>> -> memref<10240x128xf32, #tpu.memory_space<vmem_shared>>
      tpu.wait_indirect_dma semaphore(%arg35 : memref<!tpu.dma_semaphore, #tpu.memory_space<semaphore_mem>>) src(%arg16 : memref<32x128xf32, #tpu.memory_space<vmem>>) dst(%dma_wait3A_456 : memref<10240x128xf32, #tpu.memory_space<vmem_shared>>)
      %dma_start3A_457 = arith.constant 15 : i32
      %dma_start3A_458 = arith.constant 0 : i32
      %dma_start3A_459 = tpu.memref_slice %arg5[%dma_start3A_457, %dma_start3A_458] : memref<32x32xi32, #tpu.memory_space<vmem>> -> memref<1x32xi32, #tpu.memory_space<vmem>>
      %dma_start3A_460 = tpu.memref_squeeze %dma_start3A_459 : memref<1x32xi32, #tpu.memory_space<vmem>> -> memref<32xi32, #tpu.memory_space<vmem>>
      %dma_start3A_461 = arith.constant 0 : i32
      %dma_start3A_462 = arith.constant 0 : i32
      %dma_start3A_463 = tpu.memref_slice %arg2[%dma_start3A_461, %dma_start3A_462] : memref<10000x128xf32, #tpu.memory_space<hbm>> -> memref<10000x128xf32, #tpu.memory_space<hbm>>
      tpu.enqueue_indirect_dma source(%dma_start3A_463 : memref<10000x128xf32, #tpu.memory_space<hbm>>) target(%arg16 : memref<32x128xf32, #tpu.memory_space<vmem>>) offsets(%dma_start3A_460 : memref<32xi32, #tpu.memory_space<vmem>>) semaphore(%arg27 : memref<!tpu.dma_semaphore, #tpu.memory_space<semaphore_mem>>)
      %dma_wait3A_464 = arith.constant 8 : i32
      %dma_wait3A_465 = arith.constant 0 : i32
      %dma_wait3A_466 = tpu.memref_slice %arg5[%dma_wait3A_464, %dma_wait3A_465] : memref<32x32xi32, #tpu.memory_space<vmem>> -> memref<1x32xi32, #tpu.memory_space<vmem>>
      %dma_wait3A_467 = tpu.memref_squeeze %dma_wait3A_466 : memref<1x32xi32, #tpu.memory_space<vmem>> -> memref<32xi32, #tpu.memory_space<vmem>>
      %dma_wait3A_468 = arith.constant 0 : i32
      %dma_wait3A_469 = arith.constant 0 : i32
      %dma_wait3A_470 = tpu.memref_slice %arg2[%dma_wait3A_468, %dma_wait3A_469] : memref<10000x128xf32, #tpu.memory_space<hbm>> -> memref<10000x128xf32, #tpu.memory_space<hbm>>
      tpu.wait_indirect_dma semaphore(%arg20 : memref<!tpu.dma_semaphore, #tpu.memory_space<semaphore_mem>>) src(%dma_wait3A_470 : memref<10000x128xf32, #tpu.memory_space<hbm>>) dst(%arg9 : memref<32x128xf32, #tpu.memory_space<vmem>>)
      %dma_start3A_471 = arith.constant 8 : i32
      %dma_start3A_472 = arith.constant 0 : i32
      %dma_start3A_473 = tpu.memref_slice %arg7[%dma_start3A_471, %dma_start3A_472] : memref<32x32xi32, #tpu.memory_space<vmem>> -> memref<1x32xi32, #tpu.memory_space<vmem>>
      %dma_start3A_474 = tpu.memref_squeeze %dma_start3A_473 : memref<1x32xi32, #tpu.memory_space<vmem>> -> memref<32xi32, #tpu.memory_space<vmem>>
      %dma_start3A_475 = arith.constant 0 : i32
      %dma_start3A_476 = arith.constant 0 : i32
      %dma_start3A_477 = tpu.memref_slice %arg17[%dma_start3A_475, %dma_start3A_476] : memref<10240x128xf32, #tpu.memory_space<vmem_shared>> -> memref<10240x128xf32, #tpu.memory_space<vmem_shared>>
      tpu.enqueue_indirect_dma source(%arg9 : memref<32x128xf32, #tpu.memory_space<vmem>>) target(%dma_start3A_477 : memref<10240x128xf32, #tpu.memory_space<vmem_shared>>) offsets(%dma_start3A_474 : memref<32xi32, #tpu.memory_space<vmem>>) semaphore(%arg28 : memref<!tpu.dma_semaphore, #tpu.memory_space<semaphore_mem>>) {add = true}
      %dma_wait3A_478 = arith.constant 8 : i32
      %dma_wait3A_479 = arith.constant 0 : i32
      %dma_wait3A_480 = tpu.memref_slice %arg7[%dma_wait3A_478, %dma_wait3A_479] : memref<32x32xi32, #tpu.memory_space<vmem>> -> memref<1x32xi32, #tpu.memory_space<vmem>>
      %dma_wait3A_481 = tpu.memref_squeeze %dma_wait3A_480 : memref<1x32xi32, #tpu.memory_space<vmem>> -> memref<32xi32, #tpu.memory_space<vmem>>
      %dma_wait3A_482 = arith.constant 0 : i32
      %dma_wait3A_483 = arith.constant 0 : i32
      %dma_wait3A_484 = tpu.memref_slice %arg17[%dma_wait3A_482, %dma_wait3A_483] : memref<10240x128xf32, #tpu.memory_space<vmem_shared>> -> memref<10240x128xf32, #tpu.memory_space<vmem_shared>>
      tpu.wait_indirect_dma semaphore(%arg28 : memref<!tpu.dma_semaphore, #tpu.memory_space<semaphore_mem>>) src(%arg9 : memref<32x128xf32, #tpu.memory_space<vmem>>) dst(%dma_wait3A_484 : memref<10240x128xf32, #tpu.memory_space<vmem_shared>>)
      %dma_start3A_485 = arith.constant 16 : i32
      %dma_start3A_486 = arith.constant 0 : i32
      %dma_start3A_487 = tpu.memref_slice %arg5[%dma_start3A_485, %dma_start3A_486] : memref<32x32xi32, #tpu.memory_space<vmem>> -> memref<1x32xi32, #tpu.memory_space<vmem>>
      %dma_start3A_488 = tpu.memref_squeeze %dma_start3A_487 : memref<1x32xi32, #tpu.memory_space<vmem>> -> memref<32xi32, #tpu.memory_space<vmem>>
      %dma_start3A_489 = arith.constant 0 : i32
      %dma_start3A_490 = arith.constant 0 : i32
      %dma_start3A_491 = tpu.memref_slice %arg2[%dma_start3A_489, %dma_start3A_490] : memref<10000x128xf32, #tpu.memory_space<hbm>> -> memref<10000x128xf32, #tpu.memory_space<hbm>>
      tpu.enqueue_indirect_dma source(%dma_start3A_491 : memref<10000x128xf32, #tpu.memory_space<hbm>>) target(%arg9 : memref<32x128xf32, #tpu.memory_space<vmem>>) offsets(%dma_start3A_488 : memref<32xi32, #tpu.memory_space<vmem>>) semaphore(%arg20 : memref<!tpu.dma_semaphore, #tpu.memory_space<semaphore_mem>>)
      %dma_wait3A_492 = arith.constant 9 : i32
      %dma_wait3A_493 = arith.constant 0 : i32
      %dma_wait3A_494 = tpu.memref_slice %arg5[%dma_wait3A_492, %dma_wait3A_493] : memref<32x32xi32, #tpu.memory_space<vmem>> -> memref<1x32xi32, #tpu.memory_space<vmem>>
      %dma_wait3A_495 = tpu.memref_squeeze %dma_wait3A_494 : memref<1x32xi32, #tpu.memory_space<vmem>> -> memref<32xi32, #tpu.memory_space<vmem>>
      %dma_wait3A_496 = arith.constant 0 : i32
      %dma_wait3A_497 = arith.constant 0 : i32
      %dma_wait3A_498 = tpu.memref_slice %arg2[%dma_wait3A_496, %dma_wait3A_497] : memref<10000x128xf32, #tpu.memory_space<hbm>> -> memref<10000x128xf32, #tpu.memory_space<hbm>>
      tpu.wait_indirect_dma semaphore(%arg21 : memref<!tpu.dma_semaphore, #tpu.memory_space<semaphore_mem>>) src(%dma_wait3A_498 : memref<10000x128xf32, #tpu.memory_space<hbm>>) dst(%arg10 : memref<32x128xf32, #tpu.memory_space<vmem>>)
      %dma_start3A_499 = arith.constant 9 : i32
      %dma_start3A_500 = arith.constant 0 : i32
      %dma_start3A_501 = tpu.memref_slice %arg7[%dma_start3A_499, %dma_start3A_500] : memref<32x32xi32, #tpu.memory_space<vmem>> -> memref<1x32xi32, #tpu.memory_space<vmem>>
      %dma_start3A_502 = tpu.memref_squeeze %dma_start3A_501 : memref<1x32xi32, #tpu.memory_space<vmem>> -> memref<32xi32, #tpu.memory_space<vmem>>
      %dma_start3A_503 = arith.constant 0 : i32
      %dma_start3A_504 = arith.constant 0 : i32
      %dma_start3A_505 = tpu.memref_slice %arg17[%dma_start3A_503, %dma_start3A_504] : memref<10240x128xf32, #tpu.memory_space<vmem_shared>> -> memref<10240x128xf32, #tpu.memory_space<vmem_shared>>
      tpu.enqueue_indirect_dma source(%arg10 : memref<32x128xf32, #tpu.memory_space<vmem>>) target(%dma_start3A_505 : memref<10240x128xf32, #tpu.memory_space<vmem_shared>>) offsets(%dma_start3A_502 : memref<32xi32, #tpu.memory_space<vmem>>) semaphore(%arg29 : memref<!tpu.dma_semaphore, #tpu.memory_space<semaphore_mem>>) {add = true}
      %dma_wait3A_506 = arith.constant 9 : i32
      %dma_wait3A_507 = arith.constant 0 : i32
      %dma_wait3A_508 = tpu.memref_slice %arg7[%dma_wait3A_506, %dma_wait3A_507] : memref<32x32xi32, #tpu.memory_space<vmem>> -> memref<1x32xi32, #tpu.memory_space<vmem>>
      %dma_wait3A_509 = tpu.memref_squeeze %dma_wait3A_508 : memref<1x32xi32, #tpu.memory_space<vmem>> -> memref<32xi32, #tpu.memory_space<vmem>>
      %dma_wait3A_510 = arith.constant 0 : i32
      %dma_wait3A_511 = arith.constant 0 : i32
      %dma_wait3A_512 = tpu.memref_slice %arg17[%dma_wait3A_510, %dma_wait3A_511] : memref<10240x128xf32, #tpu.memory_space<vmem_shared>> -> memref<10240x128xf32, #tpu.memory_space<vmem_shared>>
      tpu.wait_indirect_dma semaphore(%arg29 : memref<!tpu.dma_semaphore, #tpu.memory_space<semaphore_mem>>) src(%arg10 : memref<32x128xf32, #tpu.memory_space<vmem>>) dst(%dma_wait3A_512 : memref<10240x128xf32, #tpu.memory_space<vmem_shared>>)
      %dma_start3A_513 = arith.constant 17 : i32
      %dma_start3A_514 = arith.constant 0 : i32
      %dma_start3A_515 = tpu.memref_slice %arg5[%dma_start3A_513, %dma_start3A_514] : memref<32x32xi32, #tpu.memory_space<vmem>> -> memref<1x32xi32, #tpu.memory_space<vmem>>
      %dma_start3A_516 = tpu.memref_squeeze %dma_start3A_515 : memref<1x32xi32, #tpu.memory_space<vmem>> -> memref<32xi32, #tpu.memory_space<vmem>>
      %dma_start3A_517 = arith.constant 0 : i32
      %dma_start3A_518 = arith.constant 0 : i32
      %dma_start3A_519 = tpu.memref_slice %arg2[%dma_start3A_517, %dma_start3A_518] : memref<10000x128xf32, #tpu.memory_space<hbm>> -> memref<10000x128xf32, #tpu.memory_space<hbm>>
      tpu.enqueue_indirect_dma source(%dma_start3A_519 : memref<10000x128xf32, #tpu.memory_space<hbm>>) target(%arg10 : memref<32x128xf32, #tpu.memory_space<vmem>>) offsets(%dma_start3A_516 : memref<32xi32, #tpu.memory_space<vmem>>) semaphore(%arg21 : memref<!tpu.dma_semaphore, #tpu.memory_space<semaphore_mem>>)
      %dma_wait3A_520 = arith.constant 10 : i32
      %dma_wait3A_521 = arith.constant 0 : i32
      %dma_wait3A_522 = tpu.memref_slice %arg5[%dma_wait3A_520, %dma_wait3A_521] : memref<32x32xi32, #tpu.memory_space<vmem>> -> memref<1x32xi32, #tpu.memory_space<vmem>>
      %dma_wait3A_523 = tpu.memref_squeeze %dma_wait3A_522 : memref<1x32xi32, #tpu.memory_space<vmem>> -> memref<32xi32, #tpu.memory_space<vmem>>
      %dma_wait3A_524 = arith.constant 0 : i32
      %dma_wait3A_525 = arith.constant 0 : i32
      %dma_wait3A_526 = tpu.memref_slice %arg2[%dma_wait3A_524, %dma_wait3A_525] : memref<10000x128xf32, #tpu.memory_space<hbm>> -> memref<10000x128xf32, #tpu.memory_space<hbm>>
      tpu.wait_indirect_dma semaphore(%arg22 : memref<!tpu.dma_semaphore, #tpu.memory_space<semaphore_mem>>) src(%dma_wait3A_526 : memref<10000x128xf32, #tpu.memory_space<hbm>>) dst(%arg11 : memref<32x128xf32, #tpu.memory_space<vmem>>)
      %dma_start3A_527 = arith.constant 10 : i32
      %dma_start3A_528 = arith.constant 0 : i32
      %dma_start3A_529 = tpu.memref_slice %arg7[%dma_start3A_527, %dma_start3A_528] : memref<32x32xi32, #tpu.memory_space<vmem>> -> memref<1x32xi32, #tpu.memory_space<vmem>>
      %dma_start3A_530 = tpu.memref_squeeze %dma_start3A_529 : memref<1x32xi32, #tpu.memory_space<vmem>> -> memref<32xi32, #tpu.memory_space<vmem>>
      %dma_start3A_531 = arith.constant 0 : i32
      %dma_start3A_532 = arith.constant 0 : i32
      %dma_start3A_533 = tpu.memref_slice %arg17[%dma_start3A_531, %dma_start3A_532] : memref<10240x128xf32, #tpu.memory_space<vmem_shared>> -> memref<10240x128xf32, #tpu.memory_space<vmem_shared>>
      tpu.enqueue_indirect_dma source(%arg11 : memref<32x128xf32, #tpu.memory_space<vmem>>) target(%dma_start3A_533 : memref<10240x128xf32, #tpu.memory_space<vmem_shared>>) offsets(%dma_start3A_530 : memref<32xi32, #tpu.memory_space<vmem>>) semaphore(%arg30 : memref<!tpu.dma_semaphore, #tpu.memory_space<semaphore_mem>>) {add = true}
      %dma_wait3A_534 = arith.constant 10 : i32
      %dma_wait3A_535 = arith.constant 0 : i32
      %dma_wait3A_536 = tpu.memref_slice %arg7[%dma_wait3A_534, %dma_wait3A_535] : memref<32x32xi32, #tpu.memory_space<vmem>> -> memref<1x32xi32, #tpu.memory_space<vmem>>
      %dma_wait3A_537 = tpu.memref_squeeze %dma_wait3A_536 : memref<1x32xi32, #tpu.memory_space<vmem>> -> memref<32xi32, #tpu.memory_space<vmem>>
      %dma_wait3A_538 = arith.constant 0 : i32
      %dma_wait3A_539 = arith.constant 0 : i32
      %dma_wait3A_540 = tpu.memref_slice %arg17[%dma_wait3A_538, %dma_wait3A_539] : memref<10240x128xf32, #tpu.memory_space<vmem_shared>> -> memref<10240x128xf32, #tpu.memory_space<vmem_shared>>
      tpu.wait_indirect_dma semaphore(%arg30 : memref<!tpu.dma_semaphore, #tpu.memory_space<semaphore_mem>>) src(%arg11 : memref<32x128xf32, #tpu.memory_space<vmem>>) dst(%dma_wait3A_540 : memref<10240x128xf32, #tpu.memory_space<vmem_shared>>)
      %dma_start3A_541 = arith.constant 18 : i32
      %dma_start3A_542 = arith.constant 0 : i32
      %dma_start3A_543 = tpu.memref_slice %arg5[%dma_start3A_541, %dma_start3A_542] : memref<32x32xi32, #tpu.memory_space<vmem>> -> memref<1x32xi32, #tpu.memory_space<vmem>>
      %dma_start3A_544 = tpu.memref_squeeze %dma_start3A_543 : memref<1x32xi32, #tpu.memory_space<vmem>> -> memref<32xi32, #tpu.memory_space<vmem>>
      %dma_start3A_545 = arith.constant 0 : i32
      %dma_start3A_546 = arith.constant 0 : i32
      %dma_start3A_547 = tpu.memref_slice %arg2[%dma_start3A_545, %dma_start3A_546] : memref<10000x128xf32, #tpu.memory_space<hbm>> -> memref<10000x128xf32, #tpu.memory_space<hbm>>
      tpu.enqueue_indirect_dma source(%dma_start3A_547 : memref<10000x128xf32, #tpu.memory_space<hbm>>) target(%arg11 : memref<32x128xf32, #tpu.memory_space<vmem>>) offsets(%dma_start3A_544 : memref<32xi32, #tpu.memory_space<vmem>>) semaphore(%arg22 : memref<!tpu.dma_semaphore, #tpu.memory_space<semaphore_mem>>)
      %dma_wait3A_548 = arith.constant 11 : i32
      %dma_wait3A_549 = arith.constant 0 : i32
      %dma_wait3A_550 = tpu.memref_slice %arg5[%dma_wait3A_548, %dma_wait3A_549] : memref<32x32xi32, #tpu.memory_space<vmem>> -> memref<1x32xi32, #tpu.memory_space<vmem>>
      %dma_wait3A_551 = tpu.memref_squeeze %dma_wait3A_550 : memref<1x32xi32, #tpu.memory_space<vmem>> -> memref<32xi32, #tpu.memory_space<vmem>>
      %dma_wait3A_552 = arith.constant 0 : i32
      %dma_wait3A_553 = arith.constant 0 : i32
      %dma_wait3A_554 = tpu.memref_slice %arg2[%dma_wait3A_552, %dma_wait3A_553] : memref<10000x128xf32, #tpu.memory_space<hbm>> -> memref<10000x128xf32, #tpu.memory_space<hbm>>
      tpu.wait_indirect_dma semaphore(%arg23 : memref<!tpu.dma_semaphore, #tpu.memory_space<semaphore_mem>>) src(%dma_wait3A_554 : memref<10000x128xf32, #tpu.memory_space<hbm>>) dst(%arg12 : memref<32x128xf32, #tpu.memory_space<vmem>>)
      %dma_start3A_555 = arith.constant 11 : i32
      %dma_start3A_556 = arith.constant 0 : i32
      %dma_start3A_557 = tpu.memref_slice %arg7[%dma_start3A_555, %dma_start3A_556] : memref<32x32xi32, #tpu.memory_space<vmem>> -> memref<1x32xi32, #tpu.memory_space<vmem>>
      %dma_start3A_558 = tpu.memref_squeeze %dma_start3A_557 : memref<1x32xi32, #tpu.memory_space<vmem>> -> memref<32xi32, #tpu.memory_space<vmem>>
      %dma_start3A_559 = arith.constant 0 : i32
      %dma_start3A_560 = arith.constant 0 : i32
      %dma_start3A_561 = tpu.memref_slice %arg17[%dma_start3A_559, %dma_start3A_560] : memref<10240x128xf32, #tpu.memory_space<vmem_shared>> -> memref<10240x128xf32, #tpu.memory_space<vmem_shared>>
      tpu.enqueue_indirect_dma source(%arg12 : memref<32x128xf32, #tpu.memory_space<vmem>>) target(%dma_start3A_561 : memref<10240x128xf32, #tpu.memory_space<vmem_shared>>) offsets(%dma_start3A_558 : memref<32xi32, #tpu.memory_space<vmem>>) semaphore(%arg31 : memref<!tpu.dma_semaphore, #tpu.memory_space<semaphore_mem>>) {add = true}
      %dma_wait3A_562 = arith.constant 11 : i32
      %dma_wait3A_563 = arith.constant 0 : i32
      %dma_wait3A_564 = tpu.memref_slice %arg7[%dma_wait3A_562, %dma_wait3A_563] : memref<32x32xi32, #tpu.memory_space<vmem>> -> memref<1x32xi32, #tpu.memory_space<vmem>>
      %dma_wait3A_565 = tpu.memref_squeeze %dma_wait3A_564 : memref<1x32xi32, #tpu.memory_space<vmem>> -> memref<32xi32, #tpu.memory_space<vmem>>
      %dma_wait3A_566 = arith.constant 0 : i32
      %dma_wait3A_567 = arith.constant 0 : i32
      %dma_wait3A_568 = tpu.memref_slice %arg17[%dma_wait3A_566, %dma_wait3A_567] : memref<10240x128xf32, #tpu.memory_space<vmem_shared>> -> memref<10240x128xf32, #tpu.memory_space<vmem_shared>>
      tpu.wait_indirect_dma semaphore(%arg31 : memref<!tpu.dma_semaphore, #tpu.memory_space<semaphore_mem>>) src(%arg12 : memref<32x128xf32, #tpu.memory_space<vmem>>) dst(%dma_wait3A_568 : memref<10240x128xf32, #tpu.memory_space<vmem_shared>>)
      %dma_start3A_569 = arith.constant 19 : i32
      %dma_start3A_570 = arith.constant 0 : i32
      %dma_start3A_571 = tpu.memref_slice %arg5[%dma_start3A_569, %dma_start3A_570] : memref<32x32xi32, #tpu.memory_space<vmem>> -> memref<1x32xi32, #tpu.memory_space<vmem>>
      %dma_start3A_572 = tpu.memref_squeeze %dma_start3A_571 : memref<1x32xi32, #tpu.memory_space<vmem>> -> memref<32xi32, #tpu.memory_space<vmem>>
      %dma_start3A_573 = arith.constant 0 : i32
      %dma_start3A_574 = arith.constant 0 : i32
      %dma_start3A_575 = tpu.memref_slice %arg2[%dma_start3A_573, %dma_start3A_574] : memref<10000x128xf32, #tpu.memory_space<hbm>> -> memref<10000x128xf32, #tpu.memory_space<hbm>>
      tpu.enqueue_indirect_dma source(%dma_start3A_575 : memref<10000x128xf32, #tpu.memory_space<hbm>>) target(%arg12 : memref<32x128xf32, #tpu.memory_space<vmem>>) offsets(%dma_start3A_572 : memref<32xi32, #tpu.memory_space<vmem>>) semaphore(%arg23 : memref<!tpu.dma_semaphore, #tpu.memory_space<semaphore_mem>>)
      %dma_wait3A_576 = arith.constant 12 : i32
      %dma_wait3A_577 = arith.constant 0 : i32
      %dma_wait3A_578 = tpu.memref_slice %arg5[%dma_wait3A_576, %dma_wait3A_577] : memref<32x32xi32, #tpu.memory_space<vmem>> -> memref<1x32xi32, #tpu.memory_space<vmem>>
      %dma_wait3A_579 = tpu.memref_squeeze %dma_wait3A_578 : memref<1x32xi32, #tpu.memory_space<vmem>> -> memref<32xi32, #tpu.memory_space<vmem>>
      %dma_wait3A_580 = arith.constant 0 : i32
      %dma_wait3A_581 = arith.constant 0 : i32
      %dma_wait3A_582 = tpu.memref_slice %arg2[%dma_wait3A_580, %dma_wait3A_581] : memref<10000x128xf32, #tpu.memory_space<hbm>> -> memref<10000x128xf32, #tpu.memory_space<hbm>>
      tpu.wait_indirect_dma semaphore(%arg24 : memref<!tpu.dma_semaphore, #tpu.memory_space<semaphore_mem>>) src(%dma_wait3A_582 : memref<10000x128xf32, #tpu.memory_space<hbm>>) dst(%arg13 : memref<32x128xf32, #tpu.memory_space<vmem>>)
      %dma_start3A_583 = arith.constant 12 : i32
      %dma_start3A_584 = arith.constant 0 : i32
      %dma_start3A_585 = tpu.memref_slice %arg7[%dma_start3A_583, %dma_start3A_584] : memref<32x32xi32, #tpu.memory_space<vmem>> -> memref<1x32xi32, #tpu.memory_space<vmem>>
      %dma_start3A_586 = tpu.memref_squeeze %dma_start3A_585 : memref<1x32xi32, #tpu.memory_space<vmem>> -> memref<32xi32, #tpu.memory_space<vmem>>
      %dma_start3A_587 = arith.constant 0 : i32
      %dma_start3A_588 = arith.constant 0 : i32
      %dma_start3A_589 = tpu.memref_slice %arg17[%dma_start3A_587, %dma_start3A_588] : memref<10240x128xf32, #tpu.memory_space<vmem_shared>> -> memref<10240x128xf32, #tpu.memory_space<vmem_shared>>
      tpu.enqueue_indirect_dma source(%arg13 : memref<32x128xf32, #tpu.memory_space<vmem>>) target(%dma_start3A_589 : memref<10240x128xf32, #tpu.memory_space<vmem_shared>>) offsets(%dma_start3A_586 : memref<32xi32, #tpu.memory_space<vmem>>) semaphore(%arg32 : memref<!tpu.dma_semaphore, #tpu.memory_space<semaphore_mem>>) {add = true}
      %dma_wait3A_590 = arith.constant 12 : i32
      %dma_wait3A_591 = arith.constant 0 : i32
      %dma_wait3A_592 = tpu.memref_slice %arg7[%dma_wait3A_590, %dma_wait3A_591] : memref<32x32xi32, #tpu.memory_space<vmem>> -> memref<1x32xi32, #tpu.memory_space<vmem>>
      %dma_wait3A_593 = tpu.memref_squeeze %dma_wait3A_592 : memref<1x32xi32, #tpu.memory_space<vmem>> -> memref<32xi32, #tpu.memory_space<vmem>>
      %dma_wait3A_594 = arith.constant 0 : i32
      %dma_wait3A_595 = arith.constant 0 : i32
      %dma_wait3A_596 = tpu.memref_slice %arg17[%dma_wait3A_594, %dma_wait3A_595] : memref<10240x128xf32, #tpu.memory_space<vmem_shared>> -> memref<10240x128xf32, #tpu.memory_space<vmem_shared>>
      tpu.wait_indirect_dma semaphore(%arg32 : memref<!tpu.dma_semaphore, #tpu.memory_space<semaphore_mem>>) src(%arg13 : memref<32x128xf32, #tpu.memory_space<vmem>>) dst(%dma_wait3A_596 : memref<10240x128xf32, #tpu.memory_space<vmem_shared>>)
      %dma_start3A_597 = arith.constant 20 : i32
      %dma_start3A_598 = arith.constant 0 : i32
      %dma_start3A_599 = tpu.memref_slice %arg5[%dma_start3A_597, %dma_start3A_598] : memref<32x32xi32, #tpu.memory_space<vmem>> -> memref<1x32xi32, #tpu.memory_space<vmem>>
      %dma_start3A_600 = tpu.memref_squeeze %dma_start3A_599 : memref<1x32xi32, #tpu.memory_space<vmem>> -> memref<32xi32, #tpu.memory_space<vmem>>
      %dma_start3A_601 = arith.constant 0 : i32
      %dma_start3A_602 = arith.constant 0 : i32
      %dma_start3A_603 = tpu.memref_slice %arg2[%dma_start3A_601, %dma_start3A_602] : memref<10000x128xf32, #tpu.memory_space<hbm>> -> memref<10000x128xf32, #tpu.memory_space<hbm>>
      tpu.enqueue_indirect_dma source(%dma_start3A_603 : memref<10000x128xf32, #tpu.memory_space<hbm>>) target(%arg13 : memref<32x128xf32, #tpu.memory_space<vmem>>) offsets(%dma_start3A_600 : memref<32xi32, #tpu.memory_space<vmem>>) semaphore(%arg24 : memref<!tpu.dma_semaphore, #tpu.memory_space<semaphore_mem>>)
      %dma_wait3A_604 = arith.constant 13 : i32
      %dma_wait3A_605 = arith.constant 0 : i32
      %dma_wait3A_606 = tpu.memref_slice %arg5[%dma_wait3A_604, %dma_wait3A_605] : memref<32x32xi32, #tpu.memory_space<vmem>> -> memref<1x32xi32, #tpu.memory_space<vmem>>
      %dma_wait3A_607 = tpu.memref_squeeze %dma_wait3A_606 : memref<1x32xi32, #tpu.memory_space<vmem>> -> memref<32xi32, #tpu.memory_space<vmem>>
      %dma_wait3A_608 = arith.constant 0 : i32
      %dma_wait3A_609 = arith.constant 0 : i32
      %dma_wait3A_610 = tpu.memref_slice %arg2[%dma_wait3A_608, %dma_wait3A_609] : memref<10000x128xf32, #tpu.memory_space<hbm>> -> memref<10000x128xf32, #tpu.memory_space<hbm>>
      tpu.wait_indirect_dma semaphore(%arg25 : memref<!tpu.dma_semaphore, #tpu.memory_space<semaphore_mem>>) src(%dma_wait3A_610 : memref<10000x128xf32, #tpu.memory_space<hbm>>) dst(%arg14 : memref<32x128xf32, #tpu.memory_space<vmem>>)
      %dma_start3A_611 = arith.constant 13 : i32
      %dma_start3A_612 = arith.constant 0 : i32
      %dma_start3A_613 = tpu.memref_slice %arg7[%dma_start3A_611, %dma_start3A_612] : memref<32x32xi32, #tpu.memory_space<vmem>> -> memref<1x32xi32, #tpu.memory_space<vmem>>
      %dma_start3A_614 = tpu.memref_squeeze %dma_start3A_613 : memref<1x32xi32, #tpu.memory_space<vmem>> -> memref<32xi32, #tpu.memory_space<vmem>>
      %dma_start3A_615 = arith.constant 0 : i32
      %dma_start3A_616 = arith.constant 0 : i32
      %dma_start3A_617 = tpu.memref_slice %arg17[%dma_start3A_615, %dma_start3A_616] : memref<10240x128xf32, #tpu.memory_space<vmem_shared>> -> memref<10240x128xf32, #tpu.memory_space<vmem_shared>>
      tpu.enqueue_indirect_dma source(%arg14 : memref<32x128xf32, #tpu.memory_space<vmem>>) target(%dma_start3A_617 : memref<10240x128xf32, #tpu.memory_space<vmem_shared>>) offsets(%dma_start3A_614 : memref<32xi32, #tpu.memory_space<vmem>>) semaphore(%arg33 : memref<!tpu.dma_semaphore, #tpu.memory_space<semaphore_mem>>) {add = true}
      %dma_wait3A_618 = arith.constant 13 : i32
      %dma_wait3A_619 = arith.constant 0 : i32
      %dma_wait3A_620 = tpu.memref_slice %arg7[%dma_wait3A_618, %dma_wait3A_619] : memref<32x32xi32, #tpu.memory_space<vmem>> -> memref<1x32xi32, #tpu.memory_space<vmem>>
      %dma_wait3A_621 = tpu.memref_squeeze %dma_wait3A_620 : memref<1x32xi32, #tpu.memory_space<vmem>> -> memref<32xi32, #tpu.memory_space<vmem>>
      %dma_wait3A_622 = arith.constant 0 : i32
      %dma_wait3A_623 = arith.constant 0 : i32
      %dma_wait3A_624 = tpu.memref_slice %arg17[%dma_wait3A_622, %dma_wait3A_623] : memref<10240x128xf32, #tpu.memory_space<vmem_shared>> -> memref<10240x128xf32, #tpu.memory_space<vmem_shared>>
      tpu.wait_indirect_dma semaphore(%arg33 : memref<!tpu.dma_semaphore, #tpu.memory_space<semaphore_mem>>) src(%arg14 : memref<32x128xf32, #tpu.memory_space<vmem>>) dst(%dma_wait3A_624 : memref<10240x128xf32, #tpu.memory_space<vmem_shared>>)
      %dma_start3A_625 = arith.constant 21 : i32
      %dma_start3A_626 = arith.constant 0 : i32
      %dma_start3A_627 = tpu.memref_slice %arg5[%dma_start3A_625, %dma_start3A_626] : memref<32x32xi32, #tpu.memory_space<vmem>> -> memref<1x32xi32, #tpu.memory_space<vmem>>
      %dma_start3A_628 = tpu.memref_squeeze %dma_start3A_627 : memref<1x32xi32, #tpu.memory_space<vmem>> -> memref<32xi32, #tpu.memory_space<vmem>>
      %dma_start3A_629 = arith.constant 0 : i32
      %dma_start3A_630 = arith.constant 0 : i32
      %dma_start3A_631 = tpu.memref_slice %arg2[%dma_start3A_629, %dma_start3A_630] : memref<10000x128xf32, #tpu.memory_space<hbm>> -> memref<10000x128xf32, #tpu.memory_space<hbm>>
      tpu.enqueue_indirect_dma source(%dma_start3A_631 : memref<10000x128xf32, #tpu.memory_space<hbm>>) target(%arg14 : memref<32x128xf32, #tpu.memory_space<vmem>>) offsets(%dma_start3A_628 : memref<32xi32, #tpu.memory_space<vmem>>) semaphore(%arg25 : memref<!tpu.dma_semaphore, #tpu.memory_space<semaphore_mem>>)
      %dma_wait3A_632 = arith.constant 14 : i32
      %dma_wait3A_633 = arith.constant 0 : i32
      %dma_wait3A_634 = tpu.memref_slice %arg5[%dma_wait3A_632, %dma_wait3A_633] : memref<32x32xi32, #tpu.memory_space<vmem>> -> memref<1x32xi32, #tpu.memory_space<vmem>>
      %dma_wait3A_635 = tpu.memref_squeeze %dma_wait3A_634 : memref<1x32xi32, #tpu.memory_space<vmem>> -> memref<32xi32, #tpu.memory_space<vmem>>
      %dma_wait3A_636 = arith.constant 0 : i32
      %dma_wait3A_637 = arith.constant 0 : i32
      %dma_wait3A_638 = tpu.memref_slice %arg2[%dma_wait3A_636, %dma_wait3A_637] : memref<10000x128xf32, #tpu.memory_space<hbm>> -> memref<10000x128xf32, #tpu.memory_space<hbm>>
      tpu.wait_indirect_dma semaphore(%arg26 : memref<!tpu.dma_semaphore, #tpu.memory_space<semaphore_mem>>) src(%dma_wait3A_638 : memref<10000x128xf32, #tpu.memory_space<hbm>>) dst(%arg15 : memref<32x128xf32, #tpu.memory_space<vmem>>)
      %dma_start3A_639 = arith.constant 14 : i32
      %dma_start3A_640 = arith.constant 0 : i32
      %dma_start3A_641 = tpu.memref_slice %arg7[%dma_start3A_639, %dma_start3A_640] : memref<32x32xi32, #tpu.memory_space<vmem>> -> memref<1x32xi32, #tpu.memory_space<vmem>>
      %dma_start3A_642 = tpu.memref_squeeze %dma_start3A_641 : memref<1x32xi32, #tpu.memory_space<vmem>> -> memref<32xi32, #tpu.memory_space<vmem>>
      %dma_start3A_643 = arith.constant 0 : i32
      %dma_start3A_644 = arith.constant 0 : i32
      %dma_start3A_645 = tpu.memref_slice %arg17[%dma_start3A_643, %dma_start3A_644] : memref<10240x128xf32, #tpu.memory_space<vmem_shared>> -> memref<10240x128xf32, #tpu.memory_space<vmem_shared>>
      tpu.enqueue_indirect_dma source(%arg15 : memref<32x128xf32, #tpu.memory_space<vmem>>) target(%dma_start3A_645 : memref<10240x128xf32, #tpu.memory_space<vmem_shared>>) offsets(%dma_start3A_642 : memref<32xi32, #tpu.memory_space<vmem>>) semaphore(%arg34 : memref<!tpu.dma_semaphore, #tpu.memory_space<semaphore_mem>>) {add = true}
      %dma_wait3A_646 = arith.constant 14 : i32
      %dma_wait3A_647 = arith.constant 0 : i32
      %dma_wait3A_648 = tpu.memref_slice %arg7[%dma_wait3A_646, %dma_wait3A_647] : memref<32x32xi32, #tpu.memory_space<vmem>> -> memref<1x32xi32, #tpu.memory_space<vmem>>
      %dma_wait3A_649 = tpu.memref_squeeze %dma_wait3A_648 : memref<1x32xi32, #tpu.memory_space<vmem>> -> memref<32xi32, #tpu.memory_space<vmem>>
      %dma_wait3A_650 = arith.constant 0 : i32
      %dma_wait3A_651 = arith.constant 0 : i32
      %dma_wait3A_652 = tpu.memref_slice %arg17[%dma_wait3A_650, %dma_wait3A_651] : memref<10240x128xf32, #tpu.memory_space<vmem_shared>> -> memref<10240x128xf32, #tpu.memory_space<vmem_shared>>
      tpu.wait_indirect_dma semaphore(%arg34 : memref<!tpu.dma_semaphore, #tpu.memory_space<semaphore_mem>>) src(%arg15 : memref<32x128xf32, #tpu.memory_space<vmem>>) dst(%dma_wait3A_652 : memref<10240x128xf32, #tpu.memory_space<vmem_shared>>)
      %dma_start3A_653 = arith.constant 22 : i32
      %dma_start3A_654 = arith.constant 0 : i32
      %dma_start3A_655 = tpu.memref_slice %arg5[%dma_start3A_653, %dma_start3A_654] : memref<32x32xi32, #tpu.memory_space<vmem>> -> memref<1x32xi32, #tpu.memory_space<vmem>>
      %dma_start3A_656 = tpu.memref_squeeze %dma_start3A_655 : memref<1x32xi32, #tpu.memory_space<vmem>> -> memref<32xi32, #tpu.memory_space<vmem>>
      %dma_start3A_657 = arith.constant 0 : i32
      %dma_start3A_658 = arith.constant 0 : i32
      %dma_start3A_659 = tpu.memref_slice %arg2[%dma_start3A_657, %dma_start3A_658] : memref<10000x128xf32, #tpu.memory_space<hbm>> -> memref<10000x128xf32, #tpu.memory_space<hbm>>
      tpu.enqueue_indirect_dma source(%dma_start3A_659 : memref<10000x128xf32, #tpu.memory_space<hbm>>) target(%arg15 : memref<32x128xf32, #tpu.memory_space<vmem>>) offsets(%dma_start3A_656 : memref<32xi32, #tpu.memory_space<vmem>>) semaphore(%arg26 : memref<!tpu.dma_semaphore, #tpu.memory_space<semaphore_mem>>)
      %dma_wait3A_660 = arith.constant 15 : i32
      %dma_wait3A_661 = arith.constant 0 : i32
      %dma_wait3A_662 = tpu.memref_slice %arg5[%dma_wait3A_660, %dma_wait3A_661] : memref<32x32xi32, #tpu.memory_space<vmem>> -> memref<1x32xi32, #tpu.memory_space<vmem>>
      %dma_wait3A_663 = tpu.memref_squeeze %dma_wait3A_662 : memref<1x32xi32, #tpu.memory_space<vmem>> -> memref<32xi32, #tpu.memory_space<vmem>>
      %dma_wait3A_664 = arith.constant 0 : i32
      %dma_wait3A_665 = arith.constant 0 : i32
      %dma_wait3A_666 = tpu.memref_slice %arg2[%dma_wait3A_664, %dma_wait3A_665] : memref<10000x128xf32, #tpu.memory_space<hbm>> -> memref<10000x128xf32, #tpu.memory_space<hbm>>
      tpu.wait_indirect_dma semaphore(%arg27 : memref<!tpu.dma_semaphore, #tpu.memory_space<semaphore_mem>>) src(%dma_wait3A_666 : memref<10000x128xf32, #tpu.memory_space<hbm>>) dst(%arg16 : memref<32x128xf32, #tpu.memory_space<vmem>>)
      %dma_start3A_667 = arith.constant 15 : i32
      %dma_start3A_668 = arith.constant 0 : i32
      %dma_start3A_669 = tpu.memref_slice %arg7[%dma_start3A_667, %dma_start3A_668] : memref<32x32xi32, #tpu.memory_space<vmem>> -> memref<1x32xi32, #tpu.memory_space<vmem>>
      %dma_start3A_670 = tpu.memref_squeeze %dma_start3A_669 : memref<1x32xi32, #tpu.memory_space<vmem>> -> memref<32xi32, #tpu.memory_space<vmem>>
      %dma_start3A_671 = arith.constant 0 : i32
      %dma_start3A_672 = arith.constant 0 : i32
      %dma_start3A_673 = tpu.memref_slice %arg17[%dma_start3A_671, %dma_start3A_672] : memref<10240x128xf32, #tpu.memory_space<vmem_shared>> -> memref<10240x128xf32, #tpu.memory_space<vmem_shared>>
      tpu.enqueue_indirect_dma source(%arg16 : memref<32x128xf32, #tpu.memory_space<vmem>>) target(%dma_start3A_673 : memref<10240x128xf32, #tpu.memory_space<vmem_shared>>) offsets(%dma_start3A_670 : memref<32xi32, #tpu.memory_space<vmem>>) semaphore(%arg35 : memref<!tpu.dma_semaphore, #tpu.memory_space<semaphore_mem>>) {add = true}
      %dma_wait3A_674 = arith.constant 15 : i32
      %dma_wait3A_675 = arith.constant 0 : i32
      %dma_wait3A_676 = tpu.memref_slice %arg7[%dma_wait3A_674, %dma_wait3A_675] : memref<32x32xi32, #tpu.memory_space<vmem>> -> memref<1x32xi32, #tpu.memory_space<vmem>>
      %dma_wait3A_677 = tpu.memref_squeeze %dma_wait3A_676 : memref<1x32xi32, #tpu.memory_space<vmem>> -> memref<32xi32, #tpu.memory_space<vmem>>
      %dma_wait3A_678 = arith.constant 0 : i32
      %dma_wait3A_679 = arith.constant 0 : i32
      %dma_wait3A_680 = tpu.memref_slice %arg17[%dma_wait3A_678, %dma_wait3A_679] : memref<10240x128xf32, #tpu.memory_space<vmem_shared>> -> memref<10240x128xf32, #tpu.memory_space<vmem_shared>>
      tpu.wait_indirect_dma semaphore(%arg35 : memref<!tpu.dma_semaphore, #tpu.memory_space<semaphore_mem>>) src(%arg16 : memref<32x128xf32, #tpu.memory_space<vmem>>) dst(%dma_wait3A_680 : memref<10240x128xf32, #tpu.memory_space<vmem_shared>>)
      %dma_start3A_681 = arith.constant 23 : i32
      %dma_start3A_682 = arith.constant 0 : i32
      %dma_start3A_683 = tpu.memref_slice %arg5[%dma_start3A_681, %dma_start3A_682] : memref<32x32xi32, #tpu.memory_space<vmem>> -> memref<1x32xi32, #tpu.memory_space<vmem>>
      %dma_start3A_684 = tpu.memref_squeeze %dma_start3A_683 : memref<1x32xi32, #tpu.memory_space<vmem>> -> memref<32xi32, #tpu.memory_space<vmem>>
      %dma_start3A_685 = arith.constant 0 : i32
      %dma_start3A_686 = arith.constant 0 : i32
      %dma_start3A_687 = tpu.memref_slice %arg2[%dma_start3A_685, %dma_start3A_686] : memref<10000x128xf32, #tpu.memory_space<hbm>> -> memref<10000x128xf32, #tpu.memory_space<hbm>>
      tpu.enqueue_indirect_dma source(%dma_start3A_687 : memref<10000x128xf32, #tpu.memory_space<hbm>>) target(%arg16 : memref<32x128xf32, #tpu.memory_space<vmem>>) offsets(%dma_start3A_684 : memref<32xi32, #tpu.memory_space<vmem>>) semaphore(%arg27 : memref<!tpu.dma_semaphore, #tpu.memory_space<semaphore_mem>>)
      %dma_wait3A_688 = arith.constant 16 : i32
      %dma_wait3A_689 = arith.constant 0 : i32
      %dma_wait3A_690 = tpu.memref_slice %arg5[%dma_wait3A_688, %dma_wait3A_689] : memref<32x32xi32, #tpu.memory_space<vmem>> -> memref<1x32xi32, #tpu.memory_space<vmem>>
      %dma_wait3A_691 = tpu.memref_squeeze %dma_wait3A_690 : memref<1x32xi32, #tpu.memory_space<vmem>> -> memref<32xi32, #tpu.memory_space<vmem>>
      %dma_wait3A_692 = arith.constant 0 : i32
      %dma_wait3A_693 = arith.constant 0 : i32
      %dma_wait3A_694 = tpu.memref_slice %arg2[%dma_wait3A_692, %dma_wait3A_693] : memref<10000x128xf32, #tpu.memory_space<hbm>> -> memref<10000x128xf32, #tpu.memory_space<hbm>>
      tpu.wait_indirect_dma semaphore(%arg20 : memref<!tpu.dma_semaphore, #tpu.memory_space<semaphore_mem>>) src(%dma_wait3A_694 : memref<10000x128xf32, #tpu.memory_space<hbm>>) dst(%arg9 : memref<32x128xf32, #tpu.memory_space<vmem>>)
      %dma_start3A_695 = arith.constant 16 : i32
      %dma_start3A_696 = arith.constant 0 : i32
      %dma_start3A_697 = tpu.memref_slice %arg7[%dma_start3A_695, %dma_start3A_696] : memref<32x32xi32, #tpu.memory_space<vmem>> -> memref<1x32xi32, #tpu.memory_space<vmem>>
      %dma_start3A_698 = tpu.memref_squeeze %dma_start3A_697 : memref<1x32xi32, #tpu.memory_space<vmem>> -> memref<32xi32, #tpu.memory_space<vmem>>
      %dma_start3A_699 = arith.constant 0 : i32
      %dma_start3A_700 = arith.constant 0 : i32
      %dma_start3A_701 = tpu.memref_slice %arg17[%dma_start3A_699, %dma_start3A_700] : memref<10240x128xf32, #tpu.memory_space<vmem_shared>> -> memref<10240x128xf32, #tpu.memory_space<vmem_shared>>
      tpu.enqueue_indirect_dma source(%arg9 : memref<32x128xf32, #tpu.memory_space<vmem>>) target(%dma_start3A_701 : memref<10240x128xf32, #tpu.memory_space<vmem_shared>>) offsets(%dma_start3A_698 : memref<32xi32, #tpu.memory_space<vmem>>) semaphore(%arg28 : memref<!tpu.dma_semaphore, #tpu.memory_space<semaphore_mem>>) {add = true}
      %dma_wait3A_702 = arith.constant 16 : i32
      %dma_wait3A_703 = arith.constant 0 : i32
      %dma_wait3A_704 = tpu.memref_slice %arg7[%dma_wait3A_702, %dma_wait3A_703] : memref<32x32xi32, #tpu.memory_space<vmem>> -> memref<1x32xi32, #tpu.memory_space<vmem>>
      %dma_wait3A_705 = tpu.memref_squeeze %dma_wait3A_704 : memref<1x32xi32, #tpu.memory_space<vmem>> -> memref<32xi32, #tpu.memory_space<vmem>>
      %dma_wait3A_706 = arith.constant 0 : i32
      %dma_wait3A_707 = arith.constant 0 : i32
      %dma_wait3A_708 = tpu.memref_slice %arg17[%dma_wait3A_706, %dma_wait3A_707] : memref<10240x128xf32, #tpu.memory_space<vmem_shared>> -> memref<10240x128xf32, #tpu.memory_space<vmem_shared>>
      tpu.wait_indirect_dma semaphore(%arg28 : memref<!tpu.dma_semaphore, #tpu.memory_space<semaphore_mem>>) src(%arg9 : memref<32x128xf32, #tpu.memory_space<vmem>>) dst(%dma_wait3A_708 : memref<10240x128xf32, #tpu.memory_space<vmem_shared>>)
      %dma_start3A_709 = arith.constant 24 : i32
      %dma_start3A_710 = arith.constant 0 : i32
      %dma_start3A_711 = tpu.memref_slice %arg5[%dma_start3A_709, %dma_start3A_710] : memref<32x32xi32, #tpu.memory_space<vmem>> -> memref<1x32xi32, #tpu.memory_space<vmem>>
      %dma_start3A_712 = tpu.memref_squeeze %dma_start3A_711 : memref<1x32xi32, #tpu.memory_space<vmem>> -> memref<32xi32, #tpu.memory_space<vmem>>
      %dma_start3A_713 = arith.constant 0 : i32
      %dma_start3A_714 = arith.constant 0 : i32
      %dma_start3A_715 = tpu.memref_slice %arg2[%dma_start3A_713, %dma_start3A_714] : memref<10000x128xf32, #tpu.memory_space<hbm>> -> memref<10000x128xf32, #tpu.memory_space<hbm>>
      tpu.enqueue_indirect_dma source(%dma_start3A_715 : memref<10000x128xf32, #tpu.memory_space<hbm>>) target(%arg9 : memref<32x128xf32, #tpu.memory_space<vmem>>) offsets(%dma_start3A_712 : memref<32xi32, #tpu.memory_space<vmem>>) semaphore(%arg20 : memref<!tpu.dma_semaphore, #tpu.memory_space<semaphore_mem>>)
      %dma_wait3A_716 = arith.constant 17 : i32
      %dma_wait3A_717 = arith.constant 0 : i32
      %dma_wait3A_718 = tpu.memref_slice %arg5[%dma_wait3A_716, %dma_wait3A_717] : memref<32x32xi32, #tpu.memory_space<vmem>> -> memref<1x32xi32, #tpu.memory_space<vmem>>
      %dma_wait3A_719 = tpu.memref_squeeze %dma_wait3A_718 : memref<1x32xi32, #tpu.memory_space<vmem>> -> memref<32xi32, #tpu.memory_space<vmem>>
      %dma_wait3A_720 = arith.constant 0 : i32
      %dma_wait3A_721 = arith.constant 0 : i32
      %dma_wait3A_722 = tpu.memref_slice %arg2[%dma_wait3A_720, %dma_wait3A_721] : memref<10000x128xf32, #tpu.memory_space<hbm>> -> memref<10000x128xf32, #tpu.memory_space<hbm>>
      tpu.wait_indirect_dma semaphore(%arg21 : memref<!tpu.dma_semaphore, #tpu.memory_space<semaphore_mem>>) src(%dma_wait3A_722 : memref<10000x128xf32, #tpu.memory_space<hbm>>) dst(%arg10 : memref<32x128xf32, #tpu.memory_space<vmem>>)
      %dma_start3A_723 = arith.constant 17 : i32
      %dma_start3A_724 = arith.constant 0 : i32
      %dma_start3A_725 = tpu.memref_slice %arg7[%dma_start3A_723, %dma_start3A_724] : memref<32x32xi32, #tpu.memory_space<vmem>> -> memref<1x32xi32, #tpu.memory_space<vmem>>
      %dma_start3A_726 = tpu.memref_squeeze %dma_start3A_725 : memref<1x32xi32, #tpu.memory_space<vmem>> -> memref<32xi32, #tpu.memory_space<vmem>>
      %dma_start3A_727 = arith.constant 0 : i32
      %dma_start3A_728 = arith.constant 0 : i32
      %dma_start3A_729 = tpu.memref_slice %arg17[%dma_start3A_727, %dma_start3A_728] : memref<10240x128xf32, #tpu.memory_space<vmem_shared>> -> memref<10240x128xf32, #tpu.memory_space<vmem_shared>>
      tpu.enqueue_indirect_dma source(%arg10 : memref<32x128xf32, #tpu.memory_space<vmem>>) target(%dma_start3A_729 : memref<10240x128xf32, #tpu.memory_space<vmem_shared>>) offsets(%dma_start3A_726 : memref<32xi32, #tpu.memory_space<vmem>>) semaphore(%arg29 : memref<!tpu.dma_semaphore, #tpu.memory_space<semaphore_mem>>) {add = true}
      %dma_wait3A_730 = arith.constant 17 : i32
      %dma_wait3A_731 = arith.constant 0 : i32
      %dma_wait3A_732 = tpu.memref_slice %arg7[%dma_wait3A_730, %dma_wait3A_731] : memref<32x32xi32, #tpu.memory_space<vmem>> -> memref<1x32xi32, #tpu.memory_space<vmem>>
      %dma_wait3A_733 = tpu.memref_squeeze %dma_wait3A_732 : memref<1x32xi32, #tpu.memory_space<vmem>> -> memref<32xi32, #tpu.memory_space<vmem>>
      %dma_wait3A_734 = arith.constant 0 : i32
      %dma_wait3A_735 = arith.constant 0 : i32
      %dma_wait3A_736 = tpu.memref_slice %arg17[%dma_wait3A_734, %dma_wait3A_735] : memref<10240x128xf32, #tpu.memory_space<vmem_shared>> -> memref<10240x128xf32, #tpu.memory_space<vmem_shared>>
      tpu.wait_indirect_dma semaphore(%arg29 : memref<!tpu.dma_semaphore, #tpu.memory_space<semaphore_mem>>) src(%arg10 : memref<32x128xf32, #tpu.memory_space<vmem>>) dst(%dma_wait3A_736 : memref<10240x128xf32, #tpu.memory_space<vmem_shared>>)
      %dma_start3A_737 = arith.constant 25 : i32
      %dma_start3A_738 = arith.constant 0 : i32
      %dma_start3A_739 = tpu.memref_slice %arg5[%dma_start3A_737, %dma_start3A_738] : memref<32x32xi32, #tpu.memory_space<vmem>> -> memref<1x32xi32, #tpu.memory_space<vmem>>
      %dma_start3A_740 = tpu.memref_squeeze %dma_start3A_739 : memref<1x32xi32, #tpu.memory_space<vmem>> -> memref<32xi32, #tpu.memory_space<vmem>>
      %dma_start3A_741 = arith.constant 0 : i32
      %dma_start3A_742 = arith.constant 0 : i32
      %dma_start3A_743 = tpu.memref_slice %arg2[%dma_start3A_741, %dma_start3A_742] : memref<10000x128xf32, #tpu.memory_space<hbm>> -> memref<10000x128xf32, #tpu.memory_space<hbm>>
      tpu.enqueue_indirect_dma source(%dma_start3A_743 : memref<10000x128xf32, #tpu.memory_space<hbm>>) target(%arg10 : memref<32x128xf32, #tpu.memory_space<vmem>>) offsets(%dma_start3A_740 : memref<32xi32, #tpu.memory_space<vmem>>) semaphore(%arg21 : memref<!tpu.dma_semaphore, #tpu.memory_space<semaphore_mem>>)
      %dma_wait3A_744 = arith.constant 18 : i32
      %dma_wait3A_745 = arith.constant 0 : i32
      %dma_wait3A_746 = tpu.memref_slice %arg5[%dma_wait3A_744, %dma_wait3A_745] : memref<32x32xi32, #tpu.memory_space<vmem>> -> memref<1x32xi32, #tpu.memory_space<vmem>>
      %dma_wait3A_747 = tpu.memref_squeeze %dma_wait3A_746 : memref<1x32xi32, #tpu.memory_space<vmem>> -> memref<32xi32, #tpu.memory_space<vmem>>
      %dma_wait3A_748 = arith.constant 0 : i32
      %dma_wait3A_749 = arith.constant 0 : i32
      %dma_wait3A_750 = tpu.memref_slice %arg2[%dma_wait3A_748, %dma_wait3A_749] : memref<10000x128xf32, #tpu.memory_space<hbm>> -> memref<10000x128xf32, #tpu.memory_space<hbm>>
      tpu.wait_indirect_dma semaphore(%arg22 : memref<!tpu.dma_semaphore, #tpu.memory_space<semaphore_mem>>) src(%dma_wait3A_750 : memref<10000x128xf32, #tpu.memory_space<hbm>>) dst(%arg11 : memref<32x128xf32, #tpu.memory_space<vmem>>)
      %dma_start3A_751 = arith.constant 18 : i32
      %dma_start3A_752 = arith.constant 0 : i32
      %dma_start3A_753 = tpu.memref_slice %arg7[%dma_start3A_751, %dma_start3A_752] : memref<32x32xi32, #tpu.memory_space<vmem>> -> memref<1x32xi32, #tpu.memory_space<vmem>>
      %dma_start3A_754 = tpu.memref_squeeze %dma_start3A_753 : memref<1x32xi32, #tpu.memory_space<vmem>> -> memref<32xi32, #tpu.memory_space<vmem>>
      %dma_start3A_755 = arith.constant 0 : i32
      %dma_start3A_756 = arith.constant 0 : i32
      %dma_start3A_757 = tpu.memref_slice %arg17[%dma_start3A_755, %dma_start3A_756] : memref<10240x128xf32, #tpu.memory_space<vmem_shared>> -> memref<10240x128xf32, #tpu.memory_space<vmem_shared>>
      tpu.enqueue_indirect_dma source(%arg11 : memref<32x128xf32, #tpu.memory_space<vmem>>) target(%dma_start3A_757 : memref<10240x128xf32, #tpu.memory_space<vmem_shared>>) offsets(%dma_start3A_754 : memref<32xi32, #tpu.memory_space<vmem>>) semaphore(%arg30 : memref<!tpu.dma_semaphore, #tpu.memory_space<semaphore_mem>>) {add = true}
      %dma_wait3A_758 = arith.constant 18 : i32
      %dma_wait3A_759 = arith.constant 0 : i32
      %dma_wait3A_760 = tpu.memref_slice %arg7[%dma_wait3A_758, %dma_wait3A_759] : memref<32x32xi32, #tpu.memory_space<vmem>> -> memref<1x32xi32, #tpu.memory_space<vmem>>
      %dma_wait3A_761 = tpu.memref_squeeze %dma_wait3A_760 : memref<1x32xi32, #tpu.memory_space<vmem>> -> memref<32xi32, #tpu.memory_space<vmem>>
      %dma_wait3A_762 = arith.constant 0 : i32
      %dma_wait3A_763 = arith.constant 0 : i32
      %dma_wait3A_764 = tpu.memref_slice %arg17[%dma_wait3A_762, %dma_wait3A_763] : memref<10240x128xf32, #tpu.memory_space<vmem_shared>> -> memref<10240x128xf32, #tpu.memory_space<vmem_shared>>
      tpu.wait_indirect_dma semaphore(%arg30 : memref<!tpu.dma_semaphore, #tpu.memory_space<semaphore_mem>>) src(%arg11 : memref<32x128xf32, #tpu.memory_space<vmem>>) dst(%dma_wait3A_764 : memref<10240x128xf32, #tpu.memory_space<vmem_shared>>)
      %dma_start3A_765 = arith.constant 26 : i32
      %dma_start3A_766 = arith.constant 0 : i32
      %dma_start3A_767 = tpu.memref_slice %arg5[%dma_start3A_765, %dma_start3A_766] : memref<32x32xi32, #tpu.memory_space<vmem>> -> memref<1x32xi32, #tpu.memory_space<vmem>>
      %dma_start3A_768 = tpu.memref_squeeze %dma_start3A_767 : memref<1x32xi32, #tpu.memory_space<vmem>> -> memref<32xi32, #tpu.memory_space<vmem>>
      %dma_start3A_769 = arith.constant 0 : i32
      %dma_start3A_770 = arith.constant 0 : i32
      %dma_start3A_771 = tpu.memref_slice %arg2[%dma_start3A_769, %dma_start3A_770] : memref<10000x128xf32, #tpu.memory_space<hbm>> -> memref<10000x128xf32, #tpu.memory_space<hbm>>
      tpu.enqueue_indirect_dma source(%dma_start3A_771 : memref<10000x128xf32, #tpu.memory_space<hbm>>) target(%arg11 : memref<32x128xf32, #tpu.memory_space<vmem>>) offsets(%dma_start3A_768 : memref<32xi32, #tpu.memory_space<vmem>>) semaphore(%arg22 : memref<!tpu.dma_semaphore, #tpu.memory_space<semaphore_mem>>)
      %dma_wait3A_772 = arith.constant 19 : i32
      %dma_wait3A_773 = arith.constant 0 : i32
      %dma_wait3A_774 = tpu.memref_slice %arg5[%dma_wait3A_772, %dma_wait3A_773] : memref<32x32xi32, #tpu.memory_space<vmem>> -> memref<1x32xi32, #tpu.memory_space<vmem>>
      %dma_wait3A_775 = tpu.memref_squeeze %dma_wait3A_774 : memref<1x32xi32, #tpu.memory_space<vmem>> -> memref<32xi32, #tpu.memory_space<vmem>>
      %dma_wait3A_776 = arith.constant 0 : i32
      %dma_wait3A_777 = arith.constant 0 : i32
      %dma_wait3A_778 = tpu.memref_slice %arg2[%dma_wait3A_776, %dma_wait3A_777] : memref<10000x128xf32, #tpu.memory_space<hbm>> -> memref<10000x128xf32, #tpu.memory_space<hbm>>
      tpu.wait_indirect_dma semaphore(%arg23 : memref<!tpu.dma_semaphore, #tpu.memory_space<semaphore_mem>>) src(%dma_wait3A_778 : memref<10000x128xf32, #tpu.memory_space<hbm>>) dst(%arg12 : memref<32x128xf32, #tpu.memory_space<vmem>>)
      %dma_start3A_779 = arith.constant 19 : i32
      %dma_start3A_780 = arith.constant 0 : i32
      %dma_start3A_781 = tpu.memref_slice %arg7[%dma_start3A_779, %dma_start3A_780] : memref<32x32xi32, #tpu.memory_space<vmem>> -> memref<1x32xi32, #tpu.memory_space<vmem>>
      %dma_start3A_782 = tpu.memref_squeeze %dma_start3A_781 : memref<1x32xi32, #tpu.memory_space<vmem>> -> memref<32xi32, #tpu.memory_space<vmem>>
      %dma_start3A_783 = arith.constant 0 : i32
      %dma_start3A_784 = arith.constant 0 : i32
      %dma_start3A_785 = tpu.memref_slice %arg17[%dma_start3A_783, %dma_start3A_784] : memref<10240x128xf32, #tpu.memory_space<vmem_shared>> -> memref<10240x128xf32, #tpu.memory_space<vmem_shared>>
      tpu.enqueue_indirect_dma source(%arg12 : memref<32x128xf32, #tpu.memory_space<vmem>>) target(%dma_start3A_785 : memref<10240x128xf32, #tpu.memory_space<vmem_shared>>) offsets(%dma_start3A_782 : memref<32xi32, #tpu.memory_space<vmem>>) semaphore(%arg31 : memref<!tpu.dma_semaphore, #tpu.memory_space<semaphore_mem>>) {add = true}
      %dma_wait3A_786 = arith.constant 19 : i32
      %dma_wait3A_787 = arith.constant 0 : i32
      %dma_wait3A_788 = tpu.memref_slice %arg7[%dma_wait3A_786, %dma_wait3A_787] : memref<32x32xi32, #tpu.memory_space<vmem>> -> memref<1x32xi32, #tpu.memory_space<vmem>>
      %dma_wait3A_789 = tpu.memref_squeeze %dma_wait3A_788 : memref<1x32xi32, #tpu.memory_space<vmem>> -> memref<32xi32, #tpu.memory_space<vmem>>
      %dma_wait3A_790 = arith.constant 0 : i32
      %dma_wait3A_791 = arith.constant 0 : i32
      %dma_wait3A_792 = tpu.memref_slice %arg17[%dma_wait3A_790, %dma_wait3A_791] : memref<10240x128xf32, #tpu.memory_space<vmem_shared>> -> memref<10240x128xf32, #tpu.memory_space<vmem_shared>>
      tpu.wait_indirect_dma semaphore(%arg31 : memref<!tpu.dma_semaphore, #tpu.memory_space<semaphore_mem>>) src(%arg12 : memref<32x128xf32, #tpu.memory_space<vmem>>) dst(%dma_wait3A_792 : memref<10240x128xf32, #tpu.memory_space<vmem_shared>>)
      %dma_start3A_793 = arith.constant 27 : i32
      %dma_start3A_794 = arith.constant 0 : i32
      %dma_start3A_795 = tpu.memref_slice %arg5[%dma_start3A_793, %dma_start3A_794] : memref<32x32xi32, #tpu.memory_space<vmem>> -> memref<1x32xi32, #tpu.memory_space<vmem>>
      %dma_start3A_796 = tpu.memref_squeeze %dma_start3A_795 : memref<1x32xi32, #tpu.memory_space<vmem>> -> memref<32xi32, #tpu.memory_space<vmem>>
      %dma_start3A_797 = arith.constant 0 : i32
      %dma_start3A_798 = arith.constant 0 : i32
      %dma_start3A_799 = tpu.memref_slice %arg2[%dma_start3A_797, %dma_start3A_798] : memref<10000x128xf32, #tpu.memory_space<hbm>> -> memref<10000x128xf32, #tpu.memory_space<hbm>>
      tpu.enqueue_indirect_dma source(%dma_start3A_799 : memref<10000x128xf32, #tpu.memory_space<hbm>>) target(%arg12 : memref<32x128xf32, #tpu.memory_space<vmem>>) offsets(%dma_start3A_796 : memref<32xi32, #tpu.memory_space<vmem>>) semaphore(%arg23 : memref<!tpu.dma_semaphore, #tpu.memory_space<semaphore_mem>>)
      %dma_wait3A_800 = arith.constant 20 : i32
      %dma_wait3A_801 = arith.constant 0 : i32
      %dma_wait3A_802 = tpu.memref_slice %arg5[%dma_wait3A_800, %dma_wait3A_801] : memref<32x32xi32, #tpu.memory_space<vmem>> -> memref<1x32xi32, #tpu.memory_space<vmem>>
      %dma_wait3A_803 = tpu.memref_squeeze %dma_wait3A_802 : memref<1x32xi32, #tpu.memory_space<vmem>> -> memref<32xi32, #tpu.memory_space<vmem>>
      %dma_wait3A_804 = arith.constant 0 : i32
      %dma_wait3A_805 = arith.constant 0 : i32
      %dma_wait3A_806 = tpu.memref_slice %arg2[%dma_wait3A_804, %dma_wait3A_805] : memref<10000x128xf32, #tpu.memory_space<hbm>> -> memref<10000x128xf32, #tpu.memory_space<hbm>>
      tpu.wait_indirect_dma semaphore(%arg24 : memref<!tpu.dma_semaphore, #tpu.memory_space<semaphore_mem>>) src(%dma_wait3A_806 : memref<10000x128xf32, #tpu.memory_space<hbm>>) dst(%arg13 : memref<32x128xf32, #tpu.memory_space<vmem>>)
      %dma_start3A_807 = arith.constant 20 : i32
      %dma_start3A_808 = arith.constant 0 : i32
      %dma_start3A_809 = tpu.memref_slice %arg7[%dma_start3A_807, %dma_start3A_808] : memref<32x32xi32, #tpu.memory_space<vmem>> -> memref<1x32xi32, #tpu.memory_space<vmem>>
      %dma_start3A_810 = tpu.memref_squeeze %dma_start3A_809 : memref<1x32xi32, #tpu.memory_space<vmem>> -> memref<32xi32, #tpu.memory_space<vmem>>
      %dma_start3A_811 = arith.constant 0 : i32
      %dma_start3A_812 = arith.constant 0 : i32
      %dma_start3A_813 = tpu.memref_slice %arg17[%dma_start3A_811, %dma_start3A_812] : memref<10240x128xf32, #tpu.memory_space<vmem_shared>> -> memref<10240x128xf32, #tpu.memory_space<vmem_shared>>
      tpu.enqueue_indirect_dma source(%arg13 : memref<32x128xf32, #tpu.memory_space<vmem>>) target(%dma_start3A_813 : memref<10240x128xf32, #tpu.memory_space<vmem_shared>>) offsets(%dma_start3A_810 : memref<32xi32, #tpu.memory_space<vmem>>) semaphore(%arg32 : memref<!tpu.dma_semaphore, #tpu.memory_space<semaphore_mem>>) {add = true}
      %dma_wait3A_814 = arith.constant 20 : i32
      %dma_wait3A_815 = arith.constant 0 : i32
      %dma_wait3A_816 = tpu.memref_slice %arg7[%dma_wait3A_814, %dma_wait3A_815] : memref<32x32xi32, #tpu.memory_space<vmem>> -> memref<1x32xi32, #tpu.memory_space<vmem>>
      %dma_wait3A_817 = tpu.memref_squeeze %dma_wait3A_816 : memref<1x32xi32, #tpu.memory_space<vmem>> -> memref<32xi32, #tpu.memory_space<vmem>>
      %dma_wait3A_818 = arith.constant 0 : i32
      %dma_wait3A_819 = arith.constant 0 : i32
      %dma_wait3A_820 = tpu.memref_slice %arg17[%dma_wait3A_818, %dma_wait3A_819] : memref<10240x128xf32, #tpu.memory_space<vmem_shared>> -> memref<10240x128xf32, #tpu.memory_space<vmem_shared>>
      tpu.wait_indirect_dma semaphore(%arg32 : memref<!tpu.dma_semaphore, #tpu.memory_space<semaphore_mem>>) src(%arg13 : memref<32x128xf32, #tpu.memory_space<vmem>>) dst(%dma_wait3A_820 : memref<10240x128xf32, #tpu.memory_space<vmem_shared>>)
      %dma_start3A_821 = arith.constant 28 : i32
      %dma_start3A_822 = arith.constant 0 : i32
      %dma_start3A_823 = tpu.memref_slice %arg5[%dma_start3A_821, %dma_start3A_822] : memref<32x32xi32, #tpu.memory_space<vmem>> -> memref<1x32xi32, #tpu.memory_space<vmem>>
      %dma_start3A_824 = tpu.memref_squeeze %dma_start3A_823 : memref<1x32xi32, #tpu.memory_space<vmem>> -> memref<32xi32, #tpu.memory_space<vmem>>
      %dma_start3A_825 = arith.constant 0 : i32
      %dma_start3A_826 = arith.constant 0 : i32
      %dma_start3A_827 = tpu.memref_slice %arg2[%dma_start3A_825, %dma_start3A_826] : memref<10000x128xf32, #tpu.memory_space<hbm>> -> memref<10000x128xf32, #tpu.memory_space<hbm>>
      tpu.enqueue_indirect_dma source(%dma_start3A_827 : memref<10000x128xf32, #tpu.memory_space<hbm>>) target(%arg13 : memref<32x128xf32, #tpu.memory_space<vmem>>) offsets(%dma_start3A_824 : memref<32xi32, #tpu.memory_space<vmem>>) semaphore(%arg24 : memref<!tpu.dma_semaphore, #tpu.memory_space<semaphore_mem>>)
      %dma_wait3A_828 = arith.constant 21 : i32
      %dma_wait3A_829 = arith.constant 0 : i32
      %dma_wait3A_830 = tpu.memref_slice %arg5[%dma_wait3A_828, %dma_wait3A_829] : memref<32x32xi32, #tpu.memory_space<vmem>> -> memref<1x32xi32, #tpu.memory_space<vmem>>
      %dma_wait3A_831 = tpu.memref_squeeze %dma_wait3A_830 : memref<1x32xi32, #tpu.memory_space<vmem>> -> memref<32xi32, #tpu.memory_space<vmem>>
      %dma_wait3A_832 = arith.constant 0 : i32
      %dma_wait3A_833 = arith.constant 0 : i32
      %dma_wait3A_834 = tpu.memref_slice %arg2[%dma_wait3A_832, %dma_wait3A_833] : memref<10000x128xf32, #tpu.memory_space<hbm>> -> memref<10000x128xf32, #tpu.memory_space<hbm>>
      tpu.wait_indirect_dma semaphore(%arg25 : memref<!tpu.dma_semaphore, #tpu.memory_space<semaphore_mem>>) src(%dma_wait3A_834 : memref<10000x128xf32, #tpu.memory_space<hbm>>) dst(%arg14 : memref<32x128xf32, #tpu.memory_space<vmem>>)
      %dma_start3A_835 = arith.constant 21 : i32
      %dma_start3A_836 = arith.constant 0 : i32
      %dma_start3A_837 = tpu.memref_slice %arg7[%dma_start3A_835, %dma_start3A_836] : memref<32x32xi32, #tpu.memory_space<vmem>> -> memref<1x32xi32, #tpu.memory_space<vmem>>
      %dma_start3A_838 = tpu.memref_squeeze %dma_start3A_837 : memref<1x32xi32, #tpu.memory_space<vmem>> -> memref<32xi32, #tpu.memory_space<vmem>>
      %dma_start3A_839 = arith.constant 0 : i32
      %dma_start3A_840 = arith.constant 0 : i32
      %dma_start3A_841 = tpu.memref_slice %arg17[%dma_start3A_839, %dma_start3A_840] : memref<10240x128xf32, #tpu.memory_space<vmem_shared>> -> memref<10240x128xf32, #tpu.memory_space<vmem_shared>>
      tpu.enqueue_indirect_dma source(%arg14 : memref<32x128xf32, #tpu.memory_space<vmem>>) target(%dma_start3A_841 : memref<10240x128xf32, #tpu.memory_space<vmem_shared>>) offsets(%dma_start3A_838 : memref<32xi32, #tpu.memory_space<vmem>>) semaphore(%arg33 : memref<!tpu.dma_semaphore, #tpu.memory_space<semaphore_mem>>) {add = true}
      %dma_wait3A_842 = arith.constant 21 : i32
      %dma_wait3A_843 = arith.constant 0 : i32
      %dma_wait3A_844 = tpu.memref_slice %arg7[%dma_wait3A_842, %dma_wait3A_843] : memref<32x32xi32, #tpu.memory_space<vmem>> -> memref<1x32xi32, #tpu.memory_space<vmem>>
      %dma_wait3A_845 = tpu.memref_squeeze %dma_wait3A_844 : memref<1x32xi32, #tpu.memory_space<vmem>> -> memref<32xi32, #tpu.memory_space<vmem>>
      %dma_wait3A_846 = arith.constant 0 : i32
      %dma_wait3A_847 = arith.constant 0 : i32
      %dma_wait3A_848 = tpu.memref_slice %arg17[%dma_wait3A_846, %dma_wait3A_847] : memref<10240x128xf32, #tpu.memory_space<vmem_shared>> -> memref<10240x128xf32, #tpu.memory_space<vmem_shared>>
      tpu.wait_indirect_dma semaphore(%arg33 : memref<!tpu.dma_semaphore, #tpu.memory_space<semaphore_mem>>) src(%arg14 : memref<32x128xf32, #tpu.memory_space<vmem>>) dst(%dma_wait3A_848 : memref<10240x128xf32, #tpu.memory_space<vmem_shared>>)
      %dma_start3A_849 = arith.constant 29 : i32
      %dma_start3A_850 = arith.constant 0 : i32
      %dma_start3A_851 = tpu.memref_slice %arg5[%dma_start3A_849, %dma_start3A_850] : memref<32x32xi32, #tpu.memory_space<vmem>> -> memref<1x32xi32, #tpu.memory_space<vmem>>
      %dma_start3A_852 = tpu.memref_squeeze %dma_start3A_851 : memref<1x32xi32, #tpu.memory_space<vmem>> -> memref<32xi32, #tpu.memory_space<vmem>>
      %dma_start3A_853 = arith.constant 0 : i32
      %dma_start3A_854 = arith.constant 0 : i32
      %dma_start3A_855 = tpu.memref_slice %arg2[%dma_start3A_853, %dma_start3A_854] : memref<10000x128xf32, #tpu.memory_space<hbm>> -> memref<10000x128xf32, #tpu.memory_space<hbm>>
      tpu.enqueue_indirect_dma source(%dma_start3A_855 : memref<10000x128xf32, #tpu.memory_space<hbm>>) target(%arg14 : memref<32x128xf32, #tpu.memory_space<vmem>>) offsets(%dma_start3A_852 : memref<32xi32, #tpu.memory_space<vmem>>) semaphore(%arg25 : memref<!tpu.dma_semaphore, #tpu.memory_space<semaphore_mem>>)
      %dma_wait3A_856 = arith.constant 22 : i32
      %dma_wait3A_857 = arith.constant 0 : i32
      %dma_wait3A_858 = tpu.memref_slice %arg5[%dma_wait3A_856, %dma_wait3A_857] : memref<32x32xi32, #tpu.memory_space<vmem>> -> memref<1x32xi32, #tpu.memory_space<vmem>>
      %dma_wait3A_859 = tpu.memref_squeeze %dma_wait3A_858 : memref<1x32xi32, #tpu.memory_space<vmem>> -> memref<32xi32, #tpu.memory_space<vmem>>
      %dma_wait3A_860 = arith.constant 0 : i32
      %dma_wait3A_861 = arith.constant 0 : i32
      %dma_wait3A_862 = tpu.memref_slice %arg2[%dma_wait3A_860, %dma_wait3A_861] : memref<10000x128xf32, #tpu.memory_space<hbm>> -> memref<10000x128xf32, #tpu.memory_space<hbm>>
      tpu.wait_indirect_dma semaphore(%arg26 : memref<!tpu.dma_semaphore, #tpu.memory_space<semaphore_mem>>) src(%dma_wait3A_862 : memref<10000x128xf32, #tpu.memory_space<hbm>>) dst(%arg15 : memref<32x128xf32, #tpu.memory_space<vmem>>)
      %dma_start3A_863 = arith.constant 22 : i32
      %dma_start3A_864 = arith.constant 0 : i32
      %dma_start3A_865 = tpu.memref_slice %arg7[%dma_start3A_863, %dma_start3A_864] : memref<32x32xi32, #tpu.memory_space<vmem>> -> memref<1x32xi32, #tpu.memory_space<vmem>>
      %dma_start3A_866 = tpu.memref_squeeze %dma_start3A_865 : memref<1x32xi32, #tpu.memory_space<vmem>> -> memref<32xi32, #tpu.memory_space<vmem>>
      %dma_start3A_867 = arith.constant 0 : i32
      %dma_start3A_868 = arith.constant 0 : i32
      %dma_start3A_869 = tpu.memref_slice %arg17[%dma_start3A_867, %dma_start3A_868] : memref<10240x128xf32, #tpu.memory_space<vmem_shared>> -> memref<10240x128xf32, #tpu.memory_space<vmem_shared>>
      tpu.enqueue_indirect_dma source(%arg15 : memref<32x128xf32, #tpu.memory_space<vmem>>) target(%dma_start3A_869 : memref<10240x128xf32, #tpu.memory_space<vmem_shared>>) offsets(%dma_start3A_866 : memref<32xi32, #tpu.memory_space<vmem>>) semaphore(%arg34 : memref<!tpu.dma_semaphore, #tpu.memory_space<semaphore_mem>>) {add = true}
      %dma_wait3A_870 = arith.constant 22 : i32
      %dma_wait3A_871 = arith.constant 0 : i32
      %dma_wait3A_872 = tpu.memref_slice %arg7[%dma_wait3A_870, %dma_wait3A_871] : memref<32x32xi32, #tpu.memory_space<vmem>> -> memref<1x32xi32, #tpu.memory_space<vmem>>
      %dma_wait3A_873 = tpu.memref_squeeze %dma_wait3A_872 : memref<1x32xi32, #tpu.memory_space<vmem>> -> memref<32xi32, #tpu.memory_space<vmem>>
      %dma_wait3A_874 = arith.constant 0 : i32
      %dma_wait3A_875 = arith.constant 0 : i32
      %dma_wait3A_876 = tpu.memref_slice %arg17[%dma_wait3A_874, %dma_wait3A_875] : memref<10240x128xf32, #tpu.memory_space<vmem_shared>> -> memref<10240x128xf32, #tpu.memory_space<vmem_shared>>
      tpu.wait_indirect_dma semaphore(%arg34 : memref<!tpu.dma_semaphore, #tpu.memory_space<semaphore_mem>>) src(%arg15 : memref<32x128xf32, #tpu.memory_space<vmem>>) dst(%dma_wait3A_876 : memref<10240x128xf32, #tpu.memory_space<vmem_shared>>)
      %dma_start3A_877 = arith.constant 30 : i32
      %dma_start3A_878 = arith.constant 0 : i32
      %dma_start3A_879 = tpu.memref_slice %arg5[%dma_start3A_877, %dma_start3A_878] : memref<32x32xi32, #tpu.memory_space<vmem>> -> memref<1x32xi32, #tpu.memory_space<vmem>>
      %dma_start3A_880 = tpu.memref_squeeze %dma_start3A_879 : memref<1x32xi32, #tpu.memory_space<vmem>> -> memref<32xi32, #tpu.memory_space<vmem>>
      %dma_start3A_881 = arith.constant 0 : i32
      %dma_start3A_882 = arith.constant 0 : i32
      %dma_start3A_883 = tpu.memref_slice %arg2[%dma_start3A_881, %dma_start3A_882] : memref<10000x128xf32, #tpu.memory_space<hbm>> -> memref<10000x128xf32, #tpu.memory_space<hbm>>
      tpu.enqueue_indirect_dma source(%dma_start3A_883 : memref<10000x128xf32, #tpu.memory_space<hbm>>) target(%arg15 : memref<32x128xf32, #tpu.memory_space<vmem>>) offsets(%dma_start3A_880 : memref<32xi32, #tpu.memory_space<vmem>>) semaphore(%arg26 : memref<!tpu.dma_semaphore, #tpu.memory_space<semaphore_mem>>)
      %dma_wait3A_884 = arith.constant 23 : i32
      %dma_wait3A_885 = arith.constant 0 : i32
      %dma_wait3A_886 = tpu.memref_slice %arg5[%dma_wait3A_884, %dma_wait3A_885] : memref<32x32xi32, #tpu.memory_space<vmem>> -> memref<1x32xi32, #tpu.memory_space<vmem>>
      %dma_wait3A_887 = tpu.memref_squeeze %dma_wait3A_886 : memref<1x32xi32, #tpu.memory_space<vmem>> -> memref<32xi32, #tpu.memory_space<vmem>>
      %dma_wait3A_888 = arith.constant 0 : i32
      %dma_wait3A_889 = arith.constant 0 : i32
      %dma_wait3A_890 = tpu.memref_slice %arg2[%dma_wait3A_888, %dma_wait3A_889] : memref<10000x128xf32, #tpu.memory_space<hbm>> -> memref<10000x128xf32, #tpu.memory_space<hbm>>
      tpu.wait_indirect_dma semaphore(%arg27 : memref<!tpu.dma_semaphore, #tpu.memory_space<semaphore_mem>>) src(%dma_wait3A_890 : memref<10000x128xf32, #tpu.memory_space<hbm>>) dst(%arg16 : memref<32x128xf32, #tpu.memory_space<vmem>>)
      %dma_start3A_891 = arith.constant 23 : i32
      %dma_start3A_892 = arith.constant 0 : i32
      %dma_start3A_893 = tpu.memref_slice %arg7[%dma_start3A_891, %dma_start3A_892] : memref<32x32xi32, #tpu.memory_space<vmem>> -> memref<1x32xi32, #tpu.memory_space<vmem>>
      %dma_start3A_894 = tpu.memref_squeeze %dma_start3A_893 : memref<1x32xi32, #tpu.memory_space<vmem>> -> memref<32xi32, #tpu.memory_space<vmem>>
      %dma_start3A_895 = arith.constant 0 : i32
      %dma_start3A_896 = arith.constant 0 : i32
      %dma_start3A_897 = tpu.memref_slice %arg17[%dma_start3A_895, %dma_start3A_896] : memref<10240x128xf32, #tpu.memory_space<vmem_shared>> -> memref<10240x128xf32, #tpu.memory_space<vmem_shared>>
      tpu.enqueue_indirect_dma source(%arg16 : memref<32x128xf32, #tpu.memory_space<vmem>>) target(%dma_start3A_897 : memref<10240x128xf32, #tpu.memory_space<vmem_shared>>) offsets(%dma_start3A_894 : memref<32xi32, #tpu.memory_space<vmem>>) semaphore(%arg35 : memref<!tpu.dma_semaphore, #tpu.memory_space<semaphore_mem>>) {add = true}
      %dma_wait3A_898 = arith.constant 23 : i32
      %dma_wait3A_899 = arith.constant 0 : i32
      %dma_wait3A_900 = tpu.memref_slice %arg7[%dma_wait3A_898, %dma_wait3A_899] : memref<32x32xi32, #tpu.memory_space<vmem>> -> memref<1x32xi32, #tpu.memory_space<vmem>>
      %dma_wait3A_901 = tpu.memref_squeeze %dma_wait3A_900 : memref<1x32xi32, #tpu.memory_space<vmem>> -> memref<32xi32, #tpu.memory_space<vmem>>
      %dma_wait3A_902 = arith.constant 0 : i32
      %dma_wait3A_903 = arith.constant 0 : i32
      %dma_wait3A_904 = tpu.memref_slice %arg17[%dma_wait3A_902, %dma_wait3A_903] : memref<10240x128xf32, #tpu.memory_space<vmem_shared>> -> memref<10240x128xf32, #tpu.memory_space<vmem_shared>>
      tpu.wait_indirect_dma semaphore(%arg35 : memref<!tpu.dma_semaphore, #tpu.memory_space<semaphore_mem>>) src(%arg16 : memref<32x128xf32, #tpu.memory_space<vmem>>) dst(%dma_wait3A_904 : memref<10240x128xf32, #tpu.memory_space<vmem_shared>>)
      %dma_start3A_905 = arith.constant 31 : i32
      %dma_start3A_906 = arith.constant 0 : i32
      %dma_start3A_907 = tpu.memref_slice %arg5[%dma_start3A_905, %dma_start3A_906] : memref<32x32xi32, #tpu.memory_space<vmem>> -> memref<1x32xi32, #tpu.memory_space<vmem>>
      %dma_start3A_908 = tpu.memref_squeeze %dma_start3A_907 : memref<1x32xi32, #tpu.memory_space<vmem>> -> memref<32xi32, #tpu.memory_space<vmem>>
      %dma_start3A_909 = arith.constant 0 : i32
      %dma_start3A_910 = arith.constant 0 : i32
      %dma_start3A_911 = tpu.memref_slice %arg2[%dma_start3A_909, %dma_start3A_910] : memref<10000x128xf32, #tpu.memory_space<hbm>> -> memref<10000x128xf32, #tpu.memory_space<hbm>>
      tpu.enqueue_indirect_dma source(%dma_start3A_911 : memref<10000x128xf32, #tpu.memory_space<hbm>>) target(%arg16 : memref<32x128xf32, #tpu.memory_space<vmem>>) offsets(%dma_start3A_908 : memref<32xi32, #tpu.memory_space<vmem>>) semaphore(%arg27 : memref<!tpu.dma_semaphore, #tpu.memory_space<semaphore_mem>>)
      %dma_wait3A_912 = arith.constant 24 : i32
      %dma_wait3A_913 = arith.constant 0 : i32
      %dma_wait3A_914 = tpu.memref_slice %arg5[%dma_wait3A_912, %dma_wait3A_913] : memref<32x32xi32, #tpu.memory_space<vmem>> -> memref<1x32xi32, #tpu.memory_space<vmem>>
      %dma_wait3A_915 = tpu.memref_squeeze %dma_wait3A_914 : memref<1x32xi32, #tpu.memory_space<vmem>> -> memref<32xi32, #tpu.memory_space<vmem>>
      %dma_wait3A_916 = arith.constant 0 : i32
      %dma_wait3A_917 = arith.constant 0 : i32
      %dma_wait3A_918 = tpu.memref_slice %arg2[%dma_wait3A_916, %dma_wait3A_917] : memref<10000x128xf32, #tpu.memory_space<hbm>> -> memref<10000x128xf32, #tpu.memory_space<hbm>>
      tpu.wait_indirect_dma semaphore(%arg20 : memref<!tpu.dma_semaphore, #tpu.memory_space<semaphore_mem>>) src(%dma_wait3A_918 : memref<10000x128xf32, #tpu.memory_space<hbm>>) dst(%arg9 : memref<32x128xf32, #tpu.memory_space<vmem>>)
      %dma_start3A_919 = arith.constant 24 : i32
      %dma_start3A_920 = arith.constant 0 : i32
      %dma_start3A_921 = tpu.memref_slice %arg7[%dma_start3A_919, %dma_start3A_920] : memref<32x32xi32, #tpu.memory_space<vmem>> -> memref<1x32xi32, #tpu.memory_space<vmem>>
      %dma_start3A_922 = tpu.memref_squeeze %dma_start3A_921 : memref<1x32xi32, #tpu.memory_space<vmem>> -> memref<32xi32, #tpu.memory_space<vmem>>
      %dma_start3A_923 = arith.constant 0 : i32
      %dma_start3A_924 = arith.constant 0 : i32
      %dma_start3A_925 = tpu.memref_slice %arg17[%dma_start3A_923, %dma_start3A_924] : memref<10240x128xf32, #tpu.memory_space<vmem_shared>> -> memref<10240x128xf32, #tpu.memory_space<vmem_shared>>
      tpu.enqueue_indirect_dma source(%arg9 : memref<32x128xf32, #tpu.memory_space<vmem>>) target(%dma_start3A_925 : memref<10240x128xf32, #tpu.memory_space<vmem_shared>>) offsets(%dma_start3A_922 : memref<32xi32, #tpu.memory_space<vmem>>) semaphore(%arg28 : memref<!tpu.dma_semaphore, #tpu.memory_space<semaphore_mem>>) {add = true}
      %dma_wait3A_926 = arith.constant 25 : i32
      %dma_wait3A_927 = arith.constant 0 : i32
      %dma_wait3A_928 = tpu.memref_slice %arg5[%dma_wait3A_926, %dma_wait3A_927] : memref<32x32xi32, #tpu.memory_space<vmem>> -> memref<1x32xi32, #tpu.memory_space<vmem>>
      %dma_wait3A_929 = tpu.memref_squeeze %dma_wait3A_928 : memref<1x32xi32, #tpu.memory_space<vmem>> -> memref<32xi32, #tpu.memory_space<vmem>>
      %dma_wait3A_930 = arith.constant 0 : i32
      %dma_wait3A_931 = arith.constant 0 : i32
      %dma_wait3A_932 = tpu.memref_slice %arg2[%dma_wait3A_930, %dma_wait3A_931] : memref<10000x128xf32, #tpu.memory_space<hbm>> -> memref<10000x128xf32, #tpu.memory_space<hbm>>
      tpu.wait_indirect_dma semaphore(%arg21 : memref<!tpu.dma_semaphore, #tpu.memory_space<semaphore_mem>>) src(%dma_wait3A_932 : memref<10000x128xf32, #tpu.memory_space<hbm>>) dst(%arg10 : memref<32x128xf32, #tpu.memory_space<vmem>>)
      %dma_start3A_933 = arith.constant 25 : i32
      %dma_start3A_934 = arith.constant 0 : i32
      %dma_start3A_935 = tpu.memref_slice %arg7[%dma_start3A_933, %dma_start3A_934] : memref<32x32xi32, #tpu.memory_space<vmem>> -> memref<1x32xi32, #tpu.memory_space<vmem>>
      %dma_start3A_936 = tpu.memref_squeeze %dma_start3A_935 : memref<1x32xi32, #tpu.memory_space<vmem>> -> memref<32xi32, #tpu.memory_space<vmem>>
      %dma_start3A_937 = arith.constant 0 : i32
      %dma_start3A_938 = arith.constant 0 : i32
      %dma_start3A_939 = tpu.memref_slice %arg17[%dma_start3A_937, %dma_start3A_938] : memref<10240x128xf32, #tpu.memory_space<vmem_shared>> -> memref<10240x128xf32, #tpu.memory_space<vmem_shared>>
      tpu.enqueue_indirect_dma source(%arg10 : memref<32x128xf32, #tpu.memory_space<vmem>>) target(%dma_start3A_939 : memref<10240x128xf32, #tpu.memory_space<vmem_shared>>) offsets(%dma_start3A_936 : memref<32xi32, #tpu.memory_space<vmem>>) semaphore(%arg29 : memref<!tpu.dma_semaphore, #tpu.memory_space<semaphore_mem>>) {add = true}
      %dma_wait3A_940 = arith.constant 26 : i32
      %dma_wait3A_941 = arith.constant 0 : i32
      %dma_wait3A_942 = tpu.memref_slice %arg5[%dma_wait3A_940, %dma_wait3A_941] : memref<32x32xi32, #tpu.memory_space<vmem>> -> memref<1x32xi32, #tpu.memory_space<vmem>>
      %dma_wait3A_943 = tpu.memref_squeeze %dma_wait3A_942 : memref<1x32xi32, #tpu.memory_space<vmem>> -> memref<32xi32, #tpu.memory_space<vmem>>
      %dma_wait3A_944 = arith.constant 0 : i32
      %dma_wait3A_945 = arith.constant 0 : i32
      %dma_wait3A_946 = tpu.memref_slice %arg2[%dma_wait3A_944, %dma_wait3A_945] : memref<10000x128xf32, #tpu.memory_space<hbm>> -> memref<10000x128xf32, #tpu.memory_space<hbm>>
      tpu.wait_indirect_dma semaphore(%arg22 : memref<!tpu.dma_semaphore, #tpu.memory_space<semaphore_mem>>) src(%dma_wait3A_946 : memref<10000x128xf32, #tpu.memory_space<hbm>>) dst(%arg11 : memref<32x128xf32, #tpu.memory_space<vmem>>)
      %dma_start3A_947 = arith.constant 26 : i32
      %dma_start3A_948 = arith.constant 0 : i32
      %dma_start3A_949 = tpu.memref_slice %arg7[%dma_start3A_947, %dma_start3A_948] : memref<32x32xi32, #tpu.memory_space<vmem>> -> memref<1x32xi32, #tpu.memory_space<vmem>>
      %dma_start3A_950 = tpu.memref_squeeze %dma_start3A_949 : memref<1x32xi32, #tpu.memory_space<vmem>> -> memref<32xi32, #tpu.memory_space<vmem>>
      %dma_start3A_951 = arith.constant 0 : i32
      %dma_start3A_952 = arith.constant 0 : i32
      %dma_start3A_953 = tpu.memref_slice %arg17[%dma_start3A_951, %dma_start3A_952] : memref<10240x128xf32, #tpu.memory_space<vmem_shared>> -> memref<10240x128xf32, #tpu.memory_space<vmem_shared>>
      tpu.enqueue_indirect_dma source(%arg11 : memref<32x128xf32, #tpu.memory_space<vmem>>) target(%dma_start3A_953 : memref<10240x128xf32, #tpu.memory_space<vmem_shared>>) offsets(%dma_start3A_950 : memref<32xi32, #tpu.memory_space<vmem>>) semaphore(%arg30 : memref<!tpu.dma_semaphore, #tpu.memory_space<semaphore_mem>>) {add = true}
      %dma_wait3A_954 = arith.constant 27 : i32
      %dma_wait3A_955 = arith.constant 0 : i32
      %dma_wait3A_956 = tpu.memref_slice %arg5[%dma_wait3A_954, %dma_wait3A_955] : memref<32x32xi32, #tpu.memory_space<vmem>> -> memref<1x32xi32, #tpu.memory_space<vmem>>
      %dma_wait3A_957 = tpu.memref_squeeze %dma_wait3A_956 : memref<1x32xi32, #tpu.memory_space<vmem>> -> memref<32xi32, #tpu.memory_space<vmem>>
      %dma_wait3A_958 = arith.constant 0 : i32
      %dma_wait3A_959 = arith.constant 0 : i32
      %dma_wait3A_960 = tpu.memref_slice %arg2[%dma_wait3A_958, %dma_wait3A_959] : memref<10000x128xf32, #tpu.memory_space<hbm>> -> memref<10000x128xf32, #tpu.memory_space<hbm>>
      tpu.wait_indirect_dma semaphore(%arg23 : memref<!tpu.dma_semaphore, #tpu.memory_space<semaphore_mem>>) src(%dma_wait3A_960 : memref<10000x128xf32, #tpu.memory_space<hbm>>) dst(%arg12 : memref<32x128xf32, #tpu.memory_space<vmem>>)
      %dma_start3A_961 = arith.constant 27 : i32
      %dma_start3A_962 = arith.constant 0 : i32
      %dma_start3A_963 = tpu.memref_slice %arg7[%dma_start3A_961, %dma_start3A_962] : memref<32x32xi32, #tpu.memory_space<vmem>> -> memref<1x32xi32, #tpu.memory_space<vmem>>
      %dma_start3A_964 = tpu.memref_squeeze %dma_start3A_963 : memref<1x32xi32, #tpu.memory_space<vmem>> -> memref<32xi32, #tpu.memory_space<vmem>>
      %dma_start3A_965 = arith.constant 0 : i32
      %dma_start3A_966 = arith.constant 0 : i32
      %dma_start3A_967 = tpu.memref_slice %arg17[%dma_start3A_965, %dma_start3A_966] : memref<10240x128xf32, #tpu.memory_space<vmem_shared>> -> memref<10240x128xf32, #tpu.memory_space<vmem_shared>>
      tpu.enqueue_indirect_dma source(%arg12 : memref<32x128xf32, #tpu.memory_space<vmem>>) target(%dma_start3A_967 : memref<10240x128xf32, #tpu.memory_space<vmem_shared>>) offsets(%dma_start3A_964 : memref<32xi32, #tpu.memory_space<vmem>>) semaphore(%arg31 : memref<!tpu.dma_semaphore, #tpu.memory_space<semaphore_mem>>) {add = true}
      %dma_wait3A_968 = arith.constant 28 : i32
      %dma_wait3A_969 = arith.constant 0 : i32
      %dma_wait3A_970 = tpu.memref_slice %arg5[%dma_wait3A_968, %dma_wait3A_969] : memref<32x32xi32, #tpu.memory_space<vmem>> -> memref<1x32xi32, #tpu.memory_space<vmem>>
      %dma_wait3A_971 = tpu.memref_squeeze %dma_wait3A_970 : memref<1x32xi32, #tpu.memory_space<vmem>> -> memref<32xi32, #tpu.memory_space<vmem>>
      %dma_wait3A_972 = arith.constant 0 : i32
      %dma_wait3A_973 = arith.constant 0 : i32
      %dma_wait3A_974 = tpu.memref_slice %arg2[%dma_wait3A_972, %dma_wait3A_973] : memref<10000x128xf32, #tpu.memory_space<hbm>> -> memref<10000x128xf32, #tpu.memory_space<hbm>>
      tpu.wait_indirect_dma semaphore(%arg24 : memref<!tpu.dma_semaphore, #tpu.memory_space<semaphore_mem>>) src(%dma_wait3A_974 : memref<10000x128xf32, #tpu.memory_space<hbm>>) dst(%arg13 : memref<32x128xf32, #tpu.memory_space<vmem>>)
      %dma_start3A_975 = arith.constant 28 : i32
      %dma_start3A_976 = arith.constant 0 : i32
      %dma_start3A_977 = tpu.memref_slice %arg7[%dma_start3A_975, %dma_start3A_976] : memref<32x32xi32, #tpu.memory_space<vmem>> -> memref<1x32xi32, #tpu.memory_space<vmem>>
      %dma_start3A_978 = tpu.memref_squeeze %dma_start3A_977 : memref<1x32xi32, #tpu.memory_space<vmem>> -> memref<32xi32, #tpu.memory_space<vmem>>
      %dma_start3A_979 = arith.constant 0 : i32
      %dma_start3A_980 = arith.constant 0 : i32
      %dma_start3A_981 = tpu.memref_slice %arg17[%dma_start3A_979, %dma_start3A_980] : memref<10240x128xf32, #tpu.memory_space<vmem_shared>> -> memref<10240x128xf32, #tpu.memory_space<vmem_shared>>
      tpu.enqueue_indirect_dma source(%arg13 : memref<32x128xf32, #tpu.memory_space<vmem>>) target(%dma_start3A_981 : memref<10240x128xf32, #tpu.memory_space<vmem_shared>>) offsets(%dma_start3A_978 : memref<32xi32, #tpu.memory_space<vmem>>) semaphore(%arg32 : memref<!tpu.dma_semaphore, #tpu.memory_space<semaphore_mem>>) {add = true}
      %dma_wait3A_982 = arith.constant 29 : i32
      %dma_wait3A_983 = arith.constant 0 : i32
      %dma_wait3A_984 = tpu.memref_slice %arg5[%dma_wait3A_982, %dma_wait3A_983] : memref<32x32xi32, #tpu.memory_space<vmem>> -> memref<1x32xi32, #tpu.memory_space<vmem>>
      %dma_wait3A_985 = tpu.memref_squeeze %dma_wait3A_984 : memref<1x32xi32, #tpu.memory_space<vmem>> -> memref<32xi32, #tpu.memory_space<vmem>>
      %dma_wait3A_986 = arith.constant 0 : i32
      %dma_wait3A_987 = arith.constant 0 : i32
      %dma_wait3A_988 = tpu.memref_slice %arg2[%dma_wait3A_986, %dma_wait3A_987] : memref<10000x128xf32, #tpu.memory_space<hbm>> -> memref<10000x128xf32, #tpu.memory_space<hbm>>
      tpu.wait_indirect_dma semaphore(%arg25 : memref<!tpu.dma_semaphore, #tpu.memory_space<semaphore_mem>>) src(%dma_wait3A_988 : memref<10000x128xf32, #tpu.memory_space<hbm>>) dst(%arg14 : memref<32x128xf32, #tpu.memory_space<vmem>>)
      %dma_start3A_989 = arith.constant 29 : i32
      %dma_start3A_990 = arith.constant 0 : i32
      %dma_start3A_991 = tpu.memref_slice %arg7[%dma_start3A_989, %dma_start3A_990] : memref<32x32xi32, #tpu.memory_space<vmem>> -> memref<1x32xi32, #tpu.memory_space<vmem>>
      %dma_start3A_992 = tpu.memref_squeeze %dma_start3A_991 : memref<1x32xi32, #tpu.memory_space<vmem>> -> memref<32xi32, #tpu.memory_space<vmem>>
      %dma_start3A_993 = arith.constant 0 : i32
      %dma_start3A_994 = arith.constant 0 : i32
      %dma_start3A_995 = tpu.memref_slice %arg17[%dma_start3A_993, %dma_start3A_994] : memref<10240x128xf32, #tpu.memory_space<vmem_shared>> -> memref<10240x128xf32, #tpu.memory_space<vmem_shared>>
      tpu.enqueue_indirect_dma source(%arg14 : memref<32x128xf32, #tpu.memory_space<vmem>>) target(%dma_start3A_995 : memref<10240x128xf32, #tpu.memory_space<vmem_shared>>) offsets(%dma_start3A_992 : memref<32xi32, #tpu.memory_space<vmem>>) semaphore(%arg33 : memref<!tpu.dma_semaphore, #tpu.memory_space<semaphore_mem>>) {add = true}
      %dma_wait3A_996 = arith.constant 30 : i32
      %dma_wait3A_997 = arith.constant 0 : i32
      %dma_wait3A_998 = tpu.memref_slice %arg5[%dma_wait3A_996, %dma_wait3A_997] : memref<32x32xi32, #tpu.memory_space<vmem>> -> memref<1x32xi32, #tpu.memory_space<vmem>>
      %dma_wait3A_999 = tpu.memref_squeeze %dma_wait3A_998 : memref<1x32xi32, #tpu.memory_space<vmem>> -> memref<32xi32, #tpu.memory_space<vmem>>
      %dma_wait3A_1000 = arith.constant 0 : i32
      %dma_wait3A_1001 = arith.constant 0 : i32
      %dma_wait3A_1002 = tpu.memref_slice %arg2[%dma_wait3A_1000, %dma_wait3A_1001] : memref<10000x128xf32, #tpu.memory_space<hbm>> -> memref<10000x128xf32, #tpu.memory_space<hbm>>
      tpu.wait_indirect_dma semaphore(%arg26 : memref<!tpu.dma_semaphore, #tpu.memory_space<semaphore_mem>>) src(%dma_wait3A_1002 : memref<10000x128xf32, #tpu.memory_space<hbm>>) dst(%arg15 : memref<32x128xf32, #tpu.memory_space<vmem>>)
      %dma_start3A_1003 = arith.constant 30 : i32
      %dma_start3A_1004 = arith.constant 0 : i32
      %dma_start3A_1005 = tpu.memref_slice %arg7[%dma_start3A_1003, %dma_start3A_1004] : memref<32x32xi32, #tpu.memory_space<vmem>> -> memref<1x32xi32, #tpu.memory_space<vmem>>
      %dma_start3A_1006 = tpu.memref_squeeze %dma_start3A_1005 : memref<1x32xi32, #tpu.memory_space<vmem>> -> memref<32xi32, #tpu.memory_space<vmem>>
      %dma_start3A_1007 = arith.constant 0 : i32
      %dma_start3A_1008 = arith.constant 0 : i32
      %dma_start3A_1009 = tpu.memref_slice %arg17[%dma_start3A_1007, %dma_start3A_1008] : memref<10240x128xf32, #tpu.memory_space<vmem_shared>> -> memref<10240x128xf32, #tpu.memory_space<vmem_shared>>
      tpu.enqueue_indirect_dma source(%arg15 : memref<32x128xf32, #tpu.memory_space<vmem>>) target(%dma_start3A_1009 : memref<10240x128xf32, #tpu.memory_space<vmem_shared>>) offsets(%dma_start3A_1006 : memref<32xi32, #tpu.memory_space<vmem>>) semaphore(%arg34 : memref<!tpu.dma_semaphore, #tpu.memory_space<semaphore_mem>>) {add = true}
      %dma_wait3A_1010 = arith.constant 31 : i32
      %dma_wait3A_1011 = arith.constant 0 : i32
      %dma_wait3A_1012 = tpu.memref_slice %arg5[%dma_wait3A_1010, %dma_wait3A_1011] : memref<32x32xi32, #tpu.memory_space<vmem>> -> memref<1x32xi32, #tpu.memory_space<vmem>>
      %dma_wait3A_1013 = tpu.memref_squeeze %dma_wait3A_1012 : memref<1x32xi32, #tpu.memory_space<vmem>> -> memref<32xi32, #tpu.memory_space<vmem>>
      %dma_wait3A_1014 = arith.constant 0 : i32
      %dma_wait3A_1015 = arith.constant 0 : i32
      %dma_wait3A_1016 = tpu.memref_slice %arg2[%dma_wait3A_1014, %dma_wait3A_1015] : memref<10000x128xf32, #tpu.memory_space<hbm>> -> memref<10000x128xf32, #tpu.memory_space<hbm>>
      tpu.wait_indirect_dma semaphore(%arg27 : memref<!tpu.dma_semaphore, #tpu.memory_space<semaphore_mem>>) src(%dma_wait3A_1016 : memref<10000x128xf32, #tpu.memory_space<hbm>>) dst(%arg16 : memref<32x128xf32, #tpu.memory_space<vmem>>)
      %dma_start3A_1017 = arith.constant 31 : i32
      %dma_start3A_1018 = arith.constant 0 : i32
      %dma_start3A_1019 = tpu.memref_slice %arg7[%dma_start3A_1017, %dma_start3A_1018] : memref<32x32xi32, #tpu.memory_space<vmem>> -> memref<1x32xi32, #tpu.memory_space<vmem>>
      %dma_start3A_1020 = tpu.memref_squeeze %dma_start3A_1019 : memref<1x32xi32, #tpu.memory_space<vmem>> -> memref<32xi32, #tpu.memory_space<vmem>>
      %dma_start3A_1021 = arith.constant 0 : i32
      %dma_start3A_1022 = arith.constant 0 : i32
      %dma_start3A_1023 = tpu.memref_slice %arg17[%dma_start3A_1021, %dma_start3A_1022] : memref<10240x128xf32, #tpu.memory_space<vmem_shared>> -> memref<10240x128xf32, #tpu.memory_space<vmem_shared>>
      tpu.enqueue_indirect_dma source(%arg16 : memref<32x128xf32, #tpu.memory_space<vmem>>) target(%dma_start3A_1023 : memref<10240x128xf32, #tpu.memory_space<vmem_shared>>) offsets(%dma_start3A_1020 : memref<32xi32, #tpu.memory_space<vmem>>) semaphore(%arg35 : memref<!tpu.dma_semaphore, #tpu.memory_space<semaphore_mem>>) {add = true}
      %dma_wait3A_1024 = arith.constant 24 : i32
      %dma_wait3A_1025 = arith.constant 0 : i32
      %dma_wait3A_1026 = tpu.memref_slice %arg7[%dma_wait3A_1024, %dma_wait3A_1025] : memref<32x32xi32, #tpu.memory_space<vmem>> -> memref<1x32xi32, #tpu.memory_space<vmem>>
      %dma_wait3A_1027 = tpu.memref_squeeze %dma_wait3A_1026 : memref<1x32xi32, #tpu.memory_space<vmem>> -> memref<32xi32, #tpu.memory_space<vmem>>
      %dma_wait3A_1028 = arith.constant 0 : i32
      %dma_wait3A_1029 = arith.constant 0 : i32
      %dma_wait3A_1030 = tpu.memref_slice %arg17[%dma_wait3A_1028, %dma_wait3A_1029] : memref<10240x128xf32, #tpu.memory_space<vmem_shared>> -> memref<10240x128xf32, #tpu.memory_space<vmem_shared>>
      tpu.wait_indirect_dma semaphore(%arg28 : memref<!tpu.dma_semaphore, #tpu.memory_space<semaphore_mem>>) src(%arg9 : memref<32x128xf32, #tpu.memory_space<vmem>>) dst(%dma_wait3A_1030 : memref<10240x128xf32, #tpu.memory_space<vmem_shared>>)
      %dma_wait3A_1031 = arith.constant 25 : i32
      %dma_wait3A_1032 = arith.constant 0 : i32
      %dma_wait3A_1033 = tpu.memref_slice %arg7[%dma_wait3A_1031, %dma_wait3A_1032] : memref<32x32xi32, #tpu.memory_space<vmem>> -> memref<1x32xi32, #tpu.memory_space<vmem>>
      %dma_wait3A_1034 = tpu.memref_squeeze %dma_wait3A_1033 : memref<1x32xi32, #tpu.memory_space<vmem>> -> memref<32xi32, #tpu.memory_space<vmem>>
      %dma_wait3A_1035 = arith.constant 0 : i32
      %dma_wait3A_1036 = arith.constant 0 : i32
      %dma_wait3A_1037 = tpu.memref_slice %arg17[%dma_wait3A_1035, %dma_wait3A_1036] : memref<10240x128xf32, #tpu.memory_space<vmem_shared>> -> memref<10240x128xf32, #tpu.memory_space<vmem_shared>>
      tpu.wait_indirect_dma semaphore(%arg29 : memref<!tpu.dma_semaphore, #tpu.memory_space<semaphore_mem>>) src(%arg10 : memref<32x128xf32, #tpu.memory_space<vmem>>) dst(%dma_wait3A_1037 : memref<10240x128xf32, #tpu.memory_space<vmem_shared>>)
      %dma_wait3A_1038 = arith.constant 26 : i32
      %dma_wait3A_1039 = arith.constant 0 : i32
      %dma_wait3A_1040 = tpu.memref_slice %arg7[%dma_wait3A_1038, %dma_wait3A_1039] : memref<32x32xi32, #tpu.memory_space<vmem>> -> memref<1x32xi32, #tpu.memory_space<vmem>>
      %dma_wait3A_1041 = tpu.memref_squeeze %dma_wait3A_1040 : memref<1x32xi32, #tpu.memory_space<vmem>> -> memref<32xi32, #tpu.memory_space<vmem>>
      %dma_wait3A_1042 = arith.constant 0 : i32
      %dma_wait3A_1043 = arith.constant 0 : i32
      %dma_wait3A_1044 = tpu.memref_slice %arg17[%dma_wait3A_1042, %dma_wait3A_1043] : memref<10240x128xf32, #tpu.memory_space<vmem_shared>> -> memref<10240x128xf32, #tpu.memory_space<vmem_shared>>
      tpu.wait_indirect_dma semaphore(%arg30 : memref<!tpu.dma_semaphore, #tpu.memory_space<semaphore_mem>>) src(%arg11 : memref<32x128xf32, #tpu.memory_space<vmem>>) dst(%dma_wait3A_1044 : memref<10240x128xf32, #tpu.memory_space<vmem_shared>>)
      %dma_wait3A_1045 = arith.constant 27 : i32
      %dma_wait3A_1046 = arith.constant 0 : i32
      %dma_wait3A_1047 = tpu.memref_slice %arg7[%dma_wait3A_1045, %dma_wait3A_1046] : memref<32x32xi32, #tpu.memory_space<vmem>> -> memref<1x32xi32, #tpu.memory_space<vmem>>
      %dma_wait3A_1048 = tpu.memref_squeeze %dma_wait3A_1047 : memref<1x32xi32, #tpu.memory_space<vmem>> -> memref<32xi32, #tpu.memory_space<vmem>>
      %dma_wait3A_1049 = arith.constant 0 : i32
      %dma_wait3A_1050 = arith.constant 0 : i32
      %dma_wait3A_1051 = tpu.memref_slice %arg17[%dma_wait3A_1049, %dma_wait3A_1050] : memref<10240x128xf32, #tpu.memory_space<vmem_shared>> -> memref<10240x128xf32, #tpu.memory_space<vmem_shared>>
      tpu.wait_indirect_dma semaphore(%arg31 : memref<!tpu.dma_semaphore, #tpu.memory_space<semaphore_mem>>) src(%arg12 : memref<32x128xf32, #tpu.memory_space<vmem>>) dst(%dma_wait3A_1051 : memref<10240x128xf32, #tpu.memory_space<vmem_shared>>)
      %dma_wait3A_1052 = arith.constant 28 : i32
      %dma_wait3A_1053 = arith.constant 0 : i32
      %dma_wait3A_1054 = tpu.memref_slice %arg7[%dma_wait3A_1052, %dma_wait3A_1053] : memref<32x32xi32, #tpu.memory_space<vmem>> -> memref<1x32xi32, #tpu.memory_space<vmem>>
      %dma_wait3A_1055 = tpu.memref_squeeze %dma_wait3A_1054 : memref<1x32xi32, #tpu.memory_space<vmem>> -> memref<32xi32, #tpu.memory_space<vmem>>
      %dma_wait3A_1056 = arith.constant 0 : i32
      %dma_wait3A_1057 = arith.constant 0 : i32
      %dma_wait3A_1058 = tpu.memref_slice %arg17[%dma_wait3A_1056, %dma_wait3A_1057] : memref<10240x128xf32, #tpu.memory_space<vmem_shared>> -> memref<10240x128xf32, #tpu.memory_space<vmem_shared>>
      tpu.wait_indirect_dma semaphore(%arg32 : memref<!tpu.dma_semaphore, #tpu.memory_space<semaphore_mem>>) src(%arg13 : memref<32x128xf32, #tpu.memory_space<vmem>>) dst(%dma_wait3A_1058 : memref<10240x128xf32, #tpu.memory_space<vmem_shared>>)
      %dma_wait3A_1059 = arith.constant 29 : i32
      %dma_wait3A_1060 = arith.constant 0 : i32
      %dma_wait3A_1061 = tpu.memref_slice %arg7[%dma_wait3A_1059, %dma_wait3A_1060] : memref<32x32xi32, #tpu.memory_space<vmem>> -> memref<1x32xi32, #tpu.memory_space<vmem>>
      %dma_wait3A_1062 = tpu.memref_squeeze %dma_wait3A_1061 : memref<1x32xi32, #tpu.memory_space<vmem>> -> memref<32xi32, #tpu.memory_space<vmem>>
      %dma_wait3A_1063 = arith.constant 0 : i32
      %dma_wait3A_1064 = arith.constant 0 : i32
      %dma_wait3A_1065 = tpu.memref_slice %arg17[%dma_wait3A_1063, %dma_wait3A_1064] : memref<10240x128xf32, #tpu.memory_space<vmem_shared>> -> memref<10240x128xf32, #tpu.memory_space<vmem_shared>>
      tpu.wait_indirect_dma semaphore(%arg33 : memref<!tpu.dma_semaphore, #tpu.memory_space<semaphore_mem>>) src(%arg14 : memref<32x128xf32, #tpu.memory_space<vmem>>) dst(%dma_wait3A_1065 : memref<10240x128xf32, #tpu.memory_space<vmem_shared>>)
      %dma_wait3A_1066 = arith.constant 30 : i32
      %dma_wait3A_1067 = arith.constant 0 : i32
      %dma_wait3A_1068 = tpu.memref_slice %arg7[%dma_wait3A_1066, %dma_wait3A_1067] : memref<32x32xi32, #tpu.memory_space<vmem>> -> memref<1x32xi32, #tpu.memory_space<vmem>>
      %dma_wait3A_1069 = tpu.memref_squeeze %dma_wait3A_1068 : memref<1x32xi32, #tpu.memory_space<vmem>> -> memref<32xi32, #tpu.memory_space<vmem>>
      %dma_wait3A_1070 = arith.constant 0 : i32
      %dma_wait3A_1071 = arith.constant 0 : i32
      %dma_wait3A_1072 = tpu.memref_slice %arg17[%dma_wait3A_1070, %dma_wait3A_1071] : memref<10240x128xf32, #tpu.memory_space<vmem_shared>> -> memref<10240x128xf32, #tpu.memory_space<vmem_shared>>
      tpu.wait_indirect_dma semaphore(%arg34 : memref<!tpu.dma_semaphore, #tpu.memory_space<semaphore_mem>>) src(%arg15 : memref<32x128xf32, #tpu.memory_space<vmem>>) dst(%dma_wait3A_1072 : memref<10240x128xf32, #tpu.memory_space<vmem_shared>>)
      %dma_wait3A_1073 = arith.constant 31 : i32
      %dma_wait3A_1074 = arith.constant 0 : i32
      %dma_wait3A_1075 = tpu.memref_slice %arg7[%dma_wait3A_1073, %dma_wait3A_1074] : memref<32x32xi32, #tpu.memory_space<vmem>> -> memref<1x32xi32, #tpu.memory_space<vmem>>
      %dma_wait3A_1076 = tpu.memref_squeeze %dma_wait3A_1075 : memref<1x32xi32, #tpu.memory_space<vmem>> -> memref<32xi32, #tpu.memory_space<vmem>>
      %dma_wait3A_1077 = arith.constant 0 : i32
      %dma_wait3A_1078 = arith.constant 0 : i32
      %dma_wait3A_1079 = tpu.memref_slice %arg17[%dma_wait3A_1077, %dma_wait3A_1078] : memref<10240x128xf32, #tpu.memory_space<vmem_shared>> -> memref<10240x128xf32, #tpu.memory_space<vmem_shared>>
      tpu.wait_indirect_dma semaphore(%arg35 : memref<!tpu.dma_semaphore, #tpu.memory_space<semaphore_mem>>) src(%arg16 : memref<32x128xf32, #tpu.memory_space<vmem>>) dst(%dma_wait3A_1079 : memref<10240x128xf32, #tpu.memory_space<vmem_shared>>)
      %add3A_1080 = arith.constant 2 : i32
      %add3A_1081 = arith.addi %add3A_169, %add3A_1080 : i32
      %min3A = arith.constant 9 : i32
      %min3A_1082 = arith.minsi %add3A_1081, %min3A : i32
      %mul3A_1083 = arith.constant 32 : i32
      %mul3A_1084 = arith.muli %min3A_1082, %mul3A_1083 : i32
      %add3A_1085 = arith.addi %mul3A_2, %mul3A_1084 : i32
      %dma_start3A_1086 = arith.constant 0 : i32
      %dma_start3A_1087 = arith.constant 0 : i32
      %dma_start3A_1088 = tpu.memref_slice %arg3[%dma_start3A_1086, %add3A_1085, %dma_start3A_1087] : memref<2x10240x32xi32, #tpu.memory_space<hbm>> -> memref<1x32x32xi32, #tpu.memory_space<hbm>>
      %dma_start3A_1089 = tpu.memref_squeeze %dma_start3A_1088 : memref<1x32x32xi32, #tpu.memory_space<hbm>> -> memref<32x32xi32, #tpu.memory_space<hbm>>
      %dma_start3A_1090 = arith.constant 0 : i32
      %dma_start3A_1091 = tpu.memref_slice %arg3[%dma_start3A_1086, %add3A_1085, %dma_start3A_1090] : memref<2x10240x32xi32, #tpu.memory_space<hbm>> -> memref<1x32x32xi32, #tpu.memory_space<hbm>>
      %dma_start3A_1092 = tpu.memref_squeeze %dma_start3A_1091 : memref<1x32x32xi32, #tpu.memory_space<hbm>> -> memref<32x32xi32, #tpu.memory_space<hbm>>
      tpu.enqueue_dma source(%dma_start3A_1092 : memref<32x32xi32, #tpu.memory_space<hbm>>) target(%arg5 : memref<32x32xi32, #tpu.memory_space<vmem>>) target_semaphore(%arg18 : memref<!tpu.dma_semaphore, #tpu.memory_space<semaphore_mem>>)
      %dma_start3A_1093 = arith.constant 1 : i32
      %dma_start3A_1094 = arith.constant 0 : i32
      %dma_start3A_1095 = tpu.memref_slice %arg3[%dma_start3A_1093, %add3A_1085, %dma_start3A_1094] : memref<2x10240x32xi32, #tpu.memory_space<hbm>> -> memref<1x32x32xi32, #tpu.memory_space<hbm>>
      %dma_start3A_1096 = tpu.memref_squeeze %dma_start3A_1095 : memref<1x32x32xi32, #tpu.memory_space<hbm>> -> memref<32x32xi32, #tpu.memory_space<hbm>>
      %dma_start3A_1097 = arith.constant 0 : i32
      %dma_start3A_1098 = tpu.memref_slice %arg3[%dma_start3A_1093, %add3A_1085, %dma_start3A_1097] : memref<2x10240x32xi32, #tpu.memory_space<hbm>> -> memref<1x32x32xi32, #tpu.memory_space<hbm>>
      %dma_start3A_1099 = tpu.memref_squeeze %dma_start3A_1098 : memref<1x32x32xi32, #tpu.memory_space<hbm>> -> memref<32x32xi32, #tpu.memory_space<hbm>>
      tpu.enqueue_dma source(%dma_start3A_1099 : memref<32x32xi32, #tpu.memory_space<hbm>>) target(%arg7 : memref<32x32xi32, #tpu.memory_space<vmem>>) target_semaphore(%arg18 : memref<!tpu.dma_semaphore, #tpu.memory_space<semaphore_mem>>)
      %mul3A_1100 = arith.constant 2 : i32
      %mul3A_1101 = arith.muli %mul3A_1100, %scan3A_165 : i32
      %add3A_1102 = arith.constant 1 : i32
      %add3A_1103 = arith.addi %mul3A_1101, %add3A_1102 : i32
      %dma_wait3A_1104 = arith.constant 0 : i32
      %dma_wait3A_1105 = arith.constant 0 : i32
      %dma_wait3A_1106 = tpu.memref_slice %arg3[%dma_wait3A_1104, %mul3A_2, %dma_wait3A_1105] : memref<2x10240x32xi32, #tpu.memory_space<hbm>> -> memref<1x32x32xi32, #tpu.memory_space<hbm>>
      %dma_wait3A_1107 = tpu.memref_squeeze %dma_wait3A_1106 : memref<1x32x32xi32, #tpu.memory_space<hbm>> -> memref<32x32xi32, #tpu.memory_space<hbm>>
      %dma_wait3A_1108 = arith.constant 0 : i32
      %dma_wait3A_1109 = tpu.memref_slice %arg3[%dma_wait3A_1104, %mul3A_2, %dma_wait3A_1108] : memref<2x10240x32xi32, #tpu.memory_space<hbm>> -> memref<1x32x32xi32, #tpu.memory_space<hbm>>
      %dma_wait3A_1110 = tpu.memref_squeeze %dma_wait3A_1109 : memref<1x32x32xi32, #tpu.memory_space<hbm>> -> memref<32x32xi32, #tpu.memory_space<hbm>>
      tpu.wait_dma2 semaphore(%arg19 : memref<!tpu.dma_semaphore, #tpu.memory_space<semaphore_mem>>) src(%dma_wait3A_1110 : memref<32x32xi32, #tpu.memory_space<hbm>>) dst(%arg6 : memref<32x32xi32, #tpu.memory_space<vmem>>)
      %dma_wait3A_1111 = arith.constant 1 : i32
      %dma_wait3A_1112 = arith.constant 0 : i32
      %dma_wait3A_1113 = tpu.memref_slice %arg3[%dma_wait3A_1111, %mul3A_2, %dma_wait3A_1112] : memref<2x10240x32xi32, #tpu.memory_space<hbm>> -> memref<1x32x32xi32, #tpu.memory_space<hbm>>
      %dma_wait3A_1114 = tpu.memref_squeeze %dma_wait3A_1113 : memref<1x32x32xi32, #tpu.memory_space<hbm>> -> memref<32x32xi32, #tpu.memory_space<hbm>>
      %dma_wait3A_1115 = arith.constant 0 : i32
      %dma_wait3A_1116 = tpu.memref_slice %arg3[%dma_wait3A_1111, %mul3A_2, %dma_wait3A_1115] : memref<2x10240x32xi32, #tpu.memory_space<hbm>> -> memref<1x32x32xi32, #tpu.memory_space<hbm>>
      %dma_wait3A_1117 = tpu.memref_squeeze %dma_wait3A_1116 : memref<1x32x32xi32, #tpu.memory_space<hbm>> -> memref<32x32xi32, #tpu.memory_space<hbm>>
      tpu.wait_dma2 semaphore(%arg19 : memref<!tpu.dma_semaphore, #tpu.memory_space<semaphore_mem>>) src(%dma_wait3A_1117 : memref<32x32xi32, #tpu.memory_space<hbm>>) dst(%arg8 : memref<32x32xi32, #tpu.memory_space<vmem>>)
      %dma_start3A_1118 = arith.constant 0 : i32
      %dma_start3A_1119 = arith.constant 0 : i32
      %dma_start3A_1120 = tpu.memref_slice %arg6[%dma_start3A_1118, %dma_start3A_1119] : memref<32x32xi32, #tpu.memory_space<vmem>> -> memref<1x32xi32, #tpu.memory_space<vmem>>
      %dma_start3A_1121 = tpu.memref_squeeze %dma_start3A_1120 : memref<1x32xi32, #tpu.memory_space<vmem>> -> memref<32xi32, #tpu.memory_space<vmem>>
      %dma_start3A_1122 = arith.constant 0 : i32
      %dma_start3A_1123 = arith.constant 0 : i32
      %dma_start3A_1124 = tpu.memref_slice %arg2[%dma_start3A_1122, %dma_start3A_1123] : memref<10000x128xf32, #tpu.memory_space<hbm>> -> memref<10000x128xf32, #tpu.memory_space<hbm>>
      tpu.enqueue_indirect_dma source(%dma_start3A_1124 : memref<10000x128xf32, #tpu.memory_space<hbm>>) target(%arg9 : memref<32x128xf32, #tpu.memory_space<vmem>>) offsets(%dma_start3A_1121 : memref<32xi32, #tpu.memory_space<vmem>>) semaphore(%arg20 : memref<!tpu.dma_semaphore, #tpu.memory_space<semaphore_mem>>)
      %dma_start3A_1125 = arith.constant 1 : i32
      %dma_start3A_1126 = arith.constant 0 : i32
      %dma_start3A_1127 = tpu.memref_slice %arg6[%dma_start3A_1125, %dma_start3A_1126] : memref<32x32xi32, #tpu.memory_space<vmem>> -> memref<1x32xi32, #tpu.memory_space<vmem>>
      %dma_start3A_1128 = tpu.memref_squeeze %dma_start3A_1127 : memref<1x32xi32, #tpu.memory_space<vmem>> -> memref<32xi32, #tpu.memory_space<vmem>>
      %dma_start3A_1129 = arith.constant 0 : i32
      %dma_start3A_1130 = arith.constant 0 : i32
      %dma_start3A_1131 = tpu.memref_slice %arg2[%dma_start3A_1129, %dma_start3A_1130] : memref<10000x128xf32, #tpu.memory_space<hbm>> -> memref<10000x128xf32, #tpu.memory_space<hbm>>
      tpu.enqueue_indirect_dma source(%dma_start3A_1131 : memref<10000x128xf32, #tpu.memory_space<hbm>>) target(%arg10 : memref<32x128xf32, #tpu.memory_space<vmem>>) offsets(%dma_start3A_1128 : memref<32xi32, #tpu.memory_space<vmem>>) semaphore(%arg21 : memref<!tpu.dma_semaphore, #tpu.memory_space<semaphore_mem>>)
      %dma_start3A_1132 = arith.constant 2 : i32
      %dma_start3A_1133 = arith.constant 0 : i32
      %dma_start3A_1134 = tpu.memref_slice %arg6[%dma_start3A_1132, %dma_start3A_1133] : memref<32x32xi32, #tpu.memory_space<vmem>> -> memref<1x32xi32, #tpu.memory_space<vmem>>
      %dma_start3A_1135 = tpu.memref_squeeze %dma_start3A_1134 : memref<1x32xi32, #tpu.memory_space<vmem>> -> memref<32xi32, #tpu.memory_space<vmem>>
      %dma_start3A_1136 = arith.constant 0 : i32
      %dma_start3A_1137 = arith.constant 0 : i32
      %dma_start3A_1138 = tpu.memref_slice %arg2[%dma_start3A_1136, %dma_start3A_1137] : memref<10000x128xf32, #tpu.memory_space<hbm>> -> memref<10000x128xf32, #tpu.memory_space<hbm>>
      tpu.enqueue_indirect_dma source(%dma_start3A_1138 : memref<10000x128xf32, #tpu.memory_space<hbm>>) target(%arg11 : memref<32x128xf32, #tpu.memory_space<vmem>>) offsets(%dma_start3A_1135 : memref<32xi32, #tpu.memory_space<vmem>>) semaphore(%arg22 : memref<!tpu.dma_semaphore, #tpu.memory_space<semaphore_mem>>)
      %dma_start3A_1139 = arith.constant 3 : i32
      %dma_start3A_1140 = arith.constant 0 : i32
      %dma_start3A_1141 = tpu.memref_slice %arg6[%dma_start3A_1139, %dma_start3A_1140] : memref<32x32xi32, #tpu.memory_space<vmem>> -> memref<1x32xi32, #tpu.memory_space<vmem>>
      %dma_start3A_1142 = tpu.memref_squeeze %dma_start3A_1141 : memref<1x32xi32, #tpu.memory_space<vmem>> -> memref<32xi32, #tpu.memory_space<vmem>>
      %dma_start3A_1143 = arith.constant 0 : i32
      %dma_start3A_1144 = arith.constant 0 : i32
      %dma_start3A_1145 = tpu.memref_slice %arg2[%dma_start3A_1143, %dma_start3A_1144] : memref<10000x128xf32, #tpu.memory_space<hbm>> -> memref<10000x128xf32, #tpu.memory_space<hbm>>
      tpu.enqueue_indirect_dma source(%dma_start3A_1145 : memref<10000x128xf32, #tpu.memory_space<hbm>>) target(%arg12 : memref<32x128xf32, #tpu.memory_space<vmem>>) offsets(%dma_start3A_1142 : memref<32xi32, #tpu.memory_space<vmem>>) semaphore(%arg23 : memref<!tpu.dma_semaphore, #tpu.memory_space<semaphore_mem>>)
      %dma_start3A_1146 = arith.constant 4 : i32
      %dma_start3A_1147 = arith.constant 0 : i32
      %dma_start3A_1148 = tpu.memref_slice %arg6[%dma_start3A_1146, %dma_start3A_1147] : memref<32x32xi32, #tpu.memory_space<vmem>> -> memref<1x32xi32, #tpu.memory_space<vmem>>
      %dma_start3A_1149 = tpu.memref_squeeze %dma_start3A_1148 : memref<1x32xi32, #tpu.memory_space<vmem>> -> memref<32xi32, #tpu.memory_space<vmem>>
      %dma_start3A_1150 = arith.constant 0 : i32
      %dma_start3A_1151 = arith.constant 0 : i32
      %dma_start3A_1152 = tpu.memref_slice %arg2[%dma_start3A_1150, %dma_start3A_1151] : memref<10000x128xf32, #tpu.memory_space<hbm>> -> memref<10000x128xf32, #tpu.memory_space<hbm>>
      tpu.enqueue_indirect_dma source(%dma_start3A_1152 : memref<10000x128xf32, #tpu.memory_space<hbm>>) target(%arg13 : memref<32x128xf32, #tpu.memory_space<vmem>>) offsets(%dma_start3A_1149 : memref<32xi32, #tpu.memory_space<vmem>>) semaphore(%arg24 : memref<!tpu.dma_semaphore, #tpu.memory_space<semaphore_mem>>)
      %dma_start3A_1153 = arith.constant 5 : i32
      %dma_start3A_1154 = arith.constant 0 : i32
      %dma_start3A_1155 = tpu.memref_slice %arg6[%dma_start3A_1153, %dma_start3A_1154] : memref<32x32xi32, #tpu.memory_space<vmem>> -> memref<1x32xi32, #tpu.memory_space<vmem>>
      %dma_start3A_1156 = tpu.memref_squeeze %dma_start3A_1155 : memref<1x32xi32, #tpu.memory_space<vmem>> -> memref<32xi32, #tpu.memory_space<vmem>>
      %dma_start3A_1157 = arith.constant 0 : i32
      %dma_start3A_1158 = arith.constant 0 : i32
      %dma_start3A_1159 = tpu.memref_slice %arg2[%dma_start3A_1157, %dma_start3A_1158] : memref<10000x128xf32, #tpu.memory_space<hbm>> -> memref<10000x128xf32, #tpu.memory_space<hbm>>
      tpu.enqueue_indirect_dma source(%dma_start3A_1159 : memref<10000x128xf32, #tpu.memory_space<hbm>>) target(%arg14 : memref<32x128xf32, #tpu.memory_space<vmem>>) offsets(%dma_start3A_1156 : memref<32xi32, #tpu.memory_space<vmem>>) semaphore(%arg25 : memref<!tpu.dma_semaphore, #tpu.memory_space<semaphore_mem>>)
      %dma_start3A_1160 = arith.constant 6 : i32
      %dma_start3A_1161 = arith.constant 0 : i32
      %dma_start3A_1162 = tpu.memref_slice %arg6[%dma_start3A_1160, %dma_start3A_1161] : memref<32x32xi32, #tpu.memory_space<vmem>> -> memref<1x32xi32, #tpu.memory_space<vmem>>
      %dma_start3A_1163 = tpu.memref_squeeze %dma_start3A_1162 : memref<1x32xi32, #tpu.memory_space<vmem>> -> memref<32xi32, #tpu.memory_space<vmem>>
      %dma_start3A_1164 = arith.constant 0 : i32
      %dma_start3A_1165 = arith.constant 0 : i32
      %dma_start3A_1166 = tpu.memref_slice %arg2[%dma_start3A_1164, %dma_start3A_1165] : memref<10000x128xf32, #tpu.memory_space<hbm>> -> memref<10000x128xf32, #tpu.memory_space<hbm>>
      tpu.enqueue_indirect_dma source(%dma_start3A_1166 : memref<10000x128xf32, #tpu.memory_space<hbm>>) target(%arg15 : memref<32x128xf32, #tpu.memory_space<vmem>>) offsets(%dma_start3A_1163 : memref<32xi32, #tpu.memory_space<vmem>>) semaphore(%arg26 : memref<!tpu.dma_semaphore, #tpu.memory_space<semaphore_mem>>)
      %dma_start3A_1167 = arith.constant 7 : i32
      %dma_start3A_1168 = arith.constant 0 : i32
      %dma_start3A_1169 = tpu.memref_slice %arg6[%dma_start3A_1167, %dma_start3A_1168] : memref<32x32xi32, #tpu.memory_space<vmem>> -> memref<1x32xi32, #tpu.memory_space<vmem>>
      %dma_start3A_1170 = tpu.memref_squeeze %dma_start3A_1169 : memref<1x32xi32, #tpu.memory_space<vmem>> -> memref<32xi32, #tpu.memory_space<vmem>>
      %dma_start3A_1171 = arith.constant 0 : i32
      %dma_start3A_1172 = arith.constant 0 : i32
      %dma_start3A_1173 = tpu.memref_slice %arg2[%dma_start3A_1171, %dma_start3A_1172] : memref<10000x128xf32, #tpu.memory_space<hbm>> -> memref<10000x128xf32, #tpu.memory_space<hbm>>
      tpu.enqueue_indirect_dma source(%dma_start3A_1173 : memref<10000x128xf32, #tpu.memory_space<hbm>>) target(%arg16 : memref<32x128xf32, #tpu.memory_space<vmem>>) offsets(%dma_start3A_1170 : memref<32xi32, #tpu.memory_space<vmem>>) semaphore(%arg27 : memref<!tpu.dma_semaphore, #tpu.memory_space<semaphore_mem>>)
      %dma_wait3A_1174 = arith.constant 0 : i32
      %dma_wait3A_1175 = arith.constant 0 : i32
      %dma_wait3A_1176 = tpu.memref_slice %arg6[%dma_wait3A_1174, %dma_wait3A_1175] : memref<32x32xi32, #tpu.memory_space<vmem>> -> memref<1x32xi32, #tpu.memory_space<vmem>>
      %dma_wait3A_1177 = tpu.memref_squeeze %dma_wait3A_1176 : memref<1x32xi32, #tpu.memory_space<vmem>> -> memref<32xi32, #tpu.memory_space<vmem>>
      %dma_wait3A_1178 = arith.constant 0 : i32
      %dma_wait3A_1179 = arith.constant 0 : i32
      %dma_wait3A_1180 = tpu.memref_slice %arg2[%dma_wait3A_1178, %dma_wait3A_1179] : memref<10000x128xf32, #tpu.memory_space<hbm>> -> memref<10000x128xf32, #tpu.memory_space<hbm>>
      tpu.wait_indirect_dma semaphore(%arg20 : memref<!tpu.dma_semaphore, #tpu.memory_space<semaphore_mem>>) src(%dma_wait3A_1180 : memref<10000x128xf32, #tpu.memory_space<hbm>>) dst(%arg9 : memref<32x128xf32, #tpu.memory_space<vmem>>)
      %dma_start3A_1181 = arith.constant 0 : i32
      %dma_start3A_1182 = arith.constant 0 : i32
      %dma_start3A_1183 = tpu.memref_slice %arg8[%dma_start3A_1181, %dma_start3A_1182] : memref<32x32xi32, #tpu.memory_space<vmem>> -> memref<1x32xi32, #tpu.memory_space<vmem>>
      %dma_start3A_1184 = tpu.memref_squeeze %dma_start3A_1183 : memref<1x32xi32, #tpu.memory_space<vmem>> -> memref<32xi32, #tpu.memory_space<vmem>>
      %dma_start3A_1185 = arith.constant 0 : i32
      %dma_start3A_1186 = arith.constant 0 : i32
      %dma_start3A_1187 = tpu.memref_slice %arg17[%dma_start3A_1185, %dma_start3A_1186] : memref<10240x128xf32, #tpu.memory_space<vmem_shared>> -> memref<10240x128xf32, #tpu.memory_space<vmem_shared>>
      tpu.enqueue_indirect_dma source(%arg9 : memref<32x128xf32, #tpu.memory_space<vmem>>) target(%dma_start3A_1187 : memref<10240x128xf32, #tpu.memory_space<vmem_shared>>) offsets(%dma_start3A_1184 : memref<32xi32, #tpu.memory_space<vmem>>) semaphore(%arg28 : memref<!tpu.dma_semaphore, #tpu.memory_space<semaphore_mem>>) {add = true}
      %dma_wait3A_1188 = arith.constant 0 : i32
      %dma_wait3A_1189 = arith.constant 0 : i32
      %dma_wait3A_1190 = tpu.memref_slice %arg8[%dma_wait3A_1188, %dma_wait3A_1189] : memref<32x32xi32, #tpu.memory_space<vmem>> -> memref<1x32xi32, #tpu.memory_space<vmem>>
      %dma_wait3A_1191 = tpu.memref_squeeze %dma_wait3A_1190 : memref<1x32xi32, #tpu.memory_space<vmem>> -> memref<32xi32, #tpu.memory_space<vmem>>
      %dma_wait3A_1192 = arith.constant 0 : i32
      %dma_wait3A_1193 = arith.constant 0 : i32
      %dma_wait3A_1194 = tpu.memref_slice %arg17[%dma_wait3A_1192, %dma_wait3A_1193] : memref<10240x128xf32, #tpu.memory_space<vmem_shared>> -> memref<10240x128xf32, #tpu.memory_space<vmem_shared>>
      tpu.wait_indirect_dma semaphore(%arg28 : memref<!tpu.dma_semaphore, #tpu.memory_space<semaphore_mem>>) src(%arg9 : memref<32x128xf32, #tpu.memory_space<vmem>>) dst(%dma_wait3A_1194 : memref<10240x128xf32, #tpu.memory_space<vmem_shared>>)
      %dma_start3A_1195 = arith.constant 8 : i32
      %dma_start3A_1196 = arith.constant 0 : i32
      %dma_start3A_1197 = tpu.memref_slice %arg6[%dma_start3A_1195, %dma_start3A_1196] : memref<32x32xi32, #tpu.memory_space<vmem>> -> memref<1x32xi32, #tpu.memory_space<vmem>>
      %dma_start3A_1198 = tpu.memref_squeeze %dma_start3A_1197 : memref<1x32xi32, #tpu.memory_space<vmem>> -> memref<32xi32, #tpu.memory_space<vmem>>
      %dma_start3A_1199 = arith.constant 0 : i32
      %dma_start3A_1200 = arith.constant 0 : i32
      %dma_start3A_1201 = tpu.memref_slice %arg2[%dma_start3A_1199, %dma_start3A_1200] : memref<10000x128xf32, #tpu.memory_space<hbm>> -> memref<10000x128xf32, #tpu.memory_space<hbm>>
      tpu.enqueue_indirect_dma source(%dma_start3A_1201 : memref<10000x128xf32, #tpu.memory_space<hbm>>) target(%arg9 : memref<32x128xf32, #tpu.memory_space<vmem>>) offsets(%dma_start3A_1198 : memref<32xi32, #tpu.memory_space<vmem>>) semaphore(%arg20 : memref<!tpu.dma_semaphore, #tpu.memory_space<semaphore_mem>>)
      %dma_wait3A_1202 = arith.constant 1 : i32
      %dma_wait3A_1203 = arith.constant 0 : i32
      %dma_wait3A_1204 = tpu.memref_slice %arg6[%dma_wait3A_1202, %dma_wait3A_1203] : memref<32x32xi32, #tpu.memory_space<vmem>> -> memref<1x32xi32, #tpu.memory_space<vmem>>
      %dma_wait3A_1205 = tpu.memref_squeeze %dma_wait3A_1204 : memref<1x32xi32, #tpu.memory_space<vmem>> -> memref<32xi32, #tpu.memory_space<vmem>>
      %dma_wait3A_1206 = arith.constant 0 : i32
      %dma_wait3A_1207 = arith.constant 0 : i32
      %dma_wait3A_1208 = tpu.memref_slice %arg2[%dma_wait3A_1206, %dma_wait3A_1207] : memref<10000x128xf32, #tpu.memory_space<hbm>> -> memref<10000x128xf32, #tpu.memory_space<hbm>>
      tpu.wait_indirect_dma semaphore(%arg21 : memref<!tpu.dma_semaphore, #tpu.memory_space<semaphore_mem>>) src(%dma_wait3A_1208 : memref<10000x128xf32, #tpu.memory_space<hbm>>) dst(%arg10 : memref<32x128xf32, #tpu.memory_space<vmem>>)
      %dma_start3A_1209 = arith.constant 1 : i32
      %dma_start3A_1210 = arith.constant 0 : i32
      %dma_start3A_1211 = tpu.memref_slice %arg8[%dma_start3A_1209, %dma_start3A_1210] : memref<32x32xi32, #tpu.memory_space<vmem>> -> memref<1x32xi32, #tpu.memory_space<vmem>>
      %dma_start3A_1212 = tpu.memref_squeeze %dma_start3A_1211 : memref<1x32xi32, #tpu.memory_space<vmem>> -> memref<32xi32, #tpu.memory_space<vmem>>
      %dma_start3A_1213 = arith.constant 0 : i32
      %dma_start3A_1214 = arith.constant 0 : i32
      %dma_start3A_1215 = tpu.memref_slice %arg17[%dma_start3A_1213, %dma_start3A_1214] : memref<10240x128xf32, #tpu.memory_space<vmem_shared>> -> memref<10240x128xf32, #tpu.memory_space<vmem_shared>>
      tpu.enqueue_indirect_dma source(%arg10 : memref<32x128xf32, #tpu.memory_space<vmem>>) target(%dma_start3A_1215 : memref<10240x128xf32, #tpu.memory_space<vmem_shared>>) offsets(%dma_start3A_1212 : memref<32xi32, #tpu.memory_space<vmem>>) semaphore(%arg29 : memref<!tpu.dma_semaphore, #tpu.memory_space<semaphore_mem>>) {add = true}
      %dma_wait3A_1216 = arith.constant 1 : i32
      %dma_wait3A_1217 = arith.constant 0 : i32
      %dma_wait3A_1218 = tpu.memref_slice %arg8[%dma_wait3A_1216, %dma_wait3A_1217] : memref<32x32xi32, #tpu.memory_space<vmem>> -> memref<1x32xi32, #tpu.memory_space<vmem>>
      %dma_wait3A_1219 = tpu.memref_squeeze %dma_wait3A_1218 : memref<1x32xi32, #tpu.memory_space<vmem>> -> memref<32xi32, #tpu.memory_space<vmem>>
      %dma_wait3A_1220 = arith.constant 0 : i32
      %dma_wait3A_1221 = arith.constant 0 : i32
      %dma_wait3A_1222 = tpu.memref_slice %arg17[%dma_wait3A_1220, %dma_wait3A_1221] : memref<10240x128xf32, #tpu.memory_space<vmem_shared>> -> memref<10240x128xf32, #tpu.memory_space<vmem_shared>>
      tpu.wait_indirect_dma semaphore(%arg29 : memref<!tpu.dma_semaphore, #tpu.memory_space<semaphore_mem>>) src(%arg10 : memref<32x128xf32, #tpu.memory_space<vmem>>) dst(%dma_wait3A_1222 : memref<10240x128xf32, #tpu.memory_space<vmem_shared>>)
      %dma_start3A_1223 = arith.constant 9 : i32
      %dma_start3A_1224 = arith.constant 0 : i32
      %dma_start3A_1225 = tpu.memref_slice %arg6[%dma_start3A_1223, %dma_start3A_1224] : memref<32x32xi32, #tpu.memory_space<vmem>> -> memref<1x32xi32, #tpu.memory_space<vmem>>
      %dma_start3A_1226 = tpu.memref_squeeze %dma_start3A_1225 : memref<1x32xi32, #tpu.memory_space<vmem>> -> memref<32xi32, #tpu.memory_space<vmem>>
      %dma_start3A_1227 = arith.constant 0 : i32
      %dma_start3A_1228 = arith.constant 0 : i32
      %dma_start3A_1229 = tpu.memref_slice %arg2[%dma_start3A_1227, %dma_start3A_1228] : memref<10000x128xf32, #tpu.memory_space<hbm>> -> memref<10000x128xf32, #tpu.memory_space<hbm>>
      tpu.enqueue_indirect_dma source(%dma_start3A_1229 : memref<10000x128xf32, #tpu.memory_space<hbm>>) target(%arg10 : memref<32x128xf32, #tpu.memory_space<vmem>>) offsets(%dma_start3A_1226 : memref<32xi32, #tpu.memory_space<vmem>>) semaphore(%arg21 : memref<!tpu.dma_semaphore, #tpu.memory_space<semaphore_mem>>)
      %dma_wait3A_1230 = arith.constant 2 : i32
      %dma_wait3A_1231 = arith.constant 0 : i32
      %dma_wait3A_1232 = tpu.memref_slice %arg6[%dma_wait3A_1230, %dma_wait3A_1231] : memref<32x32xi32, #tpu.memory_space<vmem>> -> memref<1x32xi32, #tpu.memory_space<vmem>>
      %dma_wait3A_1233 = tpu.memref_squeeze %dma_wait3A_1232 : memref<1x32xi32, #tpu.memory_space<vmem>> -> memref<32xi32, #tpu.memory_space<vmem>>
      %dma_wait3A_1234 = arith.constant 0 : i32
      %dma_wait3A_1235 = arith.constant 0 : i32
      %dma_wait3A_1236 = tpu.memref_slice %arg2[%dma_wait3A_1234, %dma_wait3A_1235] : memref<10000x128xf32, #tpu.memory_space<hbm>> -> memref<10000x128xf32, #tpu.memory_space<hbm>>
      tpu.wait_indirect_dma semaphore(%arg22 : memref<!tpu.dma_semaphore, #tpu.memory_space<semaphore_mem>>) src(%dma_wait3A_1236 : memref<10000x128xf32, #tpu.memory_space<hbm>>) dst(%arg11 : memref<32x128xf32, #tpu.memory_space<vmem>>)
      %dma_start3A_1237 = arith.constant 2 : i32
      %dma_start3A_1238 = arith.constant 0 : i32
      %dma_start3A_1239 = tpu.memref_slice %arg8[%dma_start3A_1237, %dma_start3A_1238] : memref<32x32xi32, #tpu.memory_space<vmem>> -> memref<1x32xi32, #tpu.memory_space<vmem>>
      %dma_start3A_1240 = tpu.memref_squeeze %dma_start3A_1239 : memref<1x32xi32, #tpu.memory_space<vmem>> -> memref<32xi32, #tpu.memory_space<vmem>>
      %dma_start3A_1241 = arith.constant 0 : i32
      %dma_start3A_1242 = arith.constant 0 : i32
      %dma_start3A_1243 = tpu.memref_slice %arg17[%dma_start3A_1241, %dma_start3A_1242] : memref<10240x128xf32, #tpu.memory_space<vmem_shared>> -> memref<10240x128xf32, #tpu.memory_space<vmem_shared>>
      tpu.enqueue_indirect_dma source(%arg11 : memref<32x128xf32, #tpu.memory_space<vmem>>) target(%dma_start3A_1243 : memref<10240x128xf32, #tpu.memory_space<vmem_shared>>) offsets(%dma_start3A_1240 : memref<32xi32, #tpu.memory_space<vmem>>) semaphore(%arg30 : memref<!tpu.dma_semaphore, #tpu.memory_space<semaphore_mem>>) {add = true}
      %dma_wait3A_1244 = arith.constant 2 : i32
      %dma_wait3A_1245 = arith.constant 0 : i32
      %dma_wait3A_1246 = tpu.memref_slice %arg8[%dma_wait3A_1244, %dma_wait3A_1245] : memref<32x32xi32, #tpu.memory_space<vmem>> -> memref<1x32xi32, #tpu.memory_space<vmem>>
      %dma_wait3A_1247 = tpu.memref_squeeze %dma_wait3A_1246 : memref<1x32xi32, #tpu.memory_space<vmem>> -> memref<32xi32, #tpu.memory_space<vmem>>
      %dma_wait3A_1248 = arith.constant 0 : i32
      %dma_wait3A_1249 = arith.constant 0 : i32
      %dma_wait3A_1250 = tpu.memref_slice %arg17[%dma_wait3A_1248, %dma_wait3A_1249] : memref<10240x128xf32, #tpu.memory_space<vmem_shared>> -> memref<10240x128xf32, #tpu.memory_space<vmem_shared>>
      tpu.wait_indirect_dma semaphore(%arg30 : memref<!tpu.dma_semaphore, #tpu.memory_space<semaphore_mem>>) src(%arg11 : memref<32x128xf32, #tpu.memory_space<vmem>>) dst(%dma_wait3A_1250 : memref<10240x128xf32, #tpu.memory_space<vmem_shared>>)
      %dma_start3A_1251 = arith.constant 10 : i32
      %dma_start3A_1252 = arith.constant 0 : i32
      %dma_start3A_1253 = tpu.memref_slice %arg6[%dma_start3A_1251, %dma_start3A_1252] : memref<32x32xi32, #tpu.memory_space<vmem>> -> memref<1x32xi32, #tpu.memory_space<vmem>>
      %dma_start3A_1254 = tpu.memref_squeeze %dma_start3A_1253 : memref<1x32xi32, #tpu.memory_space<vmem>> -> memref<32xi32, #tpu.memory_space<vmem>>
      %dma_start3A_1255 = arith.constant 0 : i32
      %dma_start3A_1256 = arith.constant 0 : i32
      %dma_start3A_1257 = tpu.memref_slice %arg2[%dma_start3A_1255, %dma_start3A_1256] : memref<10000x128xf32, #tpu.memory_space<hbm>> -> memref<10000x128xf32, #tpu.memory_space<hbm>>
      tpu.enqueue_indirect_dma source(%dma_start3A_1257 : memref<10000x128xf32, #tpu.memory_space<hbm>>) target(%arg11 : memref<32x128xf32, #tpu.memory_space<vmem>>) offsets(%dma_start3A_1254 : memref<32xi32, #tpu.memory_space<vmem>>) semaphore(%arg22 : memref<!tpu.dma_semaphore, #tpu.memory_space<semaphore_mem>>)
      %dma_wait3A_1258 = arith.constant 3 : i32
      %dma_wait3A_1259 = arith.constant 0 : i32
      %dma_wait3A_1260 = tpu.memref_slice %arg6[%dma_wait3A_1258, %dma_wait3A_1259] : memref<32x32xi32, #tpu.memory_space<vmem>> -> memref<1x32xi32, #tpu.memory_space<vmem>>
      %dma_wait3A_1261 = tpu.memref_squeeze %dma_wait3A_1260 : memref<1x32xi32, #tpu.memory_space<vmem>> -> memref<32xi32, #tpu.memory_space<vmem>>
      %dma_wait3A_1262 = arith.constant 0 : i32
      %dma_wait3A_1263 = arith.constant 0 : i32
      %dma_wait3A_1264 = tpu.memref_slice %arg2[%dma_wait3A_1262, %dma_wait3A_1263] : memref<10000x128xf32, #tpu.memory_space<hbm>> -> memref<10000x128xf32, #tpu.memory_space<hbm>>
      tpu.wait_indirect_dma semaphore(%arg23 : memref<!tpu.dma_semaphore, #tpu.memory_space<semaphore_mem>>) src(%dma_wait3A_1264 : memref<10000x128xf32, #tpu.memory_space<hbm>>) dst(%arg12 : memref<32x128xf32, #tpu.memory_space<vmem>>)
      %dma_start3A_1265 = arith.constant 3 : i32
      %dma_start3A_1266 = arith.constant 0 : i32
      %dma_start3A_1267 = tpu.memref_slice %arg8[%dma_start3A_1265, %dma_start3A_1266] : memref<32x32xi32, #tpu.memory_space<vmem>> -> memref<1x32xi32, #tpu.memory_space<vmem>>
      %dma_start3A_1268 = tpu.memref_squeeze %dma_start3A_1267 : memref<1x32xi32, #tpu.memory_space<vmem>> -> memref<32xi32, #tpu.memory_space<vmem>>
      %dma_start3A_1269 = arith.constant 0 : i32
      %dma_start3A_1270 = arith.constant 0 : i32
      %dma_start3A_1271 = tpu.memref_slice %arg17[%dma_start3A_1269, %dma_start3A_1270] : memref<10240x128xf32, #tpu.memory_space<vmem_shared>> -> memref<10240x128xf32, #tpu.memory_space<vmem_shared>>
      tpu.enqueue_indirect_dma source(%arg12 : memref<32x128xf32, #tpu.memory_space<vmem>>) target(%dma_start3A_1271 : memref<10240x128xf32, #tpu.memory_space<vmem_shared>>) offsets(%dma_start3A_1268 : memref<32xi32, #tpu.memory_space<vmem>>) semaphore(%arg31 : memref<!tpu.dma_semaphore, #tpu.memory_space<semaphore_mem>>) {add = true}
      %dma_wait3A_1272 = arith.constant 3 : i32
      %dma_wait3A_1273 = arith.constant 0 : i32
      %dma_wait3A_1274 = tpu.memref_slice %arg8[%dma_wait3A_1272, %dma_wait3A_1273] : memref<32x32xi32, #tpu.memory_space<vmem>> -> memref<1x32xi32, #tpu.memory_space<vmem>>
      %dma_wait3A_1275 = tpu.memref_squeeze %dma_wait3A_1274 : memref<1x32xi32, #tpu.memory_space<vmem>> -> memref<32xi32, #tpu.memory_space<vmem>>
      %dma_wait3A_1276 = arith.constant 0 : i32
      %dma_wait3A_1277 = arith.constant 0 : i32
      %dma_wait3A_1278 = tpu.memref_slice %arg17[%dma_wait3A_1276, %dma_wait3A_1277] : memref<10240x128xf32, #tpu.memory_space<vmem_shared>> -> memref<10240x128xf32, #tpu.memory_space<vmem_shared>>
      tpu.wait_indirect_dma semaphore(%arg31 : memref<!tpu.dma_semaphore, #tpu.memory_space<semaphore_mem>>) src(%arg12 : memref<32x128xf32, #tpu.memory_space<vmem>>) dst(%dma_wait3A_1278 : memref<10240x128xf32, #tpu.memory_space<vmem_shared>>)
      %dma_start3A_1279 = arith.constant 11 : i32
      %dma_start3A_1280 = arith.constant 0 : i32
      %dma_start3A_1281 = tpu.memref_slice %arg6[%dma_start3A_1279, %dma_start3A_1280] : memref<32x32xi32, #tpu.memory_space<vmem>> -> memref<1x32xi32, #tpu.memory_space<vmem>>
      %dma_start3A_1282 = tpu.memref_squeeze %dma_start3A_1281 : memref<1x32xi32, #tpu.memory_space<vmem>> -> memref<32xi32, #tpu.memory_space<vmem>>
      %dma_start3A_1283 = arith.constant 0 : i32
      %dma_start3A_1284 = arith.constant 0 : i32
      %dma_start3A_1285 = tpu.memref_slice %arg2[%dma_start3A_1283, %dma_start3A_1284] : memref<10000x128xf32, #tpu.memory_space<hbm>> -> memref<10000x128xf32, #tpu.memory_space<hbm>>
      tpu.enqueue_indirect_dma source(%dma_start3A_1285 : memref<10000x128xf32, #tpu.memory_space<hbm>>) target(%arg12 : memref<32x128xf32, #tpu.memory_space<vmem>>) offsets(%dma_start3A_1282 : memref<32xi32, #tpu.memory_space<vmem>>) semaphore(%arg23 : memref<!tpu.dma_semaphore, #tpu.memory_space<semaphore_mem>>)
      %dma_wait3A_1286 = arith.constant 4 : i32
      %dma_wait3A_1287 = arith.constant 0 : i32
      %dma_wait3A_1288 = tpu.memref_slice %arg6[%dma_wait3A_1286, %dma_wait3A_1287] : memref<32x32xi32, #tpu.memory_space<vmem>> -> memref<1x32xi32, #tpu.memory_space<vmem>>
      %dma_wait3A_1289 = tpu.memref_squeeze %dma_wait3A_1288 : memref<1x32xi32, #tpu.memory_space<vmem>> -> memref<32xi32, #tpu.memory_space<vmem>>
      %dma_wait3A_1290 = arith.constant 0 : i32
      %dma_wait3A_1291 = arith.constant 0 : i32
      %dma_wait3A_1292 = tpu.memref_slice %arg2[%dma_wait3A_1290, %dma_wait3A_1291] : memref<10000x128xf32, #tpu.memory_space<hbm>> -> memref<10000x128xf32, #tpu.memory_space<hbm>>
      tpu.wait_indirect_dma semaphore(%arg24 : memref<!tpu.dma_semaphore, #tpu.memory_space<semaphore_mem>>) src(%dma_wait3A_1292 : memref<10000x128xf32, #tpu.memory_space<hbm>>) dst(%arg13 : memref<32x128xf32, #tpu.memory_space<vmem>>)
      %dma_start3A_1293 = arith.constant 4 : i32
      %dma_start3A_1294 = arith.constant 0 : i32
      %dma_start3A_1295 = tpu.memref_slice %arg8[%dma_start3A_1293, %dma_start3A_1294] : memref<32x32xi32, #tpu.memory_space<vmem>> -> memref<1x32xi32, #tpu.memory_space<vmem>>
      %dma_start3A_1296 = tpu.memref_squeeze %dma_start3A_1295 : memref<1x32xi32, #tpu.memory_space<vmem>> -> memref<32xi32, #tpu.memory_space<vmem>>
      %dma_start3A_1297 = arith.constant 0 : i32
      %dma_start3A_1298 = arith.constant 0 : i32
      %dma_start3A_1299 = tpu.memref_slice %arg17[%dma_start3A_1297, %dma_start3A_1298] : memref<10240x128xf32, #tpu.memory_space<vmem_shared>> -> memref<10240x128xf32, #tpu.memory_space<vmem_shared>>
      tpu.enqueue_indirect_dma source(%arg13 : memref<32x128xf32, #tpu.memory_space<vmem>>) target(%dma_start3A_1299 : memref<10240x128xf32, #tpu.memory_space<vmem_shared>>) offsets(%dma_start3A_1296 : memref<32xi32, #tpu.memory_space<vmem>>) semaphore(%arg32 : memref<!tpu.dma_semaphore, #tpu.memory_space<semaphore_mem>>) {add = true}
      %dma_wait3A_1300 = arith.constant 4 : i32
      %dma_wait3A_1301 = arith.constant 0 : i32
      %dma_wait3A_1302 = tpu.memref_slice %arg8[%dma_wait3A_1300, %dma_wait3A_1301] : memref<32x32xi32, #tpu.memory_space<vmem>> -> memref<1x32xi32, #tpu.memory_space<vmem>>
      %dma_wait3A_1303 = tpu.memref_squeeze %dma_wait3A_1302 : memref<1x32xi32, #tpu.memory_space<vmem>> -> memref<32xi32, #tpu.memory_space<vmem>>
      %dma_wait3A_1304 = arith.constant 0 : i32
      %dma_wait3A_1305 = arith.constant 0 : i32
      %dma_wait3A_1306 = tpu.memref_slice %arg17[%dma_wait3A_1304, %dma_wait3A_1305] : memref<10240x128xf32, #tpu.memory_space<vmem_shared>> -> memref<10240x128xf32, #tpu.memory_space<vmem_shared>>
      tpu.wait_indirect_dma semaphore(%arg32 : memref<!tpu.dma_semaphore, #tpu.memory_space<semaphore_mem>>) src(%arg13 : memref<32x128xf32, #tpu.memory_space<vmem>>) dst(%dma_wait3A_1306 : memref<10240x128xf32, #tpu.memory_space<vmem_shared>>)
      %dma_start3A_1307 = arith.constant 12 : i32
      %dma_start3A_1308 = arith.constant 0 : i32
      %dma_start3A_1309 = tpu.memref_slice %arg6[%dma_start3A_1307, %dma_start3A_1308] : memref<32x32xi32, #tpu.memory_space<vmem>> -> memref<1x32xi32, #tpu.memory_space<vmem>>
      %dma_start3A_1310 = tpu.memref_squeeze %dma_start3A_1309 : memref<1x32xi32, #tpu.memory_space<vmem>> -> memref<32xi32, #tpu.memory_space<vmem>>
      %dma_start3A_1311 = arith.constant 0 : i32
      %dma_start3A_1312 = arith.constant 0 : i32
      %dma_start3A_1313 = tpu.memref_slice %arg2[%dma_start3A_1311, %dma_start3A_1312] : memref<10000x128xf32, #tpu.memory_space<hbm>> -> memref<10000x128xf32, #tpu.memory_space<hbm>>
      tpu.enqueue_indirect_dma source(%dma_start3A_1313 : memref<10000x128xf32, #tpu.memory_space<hbm>>) target(%arg13 : memref<32x128xf32, #tpu.memory_space<vmem>>) offsets(%dma_start3A_1310 : memref<32xi32, #tpu.memory_space<vmem>>) semaphore(%arg24 : memref<!tpu.dma_semaphore, #tpu.memory_space<semaphore_mem>>)
      %dma_wait3A_1314 = arith.constant 5 : i32
      %dma_wait3A_1315 = arith.constant 0 : i32
      %dma_wait3A_1316 = tpu.memref_slice %arg6[%dma_wait3A_1314, %dma_wait3A_1315] : memref<32x32xi32, #tpu.memory_space<vmem>> -> memref<1x32xi32, #tpu.memory_space<vmem>>
      %dma_wait3A_1317 = tpu.memref_squeeze %dma_wait3A_1316 : memref<1x32xi32, #tpu.memory_space<vmem>> -> memref<32xi32, #tpu.memory_space<vmem>>
      %dma_wait3A_1318 = arith.constant 0 : i32
      %dma_wait3A_1319 = arith.constant 0 : i32
      %dma_wait3A_1320 = tpu.memref_slice %arg2[%dma_wait3A_1318, %dma_wait3A_1319] : memref<10000x128xf32, #tpu.memory_space<hbm>> -> memref<10000x128xf32, #tpu.memory_space<hbm>>
      tpu.wait_indirect_dma semaphore(%arg25 : memref<!tpu.dma_semaphore, #tpu.memory_space<semaphore_mem>>) src(%dma_wait3A_1320 : memref<10000x128xf32, #tpu.memory_space<hbm>>) dst(%arg14 : memref<32x128xf32, #tpu.memory_space<vmem>>)
      %dma_start3A_1321 = arith.constant 5 : i32
      %dma_start3A_1322 = arith.constant 0 : i32
      %dma_start3A_1323 = tpu.memref_slice %arg8[%dma_start3A_1321, %dma_start3A_1322] : memref<32x32xi32, #tpu.memory_space<vmem>> -> memref<1x32xi32, #tpu.memory_space<vmem>>
      %dma_start3A_1324 = tpu.memref_squeeze %dma_start3A_1323 : memref<1x32xi32, #tpu.memory_space<vmem>> -> memref<32xi32, #tpu.memory_space<vmem>>
      %dma_start3A_1325 = arith.constant 0 : i32
      %dma_start3A_1326 = arith.constant 0 : i32
      %dma_start3A_1327 = tpu.memref_slice %arg17[%dma_start3A_1325, %dma_start3A_1326] : memref<10240x128xf32, #tpu.memory_space<vmem_shared>> -> memref<10240x128xf32, #tpu.memory_space<vmem_shared>>
      tpu.enqueue_indirect_dma source(%arg14 : memref<32x128xf32, #tpu.memory_space<vmem>>) target(%dma_start3A_1327 : memref<10240x128xf32, #tpu.memory_space<vmem_shared>>) offsets(%dma_start3A_1324 : memref<32xi32, #tpu.memory_space<vmem>>) semaphore(%arg33 : memref<!tpu.dma_semaphore, #tpu.memory_space<semaphore_mem>>) {add = true}
      %dma_wait3A_1328 = arith.constant 5 : i32
      %dma_wait3A_1329 = arith.constant 0 : i32
      %dma_wait3A_1330 = tpu.memref_slice %arg8[%dma_wait3A_1328, %dma_wait3A_1329] : memref<32x32xi32, #tpu.memory_space<vmem>> -> memref<1x32xi32, #tpu.memory_space<vmem>>
      %dma_wait3A_1331 = tpu.memref_squeeze %dma_wait3A_1330 : memref<1x32xi32, #tpu.memory_space<vmem>> -> memref<32xi32, #tpu.memory_space<vmem>>
      %dma_wait3A_1332 = arith.constant 0 : i32
      %dma_wait3A_1333 = arith.constant 0 : i32
      %dma_wait3A_1334 = tpu.memref_slice %arg17[%dma_wait3A_1332, %dma_wait3A_1333] : memref<10240x128xf32, #tpu.memory_space<vmem_shared>> -> memref<10240x128xf32, #tpu.memory_space<vmem_shared>>
      tpu.wait_indirect_dma semaphore(%arg33 : memref<!tpu.dma_semaphore, #tpu.memory_space<semaphore_mem>>) src(%arg14 : memref<32x128xf32, #tpu.memory_space<vmem>>) dst(%dma_wait3A_1334 : memref<10240x128xf32, #tpu.memory_space<vmem_shared>>)
      %dma_start3A_1335 = arith.constant 13 : i32
      %dma_start3A_1336 = arith.constant 0 : i32
      %dma_start3A_1337 = tpu.memref_slice %arg6[%dma_start3A_1335, %dma_start3A_1336] : memref<32x32xi32, #tpu.memory_space<vmem>> -> memref<1x32xi32, #tpu.memory_space<vmem>>
      %dma_start3A_1338 = tpu.memref_squeeze %dma_start3A_1337 : memref<1x32xi32, #tpu.memory_space<vmem>> -> memref<32xi32, #tpu.memory_space<vmem>>
      %dma_start3A_1339 = arith.constant 0 : i32
      %dma_start3A_1340 = arith.constant 0 : i32
      %dma_start3A_1341 = tpu.memref_slice %arg2[%dma_start3A_1339, %dma_start3A_1340] : memref<10000x128xf32, #tpu.memory_space<hbm>> -> memref<10000x128xf32, #tpu.memory_space<hbm>>
      tpu.enqueue_indirect_dma source(%dma_start3A_1341 : memref<10000x128xf32, #tpu.memory_space<hbm>>) target(%arg14 : memref<32x128xf32, #tpu.memory_space<vmem>>) offsets(%dma_start3A_1338 : memref<32xi32, #tpu.memory_space<vmem>>) semaphore(%arg25 : memref<!tpu.dma_semaphore, #tpu.memory_space<semaphore_mem>>)
      %dma_wait3A_1342 = arith.constant 6 : i32
      %dma_wait3A_1343 = arith.constant 0 : i32
      %dma_wait3A_1344 = tpu.memref_slice %arg6[%dma_wait3A_1342, %dma_wait3A_1343] : memref<32x32xi32, #tpu.memory_space<vmem>> -> memref<1x32xi32, #tpu.memory_space<vmem>>
      %dma_wait3A_1345 = tpu.memref_squeeze %dma_wait3A_1344 : memref<1x32xi32, #tpu.memory_space<vmem>> -> memref<32xi32, #tpu.memory_space<vmem>>
      %dma_wait3A_1346 = arith.constant 0 : i32
      %dma_wait3A_1347 = arith.constant 0 : i32
      %dma_wait3A_1348 = tpu.memref_slice %arg2[%dma_wait3A_1346, %dma_wait3A_1347] : memref<10000x128xf32, #tpu.memory_space<hbm>> -> memref<10000x128xf32, #tpu.memory_space<hbm>>
      tpu.wait_indirect_dma semaphore(%arg26 : memref<!tpu.dma_semaphore, #tpu.memory_space<semaphore_mem>>) src(%dma_wait3A_1348 : memref<10000x128xf32, #tpu.memory_space<hbm>>) dst(%arg15 : memref<32x128xf32, #tpu.memory_space<vmem>>)
      %dma_start3A_1349 = arith.constant 6 : i32
      %dma_start3A_1350 = arith.constant 0 : i32
      %dma_start3A_1351 = tpu.memref_slice %arg8[%dma_start3A_1349, %dma_start3A_1350] : memref<32x32xi32, #tpu.memory_space<vmem>> -> memref<1x32xi32, #tpu.memory_space<vmem>>
      %dma_start3A_1352 = tpu.memref_squeeze %dma_start3A_1351 : memref<1x32xi32, #tpu.memory_space<vmem>> -> memref<32xi32, #tpu.memory_space<vmem>>
      %dma_start3A_1353 = arith.constant 0 : i32
      %dma_start3A_1354 = arith.constant 0 : i32
      %dma_start3A_1355 = tpu.memref_slice %arg17[%dma_start3A_1353, %dma_start3A_1354] : memref<10240x128xf32, #tpu.memory_space<vmem_shared>> -> memref<10240x128xf32, #tpu.memory_space<vmem_shared>>
      tpu.enqueue_indirect_dma source(%arg15 : memref<32x128xf32, #tpu.memory_space<vmem>>) target(%dma_start3A_1355 : memref<10240x128xf32, #tpu.memory_space<vmem_shared>>) offsets(%dma_start3A_1352 : memref<32xi32, #tpu.memory_space<vmem>>) semaphore(%arg34 : memref<!tpu.dma_semaphore, #tpu.memory_space<semaphore_mem>>) {add = true}
      %dma_wait3A_1356 = arith.constant 6 : i32
      %dma_wait3A_1357 = arith.constant 0 : i32
      %dma_wait3A_1358 = tpu.memref_slice %arg8[%dma_wait3A_1356, %dma_wait3A_1357] : memref<32x32xi32, #tpu.memory_space<vmem>> -> memref<1x32xi32, #tpu.memory_space<vmem>>
      %dma_wait3A_1359 = tpu.memref_squeeze %dma_wait3A_1358 : memref<1x32xi32, #tpu.memory_space<vmem>> -> memref<32xi32, #tpu.memory_space<vmem>>
      %dma_wait3A_1360 = arith.constant 0 : i32
      %dma_wait3A_1361 = arith.constant 0 : i32
      %dma_wait3A_1362 = tpu.memref_slice %arg17[%dma_wait3A_1360, %dma_wait3A_1361] : memref<10240x128xf32, #tpu.memory_space<vmem_shared>> -> memref<10240x128xf32, #tpu.memory_space<vmem_shared>>
      tpu.wait_indirect_dma semaphore(%arg34 : memref<!tpu.dma_semaphore, #tpu.memory_space<semaphore_mem>>) src(%arg15 : memref<32x128xf32, #tpu.memory_space<vmem>>) dst(%dma_wait3A_1362 : memref<10240x128xf32, #tpu.memory_space<vmem_shared>>)
      %dma_start3A_1363 = arith.constant 14 : i32
      %dma_start3A_1364 = arith.constant 0 : i32
      %dma_start3A_1365 = tpu.memref_slice %arg6[%dma_start3A_1363, %dma_start3A_1364] : memref<32x32xi32, #tpu.memory_space<vmem>> -> memref<1x32xi32, #tpu.memory_space<vmem>>
      %dma_start3A_1366 = tpu.memref_squeeze %dma_start3A_1365 : memref<1x32xi32, #tpu.memory_space<vmem>> -> memref<32xi32, #tpu.memory_space<vmem>>
      %dma_start3A_1367 = arith.constant 0 : i32
      %dma_start3A_1368 = arith.constant 0 : i32
      %dma_start3A_1369 = tpu.memref_slice %arg2[%dma_start3A_1367, %dma_start3A_1368] : memref<10000x128xf32, #tpu.memory_space<hbm>> -> memref<10000x128xf32, #tpu.memory_space<hbm>>
      tpu.enqueue_indirect_dma source(%dma_start3A_1369 : memref<10000x128xf32, #tpu.memory_space<hbm>>) target(%arg15 : memref<32x128xf32, #tpu.memory_space<vmem>>) offsets(%dma_start3A_1366 : memref<32xi32, #tpu.memory_space<vmem>>) semaphore(%arg26 : memref<!tpu.dma_semaphore, #tpu.memory_space<semaphore_mem>>)
      %dma_wait3A_1370 = arith.constant 7 : i32
      %dma_wait3A_1371 = arith.constant 0 : i32
      %dma_wait3A_1372 = tpu.memref_slice %arg6[%dma_wait3A_1370, %dma_wait3A_1371] : memref<32x32xi32, #tpu.memory_space<vmem>> -> memref<1x32xi32, #tpu.memory_space<vmem>>
      %dma_wait3A_1373 = tpu.memref_squeeze %dma_wait3A_1372 : memref<1x32xi32, #tpu.memory_space<vmem>> -> memref<32xi32, #tpu.memory_space<vmem>>
      %dma_wait3A_1374 = arith.constant 0 : i32
      %dma_wait3A_1375 = arith.constant 0 : i32
      %dma_wait3A_1376 = tpu.memref_slice %arg2[%dma_wait3A_1374, %dma_wait3A_1375] : memref<10000x128xf32, #tpu.memory_space<hbm>> -> memref<10000x128xf32, #tpu.memory_space<hbm>>
      tpu.wait_indirect_dma semaphore(%arg27 : memref<!tpu.dma_semaphore, #tpu.memory_space<semaphore_mem>>) src(%dma_wait3A_1376 : memref<10000x128xf32, #tpu.memory_space<hbm>>) dst(%arg16 : memref<32x128xf32, #tpu.memory_space<vmem>>)
      %dma_start3A_1377 = arith.constant 7 : i32
      %dma_start3A_1378 = arith.constant 0 : i32
      %dma_start3A_1379 = tpu.memref_slice %arg8[%dma_start3A_1377, %dma_start3A_1378] : memref<32x32xi32, #tpu.memory_space<vmem>> -> memref<1x32xi32, #tpu.memory_space<vmem>>
      %dma_start3A_1380 = tpu.memref_squeeze %dma_start3A_1379 : memref<1x32xi32, #tpu.memory_space<vmem>> -> memref<32xi32, #tpu.memory_space<vmem>>
      %dma_start3A_1381 = arith.constant 0 : i32
      %dma_start3A_1382 = arith.constant 0 : i32
      %dma_start3A_1383 = tpu.memref_slice %arg17[%dma_start3A_1381, %dma_start3A_1382] : memref<10240x128xf32, #tpu.memory_space<vmem_shared>> -> memref<10240x128xf32, #tpu.memory_space<vmem_shared>>
      tpu.enqueue_indirect_dma source(%arg16 : memref<32x128xf32, #tpu.memory_space<vmem>>) target(%dma_start3A_1383 : memref<10240x128xf32, #tpu.memory_space<vmem_shared>>) offsets(%dma_start3A_1380 : memref<32xi32, #tpu.memory_space<vmem>>) semaphore(%arg35 : memref<!tpu.dma_semaphore, #tpu.memory_space<semaphore_mem>>) {add = true}
      %dma_wait3A_1384 = arith.constant 7 : i32
      %dma_wait3A_1385 = arith.constant 0 : i32
      %dma_wait3A_1386 = tpu.memref_slice %arg8[%dma_wait3A_1384, %dma_wait3A_1385] : memref<32x32xi32, #tpu.memory_space<vmem>> -> memref<1x32xi32, #tpu.memory_space<vmem>>
      %dma_wait3A_1387 = tpu.memref_squeeze %dma_wait3A_1386 : memref<1x32xi32, #tpu.memory_space<vmem>> -> memref<32xi32, #tpu.memory_space<vmem>>
      %dma_wait3A_1388 = arith.constant 0 : i32
      %dma_wait3A_1389 = arith.constant 0 : i32
      %dma_wait3A_1390 = tpu.memref_slice %arg17[%dma_wait3A_1388, %dma_wait3A_1389] : memref<10240x128xf32, #tpu.memory_space<vmem_shared>> -> memref<10240x128xf32, #tpu.memory_space<vmem_shared>>
      tpu.wait_indirect_dma semaphore(%arg35 : memref<!tpu.dma_semaphore, #tpu.memory_space<semaphore_mem>>) src(%arg16 : memref<32x128xf32, #tpu.memory_space<vmem>>) dst(%dma_wait3A_1390 : memref<10240x128xf32, #tpu.memory_space<vmem_shared>>)
      %dma_start3A_1391 = arith.constant 15 : i32
      %dma_start3A_1392 = arith.constant 0 : i32
      %dma_start3A_1393 = tpu.memref_slice %arg6[%dma_start3A_1391, %dma_start3A_1392] : memref<32x32xi32, #tpu.memory_space<vmem>> -> memref<1x32xi32, #tpu.memory_space<vmem>>
      %dma_start3A_1394 = tpu.memref_squeeze %dma_start3A_1393 : memref<1x32xi32, #tpu.memory_space<vmem>> -> memref<32xi32, #tpu.memory_space<vmem>>
      %dma_start3A_1395 = arith.constant 0 : i32
      %dma_start3A_1396 = arith.constant 0 : i32
      %dma_start3A_1397 = tpu.memref_slice %arg2[%dma_start3A_1395, %dma_start3A_1396] : memref<10000x128xf32, #tpu.memory_space<hbm>> -> memref<10000x128xf32, #tpu.memory_space<hbm>>
      tpu.enqueue_indirect_dma source(%dma_start3A_1397 : memref<10000x128xf32, #tpu.memory_space<hbm>>) target(%arg16 : memref<32x128xf32, #tpu.memory_space<vmem>>) offsets(%dma_start3A_1394 : memref<32xi32, #tpu.memory_space<vmem>>) semaphore(%arg27 : memref<!tpu.dma_semaphore, #tpu.memory_space<semaphore_mem>>)
      %dma_wait3A_1398 = arith.constant 8 : i32
      %dma_wait3A_1399 = arith.constant 0 : i32
      %dma_wait3A_1400 = tpu.memref_slice %arg6[%dma_wait3A_1398, %dma_wait3A_1399] : memref<32x32xi32, #tpu.memory_space<vmem>> -> memref<1x32xi32, #tpu.memory_space<vmem>>
      %dma_wait3A_1401 = tpu.memref_squeeze %dma_wait3A_1400 : memref<1x32xi32, #tpu.memory_space<vmem>> -> memref<32xi32, #tpu.memory_space<vmem>>
      %dma_wait3A_1402 = arith.constant 0 : i32
      %dma_wait3A_1403 = arith.constant 0 : i32
      %dma_wait3A_1404 = tpu.memref_slice %arg2[%dma_wait3A_1402, %dma_wait3A_1403] : memref<10000x128xf32, #tpu.memory_space<hbm>> -> memref<10000x128xf32, #tpu.memory_space<hbm>>
      tpu.wait_indirect_dma semaphore(%arg20 : memref<!tpu.dma_semaphore, #tpu.memory_space<semaphore_mem>>) src(%dma_wait3A_1404 : memref<10000x128xf32, #tpu.memory_space<hbm>>) dst(%arg9 : memref<32x128xf32, #tpu.memory_space<vmem>>)
      %dma_start3A_1405 = arith.constant 8 : i32
      %dma_start3A_1406 = arith.constant 0 : i32
      %dma_start3A_1407 = tpu.memref_slice %arg8[%dma_start3A_1405, %dma_start3A_1406] : memref<32x32xi32, #tpu.memory_space<vmem>> -> memref<1x32xi32, #tpu.memory_space<vmem>>
      %dma_start3A_1408 = tpu.memref_squeeze %dma_start3A_1407 : memref<1x32xi32, #tpu.memory_space<vmem>> -> memref<32xi32, #tpu.memory_space<vmem>>
      %dma_start3A_1409 = arith.constant 0 : i32
      %dma_start3A_1410 = arith.constant 0 : i32
      %dma_start3A_1411 = tpu.memref_slice %arg17[%dma_start3A_1409, %dma_start3A_1410] : memref<10240x128xf32, #tpu.memory_space<vmem_shared>> -> memref<10240x128xf32, #tpu.memory_space<vmem_shared>>
      tpu.enqueue_indirect_dma source(%arg9 : memref<32x128xf32, #tpu.memory_space<vmem>>) target(%dma_start3A_1411 : memref<10240x128xf32, #tpu.memory_space<vmem_shared>>) offsets(%dma_start3A_1408 : memref<32xi32, #tpu.memory_space<vmem>>) semaphore(%arg28 : memref<!tpu.dma_semaphore, #tpu.memory_space<semaphore_mem>>) {add = true}
      %dma_wait3A_1412 = arith.constant 8 : i32
      %dma_wait3A_1413 = arith.constant 0 : i32
      %dma_wait3A_1414 = tpu.memref_slice %arg8[%dma_wait3A_1412, %dma_wait3A_1413] : memref<32x32xi32, #tpu.memory_space<vmem>> -> memref<1x32xi32, #tpu.memory_space<vmem>>
      %dma_wait3A_1415 = tpu.memref_squeeze %dma_wait3A_1414 : memref<1x32xi32, #tpu.memory_space<vmem>> -> memref<32xi32, #tpu.memory_space<vmem>>
      %dma_wait3A_1416 = arith.constant 0 : i32
      %dma_wait3A_1417 = arith.constant 0 : i32
      %dma_wait3A_1418 = tpu.memref_slice %arg17[%dma_wait3A_1416, %dma_wait3A_1417] : memref<10240x128xf32, #tpu.memory_space<vmem_shared>> -> memref<10240x128xf32, #tpu.memory_space<vmem_shared>>
      tpu.wait_indirect_dma semaphore(%arg28 : memref<!tpu.dma_semaphore, #tpu.memory_space<semaphore_mem>>) src(%arg9 : memref<32x128xf32, #tpu.memory_space<vmem>>) dst(%dma_wait3A_1418 : memref<10240x128xf32, #tpu.memory_space<vmem_shared>>)
      %dma_start3A_1419 = arith.constant 16 : i32
      %dma_start3A_1420 = arith.constant 0 : i32
      %dma_start3A_1421 = tpu.memref_slice %arg6[%dma_start3A_1419, %dma_start3A_1420] : memref<32x32xi32, #tpu.memory_space<vmem>> -> memref<1x32xi32, #tpu.memory_space<vmem>>
      %dma_start3A_1422 = tpu.memref_squeeze %dma_start3A_1421 : memref<1x32xi32, #tpu.memory_space<vmem>> -> memref<32xi32, #tpu.memory_space<vmem>>
      %dma_start3A_1423 = arith.constant 0 : i32
      %dma_start3A_1424 = arith.constant 0 : i32
      %dma_start3A_1425 = tpu.memref_slice %arg2[%dma_start3A_1423, %dma_start3A_1424] : memref<10000x128xf32, #tpu.memory_space<hbm>> -> memref<10000x128xf32, #tpu.memory_space<hbm>>
      tpu.enqueue_indirect_dma source(%dma_start3A_1425 : memref<10000x128xf32, #tpu.memory_space<hbm>>) target(%arg9 : memref<32x128xf32, #tpu.memory_space<vmem>>) offsets(%dma_start3A_1422 : memref<32xi32, #tpu.memory_space<vmem>>) semaphore(%arg20 : memref<!tpu.dma_semaphore, #tpu.memory_space<semaphore_mem>>)
      %dma_wait3A_1426 = arith.constant 9 : i32
      %dma_wait3A_1427 = arith.constant 0 : i32
      %dma_wait3A_1428 = tpu.memref_slice %arg6[%dma_wait3A_1426, %dma_wait3A_1427] : memref<32x32xi32, #tpu.memory_space<vmem>> -> memref<1x32xi32, #tpu.memory_space<vmem>>
      %dma_wait3A_1429 = tpu.memref_squeeze %dma_wait3A_1428 : memref<1x32xi32, #tpu.memory_space<vmem>> -> memref<32xi32, #tpu.memory_space<vmem>>
      %dma_wait3A_1430 = arith.constant 0 : i32
      %dma_wait3A_1431 = arith.constant 0 : i32
      %dma_wait3A_1432 = tpu.memref_slice %arg2[%dma_wait3A_1430, %dma_wait3A_1431] : memref<10000x128xf32, #tpu.memory_space<hbm>> -> memref<10000x128xf32, #tpu.memory_space<hbm>>
      tpu.wait_indirect_dma semaphore(%arg21 : memref<!tpu.dma_semaphore, #tpu.memory_space<semaphore_mem>>) src(%dma_wait3A_1432 : memref<10000x128xf32, #tpu.memory_space<hbm>>) dst(%arg10 : memref<32x128xf32, #tpu.memory_space<vmem>>)
      %dma_start3A_1433 = arith.constant 9 : i32
      %dma_start3A_1434 = arith.constant 0 : i32
      %dma_start3A_1435 = tpu.memref_slice %arg8[%dma_start3A_1433, %dma_start3A_1434] : memref<32x32xi32, #tpu.memory_space<vmem>> -> memref<1x32xi32, #tpu.memory_space<vmem>>
      %dma_start3A_1436 = tpu.memref_squeeze %dma_start3A_1435 : memref<1x32xi32, #tpu.memory_space<vmem>> -> memref<32xi32, #tpu.memory_space<vmem>>
      %dma_start3A_1437 = arith.constant 0 : i32
      %dma_start3A_1438 = arith.constant 0 : i32
      %dma_start3A_1439 = tpu.memref_slice %arg17[%dma_start3A_1437, %dma_start3A_1438] : memref<10240x128xf32, #tpu.memory_space<vmem_shared>> -> memref<10240x128xf32, #tpu.memory_space<vmem_shared>>
      tpu.enqueue_indirect_dma source(%arg10 : memref<32x128xf32, #tpu.memory_space<vmem>>) target(%dma_start3A_1439 : memref<10240x128xf32, #tpu.memory_space<vmem_shared>>) offsets(%dma_start3A_1436 : memref<32xi32, #tpu.memory_space<vmem>>) semaphore(%arg29 : memref<!tpu.dma_semaphore, #tpu.memory_space<semaphore_mem>>) {add = true}
      %dma_wait3A_1440 = arith.constant 9 : i32
      %dma_wait3A_1441 = arith.constant 0 : i32
      %dma_wait3A_1442 = tpu.memref_slice %arg8[%dma_wait3A_1440, %dma_wait3A_1441] : memref<32x32xi32, #tpu.memory_space<vmem>> -> memref<1x32xi32, #tpu.memory_space<vmem>>
      %dma_wait3A_1443 = tpu.memref_squeeze %dma_wait3A_1442 : memref<1x32xi32, #tpu.memory_space<vmem>> -> memref<32xi32, #tpu.memory_space<vmem>>
      %dma_wait3A_1444 = arith.constant 0 : i32
      %dma_wait3A_1445 = arith.constant 0 : i32
      %dma_wait3A_1446 = tpu.memref_slice %arg17[%dma_wait3A_1444, %dma_wait3A_1445] : memref<10240x128xf32, #tpu.memory_space<vmem_shared>> -> memref<10240x128xf32, #tpu.memory_space<vmem_shared>>
      tpu.wait_indirect_dma semaphore(%arg29 : memref<!tpu.dma_semaphore, #tpu.memory_space<semaphore_mem>>) src(%arg10 : memref<32x128xf32, #tpu.memory_space<vmem>>) dst(%dma_wait3A_1446 : memref<10240x128xf32, #tpu.memory_space<vmem_shared>>)
      %dma_start3A_1447 = arith.constant 17 : i32
      %dma_start3A_1448 = arith.constant 0 : i32
      %dma_start3A_1449 = tpu.memref_slice %arg6[%dma_start3A_1447, %dma_start3A_1448] : memref<32x32xi32, #tpu.memory_space<vmem>> -> memref<1x32xi32, #tpu.memory_space<vmem>>
      %dma_start3A_1450 = tpu.memref_squeeze %dma_start3A_1449 : memref<1x32xi32, #tpu.memory_space<vmem>> -> memref<32xi32, #tpu.memory_space<vmem>>
      %dma_start3A_1451 = arith.constant 0 : i32
      %dma_start3A_1452 = arith.constant 0 : i32
      %dma_start3A_1453 = tpu.memref_slice %arg2[%dma_start3A_1451, %dma_start3A_1452] : memref<10000x128xf32, #tpu.memory_space<hbm>> -> memref<10000x128xf32, #tpu.memory_space<hbm>>
      tpu.enqueue_indirect_dma source(%dma_start3A_1453 : memref<10000x128xf32, #tpu.memory_space<hbm>>) target(%arg10 : memref<32x128xf32, #tpu.memory_space<vmem>>) offsets(%dma_start3A_1450 : memref<32xi32, #tpu.memory_space<vmem>>) semaphore(%arg21 : memref<!tpu.dma_semaphore, #tpu.memory_space<semaphore_mem>>)
      %dma_wait3A_1454 = arith.constant 10 : i32
      %dma_wait3A_1455 = arith.constant 0 : i32
      %dma_wait3A_1456 = tpu.memref_slice %arg6[%dma_wait3A_1454, %dma_wait3A_1455] : memref<32x32xi32, #tpu.memory_space<vmem>> -> memref<1x32xi32, #tpu.memory_space<vmem>>
      %dma_wait3A_1457 = tpu.memref_squeeze %dma_wait3A_1456 : memref<1x32xi32, #tpu.memory_space<vmem>> -> memref<32xi32, #tpu.memory_space<vmem>>
      %dma_wait3A_1458 = arith.constant 0 : i32
      %dma_wait3A_1459 = arith.constant 0 : i32
      %dma_wait3A_1460 = tpu.memref_slice %arg2[%dma_wait3A_1458, %dma_wait3A_1459] : memref<10000x128xf32, #tpu.memory_space<hbm>> -> memref<10000x128xf32, #tpu.memory_space<hbm>>
      tpu.wait_indirect_dma semaphore(%arg22 : memref<!tpu.dma_semaphore, #tpu.memory_space<semaphore_mem>>) src(%dma_wait3A_1460 : memref<10000x128xf32, #tpu.memory_space<hbm>>) dst(%arg11 : memref<32x128xf32, #tpu.memory_space<vmem>>)
      %dma_start3A_1461 = arith.constant 10 : i32
      %dma_start3A_1462 = arith.constant 0 : i32
      %dma_start3A_1463 = tpu.memref_slice %arg8[%dma_start3A_1461, %dma_start3A_1462] : memref<32x32xi32, #tpu.memory_space<vmem>> -> memref<1x32xi32, #tpu.memory_space<vmem>>
      %dma_start3A_1464 = tpu.memref_squeeze %dma_start3A_1463 : memref<1x32xi32, #tpu.memory_space<vmem>> -> memref<32xi32, #tpu.memory_space<vmem>>
      %dma_start3A_1465 = arith.constant 0 : i32
      %dma_start3A_1466 = arith.constant 0 : i32
      %dma_start3A_1467 = tpu.memref_slice %arg17[%dma_start3A_1465, %dma_start3A_1466] : memref<10240x128xf32, #tpu.memory_space<vmem_shared>> -> memref<10240x128xf32, #tpu.memory_space<vmem_shared>>
      tpu.enqueue_indirect_dma source(%arg11 : memref<32x128xf32, #tpu.memory_space<vmem>>) target(%dma_start3A_1467 : memref<10240x128xf32, #tpu.memory_space<vmem_shared>>) offsets(%dma_start3A_1464 : memref<32xi32, #tpu.memory_space<vmem>>) semaphore(%arg30 : memref<!tpu.dma_semaphore, #tpu.memory_space<semaphore_mem>>) {add = true}
      %dma_wait3A_1468 = arith.constant 10 : i32
      %dma_wait3A_1469 = arith.constant 0 : i32
      %dma_wait3A_1470 = tpu.memref_slice %arg8[%dma_wait3A_1468, %dma_wait3A_1469] : memref<32x32xi32, #tpu.memory_space<vmem>> -> memref<1x32xi32, #tpu.memory_space<vmem>>
      %dma_wait3A_1471 = tpu.memref_squeeze %dma_wait3A_1470 : memref<1x32xi32, #tpu.memory_space<vmem>> -> memref<32xi32, #tpu.memory_space<vmem>>
      %dma_wait3A_1472 = arith.constant 0 : i32
      %dma_wait3A_1473 = arith.constant 0 : i32
      %dma_wait3A_1474 = tpu.memref_slice %arg17[%dma_wait3A_1472, %dma_wait3A_1473] : memref<10240x128xf32, #tpu.memory_space<vmem_shared>> -> memref<10240x128xf32, #tpu.memory_space<vmem_shared>>
      tpu.wait_indirect_dma semaphore(%arg30 : memref<!tpu.dma_semaphore, #tpu.memory_space<semaphore_mem>>) src(%arg11 : memref<32x128xf32, #tpu.memory_space<vmem>>) dst(%dma_wait3A_1474 : memref<10240x128xf32, #tpu.memory_space<vmem_shared>>)
      %dma_start3A_1475 = arith.constant 18 : i32
      %dma_start3A_1476 = arith.constant 0 : i32
      %dma_start3A_1477 = tpu.memref_slice %arg6[%dma_start3A_1475, %dma_start3A_1476] : memref<32x32xi32, #tpu.memory_space<vmem>> -> memref<1x32xi32, #tpu.memory_space<vmem>>
      %dma_start3A_1478 = tpu.memref_squeeze %dma_start3A_1477 : memref<1x32xi32, #tpu.memory_space<vmem>> -> memref<32xi32, #tpu.memory_space<vmem>>
      %dma_start3A_1479 = arith.constant 0 : i32
      %dma_start3A_1480 = arith.constant 0 : i32
      %dma_start3A_1481 = tpu.memref_slice %arg2[%dma_start3A_1479, %dma_start3A_1480] : memref<10000x128xf32, #tpu.memory_space<hbm>> -> memref<10000x128xf32, #tpu.memory_space<hbm>>
      tpu.enqueue_indirect_dma source(%dma_start3A_1481 : memref<10000x128xf32, #tpu.memory_space<hbm>>) target(%arg11 : memref<32x128xf32, #tpu.memory_space<vmem>>) offsets(%dma_start3A_1478 : memref<32xi32, #tpu.memory_space<vmem>>) semaphore(%arg22 : memref<!tpu.dma_semaphore, #tpu.memory_space<semaphore_mem>>)
      %dma_wait3A_1482 = arith.constant 11 : i32
      %dma_wait3A_1483 = arith.constant 0 : i32
      %dma_wait3A_1484 = tpu.memref_slice %arg6[%dma_wait3A_1482, %dma_wait3A_1483] : memref<32x32xi32, #tpu.memory_space<vmem>> -> memref<1x32xi32, #tpu.memory_space<vmem>>
      %dma_wait3A_1485 = tpu.memref_squeeze %dma_wait3A_1484 : memref<1x32xi32, #tpu.memory_space<vmem>> -> memref<32xi32, #tpu.memory_space<vmem>>
      %dma_wait3A_1486 = arith.constant 0 : i32
      %dma_wait3A_1487 = arith.constant 0 : i32
      %dma_wait3A_1488 = tpu.memref_slice %arg2[%dma_wait3A_1486, %dma_wait3A_1487] : memref<10000x128xf32, #tpu.memory_space<hbm>> -> memref<10000x128xf32, #tpu.memory_space<hbm>>
      tpu.wait_indirect_dma semaphore(%arg23 : memref<!tpu.dma_semaphore, #tpu.memory_space<semaphore_mem>>) src(%dma_wait3A_1488 : memref<10000x128xf32, #tpu.memory_space<hbm>>) dst(%arg12 : memref<32x128xf32, #tpu.memory_space<vmem>>)
      %dma_start3A_1489 = arith.constant 11 : i32
      %dma_start3A_1490 = arith.constant 0 : i32
      %dma_start3A_1491 = tpu.memref_slice %arg8[%dma_start3A_1489, %dma_start3A_1490] : memref<32x32xi32, #tpu.memory_space<vmem>> -> memref<1x32xi32, #tpu.memory_space<vmem>>
      %dma_start3A_1492 = tpu.memref_squeeze %dma_start3A_1491 : memref<1x32xi32, #tpu.memory_space<vmem>> -> memref<32xi32, #tpu.memory_space<vmem>>
      %dma_start3A_1493 = arith.constant 0 : i32
      %dma_start3A_1494 = arith.constant 0 : i32
      %dma_start3A_1495 = tpu.memref_slice %arg17[%dma_start3A_1493, %dma_start3A_1494] : memref<10240x128xf32, #tpu.memory_space<vmem_shared>> -> memref<10240x128xf32, #tpu.memory_space<vmem_shared>>
      tpu.enqueue_indirect_dma source(%arg12 : memref<32x128xf32, #tpu.memory_space<vmem>>) target(%dma_start3A_1495 : memref<10240x128xf32, #tpu.memory_space<vmem_shared>>) offsets(%dma_start3A_1492 : memref<32xi32, #tpu.memory_space<vmem>>) semaphore(%arg31 : memref<!tpu.dma_semaphore, #tpu.memory_space<semaphore_mem>>) {add = true}
      %dma_wait3A_1496 = arith.constant 11 : i32
      %dma_wait3A_1497 = arith.constant 0 : i32
      %dma_wait3A_1498 = tpu.memref_slice %arg8[%dma_wait3A_1496, %dma_wait3A_1497] : memref<32x32xi32, #tpu.memory_space<vmem>> -> memref<1x32xi32, #tpu.memory_space<vmem>>
      %dma_wait3A_1499 = tpu.memref_squeeze %dma_wait3A_1498 : memref<1x32xi32, #tpu.memory_space<vmem>> -> memref<32xi32, #tpu.memory_space<vmem>>
      %dma_wait3A_1500 = arith.constant 0 : i32
      %dma_wait3A_1501 = arith.constant 0 : i32
      %dma_wait3A_1502 = tpu.memref_slice %arg17[%dma_wait3A_1500, %dma_wait3A_1501] : memref<10240x128xf32, #tpu.memory_space<vmem_shared>> -> memref<10240x128xf32, #tpu.memory_space<vmem_shared>>
      tpu.wait_indirect_dma semaphore(%arg31 : memref<!tpu.dma_semaphore, #tpu.memory_space<semaphore_mem>>) src(%arg12 : memref<32x128xf32, #tpu.memory_space<vmem>>) dst(%dma_wait3A_1502 : memref<10240x128xf32, #tpu.memory_space<vmem_shared>>)
      %dma_start3A_1503 = arith.constant 19 : i32
      %dma_start3A_1504 = arith.constant 0 : i32
      %dma_start3A_1505 = tpu.memref_slice %arg6[%dma_start3A_1503, %dma_start3A_1504] : memref<32x32xi32, #tpu.memory_space<vmem>> -> memref<1x32xi32, #tpu.memory_space<vmem>>
      %dma_start3A_1506 = tpu.memref_squeeze %dma_start3A_1505 : memref<1x32xi32, #tpu.memory_space<vmem>> -> memref<32xi32, #tpu.memory_space<vmem>>
      %dma_start3A_1507 = arith.constant 0 : i32
      %dma_start3A_1508 = arith.constant 0 : i32
      %dma_start3A_1509 = tpu.memref_slice %arg2[%dma_start3A_1507, %dma_start3A_1508] : memref<10000x128xf32, #tpu.memory_space<hbm>> -> memref<10000x128xf32, #tpu.memory_space<hbm>>
      tpu.enqueue_indirect_dma source(%dma_start3A_1509 : memref<10000x128xf32, #tpu.memory_space<hbm>>) target(%arg12 : memref<32x128xf32, #tpu.memory_space<vmem>>) offsets(%dma_start3A_1506 : memref<32xi32, #tpu.memory_space<vmem>>) semaphore(%arg23 : memref<!tpu.dma_semaphore, #tpu.memory_space<semaphore_mem>>)
      %dma_wait3A_1510 = arith.constant 12 : i32
      %dma_wait3A_1511 = arith.constant 0 : i32
      %dma_wait3A_1512 = tpu.memref_slice %arg6[%dma_wait3A_1510, %dma_wait3A_1511] : memref<32x32xi32, #tpu.memory_space<vmem>> -> memref<1x32xi32, #tpu.memory_space<vmem>>
      %dma_wait3A_1513 = tpu.memref_squeeze %dma_wait3A_1512 : memref<1x32xi32, #tpu.memory_space<vmem>> -> memref<32xi32, #tpu.memory_space<vmem>>
      %dma_wait3A_1514 = arith.constant 0 : i32
      %dma_wait3A_1515 = arith.constant 0 : i32
      %dma_wait3A_1516 = tpu.memref_slice %arg2[%dma_wait3A_1514, %dma_wait3A_1515] : memref<10000x128xf32, #tpu.memory_space<hbm>> -> memref<10000x128xf32, #tpu.memory_space<hbm>>
      tpu.wait_indirect_dma semaphore(%arg24 : memref<!tpu.dma_semaphore, #tpu.memory_space<semaphore_mem>>) src(%dma_wait3A_1516 : memref<10000x128xf32, #tpu.memory_space<hbm>>) dst(%arg13 : memref<32x128xf32, #tpu.memory_space<vmem>>)
      %dma_start3A_1517 = arith.constant 12 : i32
      %dma_start3A_1518 = arith.constant 0 : i32
      %dma_start3A_1519 = tpu.memref_slice %arg8[%dma_start3A_1517, %dma_start3A_1518] : memref<32x32xi32, #tpu.memory_space<vmem>> -> memref<1x32xi32, #tpu.memory_space<vmem>>
      %dma_start3A_1520 = tpu.memref_squeeze %dma_start3A_1519 : memref<1x32xi32, #tpu.memory_space<vmem>> -> memref<32xi32, #tpu.memory_space<vmem>>
      %dma_start3A_1521 = arith.constant 0 : i32
      %dma_start3A_1522 = arith.constant 0 : i32
      %dma_start3A_1523 = tpu.memref_slice %arg17[%dma_start3A_1521, %dma_start3A_1522] : memref<10240x128xf32, #tpu.memory_space<vmem_shared>> -> memref<10240x128xf32, #tpu.memory_space<vmem_shared>>
      tpu.enqueue_indirect_dma source(%arg13 : memref<32x128xf32, #tpu.memory_space<vmem>>) target(%dma_start3A_1523 : memref<10240x128xf32, #tpu.memory_space<vmem_shared>>) offsets(%dma_start3A_1520 : memref<32xi32, #tpu.memory_space<vmem>>) semaphore(%arg32 : memref<!tpu.dma_semaphore, #tpu.memory_space<semaphore_mem>>) {add = true}
      %dma_wait3A_1524 = arith.constant 12 : i32
      %dma_wait3A_1525 = arith.constant 0 : i32
      %dma_wait3A_1526 = tpu.memref_slice %arg8[%dma_wait3A_1524, %dma_wait3A_1525] : memref<32x32xi32, #tpu.memory_space<vmem>> -> memref<1x32xi32, #tpu.memory_space<vmem>>
      %dma_wait3A_1527 = tpu.memref_squeeze %dma_wait3A_1526 : memref<1x32xi32, #tpu.memory_space<vmem>> -> memref<32xi32, #tpu.memory_space<vmem>>
      %dma_wait3A_1528 = arith.constant 0 : i32
      %dma_wait3A_1529 = arith.constant 0 : i32
      %dma_wait3A_1530 = tpu.memref_slice %arg17[%dma_wait3A_1528, %dma_wait3A_1529] : memref<10240x128xf32, #tpu.memory_space<vmem_shared>> -> memref<10240x128xf32, #tpu.memory_space<vmem_shared>>
      tpu.wait_indirect_dma semaphore(%arg32 : memref<!tpu.dma_semaphore, #tpu.memory_space<semaphore_mem>>) src(%arg13 : memref<32x128xf32, #tpu.memory_space<vmem>>) dst(%dma_wait3A_1530 : memref<10240x128xf32, #tpu.memory_space<vmem_shared>>)
      %dma_start3A_1531 = arith.constant 20 : i32
      %dma_start3A_1532 = arith.constant 0 : i32
      %dma_start3A_1533 = tpu.memref_slice %arg6[%dma_start3A_1531, %dma_start3A_1532] : memref<32x32xi32, #tpu.memory_space<vmem>> -> memref<1x32xi32, #tpu.memory_space<vmem>>
      %dma_start3A_1534 = tpu.memref_squeeze %dma_start3A_1533 : memref<1x32xi32, #tpu.memory_space<vmem>> -> memref<32xi32, #tpu.memory_space<vmem>>
      %dma_start3A_1535 = arith.constant 0 : i32
      %dma_start3A_1536 = arith.constant 0 : i32
      %dma_start3A_1537 = tpu.memref_slice %arg2[%dma_start3A_1535, %dma_start3A_1536] : memref<10000x128xf32, #tpu.memory_space<hbm>> -> memref<10000x128xf32, #tpu.memory_space<hbm>>
      tpu.enqueue_indirect_dma source(%dma_start3A_1537 : memref<10000x128xf32, #tpu.memory_space<hbm>>) target(%arg13 : memref<32x128xf32, #tpu.memory_space<vmem>>) offsets(%dma_start3A_1534 : memref<32xi32, #tpu.memory_space<vmem>>) semaphore(%arg24 : memref<!tpu.dma_semaphore, #tpu.memory_space<semaphore_mem>>)
      %dma_wait3A_1538 = arith.constant 13 : i32
      %dma_wait3A_1539 = arith.constant 0 : i32
      %dma_wait3A_1540 = tpu.memref_slice %arg6[%dma_wait3A_1538, %dma_wait3A_1539] : memref<32x32xi32, #tpu.memory_space<vmem>> -> memref<1x32xi32, #tpu.memory_space<vmem>>
      %dma_wait3A_1541 = tpu.memref_squeeze %dma_wait3A_1540 : memref<1x32xi32, #tpu.memory_space<vmem>> -> memref<32xi32, #tpu.memory_space<vmem>>
      %dma_wait3A_1542 = arith.constant 0 : i32
      %dma_wait3A_1543 = arith.constant 0 : i32
      %dma_wait3A_1544 = tpu.memref_slice %arg2[%dma_wait3A_1542, %dma_wait3A_1543] : memref<10000x128xf32, #tpu.memory_space<hbm>> -> memref<10000x128xf32, #tpu.memory_space<hbm>>
      tpu.wait_indirect_dma semaphore(%arg25 : memref<!tpu.dma_semaphore, #tpu.memory_space<semaphore_mem>>) src(%dma_wait3A_1544 : memref<10000x128xf32, #tpu.memory_space<hbm>>) dst(%arg14 : memref<32x128xf32, #tpu.memory_space<vmem>>)
      %dma_start3A_1545 = arith.constant 13 : i32
      %dma_start3A_1546 = arith.constant 0 : i32
      %dma_start3A_1547 = tpu.memref_slice %arg8[%dma_start3A_1545, %dma_start3A_1546] : memref<32x32xi32, #tpu.memory_space<vmem>> -> memref<1x32xi32, #tpu.memory_space<vmem>>
      %dma_start3A_1548 = tpu.memref_squeeze %dma_start3A_1547 : memref<1x32xi32, #tpu.memory_space<vmem>> -> memref<32xi32, #tpu.memory_space<vmem>>
      %dma_start3A_1549 = arith.constant 0 : i32
      %dma_start3A_1550 = arith.constant 0 : i32
      %dma_start3A_1551 = tpu.memref_slice %arg17[%dma_start3A_1549, %dma_start3A_1550] : memref<10240x128xf32, #tpu.memory_space<vmem_shared>> -> memref<10240x128xf32, #tpu.memory_space<vmem_shared>>
      tpu.enqueue_indirect_dma source(%arg14 : memref<32x128xf32, #tpu.memory_space<vmem>>) target(%dma_start3A_1551 : memref<10240x128xf32, #tpu.memory_space<vmem_shared>>) offsets(%dma_start3A_1548 : memref<32xi32, #tpu.memory_space<vmem>>) semaphore(%arg33 : memref<!tpu.dma_semaphore, #tpu.memory_space<semaphore_mem>>) {add = true}
      %dma_wait3A_1552 = arith.constant 13 : i32
      %dma_wait3A_1553 = arith.constant 0 : i32
      %dma_wait3A_1554 = tpu.memref_slice %arg8[%dma_wait3A_1552, %dma_wait3A_1553] : memref<32x32xi32, #tpu.memory_space<vmem>> -> memref<1x32xi32, #tpu.memory_space<vmem>>
      %dma_wait3A_1555 = tpu.memref_squeeze %dma_wait3A_1554 : memref<1x32xi32, #tpu.memory_space<vmem>> -> memref<32xi32, #tpu.memory_space<vmem>>
      %dma_wait3A_1556 = arith.constant 0 : i32
      %dma_wait3A_1557 = arith.constant 0 : i32
      %dma_wait3A_1558 = tpu.memref_slice %arg17[%dma_wait3A_1556, %dma_wait3A_1557] : memref<10240x128xf32, #tpu.memory_space<vmem_shared>> -> memref<10240x128xf32, #tpu.memory_space<vmem_shared>>
      tpu.wait_indirect_dma semaphore(%arg33 : memref<!tpu.dma_semaphore, #tpu.memory_space<semaphore_mem>>) src(%arg14 : memref<32x128xf32, #tpu.memory_space<vmem>>) dst(%dma_wait3A_1558 : memref<10240x128xf32, #tpu.memory_space<vmem_shared>>)
      %dma_start3A_1559 = arith.constant 21 : i32
      %dma_start3A_1560 = arith.constant 0 : i32
      %dma_start3A_1561 = tpu.memref_slice %arg6[%dma_start3A_1559, %dma_start3A_1560] : memref<32x32xi32, #tpu.memory_space<vmem>> -> memref<1x32xi32, #tpu.memory_space<vmem>>
      %dma_start3A_1562 = tpu.memref_squeeze %dma_start3A_1561 : memref<1x32xi32, #tpu.memory_space<vmem>> -> memref<32xi32, #tpu.memory_space<vmem>>
      %dma_start3A_1563 = arith.constant 0 : i32
      %dma_start3A_1564 = arith.constant 0 : i32
      %dma_start3A_1565 = tpu.memref_slice %arg2[%dma_start3A_1563, %dma_start3A_1564] : memref<10000x128xf32, #tpu.memory_space<hbm>> -> memref<10000x128xf32, #tpu.memory_space<hbm>>
      tpu.enqueue_indirect_dma source(%dma_start3A_1565 : memref<10000x128xf32, #tpu.memory_space<hbm>>) target(%arg14 : memref<32x128xf32, #tpu.memory_space<vmem>>) offsets(%dma_start3A_1562 : memref<32xi32, #tpu.memory_space<vmem>>) semaphore(%arg25 : memref<!tpu.dma_semaphore, #tpu.memory_space<semaphore_mem>>)
      %dma_wait3A_1566 = arith.constant 14 : i32
      %dma_wait3A_1567 = arith.constant 0 : i32
      %dma_wait3A_1568 = tpu.memref_slice %arg6[%dma_wait3A_1566, %dma_wait3A_1567] : memref<32x32xi32, #tpu.memory_space<vmem>> -> memref<1x32xi32, #tpu.memory_space<vmem>>
      %dma_wait3A_1569 = tpu.memref_squeeze %dma_wait3A_1568 : memref<1x32xi32, #tpu.memory_space<vmem>> -> memref<32xi32, #tpu.memory_space<vmem>>
      %dma_wait3A_1570 = arith.constant 0 : i32
      %dma_wait3A_1571 = arith.constant 0 : i32
      %dma_wait3A_1572 = tpu.memref_slice %arg2[%dma_wait3A_1570, %dma_wait3A_1571] : memref<10000x128xf32, #tpu.memory_space<hbm>> -> memref<10000x128xf32, #tpu.memory_space<hbm>>
      tpu.wait_indirect_dma semaphore(%arg26 : memref<!tpu.dma_semaphore, #tpu.memory_space<semaphore_mem>>) src(%dma_wait3A_1572 : memref<10000x128xf32, #tpu.memory_space<hbm>>) dst(%arg15 : memref<32x128xf32, #tpu.memory_space<vmem>>)
      %dma_start3A_1573 = arith.constant 14 : i32
      %dma_start3A_1574 = arith.constant 0 : i32
      %dma_start3A_1575 = tpu.memref_slice %arg8[%dma_start3A_1573, %dma_start3A_1574] : memref<32x32xi32, #tpu.memory_space<vmem>> -> memref<1x32xi32, #tpu.memory_space<vmem>>
      %dma_start3A_1576 = tpu.memref_squeeze %dma_start3A_1575 : memref<1x32xi32, #tpu.memory_space<vmem>> -> memref<32xi32, #tpu.memory_space<vmem>>
      %dma_start3A_1577 = arith.constant 0 : i32
      %dma_start3A_1578 = arith.constant 0 : i32
      %dma_start3A_1579 = tpu.memref_slice %arg17[%dma_start3A_1577, %dma_start3A_1578] : memref<10240x128xf32, #tpu.memory_space<vmem_shared>> -> memref<10240x128xf32, #tpu.memory_space<vmem_shared>>
      tpu.enqueue_indirect_dma source(%arg15 : memref<32x128xf32, #tpu.memory_space<vmem>>) target(%dma_start3A_1579 : memref<10240x128xf32, #tpu.memory_space<vmem_shared>>) offsets(%dma_start3A_1576 : memref<32xi32, #tpu.memory_space<vmem>>) semaphore(%arg34 : memref<!tpu.dma_semaphore, #tpu.memory_space<semaphore_mem>>) {add = true}
      %dma_wait3A_1580 = arith.constant 14 : i32
      %dma_wait3A_1581 = arith.constant 0 : i32
      %dma_wait3A_1582 = tpu.memref_slice %arg8[%dma_wait3A_1580, %dma_wait3A_1581] : memref<32x32xi32, #tpu.memory_space<vmem>> -> memref<1x32xi32, #tpu.memory_space<vmem>>
      %dma_wait3A_1583 = tpu.memref_squeeze %dma_wait3A_1582 : memref<1x32xi32, #tpu.memory_space<vmem>> -> memref<32xi32, #tpu.memory_space<vmem>>
      %dma_wait3A_1584 = arith.constant 0 : i32
      %dma_wait3A_1585 = arith.constant 0 : i32
      %dma_wait3A_1586 = tpu.memref_slice %arg17[%dma_wait3A_1584, %dma_wait3A_1585] : memref<10240x128xf32, #tpu.memory_space<vmem_shared>> -> memref<10240x128xf32, #tpu.memory_space<vmem_shared>>
      tpu.wait_indirect_dma semaphore(%arg34 : memref<!tpu.dma_semaphore, #tpu.memory_space<semaphore_mem>>) src(%arg15 : memref<32x128xf32, #tpu.memory_space<vmem>>) dst(%dma_wait3A_1586 : memref<10240x128xf32, #tpu.memory_space<vmem_shared>>)
      %dma_start3A_1587 = arith.constant 22 : i32
      %dma_start3A_1588 = arith.constant 0 : i32
      %dma_start3A_1589 = tpu.memref_slice %arg6[%dma_start3A_1587, %dma_start3A_1588] : memref<32x32xi32, #tpu.memory_space<vmem>> -> memref<1x32xi32, #tpu.memory_space<vmem>>
      %dma_start3A_1590 = tpu.memref_squeeze %dma_start3A_1589 : memref<1x32xi32, #tpu.memory_space<vmem>> -> memref<32xi32, #tpu.memory_space<vmem>>
      %dma_start3A_1591 = arith.constant 0 : i32
      %dma_start3A_1592 = arith.constant 0 : i32
      %dma_start3A_1593 = tpu.memref_slice %arg2[%dma_start3A_1591, %dma_start3A_1592] : memref<10000x128xf32, #tpu.memory_space<hbm>> -> memref<10000x128xf32, #tpu.memory_space<hbm>>
      tpu.enqueue_indirect_dma source(%dma_start3A_1593 : memref<10000x128xf32, #tpu.memory_space<hbm>>) target(%arg15 : memref<32x128xf32, #tpu.memory_space<vmem>>) offsets(%dma_start3A_1590 : memref<32xi32, #tpu.memory_space<vmem>>) semaphore(%arg26 : memref<!tpu.dma_semaphore, #tpu.memory_space<semaphore_mem>>)
      %dma_wait3A_1594 = arith.constant 15 : i32
      %dma_wait3A_1595 = arith.constant 0 : i32
      %dma_wait3A_1596 = tpu.memref_slice %arg6[%dma_wait3A_1594, %dma_wait3A_1595] : memref<32x32xi32, #tpu.memory_space<vmem>> -> memref<1x32xi32, #tpu.memory_space<vmem>>
      %dma_wait3A_1597 = tpu.memref_squeeze %dma_wait3A_1596 : memref<1x32xi32, #tpu.memory_space<vmem>> -> memref<32xi32, #tpu.memory_space<vmem>>
      %dma_wait3A_1598 = arith.constant 0 : i32
      %dma_wait3A_1599 = arith.constant 0 : i32
      %dma_wait3A_1600 = tpu.memref_slice %arg2[%dma_wait3A_1598, %dma_wait3A_1599] : memref<10000x128xf32, #tpu.memory_space<hbm>> -> memref<10000x128xf32, #tpu.memory_space<hbm>>
      tpu.wait_indirect_dma semaphore(%arg27 : memref<!tpu.dma_semaphore, #tpu.memory_space<semaphore_mem>>) src(%dma_wait3A_1600 : memref<10000x128xf32, #tpu.memory_space<hbm>>) dst(%arg16 : memref<32x128xf32, #tpu.memory_space<vmem>>)
      %dma_start3A_1601 = arith.constant 15 : i32
      %dma_start3A_1602 = arith.constant 0 : i32
      %dma_start3A_1603 = tpu.memref_slice %arg8[%dma_start3A_1601, %dma_start3A_1602] : memref<32x32xi32, #tpu.memory_space<vmem>> -> memref<1x32xi32, #tpu.memory_space<vmem>>
      %dma_start3A_1604 = tpu.memref_squeeze %dma_start3A_1603 : memref<1x32xi32, #tpu.memory_space<vmem>> -> memref<32xi32, #tpu.memory_space<vmem>>
      %dma_start3A_1605 = arith.constant 0 : i32
      %dma_start3A_1606 = arith.constant 0 : i32
      %dma_start3A_1607 = tpu.memref_slice %arg17[%dma_start3A_1605, %dma_start3A_1606] : memref<10240x128xf32, #tpu.memory_space<vmem_shared>> -> memref<10240x128xf32, #tpu.memory_space<vmem_shared>>
      tpu.enqueue_indirect_dma source(%arg16 : memref<32x128xf32, #tpu.memory_space<vmem>>) target(%dma_start3A_1607 : memref<10240x128xf32, #tpu.memory_space<vmem_shared>>) offsets(%dma_start3A_1604 : memref<32xi32, #tpu.memory_space<vmem>>) semaphore(%arg35 : memref<!tpu.dma_semaphore, #tpu.memory_space<semaphore_mem>>) {add = true}
      %dma_wait3A_1608 = arith.constant 15 : i32
      %dma_wait3A_1609 = arith.constant 0 : i32
      %dma_wait3A_1610 = tpu.memref_slice %arg8[%dma_wait3A_1608, %dma_wait3A_1609] : memref<32x32xi32, #tpu.memory_space<vmem>> -> memref<1x32xi32, #tpu.memory_space<vmem>>
      %dma_wait3A_1611 = tpu.memref_squeeze %dma_wait3A_1610 : memref<1x32xi32, #tpu.memory_space<vmem>> -> memref<32xi32, #tpu.memory_space<vmem>>
      %dma_wait3A_1612 = arith.constant 0 : i32
      %dma_wait3A_1613 = arith.constant 0 : i32
      %dma_wait3A_1614 = tpu.memref_slice %arg17[%dma_wait3A_1612, %dma_wait3A_1613] : memref<10240x128xf32, #tpu.memory_space<vmem_shared>> -> memref<10240x128xf32, #tpu.memory_space<vmem_shared>>
      tpu.wait_indirect_dma semaphore(%arg35 : memref<!tpu.dma_semaphore, #tpu.memory_space<semaphore_mem>>) src(%arg16 : memref<32x128xf32, #tpu.memory_space<vmem>>) dst(%dma_wait3A_1614 : memref<10240x128xf32, #tpu.memory_space<vmem_shared>>)
      %dma_start3A_1615 = arith.constant 23 : i32
      %dma_start3A_1616 = arith.constant 0 : i32
      %dma_start3A_1617 = tpu.memref_slice %arg6[%dma_start3A_1615, %dma_start3A_1616] : memref<32x32xi32, #tpu.memory_space<vmem>> -> memref<1x32xi32, #tpu.memory_space<vmem>>
      %dma_start3A_1618 = tpu.memref_squeeze %dma_start3A_1617 : memref<1x32xi32, #tpu.memory_space<vmem>> -> memref<32xi32, #tpu.memory_space<vmem>>
      %dma_start3A_1619 = arith.constant 0 : i32
      %dma_start3A_1620 = arith.constant 0 : i32
      %dma_start3A_1621 = tpu.memref_slice %arg2[%dma_start3A_1619, %dma_start3A_1620] : memref<10000x128xf32, #tpu.memory_space<hbm>> -> memref<10000x128xf32, #tpu.memory_space<hbm>>
      tpu.enqueue_indirect_dma source(%dma_start3A_1621 : memref<10000x128xf32, #tpu.memory_space<hbm>>) target(%arg16 : memref<32x128xf32, #tpu.memory_space<vmem>>) offsets(%dma_start3A_1618 : memref<32xi32, #tpu.memory_space<vmem>>) semaphore(%arg27 : memref<!tpu.dma_semaphore, #tpu.memory_space<semaphore_mem>>)
      %dma_wait3A_1622 = arith.constant 16 : i32
      %dma_wait3A_1623 = arith.constant 0 : i32
      %dma_wait3A_1624 = tpu.memref_slice %arg6[%dma_wait3A_1622, %dma_wait3A_1623] : memref<32x32xi32, #tpu.memory_space<vmem>> -> memref<1x32xi32, #tpu.memory_space<vmem>>
      %dma_wait3A_1625 = tpu.memref_squeeze %dma_wait3A_1624 : memref<1x32xi32, #tpu.memory_space<vmem>> -> memref<32xi32, #tpu.memory_space<vmem>>
      %dma_wait3A_1626 = arith.constant 0 : i32
      %dma_wait3A_1627 = arith.constant 0 : i32
      %dma_wait3A_1628 = tpu.memref_slice %arg2[%dma_wait3A_1626, %dma_wait3A_1627] : memref<10000x128xf32, #tpu.memory_space<hbm>> -> memref<10000x128xf32, #tpu.memory_space<hbm>>
      tpu.wait_indirect_dma semaphore(%arg20 : memref<!tpu.dma_semaphore, #tpu.memory_space<semaphore_mem>>) src(%dma_wait3A_1628 : memref<10000x128xf32, #tpu.memory_space<hbm>>) dst(%arg9 : memref<32x128xf32, #tpu.memory_space<vmem>>)
      %dma_start3A_1629 = arith.constant 16 : i32
      %dma_start3A_1630 = arith.constant 0 : i32
      %dma_start3A_1631 = tpu.memref_slice %arg8[%dma_start3A_1629, %dma_start3A_1630] : memref<32x32xi32, #tpu.memory_space<vmem>> -> memref<1x32xi32, #tpu.memory_space<vmem>>
      %dma_start3A_1632 = tpu.memref_squeeze %dma_start3A_1631 : memref<1x32xi32, #tpu.memory_space<vmem>> -> memref<32xi32, #tpu.memory_space<vmem>>
      %dma_start3A_1633 = arith.constant 0 : i32
      %dma_start3A_1634 = arith.constant 0 : i32
      %dma_start3A_1635 = tpu.memref_slice %arg17[%dma_start3A_1633, %dma_start3A_1634] : memref<10240x128xf32, #tpu.memory_space<vmem_shared>> -> memref<10240x128xf32, #tpu.memory_space<vmem_shared>>
      tpu.enqueue_indirect_dma source(%arg9 : memref<32x128xf32, #tpu.memory_space<vmem>>) target(%dma_start3A_1635 : memref<10240x128xf32, #tpu.memory_space<vmem_shared>>) offsets(%dma_start3A_1632 : memref<32xi32, #tpu.memory_space<vmem>>) semaphore(%arg28 : memref<!tpu.dma_semaphore, #tpu.memory_space<semaphore_mem>>) {add = true}
      %dma_wait3A_1636 = arith.constant 16 : i32
      %dma_wait3A_1637 = arith.constant 0 : i32
      %dma_wait3A_1638 = tpu.memref_slice %arg8[%dma_wait3A_1636, %dma_wait3A_1637] : memref<32x32xi32, #tpu.memory_space<vmem>> -> memref<1x32xi32, #tpu.memory_space<vmem>>
      %dma_wait3A_1639 = tpu.memref_squeeze %dma_wait3A_1638 : memref<1x32xi32, #tpu.memory_space<vmem>> -> memref<32xi32, #tpu.memory_space<vmem>>
      %dma_wait3A_1640 = arith.constant 0 : i32
      %dma_wait3A_1641 = arith.constant 0 : i32
      %dma_wait3A_1642 = tpu.memref_slice %arg17[%dma_wait3A_1640, %dma_wait3A_1641] : memref<10240x128xf32, #tpu.memory_space<vmem_shared>> -> memref<10240x128xf32, #tpu.memory_space<vmem_shared>>
      tpu.wait_indirect_dma semaphore(%arg28 : memref<!tpu.dma_semaphore, #tpu.memory_space<semaphore_mem>>) src(%arg9 : memref<32x128xf32, #tpu.memory_space<vmem>>) dst(%dma_wait3A_1642 : memref<10240x128xf32, #tpu.memory_space<vmem_shared>>)
      %dma_start3A_1643 = arith.constant 24 : i32
      %dma_start3A_1644 = arith.constant 0 : i32
      %dma_start3A_1645 = tpu.memref_slice %arg6[%dma_start3A_1643, %dma_start3A_1644] : memref<32x32xi32, #tpu.memory_space<vmem>> -> memref<1x32xi32, #tpu.memory_space<vmem>>
      %dma_start3A_1646 = tpu.memref_squeeze %dma_start3A_1645 : memref<1x32xi32, #tpu.memory_space<vmem>> -> memref<32xi32, #tpu.memory_space<vmem>>
      %dma_start3A_1647 = arith.constant 0 : i32
      %dma_start3A_1648 = arith.constant 0 : i32
      %dma_start3A_1649 = tpu.memref_slice %arg2[%dma_start3A_1647, %dma_start3A_1648] : memref<10000x128xf32, #tpu.memory_space<hbm>> -> memref<10000x128xf32, #tpu.memory_space<hbm>>
      tpu.enqueue_indirect_dma source(%dma_start3A_1649 : memref<10000x128xf32, #tpu.memory_space<hbm>>) target(%arg9 : memref<32x128xf32, #tpu.memory_space<vmem>>) offsets(%dma_start3A_1646 : memref<32xi32, #tpu.memory_space<vmem>>) semaphore(%arg20 : memref<!tpu.dma_semaphore, #tpu.memory_space<semaphore_mem>>)
      %dma_wait3A_1650 = arith.constant 17 : i32
      %dma_wait3A_1651 = arith.constant 0 : i32
      %dma_wait3A_1652 = tpu.memref_slice %arg6[%dma_wait3A_1650, %dma_wait3A_1651] : memref<32x32xi32, #tpu.memory_space<vmem>> -> memref<1x32xi32, #tpu.memory_space<vmem>>
      %dma_wait3A_1653 = tpu.memref_squeeze %dma_wait3A_1652 : memref<1x32xi32, #tpu.memory_space<vmem>> -> memref<32xi32, #tpu.memory_space<vmem>>
      %dma_wait3A_1654 = arith.constant 0 : i32
      %dma_wait3A_1655 = arith.constant 0 : i32
      %dma_wait3A_1656 = tpu.memref_slice %arg2[%dma_wait3A_1654, %dma_wait3A_1655] : memref<10000x128xf32, #tpu.memory_space<hbm>> -> memref<10000x128xf32, #tpu.memory_space<hbm>>
      tpu.wait_indirect_dma semaphore(%arg21 : memref<!tpu.dma_semaphore, #tpu.memory_space<semaphore_mem>>) src(%dma_wait3A_1656 : memref<10000x128xf32, #tpu.memory_space<hbm>>) dst(%arg10 : memref<32x128xf32, #tpu.memory_space<vmem>>)
      %dma_start3A_1657 = arith.constant 17 : i32
      %dma_start3A_1658 = arith.constant 0 : i32
      %dma_start3A_1659 = tpu.memref_slice %arg8[%dma_start3A_1657, %dma_start3A_1658] : memref<32x32xi32, #tpu.memory_space<vmem>> -> memref<1x32xi32, #tpu.memory_space<vmem>>
      %dma_start3A_1660 = tpu.memref_squeeze %dma_start3A_1659 : memref<1x32xi32, #tpu.memory_space<vmem>> -> memref<32xi32, #tpu.memory_space<vmem>>
      %dma_start3A_1661 = arith.constant 0 : i32
      %dma_start3A_1662 = arith.constant 0 : i32
      %dma_start3A_1663 = tpu.memref_slice %arg17[%dma_start3A_1661, %dma_start3A_1662] : memref<10240x128xf32, #tpu.memory_space<vmem_shared>> -> memref<10240x128xf32, #tpu.memory_space<vmem_shared>>
      tpu.enqueue_indirect_dma source(%arg10 : memref<32x128xf32, #tpu.memory_space<vmem>>) target(%dma_start3A_1663 : memref<10240x128xf32, #tpu.memory_space<vmem_shared>>) offsets(%dma_start3A_1660 : memref<32xi32, #tpu.memory_space<vmem>>) semaphore(%arg29 : memref<!tpu.dma_semaphore, #tpu.memory_space<semaphore_mem>>) {add = true}
      %dma_wait3A_1664 = arith.constant 17 : i32
      %dma_wait3A_1665 = arith.constant 0 : i32
      %dma_wait3A_1666 = tpu.memref_slice %arg8[%dma_wait3A_1664, %dma_wait3A_1665] : memref<32x32xi32, #tpu.memory_space<vmem>> -> memref<1x32xi32, #tpu.memory_space<vmem>>
      %dma_wait3A_1667 = tpu.memref_squeeze %dma_wait3A_1666 : memref<1x32xi32, #tpu.memory_space<vmem>> -> memref<32xi32, #tpu.memory_space<vmem>>
      %dma_wait3A_1668 = arith.constant 0 : i32
      %dma_wait3A_1669 = arith.constant 0 : i32
      %dma_wait3A_1670 = tpu.memref_slice %arg17[%dma_wait3A_1668, %dma_wait3A_1669] : memref<10240x128xf32, #tpu.memory_space<vmem_shared>> -> memref<10240x128xf32, #tpu.memory_space<vmem_shared>>
      tpu.wait_indirect_dma semaphore(%arg29 : memref<!tpu.dma_semaphore, #tpu.memory_space<semaphore_mem>>) src(%arg10 : memref<32x128xf32, #tpu.memory_space<vmem>>) dst(%dma_wait3A_1670 : memref<10240x128xf32, #tpu.memory_space<vmem_shared>>)
      %dma_start3A_1671 = arith.constant 25 : i32
      %dma_start3A_1672 = arith.constant 0 : i32
      %dma_start3A_1673 = tpu.memref_slice %arg6[%dma_start3A_1671, %dma_start3A_1672] : memref<32x32xi32, #tpu.memory_space<vmem>> -> memref<1x32xi32, #tpu.memory_space<vmem>>
      %dma_start3A_1674 = tpu.memref_squeeze %dma_start3A_1673 : memref<1x32xi32, #tpu.memory_space<vmem>> -> memref<32xi32, #tpu.memory_space<vmem>>
      %dma_start3A_1675 = arith.constant 0 : i32
      %dma_start3A_1676 = arith.constant 0 : i32
      %dma_start3A_1677 = tpu.memref_slice %arg2[%dma_start3A_1675, %dma_start3A_1676] : memref<10000x128xf32, #tpu.memory_space<hbm>> -> memref<10000x128xf32, #tpu.memory_space<hbm>>
      tpu.enqueue_indirect_dma source(%dma_start3A_1677 : memref<10000x128xf32, #tpu.memory_space<hbm>>) target(%arg10 : memref<32x128xf32, #tpu.memory_space<vmem>>) offsets(%dma_start3A_1674 : memref<32xi32, #tpu.memory_space<vmem>>) semaphore(%arg21 : memref<!tpu.dma_semaphore, #tpu.memory_space<semaphore_mem>>)
      %dma_wait3A_1678 = arith.constant 18 : i32
      %dma_wait3A_1679 = arith.constant 0 : i32
      %dma_wait3A_1680 = tpu.memref_slice %arg6[%dma_wait3A_1678, %dma_wait3A_1679] : memref<32x32xi32, #tpu.memory_space<vmem>> -> memref<1x32xi32, #tpu.memory_space<vmem>>
      %dma_wait3A_1681 = tpu.memref_squeeze %dma_wait3A_1680 : memref<1x32xi32, #tpu.memory_space<vmem>> -> memref<32xi32, #tpu.memory_space<vmem>>
      %dma_wait3A_1682 = arith.constant 0 : i32
      %dma_wait3A_1683 = arith.constant 0 : i32
      %dma_wait3A_1684 = tpu.memref_slice %arg2[%dma_wait3A_1682, %dma_wait3A_1683] : memref<10000x128xf32, #tpu.memory_space<hbm>> -> memref<10000x128xf32, #tpu.memory_space<hbm>>
      tpu.wait_indirect_dma semaphore(%arg22 : memref<!tpu.dma_semaphore, #tpu.memory_space<semaphore_mem>>) src(%dma_wait3A_1684 : memref<10000x128xf32, #tpu.memory_space<hbm>>) dst(%arg11 : memref<32x128xf32, #tpu.memory_space<vmem>>)
      %dma_start3A_1685 = arith.constant 18 : i32
      %dma_start3A_1686 = arith.constant 0 : i32
      %dma_start3A_1687 = tpu.memref_slice %arg8[%dma_start3A_1685, %dma_start3A_1686] : memref<32x32xi32, #tpu.memory_space<vmem>> -> memref<1x32xi32, #tpu.memory_space<vmem>>
      %dma_start3A_1688 = tpu.memref_squeeze %dma_start3A_1687 : memref<1x32xi32, #tpu.memory_space<vmem>> -> memref<32xi32, #tpu.memory_space<vmem>>
      %dma_start3A_1689 = arith.constant 0 : i32
      %dma_start3A_1690 = arith.constant 0 : i32
      %dma_start3A_1691 = tpu.memref_slice %arg17[%dma_start3A_1689, %dma_start3A_1690] : memref<10240x128xf32, #tpu.memory_space<vmem_shared>> -> memref<10240x128xf32, #tpu.memory_space<vmem_shared>>
      tpu.enqueue_indirect_dma source(%arg11 : memref<32x128xf32, #tpu.memory_space<vmem>>) target(%dma_start3A_1691 : memref<10240x128xf32, #tpu.memory_space<vmem_shared>>) offsets(%dma_start3A_1688 : memref<32xi32, #tpu.memory_space<vmem>>) semaphore(%arg30 : memref<!tpu.dma_semaphore, #tpu.memory_space<semaphore_mem>>) {add = true}
      %dma_wait3A_1692 = arith.constant 18 : i32
      %dma_wait3A_1693 = arith.constant 0 : i32
      %dma_wait3A_1694 = tpu.memref_slice %arg8[%dma_wait3A_1692, %dma_wait3A_1693] : memref<32x32xi32, #tpu.memory_space<vmem>> -> memref<1x32xi32, #tpu.memory_space<vmem>>
      %dma_wait3A_1695 = tpu.memref_squeeze %dma_wait3A_1694 : memref<1x32xi32, #tpu.memory_space<vmem>> -> memref<32xi32, #tpu.memory_space<vmem>>
      %dma_wait3A_1696 = arith.constant 0 : i32
      %dma_wait3A_1697 = arith.constant 0 : i32
      %dma_wait3A_1698 = tpu.memref_slice %arg17[%dma_wait3A_1696, %dma_wait3A_1697] : memref<10240x128xf32, #tpu.memory_space<vmem_shared>> -> memref<10240x128xf32, #tpu.memory_space<vmem_shared>>
      tpu.wait_indirect_dma semaphore(%arg30 : memref<!tpu.dma_semaphore, #tpu.memory_space<semaphore_mem>>) src(%arg11 : memref<32x128xf32, #tpu.memory_space<vmem>>) dst(%dma_wait3A_1698 : memref<10240x128xf32, #tpu.memory_space<vmem_shared>>)
      %dma_start3A_1699 = arith.constant 26 : i32
      %dma_start3A_1700 = arith.constant 0 : i32
      %dma_start3A_1701 = tpu.memref_slice %arg6[%dma_start3A_1699, %dma_start3A_1700] : memref<32x32xi32, #tpu.memory_space<vmem>> -> memref<1x32xi32, #tpu.memory_space<vmem>>
      %dma_start3A_1702 = tpu.memref_squeeze %dma_start3A_1701 : memref<1x32xi32, #tpu.memory_space<vmem>> -> memref<32xi32, #tpu.memory_space<vmem>>
      %dma_start3A_1703 = arith.constant 0 : i32
      %dma_start3A_1704 = arith.constant 0 : i32
      %dma_start3A_1705 = tpu.memref_slice %arg2[%dma_start3A_1703, %dma_start3A_1704] : memref<10000x128xf32, #tpu.memory_space<hbm>> -> memref<10000x128xf32, #tpu.memory_space<hbm>>
      tpu.enqueue_indirect_dma source(%dma_start3A_1705 : memref<10000x128xf32, #tpu.memory_space<hbm>>) target(%arg11 : memref<32x128xf32, #tpu.memory_space<vmem>>) offsets(%dma_start3A_1702 : memref<32xi32, #tpu.memory_space<vmem>>) semaphore(%arg22 : memref<!tpu.dma_semaphore, #tpu.memory_space<semaphore_mem>>)
      %dma_wait3A_1706 = arith.constant 19 : i32
      %dma_wait3A_1707 = arith.constant 0 : i32
      %dma_wait3A_1708 = tpu.memref_slice %arg6[%dma_wait3A_1706, %dma_wait3A_1707] : memref<32x32xi32, #tpu.memory_space<vmem>> -> memref<1x32xi32, #tpu.memory_space<vmem>>
      %dma_wait3A_1709 = tpu.memref_squeeze %dma_wait3A_1708 : memref<1x32xi32, #tpu.memory_space<vmem>> -> memref<32xi32, #tpu.memory_space<vmem>>
      %dma_wait3A_1710 = arith.constant 0 : i32
      %dma_wait3A_1711 = arith.constant 0 : i32
      %dma_wait3A_1712 = tpu.memref_slice %arg2[%dma_wait3A_1710, %dma_wait3A_1711] : memref<10000x128xf32, #tpu.memory_space<hbm>> -> memref<10000x128xf32, #tpu.memory_space<hbm>>
      tpu.wait_indirect_dma semaphore(%arg23 : memref<!tpu.dma_semaphore, #tpu.memory_space<semaphore_mem>>) src(%dma_wait3A_1712 : memref<10000x128xf32, #tpu.memory_space<hbm>>) dst(%arg12 : memref<32x128xf32, #tpu.memory_space<vmem>>)
      %dma_start3A_1713 = arith.constant 19 : i32
      %dma_start3A_1714 = arith.constant 0 : i32
      %dma_start3A_1715 = tpu.memref_slice %arg8[%dma_start3A_1713, %dma_start3A_1714] : memref<32x32xi32, #tpu.memory_space<vmem>> -> memref<1x32xi32, #tpu.memory_space<vmem>>
      %dma_start3A_1716 = tpu.memref_squeeze %dma_start3A_1715 : memref<1x32xi32, #tpu.memory_space<vmem>> -> memref<32xi32, #tpu.memory_space<vmem>>
      %dma_start3A_1717 = arith.constant 0 : i32
      %dma_start3A_1718 = arith.constant 0 : i32
      %dma_start3A_1719 = tpu.memref_slice %arg17[%dma_start3A_1717, %dma_start3A_1718] : memref<10240x128xf32, #tpu.memory_space<vmem_shared>> -> memref<10240x128xf32, #tpu.memory_space<vmem_shared>>
      tpu.enqueue_indirect_dma source(%arg12 : memref<32x128xf32, #tpu.memory_space<vmem>>) target(%dma_start3A_1719 : memref<10240x128xf32, #tpu.memory_space<vmem_shared>>) offsets(%dma_start3A_1716 : memref<32xi32, #tpu.memory_space<vmem>>) semaphore(%arg31 : memref<!tpu.dma_semaphore, #tpu.memory_space<semaphore_mem>>) {add = true}
      %dma_wait3A_1720 = arith.constant 19 : i32
      %dma_wait3A_1721 = arith.constant 0 : i32
      %dma_wait3A_1722 = tpu.memref_slice %arg8[%dma_wait3A_1720, %dma_wait3A_1721] : memref<32x32xi32, #tpu.memory_space<vmem>> -> memref<1x32xi32, #tpu.memory_space<vmem>>
      %dma_wait3A_1723 = tpu.memref_squeeze %dma_wait3A_1722 : memref<1x32xi32, #tpu.memory_space<vmem>> -> memref<32xi32, #tpu.memory_space<vmem>>
      %dma_wait3A_1724 = arith.constant 0 : i32
      %dma_wait3A_1725 = arith.constant 0 : i32
      %dma_wait3A_1726 = tpu.memref_slice %arg17[%dma_wait3A_1724, %dma_wait3A_1725] : memref<10240x128xf32, #tpu.memory_space<vmem_shared>> -> memref<10240x128xf32, #tpu.memory_space<vmem_shared>>
      tpu.wait_indirect_dma semaphore(%arg31 : memref<!tpu.dma_semaphore, #tpu.memory_space<semaphore_mem>>) src(%arg12 : memref<32x128xf32, #tpu.memory_space<vmem>>) dst(%dma_wait3A_1726 : memref<10240x128xf32, #tpu.memory_space<vmem_shared>>)
      %dma_start3A_1727 = arith.constant 27 : i32
      %dma_start3A_1728 = arith.constant 0 : i32
      %dma_start3A_1729 = tpu.memref_slice %arg6[%dma_start3A_1727, %dma_start3A_1728] : memref<32x32xi32, #tpu.memory_space<vmem>> -> memref<1x32xi32, #tpu.memory_space<vmem>>
      %dma_start3A_1730 = tpu.memref_squeeze %dma_start3A_1729 : memref<1x32xi32, #tpu.memory_space<vmem>> -> memref<32xi32, #tpu.memory_space<vmem>>
      %dma_start3A_1731 = arith.constant 0 : i32
      %dma_start3A_1732 = arith.constant 0 : i32
      %dma_start3A_1733 = tpu.memref_slice %arg2[%dma_start3A_1731, %dma_start3A_1732] : memref<10000x128xf32, #tpu.memory_space<hbm>> -> memref<10000x128xf32, #tpu.memory_space<hbm>>
      tpu.enqueue_indirect_dma source(%dma_start3A_1733 : memref<10000x128xf32, #tpu.memory_space<hbm>>) target(%arg12 : memref<32x128xf32, #tpu.memory_space<vmem>>) offsets(%dma_start3A_1730 : memref<32xi32, #tpu.memory_space<vmem>>) semaphore(%arg23 : memref<!tpu.dma_semaphore, #tpu.memory_space<semaphore_mem>>)
      %dma_wait3A_1734 = arith.constant 20 : i32
      %dma_wait3A_1735 = arith.constant 0 : i32
      %dma_wait3A_1736 = tpu.memref_slice %arg6[%dma_wait3A_1734, %dma_wait3A_1735] : memref<32x32xi32, #tpu.memory_space<vmem>> -> memref<1x32xi32, #tpu.memory_space<vmem>>
      %dma_wait3A_1737 = tpu.memref_squeeze %dma_wait3A_1736 : memref<1x32xi32, #tpu.memory_space<vmem>> -> memref<32xi32, #tpu.memory_space<vmem>>
      %dma_wait3A_1738 = arith.constant 0 : i32
      %dma_wait3A_1739 = arith.constant 0 : i32
      %dma_wait3A_1740 = tpu.memref_slice %arg2[%dma_wait3A_1738, %dma_wait3A_1739] : memref<10000x128xf32, #tpu.memory_space<hbm>> -> memref<10000x128xf32, #tpu.memory_space<hbm>>
      tpu.wait_indirect_dma semaphore(%arg24 : memref<!tpu.dma_semaphore, #tpu.memory_space<semaphore_mem>>) src(%dma_wait3A_1740 : memref<10000x128xf32, #tpu.memory_space<hbm>>) dst(%arg13 : memref<32x128xf32, #tpu.memory_space<vmem>>)
      %dma_start3A_1741 = arith.constant 20 : i32
      %dma_start3A_1742 = arith.constant 0 : i32
      %dma_start3A_1743 = tpu.memref_slice %arg8[%dma_start3A_1741, %dma_start3A_1742] : memref<32x32xi32, #tpu.memory_space<vmem>> -> memref<1x32xi32, #tpu.memory_space<vmem>>
      %dma_start3A_1744 = tpu.memref_squeeze %dma_start3A_1743 : memref<1x32xi32, #tpu.memory_space<vmem>> -> memref<32xi32, #tpu.memory_space<vmem>>
      %dma_start3A_1745 = arith.constant 0 : i32
      %dma_start3A_1746 = arith.constant 0 : i32
      %dma_start3A_1747 = tpu.memref_slice %arg17[%dma_start3A_1745, %dma_start3A_1746] : memref<10240x128xf32, #tpu.memory_space<vmem_shared>> -> memref<10240x128xf32, #tpu.memory_space<vmem_shared>>
      tpu.enqueue_indirect_dma source(%arg13 : memref<32x128xf32, #tpu.memory_space<vmem>>) target(%dma_start3A_1747 : memref<10240x128xf32, #tpu.memory_space<vmem_shared>>) offsets(%dma_start3A_1744 : memref<32xi32, #tpu.memory_space<vmem>>) semaphore(%arg32 : memref<!tpu.dma_semaphore, #tpu.memory_space<semaphore_mem>>) {add = true}
      %dma_wait3A_1748 = arith.constant 20 : i32
      %dma_wait3A_1749 = arith.constant 0 : i32
      %dma_wait3A_1750 = tpu.memref_slice %arg8[%dma_wait3A_1748, %dma_wait3A_1749] : memref<32x32xi32, #tpu.memory_space<vmem>> -> memref<1x32xi32, #tpu.memory_space<vmem>>
      %dma_wait3A_1751 = tpu.memref_squeeze %dma_wait3A_1750 : memref<1x32xi32, #tpu.memory_space<vmem>> -> memref<32xi32, #tpu.memory_space<vmem>>
      %dma_wait3A_1752 = arith.constant 0 : i32
      %dma_wait3A_1753 = arith.constant 0 : i32
      %dma_wait3A_1754 = tpu.memref_slice %arg17[%dma_wait3A_1752, %dma_wait3A_1753] : memref<10240x128xf32, #tpu.memory_space<vmem_shared>> -> memref<10240x128xf32, #tpu.memory_space<vmem_shared>>
      tpu.wait_indirect_dma semaphore(%arg32 : memref<!tpu.dma_semaphore, #tpu.memory_space<semaphore_mem>>) src(%arg13 : memref<32x128xf32, #tpu.memory_space<vmem>>) dst(%dma_wait3A_1754 : memref<10240x128xf32, #tpu.memory_space<vmem_shared>>)
      %dma_start3A_1755 = arith.constant 28 : i32
      %dma_start3A_1756 = arith.constant 0 : i32
      %dma_start3A_1757 = tpu.memref_slice %arg6[%dma_start3A_1755, %dma_start3A_1756] : memref<32x32xi32, #tpu.memory_space<vmem>> -> memref<1x32xi32, #tpu.memory_space<vmem>>
      %dma_start3A_1758 = tpu.memref_squeeze %dma_start3A_1757 : memref<1x32xi32, #tpu.memory_space<vmem>> -> memref<32xi32, #tpu.memory_space<vmem>>
      %dma_start3A_1759 = arith.constant 0 : i32
      %dma_start3A_1760 = arith.constant 0 : i32
      %dma_start3A_1761 = tpu.memref_slice %arg2[%dma_start3A_1759, %dma_start3A_1760] : memref<10000x128xf32, #tpu.memory_space<hbm>> -> memref<10000x128xf32, #tpu.memory_space<hbm>>
      tpu.enqueue_indirect_dma source(%dma_start3A_1761 : memref<10000x128xf32, #tpu.memory_space<hbm>>) target(%arg13 : memref<32x128xf32, #tpu.memory_space<vmem>>) offsets(%dma_start3A_1758 : memref<32xi32, #tpu.memory_space<vmem>>) semaphore(%arg24 : memref<!tpu.dma_semaphore, #tpu.memory_space<semaphore_mem>>)
      %dma_wait3A_1762 = arith.constant 21 : i32
      %dma_wait3A_1763 = arith.constant 0 : i32
      %dma_wait3A_1764 = tpu.memref_slice %arg6[%dma_wait3A_1762, %dma_wait3A_1763] : memref<32x32xi32, #tpu.memory_space<vmem>> -> memref<1x32xi32, #tpu.memory_space<vmem>>
      %dma_wait3A_1765 = tpu.memref_squeeze %dma_wait3A_1764 : memref<1x32xi32, #tpu.memory_space<vmem>> -> memref<32xi32, #tpu.memory_space<vmem>>
      %dma_wait3A_1766 = arith.constant 0 : i32
      %dma_wait3A_1767 = arith.constant 0 : i32
      %dma_wait3A_1768 = tpu.memref_slice %arg2[%dma_wait3A_1766, %dma_wait3A_1767] : memref<10000x128xf32, #tpu.memory_space<hbm>> -> memref<10000x128xf32, #tpu.memory_space<hbm>>
      tpu.wait_indirect_dma semaphore(%arg25 : memref<!tpu.dma_semaphore, #tpu.memory_space<semaphore_mem>>) src(%dma_wait3A_1768 : memref<10000x128xf32, #tpu.memory_space<hbm>>) dst(%arg14 : memref<32x128xf32, #tpu.memory_space<vmem>>)
      %dma_start3A_1769 = arith.constant 21 : i32
      %dma_start3A_1770 = arith.constant 0 : i32
      %dma_start3A_1771 = tpu.memref_slice %arg8[%dma_start3A_1769, %dma_start3A_1770] : memref<32x32xi32, #tpu.memory_space<vmem>> -> memref<1x32xi32, #tpu.memory_space<vmem>>
      %dma_start3A_1772 = tpu.memref_squeeze %dma_start3A_1771 : memref<1x32xi32, #tpu.memory_space<vmem>> -> memref<32xi32, #tpu.memory_space<vmem>>
      %dma_start3A_1773 = arith.constant 0 : i32
      %dma_start3A_1774 = arith.constant 0 : i32
      %dma_start3A_1775 = tpu.memref_slice %arg17[%dma_start3A_1773, %dma_start3A_1774] : memref<10240x128xf32, #tpu.memory_space<vmem_shared>> -> memref<10240x128xf32, #tpu.memory_space<vmem_shared>>
      tpu.enqueue_indirect_dma source(%arg14 : memref<32x128xf32, #tpu.memory_space<vmem>>) target(%dma_start3A_1775 : memref<10240x128xf32, #tpu.memory_space<vmem_shared>>) offsets(%dma_start3A_1772 : memref<32xi32, #tpu.memory_space<vmem>>) semaphore(%arg33 : memref<!tpu.dma_semaphore, #tpu.memory_space<semaphore_mem>>) {add = true}
      %dma_wait3A_1776 = arith.constant 21 : i32
      %dma_wait3A_1777 = arith.constant 0 : i32
      %dma_wait3A_1778 = tpu.memref_slice %arg8[%dma_wait3A_1776, %dma_wait3A_1777] : memref<32x32xi32, #tpu.memory_space<vmem>> -> memref<1x32xi32, #tpu.memory_space<vmem>>
      %dma_wait3A_1779 = tpu.memref_squeeze %dma_wait3A_1778 : memref<1x32xi32, #tpu.memory_space<vmem>> -> memref<32xi32, #tpu.memory_space<vmem>>
      %dma_wait3A_1780 = arith.constant 0 : i32
      %dma_wait3A_1781 = arith.constant 0 : i32
      %dma_wait3A_1782 = tpu.memref_slice %arg17[%dma_wait3A_1780, %dma_wait3A_1781] : memref<10240x128xf32, #tpu.memory_space<vmem_shared>> -> memref<10240x128xf32, #tpu.memory_space<vmem_shared>>
      tpu.wait_indirect_dma semaphore(%arg33 : memref<!tpu.dma_semaphore, #tpu.memory_space<semaphore_mem>>) src(%arg14 : memref<32x128xf32, #tpu.memory_space<vmem>>) dst(%dma_wait3A_1782 : memref<10240x128xf32, #tpu.memory_space<vmem_shared>>)
      %dma_start3A_1783 = arith.constant 29 : i32
      %dma_start3A_1784 = arith.constant 0 : i32
      %dma_start3A_1785 = tpu.memref_slice %arg6[%dma_start3A_1783, %dma_start3A_1784] : memref<32x32xi32, #tpu.memory_space<vmem>> -> memref<1x32xi32, #tpu.memory_space<vmem>>
      %dma_start3A_1786 = tpu.memref_squeeze %dma_start3A_1785 : memref<1x32xi32, #tpu.memory_space<vmem>> -> memref<32xi32, #tpu.memory_space<vmem>>
      %dma_start3A_1787 = arith.constant 0 : i32
      %dma_start3A_1788 = arith.constant 0 : i32
      %dma_start3A_1789 = tpu.memref_slice %arg2[%dma_start3A_1787, %dma_start3A_1788] : memref<10000x128xf32, #tpu.memory_space<hbm>> -> memref<10000x128xf32, #tpu.memory_space<hbm>>
      tpu.enqueue_indirect_dma source(%dma_start3A_1789 : memref<10000x128xf32, #tpu.memory_space<hbm>>) target(%arg14 : memref<32x128xf32, #tpu.memory_space<vmem>>) offsets(%dma_start3A_1786 : memref<32xi32, #tpu.memory_space<vmem>>) semaphore(%arg25 : memref<!tpu.dma_semaphore, #tpu.memory_space<semaphore_mem>>)
      %dma_wait3A_1790 = arith.constant 22 : i32
      %dma_wait3A_1791 = arith.constant 0 : i32
      %dma_wait3A_1792 = tpu.memref_slice %arg6[%dma_wait3A_1790, %dma_wait3A_1791] : memref<32x32xi32, #tpu.memory_space<vmem>> -> memref<1x32xi32, #tpu.memory_space<vmem>>
      %dma_wait3A_1793 = tpu.memref_squeeze %dma_wait3A_1792 : memref<1x32xi32, #tpu.memory_space<vmem>> -> memref<32xi32, #tpu.memory_space<vmem>>
      %dma_wait3A_1794 = arith.constant 0 : i32
      %dma_wait3A_1795 = arith.constant 0 : i32
      %dma_wait3A_1796 = tpu.memref_slice %arg2[%dma_wait3A_1794, %dma_wait3A_1795] : memref<10000x128xf32, #tpu.memory_space<hbm>> -> memref<10000x128xf32, #tpu.memory_space<hbm>>
      tpu.wait_indirect_dma semaphore(%arg26 : memref<!tpu.dma_semaphore, #tpu.memory_space<semaphore_mem>>) src(%dma_wait3A_1796 : memref<10000x128xf32, #tpu.memory_space<hbm>>) dst(%arg15 : memref<32x128xf32, #tpu.memory_space<vmem>>)
      %dma_start3A_1797 = arith.constant 22 : i32
      %dma_start3A_1798 = arith.constant 0 : i32
      %dma_start3A_1799 = tpu.memref_slice %arg8[%dma_start3A_1797, %dma_start3A_1798] : memref<32x32xi32, #tpu.memory_space<vmem>> -> memref<1x32xi32, #tpu.memory_space<vmem>>
      %dma_start3A_1800 = tpu.memref_squeeze %dma_start3A_1799 : memref<1x32xi32, #tpu.memory_space<vmem>> -> memref<32xi32, #tpu.memory_space<vmem>>
      %dma_start3A_1801 = arith.constant 0 : i32
      %dma_start3A_1802 = arith.constant 0 : i32
      %dma_start3A_1803 = tpu.memref_slice %arg17[%dma_start3A_1801, %dma_start3A_1802] : memref<10240x128xf32, #tpu.memory_space<vmem_shared>> -> memref<10240x128xf32, #tpu.memory_space<vmem_shared>>
      tpu.enqueue_indirect_dma source(%arg15 : memref<32x128xf32, #tpu.memory_space<vmem>>) target(%dma_start3A_1803 : memref<10240x128xf32, #tpu.memory_space<vmem_shared>>) offsets(%dma_start3A_1800 : memref<32xi32, #tpu.memory_space<vmem>>) semaphore(%arg34 : memref<!tpu.dma_semaphore, #tpu.memory_space<semaphore_mem>>) {add = true}
      %dma_wait3A_1804 = arith.constant 22 : i32
      %dma_wait3A_1805 = arith.constant 0 : i32
      %dma_wait3A_1806 = tpu.memref_slice %arg8[%dma_wait3A_1804, %dma_wait3A_1805] : memref<32x32xi32, #tpu.memory_space<vmem>> -> memref<1x32xi32, #tpu.memory_space<vmem>>
      %dma_wait3A_1807 = tpu.memref_squeeze %dma_wait3A_1806 : memref<1x32xi32, #tpu.memory_space<vmem>> -> memref<32xi32, #tpu.memory_space<vmem>>
      %dma_wait3A_1808 = arith.constant 0 : i32
      %dma_wait3A_1809 = arith.constant 0 : i32
      %dma_wait3A_1810 = tpu.memref_slice %arg17[%dma_wait3A_1808, %dma_wait3A_1809] : memref<10240x128xf32, #tpu.memory_space<vmem_shared>> -> memref<10240x128xf32, #tpu.memory_space<vmem_shared>>
      tpu.wait_indirect_dma semaphore(%arg34 : memref<!tpu.dma_semaphore, #tpu.memory_space<semaphore_mem>>) src(%arg15 : memref<32x128xf32, #tpu.memory_space<vmem>>) dst(%dma_wait3A_1810 : memref<10240x128xf32, #tpu.memory_space<vmem_shared>>)
      %dma_start3A_1811 = arith.constant 30 : i32
      %dma_start3A_1812 = arith.constant 0 : i32
      %dma_start3A_1813 = tpu.memref_slice %arg6[%dma_start3A_1811, %dma_start3A_1812] : memref<32x32xi32, #tpu.memory_space<vmem>> -> memref<1x32xi32, #tpu.memory_space<vmem>>
      %dma_start3A_1814 = tpu.memref_squeeze %dma_start3A_1813 : memref<1x32xi32, #tpu.memory_space<vmem>> -> memref<32xi32, #tpu.memory_space<vmem>>
      %dma_start3A_1815 = arith.constant 0 : i32
      %dma_start3A_1816 = arith.constant 0 : i32
      %dma_start3A_1817 = tpu.memref_slice %arg2[%dma_start3A_1815, %dma_start3A_1816] : memref<10000x128xf32, #tpu.memory_space<hbm>> -> memref<10000x128xf32, #tpu.memory_space<hbm>>
      tpu.enqueue_indirect_dma source(%dma_start3A_1817 : memref<10000x128xf32, #tpu.memory_space<hbm>>) target(%arg15 : memref<32x128xf32, #tpu.memory_space<vmem>>) offsets(%dma_start3A_1814 : memref<32xi32, #tpu.memory_space<vmem>>) semaphore(%arg26 : memref<!tpu.dma_semaphore, #tpu.memory_space<semaphore_mem>>)
      %dma_wait3A_1818 = arith.constant 23 : i32
      %dma_wait3A_1819 = arith.constant 0 : i32
      %dma_wait3A_1820 = tpu.memref_slice %arg6[%dma_wait3A_1818, %dma_wait3A_1819] : memref<32x32xi32, #tpu.memory_space<vmem>> -> memref<1x32xi32, #tpu.memory_space<vmem>>
      %dma_wait3A_1821 = tpu.memref_squeeze %dma_wait3A_1820 : memref<1x32xi32, #tpu.memory_space<vmem>> -> memref<32xi32, #tpu.memory_space<vmem>>
      %dma_wait3A_1822 = arith.constant 0 : i32
      %dma_wait3A_1823 = arith.constant 0 : i32
      %dma_wait3A_1824 = tpu.memref_slice %arg2[%dma_wait3A_1822, %dma_wait3A_1823] : memref<10000x128xf32, #tpu.memory_space<hbm>> -> memref<10000x128xf32, #tpu.memory_space<hbm>>
      tpu.wait_indirect_dma semaphore(%arg27 : memref<!tpu.dma_semaphore, #tpu.memory_space<semaphore_mem>>) src(%dma_wait3A_1824 : memref<10000x128xf32, #tpu.memory_space<hbm>>) dst(%arg16 : memref<32x128xf32, #tpu.memory_space<vmem>>)
      %dma_start3A_1825 = arith.constant 23 : i32
      %dma_start3A_1826 = arith.constant 0 : i32
      %dma_start3A_1827 = tpu.memref_slice %arg8[%dma_start3A_1825, %dma_start3A_1826] : memref<32x32xi32, #tpu.memory_space<vmem>> -> memref<1x32xi32, #tpu.memory_space<vmem>>
      %dma_start3A_1828 = tpu.memref_squeeze %dma_start3A_1827 : memref<1x32xi32, #tpu.memory_space<vmem>> -> memref<32xi32, #tpu.memory_space<vmem>>
      %dma_start3A_1829 = arith.constant 0 : i32
      %dma_start3A_1830 = arith.constant 0 : i32
      %dma_start3A_1831 = tpu.memref_slice %arg17[%dma_start3A_1829, %dma_start3A_1830] : memref<10240x128xf32, #tpu.memory_space<vmem_shared>> -> memref<10240x128xf32, #tpu.memory_space<vmem_shared>>
      tpu.enqueue_indirect_dma source(%arg16 : memref<32x128xf32, #tpu.memory_space<vmem>>) target(%dma_start3A_1831 : memref<10240x128xf32, #tpu.memory_space<vmem_shared>>) offsets(%dma_start3A_1828 : memref<32xi32, #tpu.memory_space<vmem>>) semaphore(%arg35 : memref<!tpu.dma_semaphore, #tpu.memory_space<semaphore_mem>>) {add = true}
      %dma_wait3A_1832 = arith.constant 23 : i32
      %dma_wait3A_1833 = arith.constant 0 : i32
      %dma_wait3A_1834 = tpu.memref_slice %arg8[%dma_wait3A_1832, %dma_wait3A_1833] : memref<32x32xi32, #tpu.memory_space<vmem>> -> memref<1x32xi32, #tpu.memory_space<vmem>>
      %dma_wait3A_1835 = tpu.memref_squeeze %dma_wait3A_1834 : memref<1x32xi32, #tpu.memory_space<vmem>> -> memref<32xi32, #tpu.memory_space<vmem>>
      %dma_wait3A_1836 = arith.constant 0 : i32
      %dma_wait3A_1837 = arith.constant 0 : i32
      %dma_wait3A_1838 = tpu.memref_slice %arg17[%dma_wait3A_1836, %dma_wait3A_1837] : memref<10240x128xf32, #tpu.memory_space<vmem_shared>> -> memref<10240x128xf32, #tpu.memory_space<vmem_shared>>
      tpu.wait_indirect_dma semaphore(%arg35 : memref<!tpu.dma_semaphore, #tpu.memory_space<semaphore_mem>>) src(%arg16 : memref<32x128xf32, #tpu.memory_space<vmem>>) dst(%dma_wait3A_1838 : memref<10240x128xf32, #tpu.memory_space<vmem_shared>>)
      %dma_start3A_1839 = arith.constant 31 : i32
      %dma_start3A_1840 = arith.constant 0 : i32
      %dma_start3A_1841 = tpu.memref_slice %arg6[%dma_start3A_1839, %dma_start3A_1840] : memref<32x32xi32, #tpu.memory_space<vmem>> -> memref<1x32xi32, #tpu.memory_space<vmem>>
      %dma_start3A_1842 = tpu.memref_squeeze %dma_start3A_1841 : memref<1x32xi32, #tpu.memory_space<vmem>> -> memref<32xi32, #tpu.memory_space<vmem>>
      %dma_start3A_1843 = arith.constant 0 : i32
      %dma_start3A_1844 = arith.constant 0 : i32
      %dma_start3A_1845 = tpu.memref_slice %arg2[%dma_start3A_1843, %dma_start3A_1844] : memref<10000x128xf32, #tpu.memory_space<hbm>> -> memref<10000x128xf32, #tpu.memory_space<hbm>>
      tpu.enqueue_indirect_dma source(%dma_start3A_1845 : memref<10000x128xf32, #tpu.memory_space<hbm>>) target(%arg16 : memref<32x128xf32, #tpu.memory_space<vmem>>) offsets(%dma_start3A_1842 : memref<32xi32, #tpu.memory_space<vmem>>) semaphore(%arg27 : memref<!tpu.dma_semaphore, #tpu.memory_space<semaphore_mem>>)
      %dma_wait3A_1846 = arith.constant 24 : i32
      %dma_wait3A_1847 = arith.constant 0 : i32
      %dma_wait3A_1848 = tpu.memref_slice %arg6[%dma_wait3A_1846, %dma_wait3A_1847] : memref<32x32xi32, #tpu.memory_space<vmem>> -> memref<1x32xi32, #tpu.memory_space<vmem>>
      %dma_wait3A_1849 = tpu.memref_squeeze %dma_wait3A_1848 : memref<1x32xi32, #tpu.memory_space<vmem>> -> memref<32xi32, #tpu.memory_space<vmem>>
      %dma_wait3A_1850 = arith.constant 0 : i32
      %dma_wait3A_1851 = arith.constant 0 : i32
      %dma_wait3A_1852 = tpu.memref_slice %arg2[%dma_wait3A_1850, %dma_wait3A_1851] : memref<10000x128xf32, #tpu.memory_space<hbm>> -> memref<10000x128xf32, #tpu.memory_space<hbm>>
      tpu.wait_indirect_dma semaphore(%arg20 : memref<!tpu.dma_semaphore, #tpu.memory_space<semaphore_mem>>) src(%dma_wait3A_1852 : memref<10000x128xf32, #tpu.memory_space<hbm>>) dst(%arg9 : memref<32x128xf32, #tpu.memory_space<vmem>>)
      %dma_start3A_1853 = arith.constant 24 : i32
      %dma_start3A_1854 = arith.constant 0 : i32
      %dma_start3A_1855 = tpu.memref_slice %arg8[%dma_start3A_1853, %dma_start3A_1854] : memref<32x32xi32, #tpu.memory_space<vmem>> -> memref<1x32xi32, #tpu.memory_space<vmem>>
      %dma_start3A_1856 = tpu.memref_squeeze %dma_start3A_1855 : memref<1x32xi32, #tpu.memory_space<vmem>> -> memref<32xi32, #tpu.memory_space<vmem>>
      %dma_start3A_1857 = arith.constant 0 : i32
      %dma_start3A_1858 = arith.constant 0 : i32
      %dma_start3A_1859 = tpu.memref_slice %arg17[%dma_start3A_1857, %dma_start3A_1858] : memref<10240x128xf32, #tpu.memory_space<vmem_shared>> -> memref<10240x128xf32, #tpu.memory_space<vmem_shared>>
      tpu.enqueue_indirect_dma source(%arg9 : memref<32x128xf32, #tpu.memory_space<vmem>>) target(%dma_start3A_1859 : memref<10240x128xf32, #tpu.memory_space<vmem_shared>>) offsets(%dma_start3A_1856 : memref<32xi32, #tpu.memory_space<vmem>>) semaphore(%arg28 : memref<!tpu.dma_semaphore, #tpu.memory_space<semaphore_mem>>) {add = true}
      %dma_wait3A_1860 = arith.constant 25 : i32
      %dma_wait3A_1861 = arith.constant 0 : i32
      %dma_wait3A_1862 = tpu.memref_slice %arg6[%dma_wait3A_1860, %dma_wait3A_1861] : memref<32x32xi32, #tpu.memory_space<vmem>> -> memref<1x32xi32, #tpu.memory_space<vmem>>
      %dma_wait3A_1863 = tpu.memref_squeeze %dma_wait3A_1862 : memref<1x32xi32, #tpu.memory_space<vmem>> -> memref<32xi32, #tpu.memory_space<vmem>>
      %dma_wait3A_1864 = arith.constant 0 : i32
      %dma_wait3A_1865 = arith.constant 0 : i32
      %dma_wait3A_1866 = tpu.memref_slice %arg2[%dma_wait3A_1864, %dma_wait3A_1865] : memref<10000x128xf32, #tpu.memory_space<hbm>> -> memref<10000x128xf32, #tpu.memory_space<hbm>>
      tpu.wait_indirect_dma semaphore(%arg21 : memref<!tpu.dma_semaphore, #tpu.memory_space<semaphore_mem>>) src(%dma_wait3A_1866 : memref<10000x128xf32, #tpu.memory_space<hbm>>) dst(%arg10 : memref<32x128xf32, #tpu.memory_space<vmem>>)
      %dma_start3A_1867 = arith.constant 25 : i32
      %dma_start3A_1868 = arith.constant 0 : i32
      %dma_start3A_1869 = tpu.memref_slice %arg8[%dma_start3A_1867, %dma_start3A_1868] : memref<32x32xi32, #tpu.memory_space<vmem>> -> memref<1x32xi32, #tpu.memory_space<vmem>>
      %dma_start3A_1870 = tpu.memref_squeeze %dma_start3A_1869 : memref<1x32xi32, #tpu.memory_space<vmem>> -> memref<32xi32, #tpu.memory_space<vmem>>
      %dma_start3A_1871 = arith.constant 0 : i32
      %dma_start3A_1872 = arith.constant 0 : i32
      %dma_start3A_1873 = tpu.memref_slice %arg17[%dma_start3A_1871, %dma_start3A_1872] : memref<10240x128xf32, #tpu.memory_space<vmem_shared>> -> memref<10240x128xf32, #tpu.memory_space<vmem_shared>>
      tpu.enqueue_indirect_dma source(%arg10 : memref<32x128xf32, #tpu.memory_space<vmem>>) target(%dma_start3A_1873 : memref<10240x128xf32, #tpu.memory_space<vmem_shared>>) offsets(%dma_start3A_1870 : memref<32xi32, #tpu.memory_space<vmem>>) semaphore(%arg29 : memref<!tpu.dma_semaphore, #tpu.memory_space<semaphore_mem>>) {add = true}
      %dma_wait3A_1874 = arith.constant 26 : i32
      %dma_wait3A_1875 = arith.constant 0 : i32
      %dma_wait3A_1876 = tpu.memref_slice %arg6[%dma_wait3A_1874, %dma_wait3A_1875] : memref<32x32xi32, #tpu.memory_space<vmem>> -> memref<1x32xi32, #tpu.memory_space<vmem>>
      %dma_wait3A_1877 = tpu.memref_squeeze %dma_wait3A_1876 : memref<1x32xi32, #tpu.memory_space<vmem>> -> memref<32xi32, #tpu.memory_space<vmem>>
      %dma_wait3A_1878 = arith.constant 0 : i32
      %dma_wait3A_1879 = arith.constant 0 : i32
      %dma_wait3A_1880 = tpu.memref_slice %arg2[%dma_wait3A_1878, %dma_wait3A_1879] : memref<10000x128xf32, #tpu.memory_space<hbm>> -> memref<10000x128xf32, #tpu.memory_space<hbm>>
      tpu.wait_indirect_dma semaphore(%arg22 : memref<!tpu.dma_semaphore, #tpu.memory_space<semaphore_mem>>) src(%dma_wait3A_1880 : memref<10000x128xf32, #tpu.memory_space<hbm>>) dst(%arg11 : memref<32x128xf32, #tpu.memory_space<vmem>>)
      %dma_start3A_1881 = arith.constant 26 : i32
      %dma_start3A_1882 = arith.constant 0 : i32
      %dma_start3A_1883 = tpu.memref_slice %arg8[%dma_start3A_1881, %dma_start3A_1882] : memref<32x32xi32, #tpu.memory_space<vmem>> -> memref<1x32xi32, #tpu.memory_space<vmem>>
      %dma_start3A_1884 = tpu.memref_squeeze %dma_start3A_1883 : memref<1x32xi32, #tpu.memory_space<vmem>> -> memref<32xi32, #tpu.memory_space<vmem>>
      %dma_start3A_1885 = arith.constant 0 : i32
      %dma_start3A_1886 = arith.constant 0 : i32
      %dma_start3A_1887 = tpu.memref_slice %arg17[%dma_start3A_1885, %dma_start3A_1886] : memref<10240x128xf32, #tpu.memory_space<vmem_shared>> -> memref<10240x128xf32, #tpu.memory_space<vmem_shared>>
      tpu.enqueue_indirect_dma source(%arg11 : memref<32x128xf32, #tpu.memory_space<vmem>>) target(%dma_start3A_1887 : memref<10240x128xf32, #tpu.memory_space<vmem_shared>>) offsets(%dma_start3A_1884 : memref<32xi32, #tpu.memory_space<vmem>>) semaphore(%arg30 : memref<!tpu.dma_semaphore, #tpu.memory_space<semaphore_mem>>) {add = true}
      %dma_wait3A_1888 = arith.constant 27 : i32
      %dma_wait3A_1889 = arith.constant 0 : i32
      %dma_wait3A_1890 = tpu.memref_slice %arg6[%dma_wait3A_1888, %dma_wait3A_1889] : memref<32x32xi32, #tpu.memory_space<vmem>> -> memref<1x32xi32, #tpu.memory_space<vmem>>
      %dma_wait3A_1891 = tpu.memref_squeeze %dma_wait3A_1890 : memref<1x32xi32, #tpu.memory_space<vmem>> -> memref<32xi32, #tpu.memory_space<vmem>>
      %dma_wait3A_1892 = arith.constant 0 : i32
      %dma_wait3A_1893 = arith.constant 0 : i32
      %dma_wait3A_1894 = tpu.memref_slice %arg2[%dma_wait3A_1892, %dma_wait3A_1893] : memref<10000x128xf32, #tpu.memory_space<hbm>> -> memref<10000x128xf32, #tpu.memory_space<hbm>>
      tpu.wait_indirect_dma semaphore(%arg23 : memref<!tpu.dma_semaphore, #tpu.memory_space<semaphore_mem>>) src(%dma_wait3A_1894 : memref<10000x128xf32, #tpu.memory_space<hbm>>) dst(%arg12 : memref<32x128xf32, #tpu.memory_space<vmem>>)
      %dma_start3A_1895 = arith.constant 27 : i32
      %dma_start3A_1896 = arith.constant 0 : i32
      %dma_start3A_1897 = tpu.memref_slice %arg8[%dma_start3A_1895, %dma_start3A_1896] : memref<32x32xi32, #tpu.memory_space<vmem>> -> memref<1x32xi32, #tpu.memory_space<vmem>>
      %dma_start3A_1898 = tpu.memref_squeeze %dma_start3A_1897 : memref<1x32xi32, #tpu.memory_space<vmem>> -> memref<32xi32, #tpu.memory_space<vmem>>
      %dma_start3A_1899 = arith.constant 0 : i32
      %dma_start3A_1900 = arith.constant 0 : i32
      %dma_start3A_1901 = tpu.memref_slice %arg17[%dma_start3A_1899, %dma_start3A_1900] : memref<10240x128xf32, #tpu.memory_space<vmem_shared>> -> memref<10240x128xf32, #tpu.memory_space<vmem_shared>>
      tpu.enqueue_indirect_dma source(%arg12 : memref<32x128xf32, #tpu.memory_space<vmem>>) target(%dma_start3A_1901 : memref<10240x128xf32, #tpu.memory_space<vmem_shared>>) offsets(%dma_start3A_1898 : memref<32xi32, #tpu.memory_space<vmem>>) semaphore(%arg31 : memref<!tpu.dma_semaphore, #tpu.memory_space<semaphore_mem>>) {add = true}
      %dma_wait3A_1902 = arith.constant 28 : i32
      %dma_wait3A_1903 = arith.constant 0 : i32
      %dma_wait3A_1904 = tpu.memref_slice %arg6[%dma_wait3A_1902, %dma_wait3A_1903] : memref<32x32xi32, #tpu.memory_space<vmem>> -> memref<1x32xi32, #tpu.memory_space<vmem>>
      %dma_wait3A_1905 = tpu.memref_squeeze %dma_wait3A_1904 : memref<1x32xi32, #tpu.memory_space<vmem>> -> memref<32xi32, #tpu.memory_space<vmem>>
      %dma_wait3A_1906 = arith.constant 0 : i32
      %dma_wait3A_1907 = arith.constant 0 : i32
      %dma_wait3A_1908 = tpu.memref_slice %arg2[%dma_wait3A_1906, %dma_wait3A_1907] : memref<10000x128xf32, #tpu.memory_space<hbm>> -> memref<10000x128xf32, #tpu.memory_space<hbm>>
      tpu.wait_indirect_dma semaphore(%arg24 : memref<!tpu.dma_semaphore, #tpu.memory_space<semaphore_mem>>) src(%dma_wait3A_1908 : memref<10000x128xf32, #tpu.memory_space<hbm>>) dst(%arg13 : memref<32x128xf32, #tpu.memory_space<vmem>>)
      %dma_start3A_1909 = arith.constant 28 : i32
      %dma_start3A_1910 = arith.constant 0 : i32
      %dma_start3A_1911 = tpu.memref_slice %arg8[%dma_start3A_1909, %dma_start3A_1910] : memref<32x32xi32, #tpu.memory_space<vmem>> -> memref<1x32xi32, #tpu.memory_space<vmem>>
      %dma_start3A_1912 = tpu.memref_squeeze %dma_start3A_1911 : memref<1x32xi32, #tpu.memory_space<vmem>> -> memref<32xi32, #tpu.memory_space<vmem>>
      %dma_start3A_1913 = arith.constant 0 : i32
      %dma_start3A_1914 = arith.constant 0 : i32
      %dma_start3A_1915 = tpu.memref_slice %arg17[%dma_start3A_1913, %dma_start3A_1914] : memref<10240x128xf32, #tpu.memory_space<vmem_shared>> -> memref<10240x128xf32, #tpu.memory_space<vmem_shared>>
      tpu.enqueue_indirect_dma source(%arg13 : memref<32x128xf32, #tpu.memory_space<vmem>>) target(%dma_start3A_1915 : memref<10240x128xf32, #tpu.memory_space<vmem_shared>>) offsets(%dma_start3A_1912 : memref<32xi32, #tpu.memory_space<vmem>>) semaphore(%arg32 : memref<!tpu.dma_semaphore, #tpu.memory_space<semaphore_mem>>) {add = true}
      %dma_wait3A_1916 = arith.constant 29 : i32
      %dma_wait3A_1917 = arith.constant 0 : i32
      %dma_wait3A_1918 = tpu.memref_slice %arg6[%dma_wait3A_1916, %dma_wait3A_1917] : memref<32x32xi32, #tpu.memory_space<vmem>> -> memref<1x32xi32, #tpu.memory_space<vmem>>
      %dma_wait3A_1919 = tpu.memref_squeeze %dma_wait3A_1918 : memref<1x32xi32, #tpu.memory_space<vmem>> -> memref<32xi32, #tpu.memory_space<vmem>>
      %dma_wait3A_1920 = arith.constant 0 : i32
      %dma_wait3A_1921 = arith.constant 0 : i32
      %dma_wait3A_1922 = tpu.memref_slice %arg2[%dma_wait3A_1920, %dma_wait3A_1921] : memref<10000x128xf32, #tpu.memory_space<hbm>> -> memref<10000x128xf32, #tpu.memory_space<hbm>>
      tpu.wait_indirect_dma semaphore(%arg25 : memref<!tpu.dma_semaphore, #tpu.memory_space<semaphore_mem>>) src(%dma_wait3A_1922 : memref<10000x128xf32, #tpu.memory_space<hbm>>) dst(%arg14 : memref<32x128xf32, #tpu.memory_space<vmem>>)
      %dma_start3A_1923 = arith.constant 29 : i32
      %dma_start3A_1924 = arith.constant 0 : i32
      %dma_start3A_1925 = tpu.memref_slice %arg8[%dma_start3A_1923, %dma_start3A_1924] : memref<32x32xi32, #tpu.memory_space<vmem>> -> memref<1x32xi32, #tpu.memory_space<vmem>>
      %dma_start3A_1926 = tpu.memref_squeeze %dma_start3A_1925 : memref<1x32xi32, #tpu.memory_space<vmem>> -> memref<32xi32, #tpu.memory_space<vmem>>
      %dma_start3A_1927 = arith.constant 0 : i32
      %dma_start3A_1928 = arith.constant 0 : i32
      %dma_start3A_1929 = tpu.memref_slice %arg17[%dma_start3A_1927, %dma_start3A_1928] : memref<10240x128xf32, #tpu.memory_space<vmem_shared>> -> memref<10240x128xf32, #tpu.memory_space<vmem_shared>>
      tpu.enqueue_indirect_dma source(%arg14 : memref<32x128xf32, #tpu.memory_space<vmem>>) target(%dma_start3A_1929 : memref<10240x128xf32, #tpu.memory_space<vmem_shared>>) offsets(%dma_start3A_1926 : memref<32xi32, #tpu.memory_space<vmem>>) semaphore(%arg33 : memref<!tpu.dma_semaphore, #tpu.memory_space<semaphore_mem>>) {add = true}
      %dma_wait3A_1930 = arith.constant 30 : i32
      %dma_wait3A_1931 = arith.constant 0 : i32
      %dma_wait3A_1932 = tpu.memref_slice %arg6[%dma_wait3A_1930, %dma_wait3A_1931] : memref<32x32xi32, #tpu.memory_space<vmem>> -> memref<1x32xi32, #tpu.memory_space<vmem>>
      %dma_wait3A_1933 = tpu.memref_squeeze %dma_wait3A_1932 : memref<1x32xi32, #tpu.memory_space<vmem>> -> memref<32xi32, #tpu.memory_space<vmem>>
      %dma_wait3A_1934 = arith.constant 0 : i32
      %dma_wait3A_1935 = arith.constant 0 : i32
      %dma_wait3A_1936 = tpu.memref_slice %arg2[%dma_wait3A_1934, %dma_wait3A_1935] : memref<10000x128xf32, #tpu.memory_space<hbm>> -> memref<10000x128xf32, #tpu.memory_space<hbm>>
      tpu.wait_indirect_dma semaphore(%arg26 : memref<!tpu.dma_semaphore, #tpu.memory_space<semaphore_mem>>) src(%dma_wait3A_1936 : memref<10000x128xf32, #tpu.memory_space<hbm>>) dst(%arg15 : memref<32x128xf32, #tpu.memory_space<vmem>>)
      %dma_start3A_1937 = arith.constant 30 : i32
      %dma_start3A_1938 = arith.constant 0 : i32
      %dma_start3A_1939 = tpu.memref_slice %arg8[%dma_start3A_1937, %dma_start3A_1938] : memref<32x32xi32, #tpu.memory_space<vmem>> -> memref<1x32xi32, #tpu.memory_space<vmem>>
      %dma_start3A_1940 = tpu.memref_squeeze %dma_start3A_1939 : memref<1x32xi32, #tpu.memory_space<vmem>> -> memref<32xi32, #tpu.memory_space<vmem>>
      %dma_start3A_1941 = arith.constant 0 : i32
      %dma_start3A_1942 = arith.constant 0 : i32
      %dma_start3A_1943 = tpu.memref_slice %arg17[%dma_start3A_1941, %dma_start3A_1942] : memref<10240x128xf32, #tpu.memory_space<vmem_shared>> -> memref<10240x128xf32, #tpu.memory_space<vmem_shared>>
      tpu.enqueue_indirect_dma source(%arg15 : memref<32x128xf32, #tpu.memory_space<vmem>>) target(%dma_start3A_1943 : memref<10240x128xf32, #tpu.memory_space<vmem_shared>>) offsets(%dma_start3A_1940 : memref<32xi32, #tpu.memory_space<vmem>>) semaphore(%arg34 : memref<!tpu.dma_semaphore, #tpu.memory_space<semaphore_mem>>) {add = true}
      %dma_wait3A_1944 = arith.constant 31 : i32
      %dma_wait3A_1945 = arith.constant 0 : i32
      %dma_wait3A_1946 = tpu.memref_slice %arg6[%dma_wait3A_1944, %dma_wait3A_1945] : memref<32x32xi32, #tpu.memory_space<vmem>> -> memref<1x32xi32, #tpu.memory_space<vmem>>
      %dma_wait3A_1947 = tpu.memref_squeeze %dma_wait3A_1946 : memref<1x32xi32, #tpu.memory_space<vmem>> -> memref<32xi32, #tpu.memory_space<vmem>>
      %dma_wait3A_1948 = arith.constant 0 : i32
      %dma_wait3A_1949 = arith.constant 0 : i32
      %dma_wait3A_1950 = tpu.memref_slice %arg2[%dma_wait3A_1948, %dma_wait3A_1949] : memref<10000x128xf32, #tpu.memory_space<hbm>> -> memref<10000x128xf32, #tpu.memory_space<hbm>>
      tpu.wait_indirect_dma semaphore(%arg27 : memref<!tpu.dma_semaphore, #tpu.memory_space<semaphore_mem>>) src(%dma_wait3A_1950 : memref<10000x128xf32, #tpu.memory_space<hbm>>) dst(%arg16 : memref<32x128xf32, #tpu.memory_space<vmem>>)
      %dma_start3A_1951 = arith.constant 31 : i32
      %dma_start3A_1952 = arith.constant 0 : i32
      %dma_start3A_1953 = tpu.memref_slice %arg8[%dma_start3A_1951, %dma_start3A_1952] : memref<32x32xi32, #tpu.memory_space<vmem>> -> memref<1x32xi32, #tpu.memory_space<vmem>>
      %dma_start3A_1954 = tpu.memref_squeeze %dma_start3A_1953 : memref<1x32xi32, #tpu.memory_space<vmem>> -> memref<32xi32, #tpu.memory_space<vmem>>
      %dma_start3A_1955 = arith.constant 0 : i32
      %dma_start3A_1956 = arith.constant 0 : i32
      %dma_start3A_1957 = tpu.memref_slice %arg17[%dma_start3A_1955, %dma_start3A_1956] : memref<10240x128xf32, #tpu.memory_space<vmem_shared>> -> memref<10240x128xf32, #tpu.memory_space<vmem_shared>>
      tpu.enqueue_indirect_dma source(%arg16 : memref<32x128xf32, #tpu.memory_space<vmem>>) target(%dma_start3A_1957 : memref<10240x128xf32, #tpu.memory_space<vmem_shared>>) offsets(%dma_start3A_1954 : memref<32xi32, #tpu.memory_space<vmem>>) semaphore(%arg35 : memref<!tpu.dma_semaphore, #tpu.memory_space<semaphore_mem>>) {add = true}
      %dma_wait3A_1958 = arith.constant 24 : i32
      %dma_wait3A_1959 = arith.constant 0 : i32
      %dma_wait3A_1960 = tpu.memref_slice %arg8[%dma_wait3A_1958, %dma_wait3A_1959] : memref<32x32xi32, #tpu.memory_space<vmem>> -> memref<1x32xi32, #tpu.memory_space<vmem>>
      %dma_wait3A_1961 = tpu.memref_squeeze %dma_wait3A_1960 : memref<1x32xi32, #tpu.memory_space<vmem>> -> memref<32xi32, #tpu.memory_space<vmem>>
      %dma_wait3A_1962 = arith.constant 0 : i32
      %dma_wait3A_1963 = arith.constant 0 : i32
      %dma_wait3A_1964 = tpu.memref_slice %arg17[%dma_wait3A_1962, %dma_wait3A_1963] : memref<10240x128xf32, #tpu.memory_space<vmem_shared>> -> memref<10240x128xf32, #tpu.memory_space<vmem_shared>>
      tpu.wait_indirect_dma semaphore(%arg28 : memref<!tpu.dma_semaphore, #tpu.memory_space<semaphore_mem>>) src(%arg9 : memref<32x128xf32, #tpu.memory_space<vmem>>) dst(%dma_wait3A_1964 : memref<10240x128xf32, #tpu.memory_space<vmem_shared>>)
      %dma_wait3A_1965 = arith.constant 25 : i32
      %dma_wait3A_1966 = arith.constant 0 : i32
      %dma_wait3A_1967 = tpu.memref_slice %arg8[%dma_wait3A_1965, %dma_wait3A_1966] : memref<32x32xi32, #tpu.memory_space<vmem>> -> memref<1x32xi32, #tpu.memory_space<vmem>>
      %dma_wait3A_1968 = tpu.memref_squeeze %dma_wait3A_1967 : memref<1x32xi32, #tpu.memory_space<vmem>> -> memref<32xi32, #tpu.memory_space<vmem>>
      %dma_wait3A_1969 = arith.constant 0 : i32
      %dma_wait3A_1970 = arith.constant 0 : i32
      %dma_wait3A_1971 = tpu.memref_slice %arg17[%dma_wait3A_1969, %dma_wait3A_1970] : memref<10240x128xf32, #tpu.memory_space<vmem_shared>> -> memref<10240x128xf32, #tpu.memory_space<vmem_shared>>
      tpu.wait_indirect_dma semaphore(%arg29 : memref<!tpu.dma_semaphore, #tpu.memory_space<semaphore_mem>>) src(%arg10 : memref<32x128xf32, #tpu.memory_space<vmem>>) dst(%dma_wait3A_1971 : memref<10240x128xf32, #tpu.memory_space<vmem_shared>>)
      %dma_wait3A_1972 = arith.constant 26 : i32
      %dma_wait3A_1973 = arith.constant 0 : i32
      %dma_wait3A_1974 = tpu.memref_slice %arg8[%dma_wait3A_1972, %dma_wait3A_1973] : memref<32x32xi32, #tpu.memory_space<vmem>> -> memref<1x32xi32, #tpu.memory_space<vmem>>
      %dma_wait3A_1975 = tpu.memref_squeeze %dma_wait3A_1974 : memref<1x32xi32, #tpu.memory_space<vmem>> -> memref<32xi32, #tpu.memory_space<vmem>>
      %dma_wait3A_1976 = arith.constant 0 : i32
      %dma_wait3A_1977 = arith.constant 0 : i32
      %dma_wait3A_1978 = tpu.memref_slice %arg17[%dma_wait3A_1976, %dma_wait3A_1977] : memref<10240x128xf32, #tpu.memory_space<vmem_shared>> -> memref<10240x128xf32, #tpu.memory_space<vmem_shared>>
      tpu.wait_indirect_dma semaphore(%arg30 : memref<!tpu.dma_semaphore, #tpu.memory_space<semaphore_mem>>) src(%arg11 : memref<32x128xf32, #tpu.memory_space<vmem>>) dst(%dma_wait3A_1978 : memref<10240x128xf32, #tpu.memory_space<vmem_shared>>)
      %dma_wait3A_1979 = arith.constant 27 : i32
      %dma_wait3A_1980 = arith.constant 0 : i32
      %dma_wait3A_1981 = tpu.memref_slice %arg8[%dma_wait3A_1979, %dma_wait3A_1980] : memref<32x32xi32, #tpu.memory_space<vmem>> -> memref<1x32xi32, #tpu.memory_space<vmem>>
      %dma_wait3A_1982 = tpu.memref_squeeze %dma_wait3A_1981 : memref<1x32xi32, #tpu.memory_space<vmem>> -> memref<32xi32, #tpu.memory_space<vmem>>
      %dma_wait3A_1983 = arith.constant 0 : i32
      %dma_wait3A_1984 = arith.constant 0 : i32
      %dma_wait3A_1985 = tpu.memref_slice %arg17[%dma_wait3A_1983, %dma_wait3A_1984] : memref<10240x128xf32, #tpu.memory_space<vmem_shared>> -> memref<10240x128xf32, #tpu.memory_space<vmem_shared>>
      tpu.wait_indirect_dma semaphore(%arg31 : memref<!tpu.dma_semaphore, #tpu.memory_space<semaphore_mem>>) src(%arg12 : memref<32x128xf32, #tpu.memory_space<vmem>>) dst(%dma_wait3A_1985 : memref<10240x128xf32, #tpu.memory_space<vmem_shared>>)
      %dma_wait3A_1986 = arith.constant 28 : i32
      %dma_wait3A_1987 = arith.constant 0 : i32
      %dma_wait3A_1988 = tpu.memref_slice %arg8[%dma_wait3A_1986, %dma_wait3A_1987] : memref<32x32xi32, #tpu.memory_space<vmem>> -> memref<1x32xi32, #tpu.memory_space<vmem>>
      %dma_wait3A_1989 = tpu.memref_squeeze %dma_wait3A_1988 : memref<1x32xi32, #tpu.memory_space<vmem>> -> memref<32xi32, #tpu.memory_space<vmem>>
      %dma_wait3A_1990 = arith.constant 0 : i32
      %dma_wait3A_1991 = arith.constant 0 : i32
      %dma_wait3A_1992 = tpu.memref_slice %arg17[%dma_wait3A_1990, %dma_wait3A_1991] : memref<10240x128xf32, #tpu.memory_space<vmem_shared>> -> memref<10240x128xf32, #tpu.memory_space<vmem_shared>>
      tpu.wait_indirect_dma semaphore(%arg32 : memref<!tpu.dma_semaphore, #tpu.memory_space<semaphore_mem>>) src(%arg13 : memref<32x128xf32, #tpu.memory_space<vmem>>) dst(%dma_wait3A_1992 : memref<10240x128xf32, #tpu.memory_space<vmem_shared>>)
      %dma_wait3A_1993 = arith.constant 29 : i32
      %dma_wait3A_1994 = arith.constant 0 : i32
      %dma_wait3A_1995 = tpu.memref_slice %arg8[%dma_wait3A_1993, %dma_wait3A_1994] : memref<32x32xi32, #tpu.memory_space<vmem>> -> memref<1x32xi32, #tpu.memory_space<vmem>>
      %dma_wait3A_1996 = tpu.memref_squeeze %dma_wait3A_1995 : memref<1x32xi32, #tpu.memory_space<vmem>> -> memref<32xi32, #tpu.memory_space<vmem>>
      %dma_wait3A_1997 = arith.constant 0 : i32
      %dma_wait3A_1998 = arith.constant 0 : i32
      %dma_wait3A_1999 = tpu.memref_slice %arg17[%dma_wait3A_1997, %dma_wait3A_1998] : memref<10240x128xf32, #tpu.memory_space<vmem_shared>> -> memref<10240x128xf32, #tpu.memory_space<vmem_shared>>
      tpu.wait_indirect_dma semaphore(%arg33 : memref<!tpu.dma_semaphore, #tpu.memory_space<semaphore_mem>>) src(%arg14 : memref<32x128xf32, #tpu.memory_space<vmem>>) dst(%dma_wait3A_1999 : memref<10240x128xf32, #tpu.memory_space<vmem_shared>>)
      %dma_wait3A_2000 = arith.constant 30 : i32
      %dma_wait3A_2001 = arith.constant 0 : i32
      %dma_wait3A_2002 = tpu.memref_slice %arg8[%dma_wait3A_2000, %dma_wait3A_2001] : memref<32x32xi32, #tpu.memory_space<vmem>> -> memref<1x32xi32, #tpu.memory_space<vmem>>
      %dma_wait3A_2003 = tpu.memref_squeeze %dma_wait3A_2002 : memref<1x32xi32, #tpu.memory_space<vmem>> -> memref<32xi32, #tpu.memory_space<vmem>>
      %dma_wait3A_2004 = arith.constant 0 : i32
      %dma_wait3A_2005 = arith.constant 0 : i32
      %dma_wait3A_2006 = tpu.memref_slice %arg17[%dma_wait3A_2004, %dma_wait3A_2005] : memref<10240x128xf32, #tpu.memory_space<vmem_shared>> -> memref<10240x128xf32, #tpu.memory_space<vmem_shared>>
      tpu.wait_indirect_dma semaphore(%arg34 : memref<!tpu.dma_semaphore, #tpu.memory_space<semaphore_mem>>) src(%arg15 : memref<32x128xf32, #tpu.memory_space<vmem>>) dst(%dma_wait3A_2006 : memref<10240x128xf32, #tpu.memory_space<vmem_shared>>)
      %dma_wait3A_2007 = arith.constant 31 : i32
      %dma_wait3A_2008 = arith.constant 0 : i32
      %dma_wait3A_2009 = tpu.memref_slice %arg8[%dma_wait3A_2007, %dma_wait3A_2008] : memref<32x32xi32, #tpu.memory_space<vmem>> -> memref<1x32xi32, #tpu.memory_space<vmem>>
      %dma_wait3A_2010 = tpu.memref_squeeze %dma_wait3A_2009 : memref<1x32xi32, #tpu.memory_space<vmem>> -> memref<32xi32, #tpu.memory_space<vmem>>
      %dma_wait3A_2011 = arith.constant 0 : i32
      %dma_wait3A_2012 = arith.constant 0 : i32
      %dma_wait3A_2013 = tpu.memref_slice %arg17[%dma_wait3A_2011, %dma_wait3A_2012] : memref<10240x128xf32, #tpu.memory_space<vmem_shared>> -> memref<10240x128xf32, #tpu.memory_space<vmem_shared>>
      tpu.wait_indirect_dma semaphore(%arg35 : memref<!tpu.dma_semaphore, #tpu.memory_space<semaphore_mem>>) src(%arg16 : memref<32x128xf32, #tpu.memory_space<vmem>>) dst(%dma_wait3A_2013 : memref<10240x128xf32, #tpu.memory_space<vmem_shared>>)
      %add3A_2014 = arith.constant 2 : i32
      %add3A_2015 = arith.addi %add3A_1103, %add3A_2014 : i32
      %min3A_2016 = arith.constant 9 : i32
      %min3A_2017 = arith.minsi %add3A_2015, %min3A_2016 : i32
      %mul3A_2018 = arith.constant 32 : i32
      %mul3A_2019 = arith.muli %min3A_2017, %mul3A_2018 : i32
      %add3A_2020 = arith.addi %mul3A_2, %mul3A_2019 : i32
      %dma_start3A_2021 = arith.constant 0 : i32
      %dma_start3A_2022 = arith.constant 0 : i32
      %dma_start3A_2023 = tpu.memref_slice %arg3[%dma_start3A_2021, %add3A_2020, %dma_start3A_2022] : memref<2x10240x32xi32, #tpu.memory_space<hbm>> -> memref<1x32x32xi32, #tpu.memory_space<hbm>>
      %dma_start3A_2024 = tpu.memref_squeeze %dma_start3A_2023 : memref<1x32x32xi32, #tpu.memory_space<hbm>> -> memref<32x32xi32, #tpu.memory_space<hbm>>
      %dma_start3A_2025 = arith.constant 0 : i32
      %dma_start3A_2026 = tpu.memref_slice %arg3[%dma_start3A_2021, %add3A_2020, %dma_start3A_2025] : memref<2x10240x32xi32, #tpu.memory_space<hbm>> -> memref<1x32x32xi32, #tpu.memory_space<hbm>>
      %dma_start3A_2027 = tpu.memref_squeeze %dma_start3A_2026 : memref<1x32x32xi32, #tpu.memory_space<hbm>> -> memref<32x32xi32, #tpu.memory_space<hbm>>
      tpu.enqueue_dma source(%dma_start3A_2027 : memref<32x32xi32, #tpu.memory_space<hbm>>) target(%arg6 : memref<32x32xi32, #tpu.memory_space<vmem>>) target_semaphore(%arg19 : memref<!tpu.dma_semaphore, #tpu.memory_space<semaphore_mem>>)
      %dma_start3A_2028 = arith.constant 1 : i32
      %dma_start3A_2029 = arith.constant 0 : i32
      %dma_start3A_2030 = tpu.memref_slice %arg3[%dma_start3A_2028, %add3A_2020, %dma_start3A_2029] : memref<2x10240x32xi32, #tpu.memory_space<hbm>> -> memref<1x32x32xi32, #tpu.memory_space<hbm>>
      %dma_start3A_2031 = tpu.memref_squeeze %dma_start3A_2030 : memref<1x32x32xi32, #tpu.memory_space<hbm>> -> memref<32x32xi32, #tpu.memory_space<hbm>>
      %dma_start3A_2032 = arith.constant 0 : i32
      %dma_start3A_2033 = tpu.memref_slice %arg3[%dma_start3A_2028, %add3A_2020, %dma_start3A_2032] : memref<2x10240x32xi32, #tpu.memory_space<hbm>> -> memref<1x32x32xi32, #tpu.memory_space<hbm>>
      %dma_start3A_2034 = tpu.memref_squeeze %dma_start3A_2033 : memref<1x32x32xi32, #tpu.memory_space<hbm>> -> memref<32x32xi32, #tpu.memory_space<hbm>>
      tpu.enqueue_dma source(%dma_start3A_2034 : memref<32x32xi32, #tpu.memory_space<hbm>>) target(%arg8 : memref<32x32xi32, #tpu.memory_space<vmem>>) target_semaphore(%arg19 : memref<!tpu.dma_semaphore, #tpu.memory_space<semaphore_mem>>)
    }
    %scan3A_129 = arith.constant 5 : i32
    %dma_wait3A = arith.constant 0 : i32
    %dma_wait3A_130 = arith.constant 0 : i32
    %dma_wait3A_131 = tpu.memref_slice %arg3[%dma_wait3A, %mul3A_2, %dma_wait3A_130] : memref<2x10240x32xi32, #tpu.memory_space<hbm>> -> memref<1x32x32xi32, #tpu.memory_space<hbm>>
    %dma_wait3A_132 = tpu.memref_squeeze %dma_wait3A_131 : memref<1x32x32xi32, #tpu.memory_space<hbm>> -> memref<32x32xi32, #tpu.memory_space<hbm>>
    %dma_wait3A_133 = arith.constant 0 : i32
    %dma_wait3A_134 = tpu.memref_slice %arg3[%dma_wait3A, %mul3A_2, %dma_wait3A_133] : memref<2x10240x32xi32, #tpu.memory_space<hbm>> -> memref<1x32x32xi32, #tpu.memory_space<hbm>>
    %dma_wait3A_135 = tpu.memref_squeeze %dma_wait3A_134 : memref<1x32x32xi32, #tpu.memory_space<hbm>> -> memref<32x32xi32, #tpu.memory_space<hbm>>
    tpu.wait_dma2 semaphore(%arg18 : memref<!tpu.dma_semaphore, #tpu.memory_space<semaphore_mem>>) src(%dma_wait3A_135 : memref<32x32xi32, #tpu.memory_space<hbm>>) dst(%arg5 : memref<32x32xi32, #tpu.memory_space<vmem>>)
    %dma_wait3A_136 = arith.constant 1 : i32
    %dma_wait3A_137 = arith.constant 0 : i32
    %dma_wait3A_138 = tpu.memref_slice %arg3[%dma_wait3A_136, %mul3A_2, %dma_wait3A_137] : memref<2x10240x32xi32, #tpu.memory_space<hbm>> -> memref<1x32x32xi32, #tpu.memory_space<hbm>>
    %dma_wait3A_139 = tpu.memref_squeeze %dma_wait3A_138 : memref<1x32x32xi32, #tpu.memory_space<hbm>> -> memref<32x32xi32, #tpu.memory_space<hbm>>
    %dma_wait3A_140 = arith.constant 0 : i32
    %dma_wait3A_141 = tpu.memref_slice %arg3[%dma_wait3A_136, %mul3A_2, %dma_wait3A_140] : memref<2x10240x32xi32, #tpu.memory_space<hbm>> -> memref<1x32x32xi32, #tpu.memory_space<hbm>>
    %dma_wait3A_142 = tpu.memref_squeeze %dma_wait3A_141 : memref<1x32x32xi32, #tpu.memory_space<hbm>> -> memref<32x32xi32, #tpu.memory_space<hbm>>
    tpu.wait_dma2 semaphore(%arg18 : memref<!tpu.dma_semaphore, #tpu.memory_space<semaphore_mem>>) src(%dma_wait3A_142 : memref<32x32xi32, #tpu.memory_space<hbm>>) dst(%arg7 : memref<32x32xi32, #tpu.memory_space<vmem>>)
    %dma_wait3A_143 = arith.constant 0 : i32
    %dma_wait3A_144 = arith.constant 0 : i32
    %dma_wait3A_145 = tpu.memref_slice %arg3[%dma_wait3A_143, %mul3A_2, %dma_wait3A_144] : memref<2x10240x32xi32, #tpu.memory_space<hbm>> -> memref<1x32x32xi32, #tpu.memory_space<hbm>>
    %dma_wait3A_146 = tpu.memref_squeeze %dma_wait3A_145 : memref<1x32x32xi32, #tpu.memory_space<hbm>> -> memref<32x32xi32, #tpu.memory_space<hbm>>
    %dma_wait3A_147 = arith.constant 0 : i32
    %dma_wait3A_148 = tpu.memref_slice %arg3[%dma_wait3A_143, %mul3A_2, %dma_wait3A_147] : memref<2x10240x32xi32, #tpu.memory_space<hbm>> -> memref<1x32x32xi32, #tpu.memory_space<hbm>>
    %dma_wait3A_149 = tpu.memref_squeeze %dma_wait3A_148 : memref<1x32x32xi32, #tpu.memory_space<hbm>> -> memref<32x32xi32, #tpu.memory_space<hbm>>
    tpu.wait_dma2 semaphore(%arg19 : memref<!tpu.dma_semaphore, #tpu.memory_space<semaphore_mem>>) src(%dma_wait3A_149 : memref<32x32xi32, #tpu.memory_space<hbm>>) dst(%arg6 : memref<32x32xi32, #tpu.memory_space<vmem>>)
    %dma_wait3A_150 = arith.constant 1 : i32
    %dma_wait3A_151 = arith.constant 0 : i32
    %dma_wait3A_152 = tpu.memref_slice %arg3[%dma_wait3A_150, %mul3A_2, %dma_wait3A_151] : memref<2x10240x32xi32, #tpu.memory_space<hbm>> -> memref<1x32x32xi32, #tpu.memory_space<hbm>>
    %dma_wait3A_153 = tpu.memref_squeeze %dma_wait3A_152 : memref<1x32x32xi32, #tpu.memory_space<hbm>> -> memref<32x32xi32, #tpu.memory_space<hbm>>
    %dma_wait3A_154 = arith.constant 0 : i32
    %dma_wait3A_155 = tpu.memref_slice %arg3[%dma_wait3A_150, %mul3A_2, %dma_wait3A_154] : memref<2x10240x32xi32, #tpu.memory_space<hbm>> -> memref<1x32x32xi32, #tpu.memory_space<hbm>>
    %dma_wait3A_156 = tpu.memref_squeeze %dma_wait3A_155 : memref<1x32x32xi32, #tpu.memory_space<hbm>> -> memref<32x32xi32, #tpu.memory_space<hbm>>
    tpu.wait_dma2 semaphore(%arg19 : memref<!tpu.dma_semaphore, #tpu.memory_space<semaphore_mem>>) src(%dma_wait3A_156 : memref<32x32xi32, #tpu.memory_space<hbm>>) dst(%arg8 : memref<32x32xi32, #tpu.memory_space<vmem>>)
    %barrier3A_157 = arith.constant 0 : index
    tpu.barrier barrier_id(%barrier3A_157)
    %mul3A_158 = arith.constant 640 : i32
    %mul3A_159 = arith.muli %arg1, %mul3A_158 : i32
    %mul3A_160 = arith.constant 10240 : i32
    %mul3A_161 = arith.muli %arg0, %mul3A_160 : i32
    %mul3A_162 = arith.constant 640 : i32
    %mul3A_163 = arith.muli %arg1, %mul3A_162 : i32
    %add3A_164 = arith.addi %mul3A_161, %mul3A_163 : i32
    "tpu.region"() ({
      %run_scoped3A = tpu.sem_alloc : memref<!tpu.dma_semaphore, #tpu.memory_space<semaphore_mem>>
      %dma_start3A_165 = arith.constant 0 : i32
      %dma_start3A_166 = tpu.memref_slice %arg4[%add3A_164, %dma_start3A_165] : memref<20480x128xf32, #tpu.memory_space<hbm>> -> memref<640x128xf32, #tpu.memory_space<hbm>>
      %dma_start3A_167 = arith.constant 0 : i32
      %dma_start3A_168 = tpu.memref_slice %arg17[%mul3A_159, %dma_start3A_167] : memref<10240x128xf32, #tpu.memory_space<vmem_shared>> -> memref<640x128xf32, #tpu.memory_space<vmem_shared>>
      tpu.enqueue_dma source(%dma_start3A_168 : memref<640x128xf32, #tpu.memory_space<vmem_shared>>) target(%dma_start3A_166 : memref<640x128xf32, #tpu.memory_space<hbm>>) target_semaphore(%run_scoped3A : memref<!tpu.dma_semaphore, #tpu.memory_space<semaphore_mem>>)
      %dma_wait3A_169 = arith.constant 0 : i32
      %dma_wait3A_170 = tpu.memref_slice %arg4[%add3A_164, %dma_wait3A_169] : memref<20480x128xf32, #tpu.memory_space<hbm>> -> memref<640x128xf32, #tpu.memory_space<hbm>>
      %dma_wait3A_171 = arith.constant 0 : i32
      %dma_wait3A_172 = tpu.memref_slice %arg17[%mul3A_159, %dma_wait3A_171] : memref<10240x128xf32, #tpu.memory_space<vmem_shared>> -> memref<640x128xf32, #tpu.memory_space<vmem_shared>>
      tpu.wait_dma2 semaphore(%run_scoped3A : memref<!tpu.dma_semaphore, #tpu.memory_space<semaphore_mem>>) src(%dma_wait3A_172 : memref<640x128xf32, #tpu.memory_space<vmem_shared>>) dst(%dma_wait3A_170 : memref<640x128xf32, #tpu.memory_space<hbm>>)
      tpu.yield
    }) : () -> ()
    return
  }
}

module attributes {stable_mosaic.version = 14 : i64} {
  func.func @_tc_final_body(%arg0: i32, %arg1: memref<2048x128xf32, #tpu.memory_space<vmem>>, %arg2: memref<2048x128xf32, #tpu.memory_space<vmem>>, %arg3: memref<128x128xf32, #tpu.memory_space<vmem>>, %arg4: memref<2048x1xf32, #tpu.memory_space<vmem>>, %arg5: memref<1x128xf32, #tpu.memory_space<vmem>>, %arg6: memref<2048x128xf32, #tpu.memory_space<vmem>>) attributes {dimension_semantics = [#tpu.dimension_semantics<arbitrary>], iteration_bounds = array<i64: 5>, scalar_prefetch = 0 : i64, scratch_operands = 0 : i64, tpu.core_type = #tpu.core_type<tc>, window_params = [{transform_indices = @transform_0, window_bounds = array<i64: 2048, 128>}, {transform_indices = @transform_1, window_bounds = array<i64: 2048, 128>}, {pipeline_mode = #tpu.pipeline_mode<synchronous>, transform_indices = @transform_2, window_bounds = array<i64: 128, 128>}, {transform_indices = @transform_3, window_bounds = array<i64: 2048, 1>}, {pipeline_mode = #tpu.pipeline_mode<synchronous>, transform_indices = @transform_4, window_bounds = array<i64: 1, 128>}, {transform_indices = @transform_5, window_bounds = array<i64: 2048, 128>}]} {
    %get3A = arith.constant 0 : index
    %get3A_0 = arith.constant 0 : index
    %get3A_1 = vector.load %arg1[%get3A, %get3A_0] : memref<2048x128xf32, #tpu.memory_space<vmem>>, vector<2048x128xf32>
    %get3A_2 = arith.constant 0 : index
    %get3A_3 = arith.constant 0 : index
    %get3A_4 = vector.load %arg2[%get3A_2, %get3A_3] : memref<2048x128xf32, #tpu.memory_space<vmem>>, vector<2048x128xf32>
    %add3A = arith.addf %get3A_1, %get3A_4 : vector<2048x128xf32>
    %get3A_5 = arith.constant 0 : index
    %get3A_6 = arith.constant 0 : index
    %get3A_7 = vector.load %arg3[%get3A_5, %get3A_6] : memref<128x128xf32, #tpu.memory_space<vmem>>, vector<128x128xf32>
    %dot_general3A = arith.constant dense<0.000000e+00> : vector<2048x128xf32>
    %dot_general3A_8 = tpu.matmul %add3A, %get3A_7, %dot_general3A {dimension_numbers = #tpu.dot_dimension_numbers<[1], [0], [0], [1], [0, 0, 1, 1], [], []>, transpose_lhs_hint = false} : vector<2048x128xf32>, vector<128x128xf32>, vector<2048x128xf32> -> vector<2048x128xf32>
    %get3A_9 = arith.constant 0 : index
    %get3A_10 = arith.constant 0 : index
    %get3A_11 = vector.load %arg4[%get3A_9, %get3A_10] : memref<2048x1xf32, #tpu.memory_space<vmem>>, vector<2048x1xf32>
    %mul3A = vector.broadcast %get3A_11 : vector<2048x1xf32> to vector<2048x128xf32>
    %mul3A_12 = arith.mulf %dot_general3A_8, %mul3A : vector<2048x128xf32>
    %get3A_13 = arith.constant 0 : index
    %get3A_14 = arith.constant 0 : index
    %get3A_15 = vector.load %arg5[%get3A_13, %get3A_14] : memref<1x128xf32, #tpu.memory_space<vmem>>, vector<1x128xf32>
    %add3A_16 = vector.broadcast %get3A_15 : vector<1x128xf32> to vector<2048x128xf32>
    %add3A_17 = arith.addf %mul3A_12, %add3A_16 : vector<2048x128xf32>
    %swap3A = arith.constant 0 : index
    %swap3A_18 = arith.constant 0 : index
    %swap3A_19 = vector.load %arg6[%swap3A, %swap3A_18] : memref<2048x128xf32, #tpu.memory_space<vmem>>, vector<2048x128xf32>
    tpu.vector_store %arg6[%swap3A, %swap3A_18], %add3A_17 {strides = array<i32>} : memref<2048x128xf32, #tpu.memory_space<vmem>>, vector<2048x128xf32>,
    return
  }
  func.func @transform_0(%arg0: i32) -> (i32, i32) {
    %c0_i32 = arith.constant 0 : i32
    %c0_i32_0 = arith.constant 0 : i32
    return %arg0, %c0_i32 : i32, i32
  }
  func.func @transform_1(%arg0: i32) -> (i32, i32) {
    %add3A = arith.constant 5 : i32
    %add3A_0 = arith.addi %add3A, %arg0 : i32
    %c0_i32 = arith.constant 0 : i32
    %c0_i32_1 = arith.constant 0 : i32
    return %add3A_0, %c0_i32 : i32, i32
  }
  func.func @transform_2(%arg0: i32) -> (i32, i32) {
    %c0_i32 = arith.constant 0 : i32
    %c0_i32_0 = arith.constant 0 : i32
    %c0_i32_1 = arith.constant 0 : i32
    return %c0_i32, %c0_i32_0 : i32, i32
  }
  func.func @transform_3(%arg0: i32) -> (i32, i32) {
    %c0_i32 = arith.constant 0 : i32
    %c0_i32_0 = arith.constant 0 : i32
    return %arg0, %c0_i32 : i32, i32
  }
  func.func @transform_4(%arg0: i32) -> (i32, i32) {
    %c0_i32 = arith.constant 0 : i32
    %c0_i32_0 = arith.constant 0 : i32
    %c0_i32_1 = arith.constant 0 : i32
    return %c0_i32, %c0_i32_0 : i32, i32
  }
  func.func @transform_5(%arg0: i32) -> (i32, i32) {
    %c0_i32 = arith.constant 0 : i32
    %c0_i32_0 = arith.constant 0 : i32
    return %arg0, %c0_i32 : i32, i32
  }
}

</mosaic_0001>

<sc_bundles>
// kernel: kernel.4.cloned.1.call-start
scs
__scs_entry_jumppad:
0x0: {  	(pc) =	sbr.rel $0x88, $3  }
0x1: {  	(tag) =	ssettag $0x0;
	lr =	simm.s32 $0x1  }
0x2: {  	[smem:$0x3F9C] =	sst lr;
	_ =	strace $0xD0000000  }
0x3: {  	_ = 	snop  }
0x4: {  	_ = 	snop  }
0x5: {  	_ = 	snop  }
0x6: {  	_ = 	snop  }
0x7: {  	_ = 	snop  }
__scs_overlays_trampoline_lowered:
0x8: {  	[smem:$0x3FAB] =	sst s0  }
0x9: {  	[smem:$0x3FAC] =	sst s1  }
0xa: {  	[smem:$0x3FAD] =	sst s2  }
0xb: {  	[smem:$0x3FAE] =	sst s3  }
0xc: {  	[smem:$0x3FAF] =	sst s4  }
0xd: {  	[smem:$0x3FB0] =	sst s5  }
0xe: {  	[smem:$0x3FB1] =	sst s6  }
0xf: {  	[smem:$0x3FB2] =	sst s7  }
0x10: {  	[smem:$0x3FB3] =	sst s8  }
0x11: {  	[smem:$0x3FB4] =	sst s9;
	s0 =	simm.s32 @!p0 $0x0  }
0x12: {  	s1 =	sld [smem:$0x3F9A];
	s0 =	simm.s32 @p0 $0x1  }
0x13: {  	[smem:$0x3FB5] =	sst s0;
	s0 =	simm.s32 @!p1 $0x0  }
0x14: {  	s2 =	sld [smem:$0x3F99];
	s0 =	simm.s32 @p1 $0x1  }
0x15: {  	[smem:$0x3FB6] =	sst s0;
	s0 =	simm.s32 @!p2 $0x0  }
0x16: {  	s3 =	sld [smem:$0x3FDB];
	s0 =	simm.s32 @p2 $0x1  }
0x17: {  	s4 =	simm.s32 $0x1BF5;
	[smem:$0x3FB8] =	sst s0  }
0x18: {  	s0 =	sld [smem:$0x3F9B];
	_ =	swait.ge [sflag:s4], $0x0  }
0x19: {  	s7 =	sld [smem:$0x3F9C]  }
0x1a: {  	s8 =	sadd.s32 $0xFFFFE003, lr  }
0x1b: {  	s9 =	sadd.s32 $0xFFFFFEF7, lr;
	s5 =	simm.s32 $0xFFFFFFFF;
	p2 =	slt.u32 s8, $0xFFFFF086  }
0x1c: {  	p1 =	slt.u32 s9, $0xF7A;
	s5 =	simm.s32 @!p2 $0x0  }
0x1d: {  	s5 =	simm.s32 @p1 $0x1;
	p0 =	seq.s32 s7, s2  }
0x1e: {  	s7 =	smul.u32 @!p0 $0xF7A, s2;
	p2 =	seq.s32 @!p0 s5, $0x0  }
0x1f: {  	s9 =	smul.u32 $0xF7A, s1;
	s8 =	simm.s32 @!p0 $0x1BF5;
	p2 =	por !p2, p0  }
0x20: {  	[sflag:s8] =	ssyncset.s32 @!p0 $0xFFFFF086;
	s6 =	sadd.s32 @!p0 s3, s7;
	s7 =	simm.s32 @!p0 $0x108  }
0x21: {  	s3 =	sadd.s32 s3, s9;
	s6 =	sadd.s32 @!p0 $0x88, s6;
	s7 =	simm.s32 @p2 $0x1082  }
0x22: {  	[simem:s7], [sflag:s8] =	dma.local @!p0 [hbm:s6], $0xF7A  }
0x23: {  	s9 =	sor.u32 $0xD0000000, s2;
	s6 =	simm.s32 $0x108;
	_ =	swait.ge @!p0 [sflag:s8], $0x0  }
0x24: {  	s3 =	sadd.s32 $0x88, s3;
	s6 =	simm.s32 @!p1 $0x1082;
	[sflag:s4] =	ssyncset.s32 $0xFFFFF086  }
0x25: {  	[simem:s6], [sflag:s4] =	dma.local [hbm:s3], $0xF7A  }
0x26: {  	[smem:$0x3F9C] =	sst s1;
	(tag) =	ssettag s2;
	_ =	strace s9  }
0x27: {  	s1 =	sld [smem:$0x3FAC]  }
0x28: {  	s2 =	sld [smem:$0x3FAD]  }
0x29: {  	s4 =	sld [smem:$0x3FAF]  }
0x2a: {  	p0 =	seq.s32 s5, $0x0;
	s5 =	sld [smem:$0x3FB0]  }
0x2b: {  	s6 =	sld [smem:$0x3FB1]  }
0x2c: {  	s7 =	sld [smem:$0x3FB2]  }
0x2d: {  	s3 =	simm.s32 $0x108;
	s8 =	sld [smem:$0x3FB3]  }
0x2e: {  	s3 =	simm.s32 @!p0 $0x1082;
	s9 =	sld [smem:$0x3FB4]  }
0x2f: {  	lr =	sadd.s32 s0, s3;
	s0 =	sld [smem:$0x3FAB]  }
0x30: {  	s3 =	sld [smem:$0x3FAE]  }
0x31: {  	[smem:$0x3FB7] =	sst s10  }
0x32: {  	s10 =	sld [smem:$0x3FB5];
	_ =	sdelay $0x3  }
0x33: {  	p0 =	seq.s32 s10, $0x1;
	s10 =	sld [smem:$0x3FB7];
	_ =	sdelay $0x3  }
0x34: {  	[smem:$0x3FB7] =	sst s10  }
0x35: {  	s10 =	sld [smem:$0x3FB6];
	_ =	sdelay $0x3  }
0x36: {  	p1 =	seq.s32 s10, $0x1;
	s10 =	sld [smem:$0x3FB7];
	_ =	sdelay $0x3  }
0x37: {  	[smem:$0x3FB7] =	sst s10  }
0x38: {  	s10 =	sld [smem:$0x3FB8]  }
0x39: {  	_ = 	snop;
	(pc) =	sbr.ind lr, $3  }
0x3a: {  	_ = 	snop  }
0x3b: {  	_ = 	snop  }
0x3c: {  	p2 =	seq.s32 s10, $0x1;
	s10 =	sld [smem:$0x3FB7]  }
0x3d: {  	_ =	shalt  }
0x3e: {  	_ =	shalt  }
0x3f: {  	_ =	shalt  }
0x40: {  	_ =	shalt  }
0x41: {  	_ =	shalt  }
0x42: {  	_ =	shalt  }
0x43: {  	_ =	shalt  }
0x44: {  	_ =	shalt  }
0x45: {  	_ =	shalt  }
0x46: {  	_ =	shalt  }
0x47: {  	_ =	shalt  }
0x48: {  	_ =	shalt  }
0x49: {  	_ =	shalt  }
0x4a: {  	_ =	shalt  }
0x4b: {  	_ =	shalt  }
0x4c: {  	_ =	shalt  }
0x4d: {  	_ =	shalt  }
0x4e: {  	_ =	shalt  }
0x4f: {  	_ =	shalt  }
0x50: {  	_ =	shalt  }
0x51: {  	_ =	shalt  }
0x52: {  	_ =	shalt  }
0x53: {  	_ =	shalt  }
0x54: {  	_ =	shalt  }
0x55: {  	_ =	shalt  }
0x56: {  	_ =	shalt  }
0x57: {  	_ =	shalt  }
0x58: {  	_ =	shalt  }
0x59: {  	_ =	shalt  }
0x5a: {  	_ =	shalt  }
0x5b: {  	_ =	shalt  }
0x5c: {  	_ =	shalt  }
0x5d: {  	_ =	shalt  }
0x5e: {  	_ =	shalt  }
0x5f: {  	_ =	shalt  }
0x60: {  	_ =	shalt  }
0x61: {  	_ =	shalt  }
0x62: {  	_ =	shalt  }
0x63: {  	_ =	shalt  }
0x64: {  	_ =	shalt  }
0x65: {  	_ =	shalt  }
0x66: {  	_ =	shalt  }
0x67: {  	_ =	shalt  }
0x68: {  	_ =	shalt  }
0x69: {  	_ =	shalt  }
0x6a: {  	_ =	shalt  }
0x6b: {  	_ =	shalt  }
0x6c: {  	_ =	shalt  }
0x6d: {  	_ =	shalt  }
0x6e: {  	_ =	shalt  }
0x6f: {  	_ =	shalt  }
0x70: {  	_ =	shalt  }
0x71: {  	_ =	shalt  }
0x72: {  	_ =	shalt  }
0x73: {  	_ =	shalt  }
0x74: {  	_ =	shalt  }
0x75: {  	_ =	shalt  }
0x76: {  	_ =	shalt  }
0x77: {  	_ =	shalt  }
0x78: {  	_ =	shalt  }
0x79: {  	_ =	shalt  }
0x7a: {  	_ =	shalt  }
0x7b: {  	_ =	shalt  }
0x7c: {  	_ =	shalt  }
0x7d: {  	_ =	shalt  }
0x7e: {  	_ =	shalt  }
0x7f: {  	_ =	shalt  }
0x80: {  	_ =	shalt  }
0x81: {  	_ =	shalt  }
0x82: {  	_ =	shalt  }
0x83: {  	_ =	shalt  }
0x84: {  	_ =	shalt  }
0x85: {  	_ =	shalt  }
0x86: {  	_ =	shalt  }
0x87: {  	_ =	shalt  }
.Lfunc_end0:
.L_simem_size_0:
called_computation_lowered:
.L_overlay_start_0:
0x88: {  	s2 =	sld [smem:$0x3FD9]  }
0x89: {  	s3 =	sld [smem:$0x3FFE];
	_ =	sdelay $0x1  }
0x8a: {  	s1 =	srdreg.scid  }
0x8b: {  	s0 =	sand.u32 $0x1, s1  }
0x8c: {  	s17 =	sshll.u32 s0, $0xA;
	s2 =	sadd.s32 s3, s2  }
0x8d: {  	s2 =	sadd.s32 s2, s17  }
0x8e: {  	[smem:$0x3FC3] =	sst s2  }
0x8f: {  	_ = 	snop  }
0x90: {  	s2 =	sld [smem:$0x3FD0];
	(tm) =	ssettm $0x1  }
0x91: {  	s18 =	sld [smem:$0x3FFB];
	_ =	sdelay $0x3  }
0x92: {  	_ =	strace s18  }
0x93: {  	s3 =	sld [smem:$0x3FFC];
	_ =	sdelay $0x3  }
0x94: {  	_ =	strace s3  }
0x95: {  	s3 =	sld [smem:$0x3FFD];
	_ =	sdelay $0x3  }
0x96: {  	_ =	strace s3  }
0x97: {  	_ =	strace $0x8FFFFFFF  }
0x98: {  	s19 =	sld [smem:$0x3FDB];
	_ =	sdelay $0x1  }
0x99: {  	s4 =	simm.s32 $_scs_section_size  }
0x9a: {  	s5 =	simm.s32 $_size__tile_overlayer_lowered;
	s6 =	simm.s32 $_tile_overlayer_lowered  }
0x9b: {  	s22 =	simm.s32 $0x1BFF;
	s21 =	sshll.u32 s6, $0x1;
	s3 =	sadd.s32 s4, s19  }
0x9c: {  	s7 =	simm.s32 $0x0;
	s20 =	sshll.u32 s5, $0x1;
	s5 =	sadd.s32 s21, s3  }
0x9d: {  	[timem:s7], [sflag:s22] =	dma.local [hbm:s5], s20  }
0x9e: {  	_ =	swait.ge [sflag:s22], s20  }
0x9f: {  	s4 =	ssub.s32 $0x0, s20;
	[sflag:s22] =	ssyncset.done $0x0  }
0xa0: {  	[sflag:s22] =	ssyncadd.s32 s4;
	_ =	sdelay $0x1  }
0xa1: {  	s23 =	simm.s32 $0x1B8B  }
0xa2: {  	_ =	swait.ge [sflag:s23], $0x1  }
0xa3: {  	[sflag:s23] =	ssyncset.done $0x0  }
0xa4: {  	s25 =	simm.s32 $0x1B8E;
	s24 =	sld [smem:$0x3FFE];
	[sflag:s23] =	ssyncadd.s32 $0xFFFFFFFF  }
0xa5: {  	s26 =	simm.s32 $execute0_lowered;
	[smem:$0x3FD2] =	sst s25  }
0xa6: {  	s5 =	sshll.u32 s26, $0x1;
	_ =	strace $0x80000046;
	[dreg:$0x1] =	wrdreg $0xFFFFFFFF  }
0xa7: {  	s28 =	simm.s32 $_size_execute0_lowered;
	s3 =	sadd.s32 s3, s5;
	[dreg:$0x0] =	wrdreg $0x0  }
0xa8: {  	s5 =	sshll.u32 s28, $0x1;
	[dreg:$0x2] =	wrdreg s3  }
0xa9: {  	[dreg:$0x3] =	wrdreg s5  }
0xaa: {  	[dreg:$0x4] =	wrdreg $0xC0  }
0xab: {  	_ =	task [dreg:s7], $0x5FFFF  }
0xac: {  	[dreg:$0x1] =	wrdreg $0xFFFFFFFF  }
0xad: {  	[dreg:$0x0] =	wrdreg $0x60  }
0xae: {  	[dreg:$0x2] =	wrdreg s2  }
0xaf: {  	[dreg:$0x3] =	wrdreg s24  }
0xb0: {  	[dreg:$0x4] =	wrdreg $0xC0000  }
0xb1: {  	[dreg:$0x5] =	wrdreg $0x9  }
0xb2: {  	_ =	task.clear_ibuf [dreg:s7], $0x6FFFF;
	_ =	strace $0x90000046  }
0xb3: {  	s29 =	simm.s32 $0x9;
	_ =	strace $0x80000048  }
0xb4: {  	_ =	swait.ge [sflag:s29], $0x1  }
0xb5: {  	[sflag:s29] =	ssyncadd.s32 $0xFFFFFFFF  }
0xb6: {  	_ =	strace $0x90000048  }
0xb7: {  	_ =	sfence  }
0xb8: {  	s30 =	sld [smem:$0x0];
	_ =	sdelay $0x2  }
0xb9: {  	s31 =	sshll.u32 s1, $0xD;
	s1 =	sshrl.u32 s1, $0x2  }
0xba: {  	s3 =	sand.u32 $0x4000, s31;
	s1 =	sadd.s32 s1, s30  }
0xbb: {  	s0 =	sor.u32 s3, s0;
	s1 =	sshll.u32 s1, $0x11  }
0xbc: {  	s0 =	sor.u32 s1, s0  }
0xbd: {  	s0 =	sadd.s32 $0x8F2B, s0  }
0xbe: {  	[sflag:s0] =	ssyncadd.remote.s32 $0x1  }
0xbf: {  	_ =	sfence.sel $0xFFFF  }
0xc0: {  	[dreg:$0x0] =	wrdreg $0xFFFFFFFF;
	(pc) =	sbr.abs _section_cstart, $3  }
0xc1: {  	[dreg:$0x1] =	wrdreg $0xFFFFFFFF  }
0xc2: {  	_ =	task.clear_ibuf [dreg:s7], $0x2FFFF;
	_ =	strace $0x9FFFFFFF  }
0xc3: {  	(tm) =	ssettm $0x7FFFFFFF  }
tec
execute0_lowered:
.L_overlay_start_1:
0x0: {  	(tag) =	ssettag $0x1  }
0x1: {  	s1 =	rddreg [dreg:$0x0]  }
0x2: {  	s4 =	rddreg [dreg:$0x1]  }
0x3: {  	s3 =	rddreg [dreg:$0x2];
	s5 =	simm.s32 $0x0  }
0x4: {  	s7 =	simm.s32 $0x80;
	[smem:$0x7FF] =	sst s5  }
0x5: {  	s9 =	simm.s32 $0x100;
	_ =	strace $0x80000047;
	[dreg:$0x6] =	wrdreg s7  }
0x6: {  	s10 =	simm.s32 $0x180;
	[dreg:$0x7] =	wrdreg s9  }
0x7: {  	s11 =	simm.s32 $0x200;
	[dreg:$0x8] =	wrdreg s10  }
0x8: {  	s12 =	simm.s32 $0x280;
	[dreg:$0x9] =	wrdreg s11  }
0x9: {  	s13 =	simm.s32 $0x300;
	[dreg:$0xa] =	wrdreg s12  }
0xa: {  	s14 =	simm.s32 $0x380;
	[dreg:$0xb] =	wrdreg s13  }
0xb: {  	s15 =	simm.s32 $0x400;
	[dreg:$0xc] =	wrdreg s14  }
0xc: {  	s16 =	simm.s32 $0x2080;
	[dreg:$0xd] =	wrdreg s15  }
0xd: {  	s17 =	simm.s32 $0x480;
	[dreg:$0xe] =	wrdreg s16  }
0xe: {  	s18 =	simm.s32 $0x2100;
	[dreg:$0xf] =	wrdreg s17  }
0xf: {  	s19 =	simm.s32 $0x500;
	[dreg:$0x10] =	wrdreg s18  }
0x10: {  	s20 =	simm.s32 $0x2180;
	[dreg:$0x11] =	wrdreg s19  }
0x11: {  	s21 =	simm.s32 $0x580;
	[dreg:$0x12] =	wrdreg s20  }
0x12: {  	s22 =	simm.s32 $0x2200;
	[dreg:$0x13] =	wrdreg s21  }
0x13: {  	s23 =	simm.s32 $0x600;
	[dreg:$0x14] =	wrdreg s22  }
0x14: {  	s24 =	simm.s32 $0x2280;
	[dreg:$0x15] =	wrdreg s23  }
0x15: {  	s25 =	simm.s32 $0x680;
	[dreg:$0x16] =	wrdreg s24  }
0x16: {  	[dreg:$0x17] =	wrdreg s25;
	s7 =	simm.s32 $0x2380  }
0x17: {  	s9 =	simm.s32 $0x780;
	[dreg:$0x1a] =	wrdreg s7  }
0x18: {  	s10 =	simm.s32 $0x2400;
	[dreg:$0x1b] =	wrdreg s9  }
0x19: {  	s11 =	simm.s32 $0x800;
	[dreg:$0x1c] =	wrdreg s10  }
0x1a: {  	s12 =	simm.s32 $0x2480;
	[dreg:$0x1d] =	wrdreg s11  }
0x1b: {  	s13 =	simm.s32 $0x880;
	[dreg:$0x1e] =	wrdreg s12  }
0x1c: {  	s14 =	simm.s32 $0x2500;
	[dreg:$0x1f] =	wrdreg s13  }
0x1d: {  	s15 =	simm.s32 $0x900;
	[smem:$0x780] =	sst s14  }
0x1e: {  	s16 =	simm.s32 $0x2580;
	[smem:$0x781] =	sst s15  }
0x1f: {  	s17 =	simm.s32 $0x980;
	[smem:$0x782] =	sst s16  }
0x20: {  	s18 =	simm.s32 $0x2600;
	[smem:$0x783] =	sst s17  }
0x21: {  	s19 =	simm.s32 $0xA00;
	[smem:$0x784] =	sst s18  }
0x22: {  	s20 =	simm.s32 $0x2680;
	[smem:$0x785] =	sst s19  }
0x23: {  	s21 =	simm.s32 $0xA80;
	[smem:$0x786] =	sst s20  }
0x24: {  	s22 =	simm.s32 $0x2700;
	[smem:$0x787] =	sst s21  }
0x25: {  	s23 =	simm.s32 $0xB00;
	[smem:$0x788] =	sst s22  }
0x26: {  	s24 =	simm.s32 $0x2780;
	[smem:$0x789] =	sst s23  }
0x27: {  	s25 =	simm.s32 $0xB80;
	[smem:$0x78A] =	sst s24  }
0x28: {  	[smem:$0x78B] =	sst s25;
	s7 =	simm.s32 $0x2880  }
0x29: {  	s9 =	simm.s32 $0xC80;
	[smem:$0x78E] =	sst s7  }
0x2a: {  	s10 =	simm.s32 $0x2900;
	[smem:$0x78F] =	sst s9  }
0x2b: {  	s11 =	simm.s32 $0xD00;
	[smem:$0x790] =	sst s10  }
0x2c: {  	s12 =	simm.s32 $0x2980;
	[smem:$0x791] =	sst s11  }
0x2d: {  	s13 =	simm.s32 $0xD80;
	[smem:$0x792] =	sst s12  }
0x2e: {  	s14 =	simm.s32 $0x2A00;
	[smem:$0x793] =	sst s13  }
0x2f: {  	s15 =	simm.s32 $0xE00;
	[smem:$0x794] =	sst s14  }
0x30: {  	s16 =	simm.s32 $0x2A80;
	[smem:$0x795] =	sst s15  }
0x31: {  	s17 =	simm.s32 $0xE80;
	[smem:$0x796] =	sst s16  }
0x32: {  	s18 =	simm.s32 $0x2B00;
	[smem:$0x797] =	sst s17  }
0x33: {  	s19 =	simm.s32 $0xF00;
	[smem:$0x798] =	sst s18  }
0x34: {  	s20 =	simm.s32 $0x2B80;
	[smem:$0x799] =	sst s19  }
0x35: {  	s21 =	simm.s32 $0xF80;
	[smem:$0x79A] =	sst s20  }
0x36: {  	s22 =	simm.s32 $0x2C00;
	[smem:$0x79B] =	sst s21  }
0x37: {  	s23 =	simm.s32 $0x2C80;
	[smem:$0x79C] =	sst s22  }
0x38: {  	s24 =	simm.s32 $0x2D00;
	[smem:$0x79D] =	sst s23  }
0x39: {  	s25 =	simm.s32 $0x2D80;
	[smem:$0x79E] =	sst s24  }
0x3a: {  	[smem:$0x79F] =	sst s25;
	s7 =	simm.s32 $0x2F00  }
0x3b: {  	s9 =	simm.s32 $0x2F80;
	[smem:$0x7A2] =	sst s7  }
0x3c: {  	s10 =	simm.s32 $0x1080;
	[smem:$0x7A3] =	sst s9  }
0x3d: {  	s11 =	simm.s32 $0x1100;
	[smem:$0x7A4] =	sst s10  }
0x3e: {  	s12 =	simm.s32 $0x1180;
	[smem:$0x7A5] =	sst s11  }
0x3f: {  	s13 =	simm.s32 $0x1200;
	[smem:$0x7A6] =	sst s12  }
0x40: {  	s14 =	simm.s32 $0x1280;
	[smem:$0x7A7] =	sst s13  }
0x41: {  	s15 =	simm.s32 $0x1300;
	[smem:$0x7A8] =	sst s14  }
0x42: {  	s16 =	simm.s32 $0x1380;
	[smem:$0x7A9] =	sst s15  }
0x43: {  	s17 =	simm.s32 $0x1400;
	[smem:$0x7AA] =	sst s16  }
0x44: {  	s18 =	simm.s32 $0x3080;
	[smem:$0x7AB] =	sst s17  }
0x45: {  	s19 =	simm.s32 $0x1480;
	[smem:$0x7AC] =	sst s18  }
0x46: {  	s20 =	simm.s32 $0x3100;
	[smem:$0x7AD] =	sst s19  }
0x47: {  	s21 =	simm.s32 $0x1500;
	[smem:$0x7AE] =	sst s20  }
0x48: {  	s22 =	simm.s32 $0x3180;
	[smem:$0x7AF] =	sst s21  }
0x49: {  	s23 =	simm.s32 $0x1580;
	[smem:$0x7B0] =	sst s22  }
0x4a: {  	s24 =	simm.s32 $0x3200;
	[smem:$0x7B1] =	sst s23  }
0x4b: {  	s25 =	simm.s32 $0x1600;
	[smem:$0x7B2] =	sst s24  }
0x4c: {  	[smem:$0x7B3] =	sst s25;
	s7 =	simm.s32 $0x3300  }
0x4d: {  	s9 =	simm.s32 $0x1700;
	[smem:$0x7B6] =	sst s7  }
0x4e: {  	s10 =	simm.s32 $0x3380;
	[smem:$0x7B7] =	sst s9  }
0x4f: {  	s11 =	simm.s32 $0x1780;
	[smem:$0x7B8] =	sst s10  }
0x50: {  	s12 =	simm.s32 $0x3400;
	[smem:$0x7B9] =	sst s11  }
0x51: {  	s13 =	simm.s32 $0x1800;
	[smem:$0x7BA] =	sst s12  }
0x52: {  	s14 =	simm.s32 $0x3480;
	[smem:$0x7BB] =	sst s13  }
0x53: {  	s15 =	simm.s32 $0x1880;
	[smem:$0x7BC] =	sst s14  }
0x54: {  	s16 =	simm.s32 $0x3500;
	[smem:$0x7BD] =	sst s15  }
0x55: {  	s17 =	simm.s32 $0x1900;
	[smem:$0x7BE] =	sst s16  }
0x56: {  	s18 =	simm.s32 $0x3580;
	[smem:$0x7BF] =	sst s17  }
0x57: {  	s0 =	srdreg.scid;
	s19 =	simm.s32 $0x1980;
	[smem:$0x7C0] =	sst s18  }
0x58: {  	s8 =	stileid.u32;
	s20 =	simm.s32 $0x3600;
	[smem:$0x7C1] =	sst s19  }
0x59: {  	s2 =	sand.u32 $0x1, s0;
	s21 =	simm.s32 $0x1A00;
	[smem:$0x7C2] =	sst s20  }
0x5a: {  	s0 =	sshll.u32 s2, $0x4;
	s22 =	simm.s32 $0x3680;
	[smem:$0x7C3] =	sst s21  }
0x5b: {  	s0 =	sor.u32 s8, s0;
	s23 =	simm.s32 $0x1A80;
	[smem:$0x7C4] =	sst s22  }
0x5c: {  	s0 =	smul.u32 $0xA000, s0;
	s24 =	simm.s32 $0x3700;
	[smem:$0x7C5] =	sst s23  }
0x5d: {  	s25 =	simm.s32 $0x1B00;
	[smem:$0x7C6] =	sst s24  }
0x5e: {  	s26 =	sadd.s32 $0x2000, s0;
	[smem:$0x7C7] =	sst s25  }
0x5f: {  	s6 =	sadd.s32 $0x3000, s0;
	[dreg:$0x4] =	wrdreg s26  }
0x60: {  	s10 =	simm.s32 $0x1B80;
	[dreg:$0x5] =	wrdreg s6  }
0x61: {  	s11 =	simm.s32 $0x3800;
	[smem:$0x7C9] =	sst s10  }
0x62: {  	s12 =	simm.s32 $0x1C00;
	[smem:$0x7CA] =	sst s11  }
0x63: {  	s14 =	simm.s32 $0x3880;
	[smem:$0x7CB] =	sst s12  }
0x64: {  	s15 =	simm.s32 $0x1C80;
	[smem:$0x7CC] =	sst s14  }
0x65: {  	s9 =	sadd.s32 $0x1000, s4;
	[smem:$0x7CD] =	sst s15  }
0x66: {  	s16 =	simm.s32 $0x3900;
	[smem:$0x7CE] =	sst s9  }
0x67: {  	s18 =	simm.s32 $0x1D00;
	[smem:$0x7CF] =	sst s16  }
0x68: {  	s20 =	simm.s32 $0x3980;
	[smem:$0x7D1] =	sst s18  }
0x69: {  	s22 =	simm.s32 $0x1D80;
	[smem:$0x7D3] =	sst s20  }
0x6a: {  	s24 =	simm.s32 $0x3A00;
	[smem:$0x7D4] =	sst s22  }
0x6b: {  	s25 =	simm.s32 $0x1E00;
	[smem:$0x7D7] =	sst s24  }
0x6c: {  	s26 =	simm.s32 $0x2300;
	[smem:$0x7D8] =	sst s25  }
0x6d: {  	s0 =	sshrl.u32 s0, $0x3;
	s6 =	simm.s32 $0x700;
	[dreg:$0x18] =	wrdreg s26  }
0x6e: {  	s17 =	sadd.s32 s9, s0;
	[dreg:$0x19] =	wrdreg s6  }
0x6f: {  	s9 =	simm.s32 $0x1F00;
	[smem:$0x7D5] =	sst s17  }
0x70: {  	s11 =	simm.s32 $0x3B80;
	[smem:$0x7DF] =	sst s9  }
0x71: {  	s14 =	simm.s32 $0x1F80;
	[smem:$0x7E1] =	sst s11  }
0x72: {  	s16 =	simm.s32 $0x3C00;
	[smem:$0x7E3] =	sst s14  }
0x73: {  	s18 =	simm.s32 $0x3C80;
	[smem:$0x7E5] =	sst s16  }
0x74: {  	s20 =	simm.s32 $0x3D00;
	[smem:$0x7E7] =	sst s18  }
0x75: {  	s22 =	simm.s32 $0x3D80;
	[smem:$0x7E9] =	sst s20  }
0x76: {  	s24 =	simm.s32 $0x3E00;
	[smem:$0x7EB] =	sst s22  }
0x77: {  	s26 =	simm.s32 $0x2800;
	[smem:$0x7ED] =	sst s24  }
0x78: {  	s6 =	simm.s32 $0xC00;
	[smem:$0x78C] =	sst s26  }
0x79: {  	s19 =	sadd.s32 $0x28000, s17;
	[smem:$0x78D] =	sst s6  }
0x7a: {  	s21 =	sadd.s32 $0x200, s17;
	[smem:$0x7D0] =	sst s19  }
0x7b: {  	s9 =	simm.s32 $0x3F80;
	[smem:$0x7D2] =	sst s21  }
0x7c: {  	s23 =	smul.u32 $0x50000, s8;
	s20 =	simm.s32 $0x0;
	[smem:$0x7F2] =	sst s9  }
0x7d: {  	s26 =	simm.s32 $0x2E00;
	[smem:$0x7FC] =	sst s20  }
0x7e: {  	s5 =	sshrl.u32 s23, $0x2;
	s6 =	simm.s32 $0x2E80;
	[smem:$0x7A0] =	sst s26  }
0x7f: {  	s12 =	sadd.s32 s5, s3;
	[smem:$0x7A1] =	sst s6  }
0x80: {  	s26 =	simm.s32 $0x3280;
	[smem:$0x7FD] =	sst s12  }
0x81: {  	s7 =	smul.u32 $0x28000, s2;
	s6 =	simm.s32 $0x1680;
	[smem:$0x7B4] =	sst s26  }
0x82: {  	s2 =	ssub.s32 $0x2, s2;
	s5 =	sadd.s32 $0x1000, s12;
	[smem:$0x7B5] =	sst s6  }
0x83: {  	s13 =	sshrl.u32 s2, $0x1;
	s10 =	sadd.s32 $0x3000, s12;
	[smem:$0x7DA] =	sst s5  }
0x84: {  	s2 =	ssub.s32 s2, s13;
	s13 =	sadd.s32 $0x4000, s12;
	[smem:$0x7DE] =	sst s10  }
0x85: {  	s28 =	simm.s32 $0x6;
	s15 =	sadd.s32 $0x5000, s12;
	[smem:$0x7E0] =	sst s13  }
0x86: {  	s29 =	simm.s32 $0xE;
	s19 =	sadd.s32 $0x7000, s12;
	[smem:$0x7E2] =	sst s15  }
0x87: {  	s30 =	simm.s32 $0x7;
	s21 =	sadd.s32 $0x8000, s12;
	[smem:$0x7E6] =	sst s19  }
0x88: {  	s31 =	simm.s32 $0xF;
	s23 =	sadd.s32 $0x9000, s12;
	[smem:$0x7E8] =	sst s21  }
0x89: {  	s0 =	simm.s32 $0xA;
	s25 =	sadd.s32 $0xA000, s12;
	[smem:$0x7EA] =	sst s23  }
0x8a: {  	s22 =	simm.s32 $0xB;
	s14 =	sadd.s32 $0xE000, s12;
	[smem:$0x7EC] =	sst s25  }
0x8b: {  	s24 =	simm.s32 $0xC;
	s16 =	sadd.s32 $0x10000, s12;
	[smem:$0x7F6] =	sst s14  }
0x8c: {  	s9 =	simm.s32 $0x4000;
	s18 =	sadd.s32 $0x12000, s12;
	[smem:$0x7F8] =	sst s16  }
0x8d: {  	s6 =	smul.u32 $0x2800, s8;
	s26 =	simm.s32 $0x3780;
	[smem:$0x7FA] =	sst s18  }
0x8e: {  	s8 =	sadd.s32 $0x2000, s12;
	s10 =	sadd.s32 $0xD000, s12;
	[smem:$0x7C8] =	sst s26  }
0x8f: {  	s13 =	smax.u32 s2, $0x1;
	s15 =	sadd.s32 $0xF000, s12;
	[smem:$0x7DC] =	sst s8  }
0x90: {  	s19 =	sadd.s32 $0x13000, s12;
	s5 =	simm.s32 $0x1000;
	[smem:$0x7F3] =	sst s10  }
0x91: {  	s14 =	simm.s32 $0x5000;
	s16 =	simm.s32 $0x7000;
	[smem:$0x7F5] =	sst s13  }
0x92: {  	s18 =	simm.s32 $0x9000;
	s21 =	simm.s32 $0x3;
	[smem:$0x7F7] =	sst s15  }
0x93: {  	s23 =	simm.s32 $0x4;
	s26 =	simm.s32 $0x3A80;
	[smem:$0x7FB] =	sst s19  }
0x94: {  	s25 =	simm.s32 $0x5;
	s8 =	sadd.s32 $0xC000, s12;
	[smem:$0x7D9] =	sst s26  }
0x95: {  	s6 =	sadd.s32 s6, s7;
	s7 =	simm.s32 $0x3B00;
	[smem:$0x7F0] =	sst s8  }
0x96: {  	s2 =	simm.s32 $0x8;
	s26 =	simm.s32 $0x3E80;
	[smem:$0x7DD] =	sst s7  }
0x97: {  	s4 =	sadd.s32 s6, s4;
	s6 =	sadd.s32 $0x28200, s17;
	[smem:$0x7EF] =	sst s26  }
0x98: {  	s13 =	simm.s32 $0x20;
	s17 =	sadd.s32 $0x6000, s12;
	[smem:$0x7D6] =	sst s6  }
0x99: {  	s15 =	simm.s32 $0x6000;
	s7 =	simm.s32 $0x3F00;
	[smem:$0x7E4] =	sst s17  }
0x9a: {  	s10 =	simm.s32 $0x9;
	s6 =	simm.s32 $0x1E80;
	[smem:$0x7F1] =	sst s7  }
0x9b: {  	s26 =	simm.s32 $0xD;
	s11 =	sadd.s32 $0x51000, s4;
	[smem:$0x7DB] =	sst s6  }
0x9c: {  	s17 =	sadd.s32 $0x11000, s12;
	s7 =	simm.s32 $0x12;
	[smem:$0x7F4] =	sst s11  }
0x9d: {  	s6 =	sadd.s32 $0xB000, s12;
	[smem:$0x7F9] =	sst s17;
	s17 =	simm.s32 $0x8000  }
0x9e: {  	v0 =	vimm.f32 $0.0e+00;
	s11 =	simm.s32 $0x11;
	[smem:$0x7EE] =	sst s6;
	s6 =	simm.s32 $0x10  }
.LBB2_1:
0x9f: {  	s4 =	sld [smem:$0x7D5];
	_ =	sdelay $0x1  }
0xa0: {  	s8 =	smov.u32 s12;
	s12 =	simm.s32 $0x0  }
0xa1: {  	[tilespmem:s12], [sflag:$0x1] =	stream.linear.gather [hbm4b:s4+s12], $0x1000, $0x38;
	v63 =	vld [tilespmem:$0x0]  }
0xa2: {  	s4 =	sld [smem:$0x7D0];
	_ =	sdelay $0x1  }
0xa3: {  	s20 =	simm.s32 $0x2000  }
0xa4: {  	[tilespmem:s20], [sflag:$0x1] =	stream.linear.gather [hbm4b:s4+s12], $0x1000, $0x38;
	v63 =	vld [tilespmem:$0x0]  }
0xa5: {  	s20 =	sld [smem:$0x7D2];
	_ =	sdelay $0x2  }
0xa6: {  	[tilespmem:s5], [sflag:$0x2] =	stream.linear.gather [hbm4b:s20+s12], $0x1000, $0x38;
	v63 =	vld [tilespmem:$0x0]  }
0xa7: {  	s20 =	sld [smem:$0x7D6];
	_ =	sdelay $0x1  }
0xa8: {  	s19 =	simm.s32 $0x3000;
	s4 =	simm.s32 $0x0;
	s5 =	simm.s32 $0x200  }
0xa9: {  	[tilespmem:s19], [sflag:$0x2] =	stream.linear.gather [hbm4b:s20+s12], $0x1000, $0x38;
	v63 =	vld [tilespmem:$0x0]  }
.LBB2_2:
0xaa: {  	p0 =	sne.s32 s5, $0x3E00;
	[tilespmem:s4+$0x4070] =	vst v0  }
0xab: {  	[tilespmem:s4+$0x4000] =	vst v0  }
0xac: {  	[tilespmem:s4+$0x4010] =	vst v0  }
.Ltmp0:
0xad: {  	[tilespmem:s4+$0x4020] =	vst v0;
	(pc) =	sbr.rel @p0 .LBB2_2-.Ltmp0, $4  }
0xae: {  	[tilespmem:s4+$0x4030] =	vst v0  }
0xaf: {  	[tilespmem:s4+$0x4040] =	vst v0  }
0xb0: {  	[tilespmem:s4+$0x4050] =	vst v0  }
0xb1: {  	[tilespmem:s4+$0x4060] =	vst v0;
	s4 =	sshra.s32 s5, $0x2;
	s5 =	sadd.s32 $0x200, s5  }
0xb2: {  	[tilespmem:s4+$0x4070] =	vst v0  }
0xb3: {  	[tilespmem:s4+$0x4000] =	vst v0  }
0xb4: {  	[tilespmem:s4+$0x4010] =	vst v0  }
0xb5: {  	[tilespmem:s4+$0x4020] =	vst v0  }
0xb6: {  	[tilespmem:s4+$0x4030] =	vst v0  }
0xb7: {  	[tilespmem:s4+$0x4040] =	vst v0  }
0xb8: {  	[tilespmem:s4+$0x4050] =	vst v0  }
0xb9: {  	[tilespmem:s4+$0x4060] =	vst v0;
	s5 =	simm.s32 $0x13  }
0xba: {  	[spmem:s8] =	stream.linear.scatter [tilespmem:s9], [sflag:$0x13], $0x1000, $0x38;
	v63 =	vld [tilespmem:$0x0]  }
0xbb: {  	_ =	swait.ge [sflag:s5], $0x1000  }
0xbc: {  	s19 =	sld [smem:$0x7DA]  }
0xbd: {  	[sflag:s5] =	ssyncset.done $0x0  }
0xbe: {  	[sflag:s5] =	ssyncadd.s32 $0xFFFFF000  }
0xbf: {  	[spmem:s19] =	stream.linear.scatter [tilespmem:s9], [sflag:$0x13], $0x1000, $0x38;
	v63 =	vld [tilespmem:$0x0]  }
0xc0: {  	_ =	swait.ge [sflag:s5], $0x1000  }
0xc1: {  	s20 =	sld [smem:$0x7DC]  }
0xc2: {  	[sflag:s5] =	ssyncset.done $0x0  }
0xc3: {  	[sflag:s5] =	ssyncadd.s32 $0xFFFFF000  }
0xc4: {  	[spmem:s20] =	stream.linear.scatter [tilespmem:s9], [sflag:$0x13], $0x1000, $0x38;
	v63 =	vld [tilespmem:$0x0]  }
0xc5: {  	_ =	swait.ge [sflag:s5], $0x1000  }
0xc6: {  	s8 =	sld [smem:$0x7DE]  }
0xc7: {  	[sflag:s5] =	ssyncset.done $0x0  }
0xc8: {  	[sflag:s5] =	ssyncadd.s32 $0xFFFFF000  }
0xc9: {  	[spmem:s8] =	stream.linear.scatter [tilespmem:s9], [sflag:$0x13], $0x1000, $0x38;
	v63 =	vld [tilespmem:$0x0]  }
0xca: {  	_ =	swait.ge [sflag:s5], $0x1000  }
0xcb: {  	s12 =	sld [smem:$0x7E0]  }
0xcc: {  	[sflag:s5] =	ssyncset.done $0x0  }
0xcd: {  	[sflag:s5] =	ssyncadd.s32 $0xFFFFF000  }
0xce: {  	[spmem:s12] =	stream.linear.scatter [tilespmem:s9], [sflag:$0x13], $0x1000, $0x38;
	v63 =	vld [tilespmem:$0x0]  }
0xcf: {  	_ =	swait.ge [sflag:s5], $0x1000  }
0xd0: {  	s19 =	sld [smem:$0x7E2]  }
0xd1: {  	[sflag:s5] =	ssyncset.done $0x0  }
0xd2: {  	[sflag:s5] =	ssyncadd.s32 $0xFFFFF000  }
0xd3: {  	[spmem:s19] =	stream.linear.scatter [tilespmem:s9], [sflag:$0x13], $0x1000, $0x38;
	v63 =	vld [tilespmem:$0x0]  }
0xd4: {  	_ =	swait.ge [sflag:s5], $0x1000  }
0xd5: {  	s20 =	sld [smem:$0x7E4]  }
0xd6: {  	[sflag:s5] =	ssyncset.done $0x0  }
0xd7: {  	[sflag:s5] =	ssyncadd.s32 $0xFFFFF000  }
0xd8: {  	[spmem:s20] =	stream.linear.scatter [tilespmem:s9], [sflag:$0x13], $0x1000, $0x38;
	v63 =	vld [tilespmem:$0x0]  }
0xd9: {  	_ =	swait.ge [sflag:s5], $0x1000  }
0xda: {  	s8 =	sld [smem:$0x7E6]  }
0xdb: {  	[sflag:s5] =	ssyncset.done $0x0  }
0xdc: {  	[sflag:s5] =	ssyncadd.s32 $0xFFFFF000  }
0xdd: {  	[spmem:s8] =	stream.linear.scatter [tilespmem:s9], [sflag:$0x13], $0x1000, $0x38;
	v63 =	vld [tilespmem:$0x0]  }
0xde: {  	_ =	swait.ge [sflag:s5], $0x1000  }
0xdf: {  	s12 =	sld [smem:$0x7E8]  }
0xe0: {  	[sflag:s5] =	ssyncset.done $0x0  }
0xe1: {  	[sflag:s5] =	ssyncadd.s32 $0xFFFFF000  }
0xe2: {  	[spmem:s12] =	stream.linear.scatter [tilespmem:s9], [sflag:$0x13], $0x1000, $0x38;
	v63 =	vld [tilespmem:$0x0]  }
0xe3: {  	_ =	swait.ge [sflag:s5], $0x1000  }
0xe4: {  	s19 =	sld [smem:$0x7EA]  }
0xe5: {  	[sflag:s5] =	ssyncset.done $0x0  }
0xe6: {  	[sflag:s5] =	ssyncadd.s32 $0xFFFFF000  }
0xe7: {  	[spmem:s19] =	stream.linear.scatter [tilespmem:s9], [sflag:$0x13], $0x1000, $0x38;
	v63 =	vld [tilespmem:$0x0]  }
0xe8: {  	_ =	swait.ge [sflag:s5], $0x1000  }
0xe9: {  	s20 =	sld [smem:$0x7EC]  }
0xea: {  	[sflag:s5] =	ssyncset.done $0x0  }
0xeb: {  	[sflag:s5] =	ssyncadd.s32 $0xFFFFF000  }
0xec: {  	[spmem:s20] =	stream.linear.scatter [tilespmem:s9], [sflag:$0x13], $0x1000, $0x38;
	v63 =	vld [tilespmem:$0x0]  }
0xed: {  	_ =	swait.ge [sflag:s5], $0x1000  }
0xee: {  	s8 =	sld [smem:$0x7EE]  }
0xef: {  	[sflag:s5] =	ssyncset.done $0x0  }
0xf0: {  	[sflag:s5] =	ssyncadd.s32 $0xFFFFF000  }
0xf1: {  	[spmem:s8] =	stream.linear.scatter [tilespmem:s9], [sflag:$0x13], $0x1000, $0x38;
	v63 =	vld [tilespmem:$0x0]  }
0xf2: {  	_ =	swait.ge [sflag:s5], $0x1000  }
0xf3: {  	s12 =	sld [smem:$0x7F0]  }
0xf4: {  	[sflag:s5] =	ssyncset.done $0x0  }
0xf5: {  	[sflag:s5] =	ssyncadd.s32 $0xFFFFF000  }
0xf6: {  	[spmem:s12] =	stream.linear.scatter [tilespmem:s9], [sflag:$0x13], $0x1000, $0x38;
	v63 =	vld [tilespmem:$0x0]  }
0xf7: {  	_ =	swait.ge [sflag:s5], $0x1000  }
0xf8: {  	s19 =	sld [smem:$0x7F3]  }
0xf9: {  	[sflag:s5] =	ssyncset.done $0x0  }
0xfa: {  	[sflag:s5] =	ssyncadd.s32 $0xFFFFF000  }
0xfb: {  	[spmem:s19] =	stream.linear.scatter [tilespmem:s9], [sflag:$0x13], $0x1000, $0x38;
	v63 =	vld [tilespmem:$0x0]  }
0xfc: {  	_ =	swait.ge [sflag:s5], $0x1000  }
0xfd: {  	s20 =	sld [smem:$0x7F6]  }
0xfe: {  	[sflag:s5] =	ssyncset.done $0x0  }
0xff: {  	[sflag:s5] =	ssyncadd.s32 $0xFFFFF000  }
0x100: {  	[spmem:s20] =	stream.linear.scatter [tilespmem:s9], [sflag:$0x13], $0x1000, $0x38;
	v63 =	vld [tilespmem:$0x0]  }
0x101: {  	_ =	swait.ge [sflag:s5], $0x1000  }
0x102: {  	s8 =	sld [smem:$0x7F7]  }
0x103: {  	[sflag:s5] =	ssyncset.done $0x0  }
0x104: {  	[sflag:s5] =	ssyncadd.s32 $0xFFFFF000  }
0x105: {  	[spmem:s8] =	stream.linear.scatter [tilespmem:s9], [sflag:$0x13], $0x1000, $0x38;
	v63 =	vld [tilespmem:$0x0]  }
0x106: {  	_ =	swait.ge [sflag:s5], $0x1000  }
0x107: {  	s12 =	sld [smem:$0x7F8]  }
0x108: {  	[sflag:s5] =	ssyncset.done $0x0  }
0x109: {  	[sflag:s5] =	ssyncadd.s32 $0xFFFFF000  }
0x10a: {  	[spmem:s12] =	stream.linear.scatter [tilespmem:s9], [sflag:$0x13], $0x1000, $0x38;
	v63 =	vld [tilespmem:$0x0]  }
0x10b: {  	_ =	swait.ge [sflag:s5], $0x1000  }
0x10c: {  	s19 =	sld [smem:$0x7F9]  }
0x10d: {  	[sflag:s5] =	ssyncset.done $0x0  }
0x10e: {  	[sflag:s5] =	ssyncadd.s32 $0xFFFFF000  }
0x10f: {  	[spmem:s19] =	stream.linear.scatter [tilespmem:s9], [sflag:$0x13], $0x1000, $0x38;
	v63 =	vld [tilespmem:$0x0]  }
0x110: {  	_ =	swait.ge [sflag:s5], $0x1000  }
0x111: {  	s20 =	sld [smem:$0x7FA]  }
0x112: {  	[sflag:s5] =	ssyncset.done $0x0  }
0x113: {  	[sflag:s5] =	ssyncadd.s32 $0xFFFFF000  }
0x114: {  	[spmem:s20] =	stream.linear.scatter [tilespmem:s9], [sflag:$0x13], $0x1000, $0x38;
	v63 =	vld [tilespmem:$0x0]  }
0x115: {  	_ =	swait.ge [sflag:s5], $0x1000  }
0x116: {  	s8 =	sld [smem:$0x7FB]  }
0x117: {  	[sflag:s5] =	ssyncset.done $0x0  }
0x118: {  	[sflag:s5] =	ssyncadd.s32 $0xFFFFF000  }
0x119: {  	[spmem:s8] =	stream.linear.scatter [tilespmem:s9], [sflag:$0x13], $0x1000, $0x38;
	v63 =	vld [tilespmem:$0x0]  }
0x11a: {  	_ =	swait.ge [sflag:s5], $0x1000  }
0x11b: {  	[sflag:s5] =	ssyncset.done $0x0  }
0x11c: {  	[sflag:s5] =	ssyncadd.s32 $0xFFFFF000  }
0x11d: {  	s12 =	simm.s32 $0x1;
	[bflag:$0x0] =	sbarrier.arrive $0xFFFF  }
0x11e: {  	_ =	swait.ge [sflag:s12], $0x1000  }
0x11f: {  	[sflag:s12] =	ssyncset.done $0x0  }
0x120: {  	[sflag:s12] =	ssyncadd.s32 $0xFFFFF000  }
0x121: {  	_ =	swait.ge [sflag:s12], $0x1000  }
0x122: {  	[sflag:s12] =	ssyncset.done $0x0  }
0x123: {  	s20 =	simm.s32 $0x0;
	[sflag:s12] =	ssyncadd.s32 $0xFFFFF000  }
0x124: {  	[tilespmem:s9], [sflag:$0x3] =	stream.indirect.gather [hbm4b:s1+s13], $0x80, s20, s13, $0xb8;
	v63 =	vld [tilespmem:$0x0]  }
0x125: {  	s19 =	rddreg [dreg:$0x6]  }
0x126: {  	[tilespmem:s14], [sflag:$0x4] =	stream.indirect.gather [hbm4b:s1+s13], $0x80, s19, s13, $0xb8;
	v63 =	vld [tilespmem:$0x0]  }
0x127: {  	s8 =	rddreg [dreg:$0x7]  }
0x128: {  	[tilespmem:s15], [sflag:$0x5] =	stream.indirect.gather [hbm4b:s1+s13], $0x80, s8, s13, $0xb8;
	v63 =	vld [tilespmem:$0x0]  }
0x129: {  	s12 =	rddreg [dreg:$0x8]  }
0x12a: {  	[tilespmem:s16], [sflag:$0x6] =	stream.indirect.gather [hbm4b:s1+s13], $0x80, s12, s13, $0xb8;
	v63 =	vld [tilespmem:$0x0]  }
0x12b: {  	s19 =	rddreg [dreg:$0x9]  }
0x12c: {  	[tilespmem:s17], [sflag:$0x7] =	stream.indirect.gather [hbm4b:s1+s13], $0x80, s19, s13, $0xb8;
	v63 =	vld [tilespmem:$0x0]  }
0x12d: {  	s20 =	rddreg [dreg:$0xa]  }
0x12e: {  	[tilespmem:s18], [sflag:$0x8] =	stream.indirect.gather [hbm4b:s1+s13], $0x80, s20, s13, $0xb8;
	v63 =	vld [tilespmem:$0x0]  }
0x12f: {  	s8 =	rddreg [dreg:$0xb];
	s12 =	simm.s32 $0xA000  }
0x130: {  	[tilespmem:s12], [sflag:$0x9] =	stream.indirect.gather [hbm4b:s1+s13], $0x80, s8, s13, $0xb8;
	v63 =	vld [tilespmem:$0x0]  }
0x131: {  	s5 =	simm.s32 $0xB000;
	s19 =	rddreg [dreg:$0xc]  }
0x132: {  	[tilespmem:s5], [sflag:$0xA] =	stream.indirect.gather [hbm4b:s1+s13], $0x80, s19, s13, $0xb8;
	v63 =	vld [tilespmem:$0x0]  }
0x133: {  	_ =	swait.ge [sflag:s21], $0x1000  }
0x134: {  	[sflag:s21] =	ssyncset.done $0x0  }
0x135: {  	s8 =	simm.s32 $0x2000;
	[sflag:s21] =	ssyncadd.s32 $0xFFFFF000  }
0x136: {  	[spmem:s3] =	stream.indirect.scatter.add.f32 [tilespmem:s9], [sflag:$0xB], $0x80, s8, s13, $0xb8;
	v63 =	vld [tilespmem:$0x0]  }
0x137: {  	_ =	swait.ge [sflag:s22], $0x1000  }
0x138: {  	s20 =	rddreg [dreg:$0xd];
	[sflag:s22] =	ssyncset.done $0x0  }
0x139: {  	[sflag:s22] =	ssyncadd.s32 $0xFFFFF000  }
0x13a: {  	[tilespmem:s9], [sflag:$0x3] =	stream.indirect.gather [hbm4b:s1+s13], $0x80, s20, s13, $0xb8;
	v63 =	vld [tilespmem:$0x0]  }
0x13b: {  	_ =	swait.ge [sflag:s23], $0x1000  }
0x13c: {  	[sflag:s23] =	ssyncset.done $0x0  }
0x13d: {  	s19 =	rddreg [dreg:$0xe];
	[sflag:s23] =	ssyncadd.s32 $0xFFFFF000  }
0x13e: {  	[spmem:s3] =	stream.indirect.scatter.add.f32 [tilespmem:s14], [sflag:$0xC], $0x80, s19, s13, $0xb8;
	v63 =	vld [tilespmem:$0x0]  }
0x13f: {  	_ =	swait.ge [sflag:s24], $0x1000  }
0x140: {  	[sflag:s24] =	ssyncset.done $0x0  }
0x141: {  	s20 =	rddreg [dreg:$0xf];
	[sflag:s24] =	ssyncadd.s32 $0xFFFFF000  }
0x142: {  	[tilespmem:s14], [sflag:$0x4] =	stream.indirect.gather [hbm4b:s1+s13], $0x80, s20, s13, $0xb8;
	v63 =	vld [tilespmem:$0x0]  }
0x143: {  	_ =	swait.ge [sflag:s25], $0x1000  }
0x144: {  	[sflag:s25] =	ssyncset.done $0x0  }
0x145: {  	s19 =	rddreg [dreg:$0x10];
	[sflag:s25] =	ssyncadd.s32 $0xFFFFF000  }
0x146: {  	[spmem:s3] =	stream.indirect.scatter.add.f32 [tilespmem:s15], [sflag:$0xD], $0x80, s19, s13, $0xb8;
	v63 =	vld [tilespmem:$0x0]  }
0x147: {  	_ =	swait.ge [sflag:s26], $0x1000  }
0x148: {  	[sflag:s26] =	ssyncset.done $0x0  }
0x149: {  	s20 =	rddreg [dreg:$0x11];
	[sflag:s26] =	ssyncadd.s32 $0xFFFFF000  }
0x14a: {  	[tilespmem:s15], [sflag:$0x5] =	stream.indirect.gather [hbm4b:s1+s13], $0x80, s20, s13, $0xb8;
	v63 =	vld [tilespmem:$0x0]  }
0x14b: {  	_ =	swait.ge [sflag:s28], $0x1000  }
0x14c: {  	[sflag:s28] =	ssyncset.done $0x0  }
0x14d: {  	s19 =	rddreg [dreg:$0x12];
	[sflag:s28] =	ssyncadd.s32 $0xFFFFF000  }
0x14e: {  	[spmem:s3] =	stream.indirect.scatter.add.f32 [tilespmem:s16], [sflag:$0xE], $0x80, s19, s13, $0xb8;
	v63 =	vld [tilespmem:$0x0]  }
0x14f: {  	_ =	swait.ge [sflag:s29], $0x1000  }
0x150: {  	[sflag:s29] =	ssyncset.done $0x0  }
0x151: {  	s20 =	rddreg [dreg:$0x13];
	[sflag:s29] =	ssyncadd.s32 $0xFFFFF000  }
0x152: {  	[tilespmem:s16], [sflag:$0x6] =	stream.indirect.gather [hbm4b:s1+s13], $0x80, s20, s13, $0xb8;
	v63 =	vld [tilespmem:$0x0]  }
0x153: {  	_ =	swait.ge [sflag:s30], $0x1000  }
0x154: {  	[sflag:s30] =	ssyncset.done $0x0  }
0x155: {  	s19 =	rddreg [dreg:$0x14];
	[sflag:s30] =	ssyncadd.s32 $0xFFFFF000  }
0x156: {  	[spmem:s3] =	stream.indirect.scatter.add.f32 [tilespmem:s17], [sflag:$0xF], $0x80, s19, s13, $0xb8;
	v63 =	vld [tilespmem:$0x0]  }
0x157: {  	_ =	swait.ge [sflag:s31], $0x1000  }
0x158: {  	[sflag:s31] =	ssyncset.done $0x0  }
0x159: {  	s20 =	rddreg [dreg:$0x15];
	[sflag:s31] =	ssyncadd.s32 $0xFFFFF000  }
0x15a: {  	[tilespmem:s17], [sflag:$0x7] =	stream.indirect.gather [hbm4b:s1+s13], $0x80, s20, s13, $0xb8;
	v63 =	vld [tilespmem:$0x0]  }
0x15b: {  	_ =	swait.ge [sflag:s2], $0x1000  }
0x15c: {  	[sflag:s2] =	ssyncset.done $0x0  }
0x15d: {  	s19 =	rddreg [dreg:$0x16];
	[sflag:s2] =	ssyncadd.s32 $0xFFFFF000  }
0x15e: {  	[spmem:s3] =	stream.indirect.scatter.add.f32 [tilespmem:s18], [sflag:$0x10], $0x80, s19, s13, $0xb8;
	v63 =	vld [tilespmem:$0x0]  }
0x15f: {  	_ =	swait.ge [sflag:s6], $0x1000  }
0x160: {  	[sflag:s6] =	ssyncset.done $0x0  }
0x161: {  	s20 =	rddreg [dreg:$0x17];
	[sflag:s6] =	ssyncadd.s32 $0xFFFFF000  }
0x162: {  	[tilespmem:s18], [sflag:$0x8] =	stream.indirect.gather [hbm4b:s1+s13], $0x80, s20, s13, $0xb8;
	v63 =	vld [tilespmem:$0x0]  }
0x163: {  	_ =	swait.ge [sflag:s10], $0x1000  }
0x164: {  	[sflag:s10] =	ssyncset.done $0x0  }
0x165: {  	s19 =	rddreg [dreg:$0x18];
	[sflag:s10] =	ssyncadd.s32 $0xFFFFF000  }
0x166: {  	[spmem:s3] =	stream.indirect.scatter.add.f32 [tilespmem:s12], [sflag:$0x11], $0x80, s19, s13, $0xb8;
	v63 =	vld [tilespmem:$0x0]  }
0x167: {  	_ =	swait.ge [sflag:s11], $0x1000  }
0x168: {  	[sflag:s11] =	ssyncset.done $0x0  }
0x169: {  	s20 =	rddreg [dreg:$0x19];
	[sflag:s11] =	ssyncadd.s32 $0xFFFFF000  }
0x16a: {  	[tilespmem:s12], [sflag:$0x9] =	stream.indirect.gather [hbm4b:s1+s13], $0x80, s20, s13, $0xb8;
	v63 =	vld [tilespmem:$0x0]  }
0x16b: {  	_ =	swait.ge [sflag:s0], $0x1000  }
0x16c: {  	[sflag:s0] =	ssyncset.done $0x0  }
0x16d: {  	s19 =	rddreg [dreg:$0x1a];
	[sflag:s0] =	ssyncadd.s32 $0xFFFFF000  }
0x16e: {  	[spmem:s3] =	stream.indirect.scatter.add.f32 [tilespmem:s5], [sflag:$0x12], $0x80, s19, s13, $0xb8;
	v63 =	vld [tilespmem:$0x0]  }
0x16f: {  	_ =	swait.ge [sflag:s7], $0x1000  }
0x170: {  	[sflag:s7] =	ssyncset.done $0x0  }
0x171: {  	s20 =	rddreg [dreg:$0x1b];
	[sflag:s7] =	ssyncadd.s32 $0xFFFFF000  }
0x172: {  	[tilespmem:s5], [sflag:$0xA] =	stream.indirect.gather [hbm4b:s1+s13], $0x80, s20, s13, $0xb8;
	v63 =	vld [tilespmem:$0x0]  }
0x173: {  	_ =	swait.ge [sflag:s21], $0x1000  }
0x174: {  	[sflag:s21] =	ssyncset.done $0x0  }
0x175: {  	s19 =	rddreg [dreg:$0x1c];
	[sflag:s21] =	ssyncadd.s32 $0xFFFFF000  }
0x176: {  	[spmem:s3] =	stream.indirect.scatter.add.f32 [tilespmem:s9], [sflag:$0xB], $0x80, s19, s13, $0xb8;
	v63 =	vld [tilespmem:$0x0]  }
0x177: {  	_ =	swait.ge [sflag:s22], $0x1000  }
0x178: {  	[sflag:s22] =	ssyncset.done $0x0  }
0x179: {  	s20 =	rddreg [dreg:$0x1d];
	[sflag:s22] =	ssyncadd.s32 $0xFFFFF000  }
0x17a: {  	[tilespmem:s9], [sflag:$0x3] =	stream.indirect.gather [hbm4b:s1+s13], $0x80, s20, s13, $0xb8;
	v63 =	vld [tilespmem:$0x0]  }
0x17b: {  	_ =	swait.ge [sflag:s23], $0x1000  }
0x17c: {  	[sflag:s23] =	ssyncset.done $0x0  }
0x17d: {  	s19 =	rddreg [dreg:$0x1e];
	[sflag:s23] =	ssyncadd.s32 $0xFFFFF000  }
0x17e: {  	[spmem:s3] =	stream.indirect.scatter.add.f32 [tilespmem:s14], [sflag:$0xC], $0x80, s19, s13, $0xb8;
	v63 =	vld [tilespmem:$0x0]  }
0x17f: {  	_ =	swait.ge [sflag:s24], $0x1000  }
0x180: {  	[sflag:s24] =	ssyncset.done $0x0  }
0x181: {  	s20 =	rddreg [dreg:$0x1f];
	[sflag:s24] =	ssyncadd.s32 $0xFFFFF000  }
0x182: {  	[tilespmem:s14], [sflag:$0x4] =	stream.indirect.gather [hbm4b:s1+s13], $0x80, s20, s13, $0xb8;
	v63 =	vld [tilespmem:$0x0]  }
0x183: {  	_ =	swait.ge [sflag:s25], $0x1000  }
0x184: {  	s19 =	sld [smem:$0x780]  }
0x185: {  	[sflag:s25] =	ssyncset.done $0x0  }
0x186: {  	[sflag:s25] =	ssyncadd.s32 $0xFFFFF000  }
0x187: {  	[spmem:s3] =	stream.indirect.scatter.add.f32 [tilespmem:s15], [sflag:$0xD], $0x80, s19, s13, $0xb8;
	v63 =	vld [tilespmem:$0x0]  }
0x188: {  	_ =	swait.ge [sflag:s26], $0x1000  }
0x189: {  	s20 =	sld [smem:$0x781]  }
0x18a: {  	[sflag:s26] =	ssyncset.done $0x0  }
0x18b: {  	[sflag:s26] =	ssyncadd.s32 $0xFFFFF000  }
0x18c: {  	[tilespmem:s15], [sflag:$0x5] =	stream.indirect.gather [hbm4b:s1+s13], $0x80, s20, s13, $0xb8;
	v63 =	vld [tilespmem:$0x0]  }
0x18d: {  	_ =	swait.ge [sflag:s28], $0x1000  }
0x18e: {  	s19 =	sld [smem:$0x782]  }
0x18f: {  	[sflag:s28] =	ssyncset.done $0x0  }
0x190: {  	[sflag:s28] =	ssyncadd.s32 $0xFFFFF000  }
0x191: {  	[spmem:s3] =	stream.indirect.scatter.add.f32 [tilespmem:s16], [sflag:$0xE], $0x80, s19, s13, $0xb8;
	v63 =	vld [tilespmem:$0x0]  }
0x192: {  	_ =	swait.ge [sflag:s29], $0x1000  }
0x193: {  	s20 =	sld [smem:$0x783]  }
0x194: {  	[sflag:s29] =	ssyncset.done $0x0  }
0x195: {  	[sflag:s29] =	ssyncadd.s32 $0xFFFFF000  }
0x196: {  	[tilespmem:s16], [sflag:$0x6] =	stream.indirect.gather [hbm4b:s1+s13], $0x80, s20, s13, $0xb8;
	v63 =	vld [tilespmem:$0x0]  }
0x197: {  	_ =	swait.ge [sflag:s30], $0x1000  }
0x198: {  	s19 =	sld [smem:$0x784]  }
0x199: {  	[sflag:s30] =	ssyncset.done $0x0  }
0x19a: {  	[sflag:s30] =	ssyncadd.s32 $0xFFFFF000  }
0x19b: {  	[spmem:s3] =	stream.indirect.scatter.add.f32 [tilespmem:s17], [sflag:$0xF], $0x80, s19, s13, $0xb8;
	v63 =	vld [tilespmem:$0x0]  }
0x19c: {  	_ =	swait.ge [sflag:s31], $0x1000  }
0x19d: {  	s20 =	sld [smem:$0x785]  }
0x19e: {  	[sflag:s31] =	ssyncset.done $0x0  }
0x19f: {  	[sflag:s31] =	ssyncadd.s32 $0xFFFFF000  }
0x1a0: {  	[tilespmem:s17], [sflag:$0x7] =	stream.indirect.gather [hbm4b:s1+s13], $0x80, s20, s13, $0xb8;
	v63 =	vld [tilespmem:$0x0]  }
0x1a1: {  	_ =	swait.ge [sflag:s2], $0x1000  }
0x1a2: {  	s19 =	sld [smem:$0x786]  }
0x1a3: {  	[sflag:s2] =	ssyncset.done $0x0  }
0x1a4: {  	[sflag:s2] =	ssyncadd.s32 $0xFFFFF000  }
0x1a5: {  	[spmem:s3] =	stream.indirect.scatter.add.f32 [tilespmem:s18], [sflag:$0x10], $0x80, s19, s13, $0xb8;
	v63 =	vld [tilespmem:$0x0]  }
0x1a6: {  	_ =	swait.ge [sflag:s6], $0x1000  }
0x1a7: {  	s20 =	sld [smem:$0x787]  }
0x1a8: {  	[sflag:s6] =	ssyncset.done $0x0  }
0x1a9: {  	[sflag:s6] =	ssyncadd.s32 $0xFFFFF000  }
0x1aa: {  	[tilespmem:s18], [sflag:$0x8] =	stream.indirect.gather [hbm4b:s1+s13], $0x80, s20, s13, $0xb8;
	v63 =	vld [tilespmem:$0x0]  }
0x1ab: {  	_ =	swait.ge [sflag:s10], $0x1000  }
0x1ac: {  	s19 =	sld [smem:$0x788]  }
0x1ad: {  	[sflag:s10] =	ssyncset.done $0x0  }
0x1ae: {  	[sflag:s10] =	ssyncadd.s32 $0xFFFFF000  }
0x1af: {  	[spmem:s3] =	stream.indirect.scatter.add.f32 [tilespmem:s12], [sflag:$0x11], $0x80, s19, s13, $0xb8;
	v63 =	vld [tilespmem:$0x0]  }
0x1b0: {  	_ =	swait.ge [sflag:s11], $0x1000  }
0x1b1: {  	s20 =	sld [smem:$0x789]  }
0x1b2: {  	[sflag:s11] =	ssyncset.done $0x0  }
0x1b3: {  	[sflag:s11] =	ssyncadd.s32 $0xFFFFF000  }
0x1b4: {  	[tilespmem:s12], [sflag:$0x9] =	stream.indirect.gather [hbm4b:s1+s13], $0x80, s20, s13, $0xb8;
	v63 =	vld [tilespmem:$0x0]  }
0x1b5: {  	_ =	swait.ge [sflag:s0], $0x1000  }
0x1b6: {  	s19 =	sld [smem:$0x78A]  }
0x1b7: {  	[sflag:s0] =	ssyncset.done $0x0  }
0x1b8: {  	[sflag:s0] =	ssyncadd.s32 $0xFFFFF000  }
0x1b9: {  	[spmem:s3] =	stream.indirect.scatter.add.f32 [tilespmem:s5], [sflag:$0x12], $0x80, s19, s13, $0xb8;
	v63 =	vld [tilespmem:$0x0]  }
0x1ba: {  	_ =	swait.ge [sflag:s7], $0x1000  }
0x1bb: {  	s20 =	sld [smem:$0x78B]  }
0x1bc: {  	[sflag:s7] =	ssyncset.done $0x0  }
0x1bd: {  	[sflag:s7] =	ssyncadd.s32 $0xFFFFF000  }
0x1be: {  	[tilespmem:s5], [sflag:$0xA] =	stream.indirect.gather [hbm4b:s1+s13], $0x80, s20, s13, $0xb8;
	v63 =	vld [tilespmem:$0x0]  }
0x1bf: {  	_ =	swait.ge [sflag:s21], $0x1000  }
0x1c0: {  	s19 =	sld [smem:$0x78C]  }
0x1c1: {  	[sflag:s21] =	ssyncset.done $0x0  }
0x1c2: {  	[sflag:s21] =	ssyncadd.s32 $0xFFFFF000  }
0x1c3: {  	[spmem:s3] =	stream.indirect.scatter.add.f32 [tilespmem:s9], [sflag:$0xB], $0x80, s19, s13, $0xb8;
	v63 =	vld [tilespmem:$0x0]  }
0x1c4: {  	_ =	swait.ge [sflag:s22], $0x1000  }
0x1c5: {  	s20 =	sld [smem:$0x78D]  }
0x1c6: {  	[sflag:s22] =	ssyncset.done $0x0  }
0x1c7: {  	[sflag:s22] =	ssyncadd.s32 $0xFFFFF000  }
0x1c8: {  	[tilespmem:s9], [sflag:$0x3] =	stream.indirect.gather [hbm4b:s1+s13], $0x80, s20, s13, $0xb8;
	v63 =	vld [tilespmem:$0x0]  }
0x1c9: {  	_ =	swait.ge [sflag:s23], $0x1000  }
0x1ca: {  	s19 =	sld [smem:$0x78E]  }
0x1cb: {  	[sflag:s23] =	ssyncset.done $0x0  }
0x1cc: {  	[sflag:s23] =	ssyncadd.s32 $0xFFFFF000  }
0x1cd: {  	[spmem:s3] =	stream.indirect.scatter.add.f32 [tilespmem:s14], [sflag:$0xC], $0x80, s19, s13, $0xb8;
	v63 =	vld [tilespmem:$0x0]  }
0x1ce: {  	_ =	swait.ge [sflag:s24], $0x1000  }
0x1cf: {  	s20 =	sld [smem:$0x78F]  }
0x1d0: {  	[sflag:s24] =	ssyncset.done $0x0  }
0x1d1: {  	[sflag:s24] =	ssyncadd.s32 $0xFFFFF000  }
0x1d2: {  	[tilespmem:s14], [sflag:$0x4] =	stream.indirect.gather [hbm4b:s1+s13], $0x80, s20, s13, $0xb8;
	v63 =	vld [tilespmem:$0x0]  }
0x1d3: {  	_ =	swait.ge [sflag:s25], $0x1000  }
0x1d4: {  	s19 =	sld [smem:$0x790]  }
0x1d5: {  	[sflag:s25] =	ssyncset.done $0x0  }
0x1d6: {  	[sflag:s25] =	ssyncadd.s32 $0xFFFFF000  }
0x1d7: {  	[spmem:s3] =	stream.indirect.scatter.add.f32 [tilespmem:s15], [sflag:$0xD], $0x80, s19, s13, $0xb8;
	v63 =	vld [tilespmem:$0x0]  }
0x1d8: {  	_ =	swait.ge [sflag:s26], $0x1000  }
0x1d9: {  	s20 =	sld [smem:$0x791]  }
0x1da: {  	[sflag:s26] =	ssyncset.done $0x0  }
0x1db: {  	[sflag:s26] =	ssyncadd.s32 $0xFFFFF000  }
0x1dc: {  	[tilespmem:s15], [sflag:$0x5] =	stream.indirect.gather [hbm4b:s1+s13], $0x80, s20, s13, $0xb8;
	v63 =	vld [tilespmem:$0x0]  }
0x1dd: {  	_ =	swait.ge [sflag:s28], $0x1000  }
0x1de: {  	s19 =	sld [smem:$0x792]  }
0x1df: {  	[sflag:s28] =	ssyncset.done $0x0  }
0x1e0: {  	[sflag:s28] =	ssyncadd.s32 $0xFFFFF000  }
0x1e1: {  	[spmem:s3] =	stream.indirect.scatter.add.f32 [tilespmem:s16], [sflag:$0xE], $0x80, s19, s13, $0xb8;
	v63 =	vld [tilespmem:$0x0]  }
0x1e2: {  	_ =	swait.ge [sflag:s29], $0x1000  }
0x1e3: {  	s20 =	sld [smem:$0x793]  }
0x1e4: {  	[sflag:s29] =	ssyncset.done $0x0  }
0x1e5: {  	[sflag:s29] =	ssyncadd.s32 $0xFFFFF000  }
0x1e6: {  	[tilespmem:s16], [sflag:$0x6] =	stream.indirect.gather [hbm4b:s1+s13], $0x80, s20, s13, $0xb8;
	v63 =	vld [tilespmem:$0x0]  }
0x1e7: {  	_ =	swait.ge [sflag:s30], $0x1000  }
0x1e8: {  	s19 =	sld [smem:$0x794]  }
0x1e9: {  	[sflag:s30] =	ssyncset.done $0x0  }
0x1ea: {  	[sflag:s30] =	ssyncadd.s32 $0xFFFFF000  }
0x1eb: {  	[spmem:s3] =	stream.indirect.scatter.add.f32 [tilespmem:s17], [sflag:$0xF], $0x80, s19, s13, $0xb8;
	v63 =	vld [tilespmem:$0x0]  }
0x1ec: {  	_ =	swait.ge [sflag:s31], $0x1000  }
0x1ed: {  	s20 =	sld [smem:$0x795]  }
0x1ee: {  	[sflag:s31] =	ssyncset.done $0x0  }
0x1ef: {  	[sflag:s31] =	ssyncadd.s32 $0xFFFFF000  }
0x1f0: {  	[tilespmem:s17], [sflag:$0x7] =	stream.indirect.gather [hbm4b:s1+s13], $0x80, s20, s13, $0xb8;
	v63 =	vld [tilespmem:$0x0]  }
0x1f1: {  	_ =	swait.ge [sflag:s2], $0x1000  }
0x1f2: {  	s19 =	sld [smem:$0x796]  }
0x1f3: {  	[sflag:s2] =	ssyncset.done $0x0  }
0x1f4: {  	[sflag:s2] =	ssyncadd.s32 $0xFFFFF000  }
0x1f5: {  	[spmem:s3] =	stream.indirect.scatter.add.f32 [tilespmem:s18], [sflag:$0x10], $0x80, s19, s13, $0xb8;
	v63 =	vld [tilespmem:$0x0]  }
0x1f6: {  	_ =	swait.ge [sflag:s6], $0x1000  }
0x1f7: {  	s20 =	sld [smem:$0x797]  }
0x1f8: {  	[sflag:s6] =	ssyncset.done $0x0  }
0x1f9: {  	[sflag:s6] =	ssyncadd.s32 $0xFFFFF000  }
0x1fa: {  	[tilespmem:s18], [sflag:$0x8] =	stream.indirect.gather [hbm4b:s1+s13], $0x80, s20, s13, $0xb8;
	v63 =	vld [tilespmem:$0x0]  }
0x1fb: {  	_ =	swait.ge [sflag:s10], $0x1000  }
0x1fc: {  	s19 =	sld [smem:$0x798]  }
0x1fd: {  	[sflag:s10] =	ssyncset.done $0x0  }
0x1fe: {  	[sflag:s10] =	ssyncadd.s32 $0xFFFFF000  }
0x1ff: {  	[spmem:s3] =	stream.indirect.scatter.add.f32 [tilespmem:s12], [sflag:$0x11], $0x80, s19, s13, $0xb8;
	v63 =	vld [tilespmem:$0x0]  }
0x200: {  	_ =	swait.ge [sflag:s11], $0x1000  }
0x201: {  	s20 =	sld [smem:$0x799]  }
0x202: {  	[sflag:s11] =	ssyncset.done $0x0  }
0x203: {  	[sflag:s11] =	ssyncadd.s32 $0xFFFFF000  }
0x204: {  	[tilespmem:s12], [sflag:$0x9] =	stream.indirect.gather [hbm4b:s1+s13], $0x80, s20, s13, $0xb8;
	v63 =	vld [tilespmem:$0x0]  }
0x205: {  	_ =	swait.ge [sflag:s0], $0x1000  }
0x206: {  	s19 =	sld [smem:$0x79A]  }
0x207: {  	[sflag:s0] =	ssyncset.done $0x0  }
0x208: {  	[sflag:s0] =	ssyncadd.s32 $0xFFFFF000  }
0x209: {  	[spmem:s3] =	stream.indirect.scatter.add.f32 [tilespmem:s5], [sflag:$0x12], $0x80, s19, s13, $0xb8;
	v63 =	vld [tilespmem:$0x0]  }
0x20a: {  	_ =	swait.ge [sflag:s7], $0x1000  }
0x20b: {  	s20 =	sld [smem:$0x79B]  }
0x20c: {  	[sflag:s7] =	ssyncset.done $0x0  }
0x20d: {  	[sflag:s7] =	ssyncadd.s32 $0xFFFFF000  }
0x20e: {  	[tilespmem:s5], [sflag:$0xA] =	stream.indirect.gather [hbm4b:s1+s13], $0x80, s20, s13, $0xb8;
	v63 =	vld [tilespmem:$0x0]  }
0x20f: {  	_ =	swait.ge [sflag:s21], $0x1000  }
0x210: {  	s19 =	sld [smem:$0x79C]  }
0x211: {  	[sflag:s21] =	ssyncset.done $0x0  }
0x212: {  	[sflag:s21] =	ssyncadd.s32 $0xFFFFF000  }
0x213: {  	[spmem:s3] =	stream.indirect.scatter.add.f32 [tilespmem:s9], [sflag:$0xB], $0x80, s19, s13, $0xb8;
	v63 =	vld [tilespmem:$0x0]  }
0x214: {  	_ =	swait.ge [sflag:s23], $0x1000  }
0x215: {  	s20 =	sld [smem:$0x79D]  }
0x216: {  	[sflag:s23] =	ssyncset.done $0x0  }
0x217: {  	[sflag:s23] =	ssyncadd.s32 $0xFFFFF000  }
0x218: {  	[spmem:s3] =	stream.indirect.scatter.add.f32 [tilespmem:s14], [sflag:$0xC], $0x80, s20, s13, $0xb8;
	v63 =	vld [tilespmem:$0x0]  }
0x219: {  	_ =	swait.ge [sflag:s25], $0x1000  }
0x21a: {  	s9 =	sld [smem:$0x79E]  }
0x21b: {  	[sflag:s25] =	ssyncset.done $0x0  }
0x21c: {  	[sflag:s25] =	ssyncadd.s32 $0xFFFFF000  }
0x21d: {  	[spmem:s3] =	stream.indirect.scatter.add.f32 [tilespmem:s15], [sflag:$0xD], $0x80, s9, s13, $0xb8;
	v63 =	vld [tilespmem:$0x0]  }
0x21e: {  	_ =	swait.ge [sflag:s28], $0x1000  }
0x21f: {  	s14 =	sld [smem:$0x79F]  }
0x220: {  	[sflag:s28] =	ssyncset.done $0x0  }
0x221: {  	[sflag:s28] =	ssyncadd.s32 $0xFFFFF000  }
0x222: {  	[spmem:s3] =	stream.indirect.scatter.add.f32 [tilespmem:s16], [sflag:$0xE], $0x80, s14, s13, $0xb8;
	v63 =	vld [tilespmem:$0x0]  }
0x223: {  	_ =	swait.ge [sflag:s30], $0x1000  }
0x224: {  	s15 =	sld [smem:$0x7A0]  }
0x225: {  	[sflag:s30] =	ssyncset.done $0x0  }
0x226: {  	[sflag:s30] =	ssyncadd.s32 $0xFFFFF000  }
0x227: {  	[spmem:s3] =	stream.indirect.scatter.add.f32 [tilespmem:s17], [sflag:$0xF], $0x80, s15, s13, $0xb8;
	v63 =	vld [tilespmem:$0x0]  }
0x228: {  	_ =	swait.ge [sflag:s2], $0x1000  }
0x229: {  	s16 =	sld [smem:$0x7A1]  }
0x22a: {  	[sflag:s2] =	ssyncset.done $0x0  }
0x22b: {  	[sflag:s2] =	ssyncadd.s32 $0xFFFFF000  }
0x22c: {  	[spmem:s3] =	stream.indirect.scatter.add.f32 [tilespmem:s18], [sflag:$0x10], $0x80, s16, s13, $0xb8;
	v63 =	vld [tilespmem:$0x0]  }
0x22d: {  	_ =	swait.ge [sflag:s10], $0x1000  }
0x22e: {  	s17 =	sld [smem:$0x7A2]  }
0x22f: {  	[sflag:s10] =	ssyncset.done $0x0  }
0x230: {  	[sflag:s10] =	ssyncadd.s32 $0xFFFFF000  }
0x231: {  	[spmem:s3] =	stream.indirect.scatter.add.f32 [tilespmem:s12], [sflag:$0x11], $0x80, s17, s13, $0xb8;
	v63 =	vld [tilespmem:$0x0]  }
0x232: {  	_ =	swait.ge [sflag:s0], $0x1000  }
0x233: {  	s18 =	sld [smem:$0x7A3]  }
0x234: {  	[sflag:s0] =	ssyncset.done $0x0  }
0x235: {  	[sflag:s0] =	ssyncadd.s32 $0xFFFFF000  }
0x236: {  	[spmem:s3] =	stream.indirect.scatter.add.f32 [tilespmem:s5], [sflag:$0x12], $0x80, s18, s13, $0xb8;
	v63 =	vld [tilespmem:$0x0]  }
0x237: {  	_ =	swait.ge [sflag:s22], $0x1000  }
0x238: {  	[sflag:s22] =	ssyncset.done $0x0  }
0x239: {  	[sflag:s22] =	ssyncadd.s32 $0xFFFFF000  }
0x23a: {  	_ =	swait.ge [sflag:s24], $0x1000  }
0x23b: {  	[sflag:s24] =	ssyncset.done $0x0  }
0x23c: {  	[sflag:s24] =	ssyncadd.s32 $0xFFFFF000  }
0x23d: {  	_ =	swait.ge [sflag:s26], $0x1000  }
0x23e: {  	[sflag:s26] =	ssyncset.done $0x0  }
0x23f: {  	[sflag:s26] =	ssyncadd.s32 $0xFFFFF000  }
0x240: {  	_ =	swait.ge [sflag:s29], $0x1000  }
0x241: {  	[sflag:s29] =	ssyncset.done $0x0  }
0x242: {  	[sflag:s29] =	ssyncadd.s32 $0xFFFFF000  }
0x243: {  	_ =	swait.ge [sflag:s31], $0x1000  }
0x244: {  	[sflag:s31] =	ssyncset.done $0x0  }
0x245: {  	[sflag:s31] =	ssyncadd.s32 $0xFFFFF000  }
0x246: {  	_ =	swait.ge [sflag:s6], $0x1000  }
0x247: {  	[sflag:s6] =	ssyncset.done $0x0  }
0x248: {  	[sflag:s6] =	ssyncadd.s32 $0xFFFFF000  }
0x249: {  	_ =	swait.ge [sflag:s11], $0x1000  }
0x24a: {  	[sflag:s11] =	ssyncset.done $0x0  }
0x24b: {  	[sflag:s11] =	ssyncadd.s32 $0xFFFFF000  }
0x24c: {  	s19 =	simm.s32 $0x0;
	_ =	swait.ge [sflag:s7], $0x1000  }
0x24d: {  	s4 =	smin.u32 s19, $0x7;
	s20 =	rddreg [dreg:$0x4]  }
0x24e: {  	s4 =	sshll.u32 s4, $0xC;
	s16 =	sld [smem:$0x7CE]  }
0x24f: {  	s4 =	sadd.s32 s4, s20  }
0x250: {  	[sflag:s7] =	ssyncset.done $0x0;
	s4 =	sshrl.u32 s4, $0x3  }
0x251: {  	s5 =	simm.s32 $0x0;
	[sflag:s7] =	ssyncadd.s32 $0xFFFFF000;
	s4 =	sadd.s32 s16, s4  }
0x252: {  	[tilespmem:s5], [sflag:$0x1] =	stream.linear.gather [hbm4b:s4+s5], $0x1000, $0x38;
	v63 =	vld [tilespmem:$0x0]  }
0x253: {  	s4 =	sadd.s32 $0x28000, s4  }
0x254: {  	[tilespmem:s8], [sflag:$0x1] =	stream.linear.gather [hbm4b:s4+s5], $0x1000, $0x38;
	v63 =	vld [tilespmem:$0x0]  }
0x255: {  	s5 =	simm.s32 $0x2  }
0x256: {  	_ =	swait.ge [sflag:s5], $0x1000  }
0x257: {  	[sflag:s5] =	ssyncset.done $0x0  }
0x258: {  	[sflag:s5] =	ssyncadd.s32 $0xFFFFF000  }
0x259: {  	_ =	swait.ge [sflag:s5], $0x1000  }
0x25a: {  	s12 =	simm.s32 $0x4000;
	[sflag:s5] =	ssyncset.done $0x0  }
0x25b: {  	s8 =	simm.s32 $0x1000;
	s4 =	sld [smem:$0x7A4];
	[sflag:s5] =	ssyncadd.s32 $0xFFFFF000  }
0x25c: {  	[tilespmem:s12], [sflag:$0x3] =	stream.indirect.gather [hbm4b:s1+s13], $0x80, s8, s13, $0xb8;
	v63 =	vld [tilespmem:$0x0]  }
0x25d: {  	s15 =	simm.s32 $0x5000;
	s5 =	sld [smem:$0x7A5]  }
0x25e: {  	[tilespmem:s15], [sflag:$0x4] =	stream.indirect.gather [hbm4b:s1+s13], $0x80, s4, s13, $0xb8;
	v63 =	vld [tilespmem:$0x0]  }
0x25f: {  	s14 =	simm.s32 $0x6000;
	s8 =	sld [smem:$0x7A6]  }
0x260: {  	[tilespmem:s14], [sflag:$0x5] =	stream.indirect.gather [hbm4b:s1+s13], $0x80, s5, s13, $0xb8;
	v63 =	vld [tilespmem:$0x0]  }
0x261: {  	s17 =	simm.s32 $0x7000;
	s5 =	sld [smem:$0x7A7]  }
0x262: {  	[tilespmem:s17], [sflag:$0x6] =	stream.indirect.gather [hbm4b:s1+s13], $0x80, s8, s13, $0xb8;
	v63 =	vld [tilespmem:$0x0]  }
0x263: {  	s18 =	simm.s32 $0x8000;
	s8 =	sld [smem:$0x7A8]  }
0x264: {  	[tilespmem:s18], [sflag:$0x7] =	stream.indirect.gather [hbm4b:s1+s13], $0x80, s5, s13, $0xb8;
	v63 =	vld [tilespmem:$0x0]  }
0x265: {  	s19 =	simm.s32 $0x9000;
	s5 =	sld [smem:$0x7A9]  }
0x266: {  	[tilespmem:s19], [sflag:$0x8] =	stream.indirect.gather [hbm4b:s1+s13], $0x80, s8, s13, $0xb8;
	v63 =	vld [tilespmem:$0x0]  }
0x267: {  	s20 =	simm.s32 $0xA000;
	s8 =	sld [smem:$0x7AA]  }
0x268: {  	[tilespmem:s20], [sflag:$0x9] =	stream.indirect.gather [hbm4b:s1+s13], $0x80, s5, s13, $0xb8;
	v63 =	vld [tilespmem:$0x0]  }
0x269: {  	s9 =	simm.s32 $0xB000  }
0x26a: {  	[tilespmem:s9], [sflag:$0xA] =	stream.indirect.gather [hbm4b:s1+s13], $0x80, s8, s13, $0xb8;
	v63 =	vld [tilespmem:$0x0]  }
0x26b: {  	_ =	swait.ge [sflag:s21], $0x1000  }
0x26c: {  	[sflag:s21] =	ssyncset.done $0x0  }
0x26d: {  	s8 =	simm.s32 $0x3000;
	[sflag:s21] =	ssyncadd.s32 $0xFFFFF000  }
0x26e: {  	[spmem:s3] =	stream.indirect.scatter.add.f32 [tilespmem:s12], [sflag:$0xB], $0x80, s8, s13, $0xb8;
	v63 =	vld [tilespmem:$0x0]  }
0x26f: {  	_ =	swait.ge [sflag:s22], $0x1000  }
0x270: {  	s5 =	sld [smem:$0x7AB]  }
0x271: {  	[sflag:s22] =	ssyncset.done $0x0  }
0x272: {  	[sflag:s22] =	ssyncadd.s32 $0xFFFFF000  }
0x273: {  	[tilespmem:s12], [sflag:$0x3] =	stream.indirect.gather [hbm4b:s1+s13], $0x80, s5, s13, $0xb8;
	v63 =	vld [tilespmem:$0x0]  }
0x274: {  	_ =	swait.ge [sflag:s23], $0x1000  }
0x275: {  	s5 =	sld [smem:$0x7AC]  }
0x276: {  	[sflag:s23] =	ssyncset.done $0x0  }
0x277: {  	[sflag:s23] =	ssyncadd.s32 $0xFFFFF000  }
0x278: {  	[spmem:s3] =	stream.indirect.scatter.add.f32 [tilespmem:s15], [sflag:$0xC], $0x80, s5, s13, $0xb8;
	v63 =	vld [tilespmem:$0x0]  }
0x279: {  	_ =	swait.ge [sflag:s24], $0x1000  }
0x27a: {  	s5 =	sld [smem:$0x7AD]  }
0x27b: {  	[sflag:s24] =	ssyncset.done $0x0  }
0x27c: {  	[sflag:s24] =	ssyncadd.s32 $0xFFFFF000  }
0x27d: {  	[tilespmem:s15], [sflag:$0x4] =	stream.indirect.gather [hbm4b:s1+s13], $0x80, s5, s13, $0xb8;
	v63 =	vld [tilespmem:$0x0]  }
0x27e: {  	_ =	swait.ge [sflag:s25], $0x1000  }
0x27f: {  	s5 =	sld [smem:$0x7AE]  }
0x280: {  	[sflag:s25] =	ssyncset.done $0x0  }
0x281: {  	[sflag:s25] =	ssyncadd.s32 $0xFFFFF000  }
0x282: {  	[spmem:s3] =	stream.indirect.scatter.add.f32 [tilespmem:s14], [sflag:$0xD], $0x80, s5, s13, $0xb8;
	v63 =	vld [tilespmem:$0x0]  }
0x283: {  	_ =	swait.ge [sflag:s26], $0x1000  }
0x284: {  	s5 =	sld [smem:$0x7AF]  }
0x285: {  	[sflag:s26] =	ssyncset.done $0x0  }
0x286: {  	[sflag:s26] =	ssyncadd.s32 $0xFFFFF000  }
0x287: {  	[tilespmem:s14], [sflag:$0x5] =	stream.indirect.gather [hbm4b:s1+s13], $0x80, s5, s13, $0xb8;
	v63 =	vld [tilespmem:$0x0]  }
0x288: {  	_ =	swait.ge [sflag:s28], $0x1000  }
0x289: {  	s5 =	sld [smem:$0x7B0]  }
0x28a: {  	[sflag:s28] =	ssyncset.done $0x0  }
0x28b: {  	[sflag:s28] =	ssyncadd.s32 $0xFFFFF000  }
0x28c: {  	[spmem:s3] =	stream.indirect.scatter.add.f32 [tilespmem:s17], [sflag:$0xE], $0x80, s5, s13, $0xb8;
	v63 =	vld [tilespmem:$0x0]  }
0x28d: {  	_ =	swait.ge [sflag:s29], $0x1000  }
0x28e: {  	s5 =	sld [smem:$0x7B1]  }
0x28f: {  	[sflag:s29] =	ssyncset.done $0x0  }
0x290: {  	[sflag:s29] =	ssyncadd.s32 $0xFFFFF000  }
0x291: {  	[tilespmem:s17], [sflag:$0x6] =	stream.indirect.gather [hbm4b:s1+s13], $0x80, s5, s13, $0xb8;
	v63 =	vld [tilespmem:$0x0]  }
0x292: {  	_ =	swait.ge [sflag:s30], $0x1000  }
0x293: {  	s5 =	sld [smem:$0x7B2]  }
0x294: {  	[sflag:s30] =	ssyncset.done $0x0  }
0x295: {  	[sflag:s30] =	ssyncadd.s32 $0xFFFFF000  }
0x296: {  	[spmem:s3] =	stream.indirect.scatter.add.f32 [tilespmem:s18], [sflag:$0xF], $0x80, s5, s13, $0xb8;
	v63 =	vld [tilespmem:$0x0]  }
0x297: {  	_ =	swait.ge [sflag:s31], $0x1000  }
0x298: {  	s5 =	sld [smem:$0x7B3]  }
0x299: {  	[sflag:s31] =	ssyncset.done $0x0  }
0x29a: {  	[sflag:s31] =	ssyncadd.s32 $0xFFFFF000  }
0x29b: {  	[tilespmem:s18], [sflag:$0x7] =	stream.indirect.gather [hbm4b:s1+s13], $0x80, s5, s13, $0xb8;
	v63 =	vld [tilespmem:$0x0]  }
0x29c: {  	_ =	swait.ge [sflag:s2], $0x1000  }
0x29d: {  	s5 =	sld [smem:$0x7B4]  }
0x29e: {  	[sflag:s2] =	ssyncset.done $0x0  }
0x29f: {  	[sflag:s2] =	ssyncadd.s32 $0xFFFFF000  }
0x2a0: {  	[spmem:s3] =	stream.indirect.scatter.add.f32 [tilespmem:s19], [sflag:$0x10], $0x80, s5, s13, $0xb8;
	v63 =	vld [tilespmem:$0x0]  }
0x2a1: {  	_ =	swait.ge [sflag:s6], $0x1000  }
0x2a2: {  	s5 =	sld [smem:$0x7B5]  }
0x2a3: {  	[sflag:s6] =	ssyncset.done $0x0  }
0x2a4: {  	[sflag:s6] =	ssyncadd.s32 $0xFFFFF000  }
0x2a5: {  	[tilespmem:s19], [sflag:$0x8] =	stream.indirect.gather [hbm4b:s1+s13], $0x80, s5, s13, $0xb8;
	v63 =	vld [tilespmem:$0x0]  }
0x2a6: {  	_ =	swait.ge [sflag:s10], $0x1000  }
0x2a7: {  	s5 =	sld [smem:$0x7B6]  }
0x2a8: {  	[sflag:s10] =	ssyncset.done $0x0  }
0x2a9: {  	[sflag:s10] =	ssyncadd.s32 $0xFFFFF000  }
0x2aa: {  	[spmem:s3] =	stream.indirect.scatter.add.f32 [tilespmem:s20], [sflag:$0x11], $0x80, s5, s13, $0xb8;
	v63 =	vld [tilespmem:$0x0]  }
0x2ab: {  	_ =	swait.ge [sflag:s11], $0x1000  }
0x2ac: {  	s5 =	sld [smem:$0x7B7]  }
0x2ad: {  	[sflag:s11] =	ssyncset.done $0x0  }
0x2ae: {  	[sflag:s11] =	ssyncadd.s32 $0xFFFFF000  }
0x2af: {  	[tilespmem:s20], [sflag:$0x9] =	stream.indirect.gather [hbm4b:s1+s13], $0x80, s5, s13, $0xb8;
	v63 =	vld [tilespmem:$0x0]  }
0x2b0: {  	_ =	swait.ge [sflag:s0], $0x1000  }
0x2b1: {  	s5 =	sld [smem:$0x7B8]  }
0x2b2: {  	[sflag:s0] =	ssyncset.done $0x0  }
0x2b3: {  	[sflag:s0] =	ssyncadd.s32 $0xFFFFF000  }
0x2b4: {  	[spmem:s3] =	stream.indirect.scatter.add.f32 [tilespmem:s9], [sflag:$0x12], $0x80, s5, s13, $0xb8;
	v63 =	vld [tilespmem:$0x0]  }
0x2b5: {  	_ =	swait.ge [sflag:s7], $0x1000  }
0x2b6: {  	s5 =	sld [smem:$0x7B9]  }
0x2b7: {  	[sflag:s7] =	ssyncset.done $0x0  }
0x2b8: {  	[sflag:s7] =	ssyncadd.s32 $0xFFFFF000  }
0x2b9: {  	[tilespmem:s9], [sflag:$0xA] =	stream.indirect.gather [hbm4b:s1+s13], $0x80, s5, s13, $0xb8;
	v63 =	vld [tilespmem:$0x0]  }
0x2ba: {  	_ =	swait.ge [sflag:s21], $0x1000  }
0x2bb: {  	s5 =	sld [smem:$0x7BA]  }
0x2bc: {  	[sflag:s21] =	ssyncset.done $0x0  }
0x2bd: {  	[sflag:s21] =	ssyncadd.s32 $0xFFFFF000  }
0x2be: {  	[spmem:s3] =	stream.indirect.scatter.add.f32 [tilespmem:s12], [sflag:$0xB], $0x80, s5, s13, $0xb8;
	v63 =	vld [tilespmem:$0x0]  }
0x2bf: {  	_ =	swait.ge [sflag:s22], $0x1000  }
0x2c0: {  	s5 =	sld [smem:$0x7BB]  }
0x2c1: {  	[sflag:s22] =	ssyncset.done $0x0  }
0x2c2: {  	[sflag:s22] =	ssyncadd.s32 $0xFFFFF000  }
0x2c3: {  	[tilespmem:s12], [sflag:$0x3] =	stream.indirect.gather [hbm4b:s1+s13], $0x80, s5, s13, $0xb8;
	v63 =	vld [tilespmem:$0x0]  }
0x2c4: {  	_ =	swait.ge [sflag:s23], $0x1000  }
0x2c5: {  	s5 =	sld [smem:$0x7BC]  }
0x2c6: {  	[sflag:s23] =	ssyncset.done $0x0  }
0x2c7: {  	[sflag:s23] =	ssyncadd.s32 $0xFFFFF000  }
0x2c8: {  	[spmem:s3] =	stream.indirect.scatter.add.f32 [tilespmem:s15], [sflag:$0xC], $0x80, s5, s13, $0xb8;
	v63 =	vld [tilespmem:$0x0]  }
0x2c9: {  	_ =	swait.ge [sflag:s24], $0x1000  }
0x2ca: {  	s5 =	sld [smem:$0x7BD]  }
0x2cb: {  	[sflag:s24] =	ssyncset.done $0x0  }
0x2cc: {  	[sflag:s24] =	ssyncadd.s32 $0xFFFFF000  }
0x2cd: {  	[tilespmem:s15], [sflag:$0x4] =	stream.indirect.gather [hbm4b:s1+s13], $0x80, s5, s13, $0xb8;
	v63 =	vld [tilespmem:$0x0]  }
0x2ce: {  	_ =	swait.ge [sflag:s25], $0x1000  }
0x2cf: {  	s5 =	sld [smem:$0x7BE]  }
0x2d0: {  	[sflag:s25] =	ssyncset.done $0x0  }
0x2d1: {  	[sflag:s25] =	ssyncadd.s32 $0xFFFFF000  }
0x2d2: {  	[spmem:s3] =	stream.indirect.scatter.add.f32 [tilespmem:s14], [sflag:$0xD], $0x80, s5, s13, $0xb8;
	v63 =	vld [tilespmem:$0x0]  }
0x2d3: {  	_ =	swait.ge [sflag:s26], $0x1000  }
0x2d4: {  	s5 =	sld [smem:$0x7BF]  }
0x2d5: {  	[sflag:s26] =	ssyncset.done $0x0  }
0x2d6: {  	[sflag:s26] =	ssyncadd.s32 $0xFFFFF000  }
0x2d7: {  	[tilespmem:s14], [sflag:$0x5] =	stream.indirect.gather [hbm4b:s1+s13], $0x80, s5, s13, $0xb8;
	v63 =	vld [tilespmem:$0x0]  }
0x2d8: {  	_ =	swait.ge [sflag:s28], $0x1000  }
0x2d9: {  	s5 =	sld [smem:$0x7C0]  }
0x2da: {  	[sflag:s28] =	ssyncset.done $0x0  }
0x2db: {  	[sflag:s28] =	ssyncadd.s32 $0xFFFFF000  }
0x2dc: {  	[spmem:s3] =	stream.indirect.scatter.add.f32 [tilespmem:s17], [sflag:$0xE], $0x80, s5, s13, $0xb8;
	v63 =	vld [tilespmem:$0x0]  }
0x2dd: {  	_ =	swait.ge [sflag:s29], $0x1000  }
0x2de: {  	s5 =	sld [smem:$0x7C1]  }
0x2df: {  	[sflag:s29] =	ssyncset.done $0x0  }
0x2e0: {  	[sflag:s29] =	ssyncadd.s32 $0xFFFFF000  }
0x2e1: {  	[tilespmem:s17], [sflag:$0x6] =	stream.indirect.gather [hbm4b:s1+s13], $0x80, s5, s13, $0xb8;
	v63 =	vld [tilespmem:$0x0]  }
0x2e2: {  	_ =	swait.ge [sflag:s30], $0x1000  }
0x2e3: {  	s5 =	sld [smem:$0x7C2]  }
0x2e4: {  	[sflag:s30] =	ssyncset.done $0x0  }
0x2e5: {  	[sflag:s30] =	ssyncadd.s32 $0xFFFFF000  }
0x2e6: {  	[spmem:s3] =	stream.indirect.scatter.add.f32 [tilespmem:s18], [sflag:$0xF], $0x80, s5, s13, $0xb8;
	v63 =	vld [tilespmem:$0x0]  }
0x2e7: {  	_ =	swait.ge [sflag:s31], $0x1000  }
0x2e8: {  	s5 =	sld [smem:$0x7C3]  }
0x2e9: {  	[sflag:s31] =	ssyncset.done $0x0  }
0x2ea: {  	[sflag:s31] =	ssyncadd.s32 $0xFFFFF000  }
0x2eb: {  	[tilespmem:s18], [sflag:$0x7] =	stream.indirect.gather [hbm4b:s1+s13], $0x80, s5, s13, $0xb8;
	v63 =	vld [tilespmem:$0x0]  }
0x2ec: {  	_ =	swait.ge [sflag:s2], $0x1000  }
0x2ed: {  	s5 =	sld [smem:$0x7C4]  }
0x2ee: {  	[sflag:s2] =	ssyncset.done $0x0  }
0x2ef: {  	[sflag:s2] =	ssyncadd.s32 $0xFFFFF000  }
0x2f0: {  	[spmem:s3] =	stream.indirect.scatter.add.f32 [tilespmem:s19], [sflag:$0x10], $0x80, s5, s13, $0xb8;
	v63 =	vld [tilespmem:$0x0]  }
0x2f1: {  	_ =	swait.ge [sflag:s6], $0x1000  }
0x2f2: {  	s5 =	sld [smem:$0x7C5]  }
0x2f3: {  	[sflag:s6] =	ssyncset.done $0x0  }
0x2f4: {  	[sflag:s6] =	ssyncadd.s32 $0xFFFFF000  }
0x2f5: {  	[tilespmem:s19], [sflag:$0x8] =	stream.indirect.gather [hbm4b:s1+s13], $0x80, s5, s13, $0xb8;
	v63 =	vld [tilespmem:$0x0]  }
0x2f6: {  	_ =	swait.ge [sflag:s10], $0x1000  }
0x2f7: {  	s5 =	sld [smem:$0x7C6]  }
0x2f8: {  	[sflag:s10] =	ssyncset.done $0x0  }
0x2f9: {  	[sflag:s10] =	ssyncadd.s32 $0xFFFFF000  }
0x2fa: {  	[spmem:s3] =	stream.indirect.scatter.add.f32 [tilespmem:s20], [sflag:$0x11], $0x80, s5, s13, $0xb8;
	v63 =	vld [tilespmem:$0x0]  }
0x2fb: {  	_ =	swait.ge [sflag:s11], $0x1000  }
0x2fc: {  	s5 =	sld [smem:$0x7C7]  }
0x2fd: {  	[sflag:s11] =	ssyncset.done $0x0  }
0x2fe: {  	[sflag:s11] =	ssyncadd.s32 $0xFFFFF000  }
0x2ff: {  	[tilespmem:s20], [sflag:$0x9] =	stream.indirect.gather [hbm4b:s1+s13], $0x80, s5, s13, $0xb8;
	v63 =	vld [tilespmem:$0x0]  }
0x300: {  	_ =	swait.ge [sflag:s0], $0x1000  }
0x301: {  	s5 =	sld [smem:$0x7C8]  }
0x302: {  	[sflag:s0] =	ssyncset.done $0x0  }
0x303: {  	[sflag:s0] =	ssyncadd.s32 $0xFFFFF000  }
0x304: {  	[spmem:s3] =	stream.indirect.scatter.add.f32 [tilespmem:s9], [sflag:$0x12], $0x80, s5, s13, $0xb8;
	v63 =	vld [tilespmem:$0x0]  }
0x305: {  	_ =	swait.ge [sflag:s7], $0x1000  }
0x306: {  	s5 =	sld [smem:$0x7C9]  }
0x307: {  	[sflag:s7] =	ssyncset.done $0x0  }
0x308: {  	[sflag:s7] =	ssyncadd.s32 $0xFFFFF000  }
0x309: {  	[tilespmem:s9], [sflag:$0xA] =	stream.indirect.gather [hbm4b:s1+s13], $0x80, s5, s13, $0xb8;
	v63 =	vld [tilespmem:$0x0]  }
0x30a: {  	_ =	swait.ge [sflag:s21], $0x1000  }
0x30b: {  	s5 =	sld [smem:$0x7CA]  }
0x30c: {  	[sflag:s21] =	ssyncset.done $0x0  }
0x30d: {  	[sflag:s21] =	ssyncadd.s32 $0xFFFFF000  }
0x30e: {  	[spmem:s3] =	stream.indirect.scatter.add.f32 [tilespmem:s12], [sflag:$0xB], $0x80, s5, s13, $0xb8;
	v63 =	vld [tilespmem:$0x0]  }
0x30f: {  	_ =	swait.ge [sflag:s22], $0x1000  }
0x310: {  	s5 =	sld [smem:$0x7CB]  }
0x311: {  	[sflag:s22] =	ssyncset.done $0x0  }
0x312: {  	[sflag:s22] =	ssyncadd.s32 $0xFFFFF000  }
0x313: {  	[tilespmem:s12], [sflag:$0x3] =	stream.indirect.gather [hbm4b:s1+s13], $0x80, s5, s13, $0xb8;
	v63 =	vld [tilespmem:$0x0]  }
0x314: {  	_ =	swait.ge [sflag:s23], $0x1000  }
0x315: {  	s5 =	sld [smem:$0x7CC]  }
0x316: {  	[sflag:s23] =	ssyncset.done $0x0  }
0x317: {  	[sflag:s23] =	ssyncadd.s32 $0xFFFFF000  }
0x318: {  	[spmem:s3] =	stream.indirect.scatter.add.f32 [tilespmem:s15], [sflag:$0xC], $0x80, s5, s13, $0xb8;
	v63 =	vld [tilespmem:$0x0]  }
0x319: {  	_ =	swait.ge [sflag:s24], $0x1000  }
0x31a: {  	s5 =	sld [smem:$0x7CD]  }
0x31b: {  	[sflag:s24] =	ssyncset.done $0x0  }
0x31c: {  	[sflag:s24] =	ssyncadd.s32 $0xFFFFF000  }
0x31d: {  	[tilespmem:s15], [sflag:$0x4] =	stream.indirect.gather [hbm4b:s1+s13], $0x80, s5, s13, $0xb8;
	v63 =	vld [tilespmem:$0x0]  }
0x31e: {  	_ =	swait.ge [sflag:s25], $0x1000  }
0x31f: {  	s5 =	sld [smem:$0x7CF]  }
0x320: {  	[sflag:s25] =	ssyncset.done $0x0  }
0x321: {  	[sflag:s25] =	ssyncadd.s32 $0xFFFFF000  }
0x322: {  	[spmem:s3] =	stream.indirect.scatter.add.f32 [tilespmem:s14], [sflag:$0xD], $0x80, s5, s13, $0xb8;
	v63 =	vld [tilespmem:$0x0]  }
0x323: {  	_ =	swait.ge [sflag:s26], $0x1000  }
0x324: {  	s5 =	sld [smem:$0x7D1]  }
0x325: {  	[sflag:s26] =	ssyncset.done $0x0  }
0x326: {  	[sflag:s26] =	ssyncadd.s32 $0xFFFFF000  }
0x327: {  	[tilespmem:s14], [sflag:$0x5] =	stream.indirect.gather [hbm4b:s1+s13], $0x80, s5, s13, $0xb8;
	v63 =	vld [tilespmem:$0x0]  }
0x328: {  	_ =	swait.ge [sflag:s28], $0x1000  }
0x329: {  	s5 =	sld [smem:$0x7D3]  }
0x32a: {  	[sflag:s28] =	ssyncset.done $0x0  }
0x32b: {  	[sflag:s28] =	ssyncadd.s32 $0xFFFFF000  }
0x32c: {  	[spmem:s3] =	stream.indirect.scatter.add.f32 [tilespmem:s17], [sflag:$0xE], $0x80, s5, s13, $0xb8;
	v63 =	vld [tilespmem:$0x0]  }
0x32d: {  	_ =	swait.ge [sflag:s29], $0x1000  }
0x32e: {  	s5 =	sld [smem:$0x7D4]  }
0x32f: {  	[sflag:s29] =	ssyncset.done $0x0  }
0x330: {  	[sflag:s29] =	ssyncadd.s32 $0xFFFFF000  }
0x331: {  	[tilespmem:s17], [sflag:$0x6] =	stream.indirect.gather [hbm4b:s1+s13], $0x80, s5, s13, $0xb8;
	v63 =	vld [tilespmem:$0x0]  }
0x332: {  	_ =	swait.ge [sflag:s30], $0x1000  }
0x333: {  	s5 =	sld [smem:$0x7D7]  }
0x334: {  	[sflag:s30] =	ssyncset.done $0x0  }
0x335: {  	[sflag:s30] =	ssyncadd.s32 $0xFFFFF000  }
0x336: {  	[spmem:s3] =	stream.indirect.scatter.add.f32 [tilespmem:s18], [sflag:$0xF], $0x80, s5, s13, $0xb8;
	v63 =	vld [tilespmem:$0x0]  }
0x337: {  	_ =	swait.ge [sflag:s31], $0x1000  }
0x338: {  	s5 =	sld [smem:$0x7D8]  }
0x339: {  	[sflag:s31] =	ssyncset.done $0x0  }
0x33a: {  	[sflag:s31] =	ssyncadd.s32 $0xFFFFF000  }
0x33b: {  	[tilespmem:s18], [sflag:$0x7] =	stream.indirect.gather [hbm4b:s1+s13], $0x80, s5, s13, $0xb8;
	v63 =	vld [tilespmem:$0x0]  }
0x33c: {  	_ =	swait.ge [sflag:s2], $0x1000  }
0x33d: {  	s5 =	sld [smem:$0x7D9]  }
0x33e: {  	[sflag:s2] =	ssyncset.done $0x0  }
0x33f: {  	[sflag:s2] =	ssyncadd.s32 $0xFFFFF000  }
0x340: {  	[spmem:s3] =	stream.indirect.scatter.add.f32 [tilespmem:s19], [sflag:$0x10], $0x80, s5, s13, $0xb8;
	v63 =	vld [tilespmem:$0x0]  }
0x341: {  	_ =	swait.ge [sflag:s6], $0x1000  }
0x342: {  	s5 =	sld [smem:$0x7DB]  }
0x343: {  	[sflag:s6] =	ssyncset.done $0x0  }
0x344: {  	[sflag:s6] =	ssyncadd.s32 $0xFFFFF000  }
0x345: {  	[tilespmem:s19], [sflag:$0x8] =	stream.indirect.gather [hbm4b:s1+s13], $0x80, s5, s13, $0xb8;
	v63 =	vld [tilespmem:$0x0]  }
0x346: {  	_ =	swait.ge [sflag:s10], $0x1000  }
0x347: {  	s5 =	sld [smem:$0x7DD]  }
0x348: {  	[sflag:s10] =	ssyncset.done $0x0  }
0x349: {  	[sflag:s10] =	ssyncadd.s32 $0xFFFFF000  }
0x34a: {  	[spmem:s3] =	stream.indirect.scatter.add.f32 [tilespmem:s20], [sflag:$0x11], $0x80, s5, s13, $0xb8;
	v63 =	vld [tilespmem:$0x0]  }
0x34b: {  	_ =	swait.ge [sflag:s11], $0x1000  }
0x34c: {  	s5 =	sld [smem:$0x7DF]  }
0x34d: {  	[sflag:s11] =	ssyncset.done $0x0  }
0x34e: {  	[sflag:s11] =	ssyncadd.s32 $0xFFFFF000  }
0x34f: {  	[tilespmem:s20], [sflag:$0x9] =	stream.indirect.gather [hbm4b:s1+s13], $0x80, s5, s13, $0xb8;
	v63 =	vld [tilespmem:$0x0]  }
0x350: {  	_ =	swait.ge [sflag:s0], $0x1000  }
0x351: {  	s5 =	sld [smem:$0x7E1]  }
0x352: {  	[sflag:s0] =	ssyncset.done $0x0  }
0x353: {  	[sflag:s0] =	ssyncadd.s32 $0xFFFFF000  }
0x354: {  	[spmem:s3] =	stream.indirect.scatter.add.f32 [tilespmem:s9], [sflag:$0x12], $0x80, s5, s13, $0xb8;
	v63 =	vld [tilespmem:$0x0]  }
0x355: {  	_ =	swait.ge [sflag:s7], $0x1000  }
0x356: {  	s5 =	sld [smem:$0x7E3]  }
0x357: {  	[sflag:s7] =	ssyncset.done $0x0  }
0x358: {  	[sflag:s7] =	ssyncadd.s32 $0xFFFFF000  }
0x359: {  	[tilespmem:s9], [sflag:$0xA] =	stream.indirect.gather [hbm4b:s1+s13], $0x80, s5, s13, $0xb8;
	v63 =	vld [tilespmem:$0x0]  }
0x35a: {  	_ =	swait.ge [sflag:s21], $0x1000  }
0x35b: {  	s5 =	sld [smem:$0x7E5]  }
0x35c: {  	[sflag:s21] =	ssyncset.done $0x0  }
0x35d: {  	[sflag:s21] =	ssyncadd.s32 $0xFFFFF000  }
0x35e: {  	[spmem:s3] =	stream.indirect.scatter.add.f32 [tilespmem:s12], [sflag:$0xB], $0x80, s5, s13, $0xb8;
	v63 =	vld [tilespmem:$0x0]  }
0x35f: {  	_ =	swait.ge [sflag:s23], $0x1000  }
0x360: {  	s5 =	sld [smem:$0x7E7]  }
0x361: {  	[sflag:s23] =	ssyncset.done $0x0  }
0x362: {  	[sflag:s23] =	ssyncadd.s32 $0xFFFFF000  }
0x363: {  	[spmem:s3] =	stream.indirect.scatter.add.f32 [tilespmem:s15], [sflag:$0xC], $0x80, s5, s13, $0xb8;
	v63 =	vld [tilespmem:$0x0]  }
0x364: {  	_ =	swait.ge [sflag:s25], $0x1000  }
0x365: {  	s12 =	sld [smem:$0x7E9]  }
0x366: {  	[sflag:s25] =	ssyncset.done $0x0  }
0x367: {  	[sflag:s25] =	ssyncadd.s32 $0xFFFFF000  }
0x368: {  	[spmem:s3] =	stream.indirect.scatter.add.f32 [tilespmem:s14], [sflag:$0xD], $0x80, s12, s13, $0xb8;
	v63 =	vld [tilespmem:$0x0]  }
0x369: {  	_ =	swait.ge [sflag:s28], $0x1000  }
0x36a: {  	s5 =	sld [smem:$0x7EB]  }
0x36b: {  	[sflag:s28] =	ssyncset.done $0x0  }
0x36c: {  	[sflag:s28] =	ssyncadd.s32 $0xFFFFF000  }
0x36d: {  	[spmem:s3] =	stream.indirect.scatter.add.f32 [tilespmem:s17], [sflag:$0xE], $0x80, s5, s13, $0xb8;
	v63 =	vld [tilespmem:$0x0]  }
0x36e: {  	_ =	swait.ge [sflag:s30], $0x1000  }
0x36f: {  	s12 =	sld [smem:$0x7ED]  }
0x370: {  	[sflag:s30] =	ssyncset.done $0x0  }
0x371: {  	[sflag:s30] =	ssyncadd.s32 $0xFFFFF000  }
0x372: {  	[spmem:s3] =	stream.indirect.scatter.add.f32 [tilespmem:s18], [sflag:$0xF], $0x80, s12, s13, $0xb8;
	v63 =	vld [tilespmem:$0x0]  }
0x373: {  	_ =	swait.ge [sflag:s2], $0x1000  }
0x374: {  	s14 =	sld [smem:$0x7EF]  }
0x375: {  	[sflag:s2] =	ssyncset.done $0x0  }
0x376: {  	[sflag:s2] =	ssyncadd.s32 $0xFFFFF000  }
0x377: {  	[spmem:s3] =	stream.indirect.scatter.add.f32 [tilespmem:s19], [sflag:$0x10], $0x80, s14, s13, $0xb8;
	v63 =	vld [tilespmem:$0x0]  }
0x378: {  	_ =	swait.ge [sflag:s10], $0x1000  }
0x379: {  	s5 =	sld [smem:$0x7F1]  }
0x37a: {  	[sflag:s10] =	ssyncset.done $0x0  }
0x37b: {  	[sflag:s10] =	ssyncadd.s32 $0xFFFFF000  }
0x37c: {  	[spmem:s3] =	stream.indirect.scatter.add.f32 [tilespmem:s20], [sflag:$0x11], $0x80, s5, s13, $0xb8;
	v63 =	vld [tilespmem:$0x0]  }
0x37d: {  	_ =	swait.ge [sflag:s0], $0x1000  }
0x37e: {  	s12 =	sld [smem:$0x7F2]  }
0x37f: {  	[sflag:s0] =	ssyncset.done $0x0  }
0x380: {  	[sflag:s0] =	ssyncadd.s32 $0xFFFFF000  }
0x381: {  	[spmem:s3] =	stream.indirect.scatter.add.f32 [tilespmem:s9], [sflag:$0x12], $0x80, s12, s13, $0xb8;
	v63 =	vld [tilespmem:$0x0]  }
0x382: {  	_ =	swait.ge [sflag:s22], $0x1000  }
0x383: {  	[sflag:s22] =	ssyncset.done $0x0  }
0x384: {  	[sflag:s22] =	ssyncadd.s32 $0xFFFFF000  }
0x385: {  	_ =	swait.ge [sflag:s24], $0x1000  }
0x386: {  	[sflag:s24] =	ssyncset.done $0x0  }
0x387: {  	[sflag:s24] =	ssyncadd.s32 $0xFFFFF000  }
0x388: {  	_ =	swait.ge [sflag:s26], $0x1000  }
0x389: {  	[sflag:s26] =	ssyncset.done $0x0  }
0x38a: {  	[sflag:s26] =	ssyncadd.s32 $0xFFFFF000  }
0x38b: {  	_ =	swait.ge [sflag:s29], $0x1000  }
0x38c: {  	[sflag:s29] =	ssyncset.done $0x0  }
0x38d: {  	[sflag:s29] =	ssyncadd.s32 $0xFFFFF000  }
0x38e: {  	_ =	swait.ge [sflag:s31], $0x1000  }
0x38f: {  	[sflag:s31] =	ssyncset.done $0x0  }
0x390: {  	[sflag:s31] =	ssyncadd.s32 $0xFFFFF000  }
0x391: {  	_ =	swait.ge [sflag:s6], $0x1000  }
0x392: {  	[sflag:s6] =	ssyncset.done $0x0  }
0x393: {  	[sflag:s6] =	ssyncadd.s32 $0xFFFFF000  }
0x394: {  	_ =	swait.ge [sflag:s11], $0x1000  }
0x395: {  	[sflag:s11] =	ssyncset.done $0x0  }
0x396: {  	s12 =	simm.s32 $0x0;
	[sflag:s11] =	ssyncadd.s32 $0xFFFFF000  }
0x397: {  	s5 =	smin.u32 s12, $0x6;
	_ =	swait.ge [sflag:s7], $0x1000  }
0x398: {  	s5 =	sshll.u32 s5, $0xC;
	s14 =	rddreg [dreg:$0x5]  }
0x399: {  	[sflag:s7] =	ssyncset.done $0x0;
	s4 =	sadd.s32 s5, s14  }
0x39a: {  	[sflag:s7] =	ssyncadd.s32 $0xFFFFF000;
	s4 =	sshrl.u32 s4, $0x3  }
0x39b: {  	s14 =	simm.s32 $0x0;
	s4 =	sadd.s32 s16, s4;
	s16 =	simm.s32 $0x1000  }
0x39c: {  	[tilespmem:s16], [sflag:$0x2] =	stream.linear.gather [hbm4b:s4+s14], $0x1000, $0x38;
	v63 =	vld [tilespmem:$0x0]  }
0x39d: {  	s12 =	simm.s32 $0x0;
	s5 =	simm.s32 $0x2;
	s4 =	sadd.s32 $0x28000, s4  }
.LBB2_4:
0x39e: {  	[tilespmem:s8], [sflag:$0x2] =	stream.linear.gather [hbm4b:s4+s12], $0x1000, $0x38;
	v63 =	vld [tilespmem:$0x0]  }
0x39f: {  	s12 =	smov.u32 s5  }
0x3a0: {  	s14 =	simm.s32 $0x1;
	[smem:$0x77F] =	sst s12  }
0x3a1: {  	_ =	swait.ge [sflag:s14], $0x1000  }
0x3a2: {  	[sflag:s14] =	ssyncset.done $0x0  }
0x3a3: {  	[sflag:s14] =	ssyncadd.s32 $0xFFFFF000  }
0x3a4: {  	_ =	swait.ge [sflag:s14], $0x1000  }
0x3a5: {  	[sflag:s14] =	ssyncset.done $0x0  }
0x3a6: {  	s4 =	simm.s32 $0x0;
	[sflag:s14] =	ssyncadd.s32 $0xFFFFF000;
	s14 =	simm.s32 $0x4000  }
0x3a7: {  	[tilespmem:s14], [sflag:$0x3] =	stream.indirect.gather [hbm4b:s1+s13], $0x80, s4, s13, $0xb8;
	v63 =	vld [tilespmem:$0x0]  }
0x3a8: {  	s16 =	rddreg [dreg:$0x6]  }
0x3a9: {  	[tilespmem:s15], [sflag:$0x4] =	stream.indirect.gather [hbm4b:s1+s13], $0x80, s16, s13, $0xb8;
	v63 =	vld [tilespmem:$0x0]  }
0x3aa: {  	s8 =	rddreg [dreg:$0x7];
	s16 =	simm.s32 $0x6000  }
0x3ab: {  	[tilespmem:s16], [sflag:$0x5] =	stream.indirect.gather [hbm4b:s1+s13], $0x80, s8, s13, $0xb8;
	v63 =	vld [tilespmem:$0x0]  }
0x3ac: {  	s12 =	rddreg [dreg:$0x8]  }
0x3ad: {  	[tilespmem:s17], [sflag:$0x6] =	stream.indirect.gather [hbm4b:s1+s13], $0x80, s12, s13, $0xb8;
	v63 =	vld [tilespmem:$0x0]  }
0x3ae: {  	s8 =	rddreg [dreg:$0x9]  }
0x3af: {  	[tilespmem:s18], [sflag:$0x7] =	stream.indirect.gather [hbm4b:s1+s13], $0x80, s8, s13, $0xb8;
	v63 =	vld [tilespmem:$0x0]  }
0x3b0: {  	s12 =	rddreg [dreg:$0xa]  }
0x3b1: {  	[tilespmem:s19], [sflag:$0x8] =	stream.indirect.gather [hbm4b:s1+s13], $0x80, s12, s13, $0xb8;
	v63 =	vld [tilespmem:$0x0]  }
0x3b2: {  	s8 =	rddreg [dreg:$0xb]  }
0x3b3: {  	[tilespmem:s20], [sflag:$0x9] =	stream.indirect.gather [hbm4b:s1+s13], $0x80, s8, s13, $0xb8;
	v63 =	vld [tilespmem:$0x0]  }
0x3b4: {  	s12 =	rddreg [dreg:$0xc]  }
0x3b5: {  	[tilespmem:s9], [sflag:$0xA] =	stream.indirect.gather [hbm4b:s1+s13], $0x80, s12, s13, $0xb8;
	v63 =	vld [tilespmem:$0x0]  }
0x3b6: {  	_ =	swait.ge [sflag:s21], $0x1000  }
0x3b7: {  	[sflag:s21] =	ssyncset.done $0x0  }
0x3b8: {  	s12 =	simm.s32 $0x2000;
	[sflag:s21] =	ssyncadd.s32 $0xFFFFF000  }
0x3b9: {  	[spmem:s3] =	stream.indirect.scatter.add.f32 [tilespmem:s14], [sflag:$0xB], $0x80, s12, s13, $0xb8;
	v63 =	vld [tilespmem:$0x0]  }
0x3ba: {  	_ =	swait.ge [sflag:s22], $0x1000  }
0x3bb: {  	[sflag:s22] =	ssyncset.done $0x0  }
0x3bc: {  	s12 =	rddreg [dreg:$0xd];
	[sflag:s22] =	ssyncadd.s32 $0xFFFFF000  }
0x3bd: {  	[tilespmem:s14], [sflag:$0x3] =	stream.indirect.gather [hbm4b:s1+s13], $0x80, s12, s13, $0xb8;
	v63 =	vld [tilespmem:$0x0]  }
0x3be: {  	_ =	swait.ge [sflag:s23], $0x1000  }
0x3bf: {  	[sflag:s23] =	ssyncset.done $0x0  }
0x3c0: {  	s12 =	rddreg [dreg:$0xe];
	[sflag:s23] =	ssyncadd.s32 $0xFFFFF000  }
0x3c1: {  	[spmem:s3] =	stream.indirect.scatter.add.f32 [tilespmem:s15], [sflag:$0xC], $0x80, s12, s13, $0xb8;
	v63 =	vld [tilespmem:$0x0]  }
0x3c2: {  	_ =	swait.ge [sflag:s24], $0x1000  }
0x3c3: {  	[sflag:s24] =	ssyncset.done $0x0  }
0x3c4: {  	s12 =	rddreg [dreg:$0xf];
	[sflag:s24] =	ssyncadd.s32 $0xFFFFF000  }
0x3c5: {  	[tilespmem:s15], [sflag:$0x4] =	stream.indirect.gather [hbm4b:s1+s13], $0x80, s12, s13, $0xb8;
	v63 =	vld [tilespmem:$0x0]  }
0x3c6: {  	_ =	swait.ge [sflag:s25], $0x1000  }
0x3c7: {  	[sflag:s25] =	ssyncset.done $0x0  }
0x3c8: {  	s12 =	rddreg [dreg:$0x10];
	[sflag:s25] =	ssyncadd.s32 $0xFFFFF000  }
0x3c9: {  	[spmem:s3] =	stream.indirect.scatter.add.f32 [tilespmem:s16], [sflag:$0xD], $0x80, s12, s13, $0xb8;
	v63 =	vld [tilespmem:$0x0]  }
0x3ca: {  	_ =	swait.ge [sflag:s26], $0x1000  }
0x3cb: {  	[sflag:s26] =	ssyncset.done $0x0  }
0x3cc: {  	s12 =	rddreg [dreg:$0x11];
	[sflag:s26] =	ssyncadd.s32 $0xFFFFF000  }
0x3cd: {  	[tilespmem:s16], [sflag:$0x5] =	stream.indirect.gather [hbm4b:s1+s13], $0x80, s12, s13, $0xb8;
	v63 =	vld [tilespmem:$0x0]  }
0x3ce: {  	_ =	swait.ge [sflag:s28], $0x1000  }
0x3cf: {  	[sflag:s28] =	ssyncset.done $0x0  }
0x3d0: {  	s12 =	rddreg [dreg:$0x12];
	[sflag:s28] =	ssyncadd.s32 $0xFFFFF000  }
0x3d1: {  	[spmem:s3] =	stream.indirect.scatter.add.f32 [tilespmem:s17], [sflag:$0xE], $0x80, s12, s13, $0xb8;
	v63 =	vld [tilespmem:$0x0]  }
0x3d2: {  	_ =	swait.ge [sflag:s29], $0x1000  }
0x3d3: {  	[sflag:s29] =	ssyncset.done $0x0  }
0x3d4: {  	s12 =	rddreg [dreg:$0x13];
	[sflag:s29] =	ssyncadd.s32 $0xFFFFF000  }
0x3d5: {  	[tilespmem:s17], [sflag:$0x6] =	stream.indirect.gather [hbm4b:s1+s13], $0x80, s12, s13, $0xb8;
	v63 =	vld [tilespmem:$0x0]  }
0x3d6: {  	_ =	swait.ge [sflag:s30], $0x1000  }
0x3d7: {  	[sflag:s30] =	ssyncset.done $0x0  }
0x3d8: {  	s12 =	rddreg [dreg:$0x14];
	[sflag:s30] =	ssyncadd.s32 $0xFFFFF000  }
0x3d9: {  	[spmem:s3] =	stream.indirect.scatter.add.f32 [tilespmem:s18], [sflag:$0xF], $0x80, s12, s13, $0xb8;
	v63 =	vld [tilespmem:$0x0]  }
0x3da: {  	_ =	swait.ge [sflag:s31], $0x1000  }
0x3db: {  	[sflag:s31] =	ssyncset.done $0x0  }
0x3dc: {  	s12 =	rddreg [dreg:$0x15];
	[sflag:s31] =	ssyncadd.s32 $0xFFFFF000  }
0x3dd: {  	[tilespmem:s18], [sflag:$0x7] =	stream.indirect.gather [hbm4b:s1+s13], $0x80, s12, s13, $0xb8;
	v63 =	vld [tilespmem:$0x0]  }
0x3de: {  	_ =	swait.ge [sflag:s2], $0x1000  }
0x3df: {  	[sflag:s2] =	ssyncset.done $0x0  }
0x3e0: {  	s12 =	rddreg [dreg:$0x16];
	[sflag:s2] =	ssyncadd.s32 $0xFFFFF000  }
0x3e1: {  	[spmem:s3] =	stream.indirect.scatter.add.f32 [tilespmem:s19], [sflag:$0x10], $0x80, s12, s13, $0xb8;
	v63 =	vld [tilespmem:$0x0]  }
0x3e2: {  	_ =	swait.ge [sflag:s6], $0x1000  }
0x3e3: {  	[sflag:s6] =	ssyncset.done $0x0  }
0x3e4: {  	s12 =	rddreg [dreg:$0x17];
	[sflag:s6] =	ssyncadd.s32 $0xFFFFF000  }
0x3e5: {  	[tilespmem:s19], [sflag:$0x8] =	stream.indirect.gather [hbm4b:s1+s13], $0x80, s12, s13, $0xb8;
	v63 =	vld [tilespmem:$0x0]  }
0x3e6: {  	_ =	swait.ge [sflag:s10], $0x1000  }
0x3e7: {  	[sflag:s10] =	ssyncset.done $0x0  }
0x3e8: {  	s12 =	rddreg [dreg:$0x18];
	[sflag:s10] =	ssyncadd.s32 $0xFFFFF000  }
0x3e9: {  	[spmem:s3] =	stream.indirect.scatter.add.f32 [tilespmem:s20], [sflag:$0x11], $0x80, s12, s13, $0xb8;
	v63 =	vld [tilespmem:$0x0]  }
0x3ea: {  	_ =	swait.ge [sflag:s11], $0x1000  }
0x3eb: {  	[sflag:s11] =	ssyncset.done $0x0  }
0x3ec: {  	s12 =	rddreg [dreg:$0x19];
	[sflag:s11] =	ssyncadd.s32 $0xFFFFF000  }
0x3ed: {  	[tilespmem:s20], [sflag:$0x9] =	stream.indirect.gather [hbm4b:s1+s13], $0x80, s12, s13, $0xb8;
	v63 =	vld [tilespmem:$0x0]  }
0x3ee: {  	_ =	swait.ge [sflag:s0], $0x1000  }
0x3ef: {  	[sflag:s0] =	ssyncset.done $0x0  }
0x3f0: {  	s12 =	rddreg [dreg:$0x1a];
	[sflag:s0] =	ssyncadd.s32 $0xFFFFF000  }
0x3f1: {  	[spmem:s3] =	stream.indirect.scatter.add.f32 [tilespmem:s9], [sflag:$0x12], $0x80, s12, s13, $0xb8;
	v63 =	vld [tilespmem:$0x0]  }
0x3f2: {  	_ =	swait.ge [sflag:s7], $0x1000  }
0x3f3: {  	[sflag:s7] =	ssyncset.done $0x0  }
0x3f4: {  	s12 =	rddreg [dreg:$0x1b];
	[sflag:s7] =	ssyncadd.s32 $0xFFFFF000  }
0x3f5: {  	[tilespmem:s9], [sflag:$0xA] =	stream.indirect.gather [hbm4b:s1+s13], $0x80, s12, s13, $0xb8;
	v63 =	vld [tilespmem:$0x0]  }
0x3f6: {  	_ =	swait.ge [sflag:s21], $0x1000  }
0x3f7: {  	[sflag:s21] =	ssyncset.done $0x0  }
0x3f8: {  	s12 =	rddreg [dreg:$0x1c];
	[sflag:s21] =	ssyncadd.s32 $0xFFFFF000  }
0x3f9: {  	[spmem:s3] =	stream.indirect.scatter.add.f32 [tilespmem:s14], [sflag:$0xB], $0x80, s12, s13, $0xb8;
	v63 =	vld [tilespmem:$0x0]  }
0x3fa: {  	_ =	swait.ge [sflag:s22], $0x1000  }
0x3fb: {  	[sflag:s22] =	ssyncset.done $0x0  }
0x3fc: {  	s12 =	rddreg [dreg:$0x1d];
	[sflag:s22] =	ssyncadd.s32 $0xFFFFF000  }
0x3fd: {  	[tilespmem:s14], [sflag:$0x3] =	stream.indirect.gather [hbm4b:s1+s13], $0x80, s12, s13, $0xb8;
	v63 =	vld [tilespmem:$0x0]  }
0x3fe: {  	_ =	swait.ge [sflag:s23], $0x1000  }
0x3ff: {  	[sflag:s23] =	ssyncset.done $0x0  }
0x400: {  	s12 =	rddreg [dreg:$0x1e];
	[sflag:s23] =	ssyncadd.s32 $0xFFFFF000  }
0x401: {  	[spmem:s3] =	stream.indirect.scatter.add.f32 [tilespmem:s15], [sflag:$0xC], $0x80, s12, s13, $0xb8;
	v63 =	vld [tilespmem:$0x0]  }
0x402: {  	_ =	swait.ge [sflag:s24], $0x1000  }
0x403: {  	[sflag:s24] =	ssyncset.done $0x0  }
0x404: {  	s12 =	rddreg [dreg:$0x1f];
	[sflag:s24] =	ssyncadd.s32 $0xFFFFF000  }
0x405: {  	[tilespmem:s15], [sflag:$0x4] =	stream.indirect.gather [hbm4b:s1+s13], $0x80, s12, s13, $0xb8;
	v63 =	vld [tilespmem:$0x0]  }
0x406: {  	_ =	swait.ge [sflag:s25], $0x1000  }
0x407: {  	s12 =	sld [smem:$0x780]  }
0x408: {  	[sflag:s25] =	ssyncset.done $0x0  }
0x409: {  	[sflag:s25] =	ssyncadd.s32 $0xFFFFF000  }
0x40a: {  	[spmem:s3] =	stream.indirect.scatter.add.f32 [tilespmem:s16], [sflag:$0xD], $0x80, s12, s13, $0xb8;
	v63 =	vld [tilespmem:$0x0]  }
0x40b: {  	_ =	swait.ge [sflag:s26], $0x1000  }
0x40c: {  	s12 =	sld [smem:$0x781]  }
0x40d: {  	[sflag:s26] =	ssyncset.done $0x0  }
0x40e: {  	[sflag:s26] =	ssyncadd.s32 $0xFFFFF000  }
0x40f: {  	[tilespmem:s16], [sflag:$0x5] =	stream.indirect.gather [hbm4b:s1+s13], $0x80, s12, s13, $0xb8;
	v63 =	vld [tilespmem:$0x0]  }
0x410: {  	_ =	swait.ge [sflag:s28], $0x1000  }
0x411: {  	s12 =	sld [smem:$0x782]  }
0x412: {  	[sflag:s28] =	ssyncset.done $0x0  }
0x413: {  	[sflag:s28] =	ssyncadd.s32 $0xFFFFF000  }
0x414: {  	[spmem:s3] =	stream.indirect.scatter.add.f32 [tilespmem:s17], [sflag:$0xE], $0x80, s12, s13, $0xb8;
	v63 =	vld [tilespmem:$0x0]  }
0x415: {  	_ =	swait.ge [sflag:s29], $0x1000  }
0x416: {  	s12 =	sld [smem:$0x783]  }
0x417: {  	[sflag:s29] =	ssyncset.done $0x0  }
0x418: {  	[sflag:s29] =	ssyncadd.s32 $0xFFFFF000  }
0x419: {  	[tilespmem:s17], [sflag:$0x6] =	stream.indirect.gather [hbm4b:s1+s13], $0x80, s12, s13, $0xb8;
	v63 =	vld [tilespmem:$0x0]  }
0x41a: {  	_ =	swait.ge [sflag:s30], $0x1000  }
0x41b: {  	s12 =	sld [smem:$0x784]  }
0x41c: {  	[sflag:s30] =	ssyncset.done $0x0  }
0x41d: {  	[sflag:s30] =	ssyncadd.s32 $0xFFFFF000  }
0x41e: {  	[spmem:s3] =	stream.indirect.scatter.add.f32 [tilespmem:s18], [sflag:$0xF], $0x80, s12, s13, $0xb8;
	v63 =	vld [tilespmem:$0x0]  }
0x41f: {  	_ =	swait.ge [sflag:s31], $0x1000  }
0x420: {  	s12 =	sld [smem:$0x785]  }
0x421: {  	[sflag:s31] =	ssyncset.done $0x0  }
0x422: {  	[sflag:s31] =	ssyncadd.s32 $0xFFFFF000  }
0x423: {  	[tilespmem:s18], [sflag:$0x7] =	stream.indirect.gather [hbm4b:s1+s13], $0x80, s12, s13, $0xb8;
	v63 =	vld [tilespmem:$0x0]  }
0x424: {  	_ =	swait.ge [sflag:s2], $0x1000  }
0x425: {  	s12 =	sld [smem:$0x786]  }
0x426: {  	[sflag:s2] =	ssyncset.done $0x0  }
0x427: {  	[sflag:s2] =	ssyncadd.s32 $0xFFFFF000  }
0x428: {  	[spmem:s3] =	stream.indirect.scatter.add.f32 [tilespmem:s19], [sflag:$0x10], $0x80, s12, s13, $0xb8;
	v63 =	vld [tilespmem:$0x0]  }
0x429: {  	_ =	swait.ge [sflag:s6], $0x1000  }
0x42a: {  	s12 =	sld [smem:$0x787]  }
0x42b: {  	[sflag:s6] =	ssyncset.done $0x0  }
0x42c: {  	[sflag:s6] =	ssyncadd.s32 $0xFFFFF000  }
0x42d: {  	[tilespmem:s19], [sflag:$0x8] =	stream.indirect.gather [hbm4b:s1+s13], $0x80, s12, s13, $0xb8;
	v63 =	vld [tilespmem:$0x0]  }
0x42e: {  	_ =	swait.ge [sflag:s10], $0x1000  }
0x42f: {  	s12 =	sld [smem:$0x788]  }
0x430: {  	[sflag:s10] =	ssyncset.done $0x0  }
0x431: {  	[sflag:s10] =	ssyncadd.s32 $0xFFFFF000  }
0x432: {  	[spmem:s3] =	stream.indirect.scatter.add.f32 [tilespmem:s20], [sflag:$0x11], $0x80, s12, s13, $0xb8;
	v63 =	vld [tilespmem:$0x0]  }
0x433: {  	_ =	swait.ge [sflag:s11], $0x1000  }
0x434: {  	s12 =	sld [smem:$0x789]  }
0x435: {  	[sflag:s11] =	ssyncset.done $0x0  }
0x436: {  	[sflag:s11] =	ssyncadd.s32 $0xFFFFF000  }
0x437: {  	[tilespmem:s20], [sflag:$0x9] =	stream.indirect.gather [hbm4b:s1+s13], $0x80, s12, s13, $0xb8;
	v63 =	vld [tilespmem:$0x0]  }
0x438: {  	_ =	swait.ge [sflag:s0], $0x1000  }
0x439: {  	s12 =	sld [smem:$0x78A]  }
0x43a: {  	[sflag:s0] =	ssyncset.done $0x0  }
0x43b: {  	[sflag:s0] =	ssyncadd.s32 $0xFFFFF000  }
0x43c: {  	[spmem:s3] =	stream.indirect.scatter.add.f32 [tilespmem:s9], [sflag:$0x12], $0x80, s12, s13, $0xb8;
	v63 =	vld [tilespmem:$0x0]  }
0x43d: {  	_ =	swait.ge [sflag:s7], $0x1000  }
0x43e: {  	s12 =	sld [smem:$0x78B]  }
0x43f: {  	[sflag:s7] =	ssyncset.done $0x0  }
0x440: {  	[sflag:s7] =	ssyncadd.s32 $0xFFFFF000  }
0x441: {  	[tilespmem:s9], [sflag:$0xA] =	stream.indirect.gather [hbm4b:s1+s13], $0x80, s12, s13, $0xb8;
	v63 =	vld [tilespmem:$0x0]  }
0x442: {  	_ =	swait.ge [sflag:s21], $0x1000  }
0x443: {  	s12 =	sld [smem:$0x78C]  }
0x444: {  	[sflag:s21] =	ssyncset.done $0x0  }
0x445: {  	[sflag:s21] =	ssyncadd.s32 $0xFFFFF000  }
0x446: {  	[spmem:s3] =	stream.indirect.scatter.add.f32 [tilespmem:s14], [sflag:$0xB], $0x80, s12, s13, $0xb8;
	v63 =	vld [tilespmem:$0x0]  }
0x447: {  	_ =	swait.ge [sflag:s22], $0x1000  }
0x448: {  	s12 =	sld [smem:$0x78D]  }
0x449: {  	[sflag:s22] =	ssyncset.done $0x0  }
0x44a: {  	[sflag:s22] =	ssyncadd.s32 $0xFFFFF000  }
0x44b: {  	[tilespmem:s14], [sflag:$0x3] =	stream.indirect.gather [hbm4b:s1+s13], $0x80, s12, s13, $0xb8;
	v63 =	vld [tilespmem:$0x0]  }
0x44c: {  	_ =	swait.ge [sflag:s23], $0x1000  }
0x44d: {  	s12 =	sld [smem:$0x78E]  }
0x44e: {  	[sflag:s23] =	ssyncset.done $0x0  }
0x44f: {  	[sflag:s23] =	ssyncadd.s32 $0xFFFFF000  }
0x450: {  	[spmem:s3] =	stream.indirect.scatter.add.f32 [tilespmem:s15], [sflag:$0xC], $0x80, s12, s13, $0xb8;
	v63 =	vld [tilespmem:$0x0]  }
0x451: {  	_ =	swait.ge [sflag:s24], $0x1000  }
0x452: {  	s12 =	sld [smem:$0x78F]  }
0x453: {  	[sflag:s24] =	ssyncset.done $0x0  }
0x454: {  	[sflag:s24] =	ssyncadd.s32 $0xFFFFF000  }
0x455: {  	[tilespmem:s15], [sflag:$0x4] =	stream.indirect.gather [hbm4b:s1+s13], $0x80, s12, s13, $0xb8;
	v63 =	vld [tilespmem:$0x0]  }
0x456: {  	_ =	swait.ge [sflag:s25], $0x1000  }
0x457: {  	s12 =	sld [smem:$0x790]  }
0x458: {  	[sflag:s25] =	ssyncset.done $0x0  }
0x459: {  	[sflag:s25] =	ssyncadd.s32 $0xFFFFF000  }
0x45a: {  	[spmem:s3] =	stream.indirect.scatter.add.f32 [tilespmem:s16], [sflag:$0xD], $0x80, s12, s13, $0xb8;
	v63 =	vld [tilespmem:$0x0]  }
0x45b: {  	_ =	swait.ge [sflag:s26], $0x1000  }
0x45c: {  	s12 =	sld [smem:$0x791]  }
0x45d: {  	[sflag:s26] =	ssyncset.done $0x0  }
0x45e: {  	[sflag:s26] =	ssyncadd.s32 $0xFFFFF000  }
0x45f: {  	[tilespmem:s16], [sflag:$0x5] =	stream.indirect.gather [hbm4b:s1+s13], $0x80, s12, s13, $0xb8;
	v63 =	vld [tilespmem:$0x0]  }
0x460: {  	_ =	swait.ge [sflag:s28], $0x1000  }
0x461: {  	s12 =	sld [smem:$0x792]  }
0x462: {  	[sflag:s28] =	ssyncset.done $0x0  }
0x463: {  	[sflag:s28] =	ssyncadd.s32 $0xFFFFF000  }
0x464: {  	[spmem:s3] =	stream.indirect.scatter.add.f32 [tilespmem:s17], [sflag:$0xE], $0x80, s12, s13, $0xb8;
	v63 =	vld [tilespmem:$0x0]  }
0x465: {  	_ =	swait.ge [sflag:s29], $0x1000  }
0x466: {  	s12 =	sld [smem:$0x793]  }
0x467: {  	[sflag:s29] =	ssyncset.done $0x0  }
0x468: {  	[sflag:s29] =	ssyncadd.s32 $0xFFFFF000  }
0x469: {  	[tilespmem:s17], [sflag:$0x6] =	stream.indirect.gather [hbm4b:s1+s13], $0x80, s12, s13, $0xb8;
	v63 =	vld [tilespmem:$0x0]  }
0x46a: {  	_ =	swait.ge [sflag:s30], $0x1000  }
0x46b: {  	s12 =	sld [smem:$0x794]  }
0x46c: {  	[sflag:s30] =	ssyncset.done $0x0  }
0x46d: {  	[sflag:s30] =	ssyncadd.s32 $0xFFFFF000  }
0x46e: {  	[spmem:s3] =	stream.indirect.scatter.add.f32 [tilespmem:s18], [sflag:$0xF], $0x80, s12, s13, $0xb8;
	v63 =	vld [tilespmem:$0x0]  }
0x46f: {  	_ =	swait.ge [sflag:s31], $0x1000  }
0x470: {  	s12 =	sld [smem:$0x795]  }
0x471: {  	[sflag:s31] =	ssyncset.done $0x0  }
0x472: {  	[sflag:s31] =	ssyncadd.s32 $0xFFFFF000  }
0x473: {  	[tilespmem:s18], [sflag:$0x7] =	stream.indirect.gather [hbm4b:s1+s13], $0x80, s12, s13, $0xb8;
	v63 =	vld [tilespmem:$0x0]  }
0x474: {  	_ =	swait.ge [sflag:s2], $0x1000  }
0x475: {  	s12 =	sld [smem:$0x796]  }
0x476: {  	[sflag:s2] =	ssyncset.done $0x0  }
0x477: {  	[sflag:s2] =	ssyncadd.s32 $0xFFFFF000  }
0x478: {  	[spmem:s3] =	stream.indirect.scatter.add.f32 [tilespmem:s19], [sflag:$0x10], $0x80, s12, s13, $0xb8;
	v63 =	vld [tilespmem:$0x0]  }
0x479: {  	_ =	swait.ge [sflag:s6], $0x1000  }
0x47a: {  	s12 =	sld [smem:$0x797]  }
0x47b: {  	[sflag:s6] =	ssyncset.done $0x0  }
0x47c: {  	[sflag:s6] =	ssyncadd.s32 $0xFFFFF000  }
0x47d: {  	[tilespmem:s19], [sflag:$0x8] =	stream.indirect.gather [hbm4b:s1+s13], $0x80, s12, s13, $0xb8;
	v63 =	vld [tilespmem:$0x0]  }
0x47e: {  	_ =	swait.ge [sflag:s10], $0x1000  }
0x47f: {  	s12 =	sld [smem:$0x798]  }
0x480: {  	[sflag:s10] =	ssyncset.done $0x0  }
0x481: {  	[sflag:s10] =	ssyncadd.s32 $0xFFFFF000  }
0x482: {  	[spmem:s3] =	stream.indirect.scatter.add.f32 [tilespmem:s20], [sflag:$0x11], $0x80, s12, s13, $0xb8;
	v63 =	vld [tilespmem:$0x0]  }
0x483: {  	_ =	swait.ge [sflag:s11], $0x1000  }
0x484: {  	s12 =	sld [smem:$0x799]  }
0x485: {  	[sflag:s11] =	ssyncset.done $0x0  }
0x486: {  	[sflag:s11] =	ssyncadd.s32 $0xFFFFF000  }
0x487: {  	[tilespmem:s20], [sflag:$0x9] =	stream.indirect.gather [hbm4b:s1+s13], $0x80, s12, s13, $0xb8;
	v63 =	vld [tilespmem:$0x0]  }
0x488: {  	_ =	swait.ge [sflag:s0], $0x1000  }
0x489: {  	s12 =	sld [smem:$0x79A]  }
0x48a: {  	[sflag:s0] =	ssyncset.done $0x0  }
0x48b: {  	[sflag:s0] =	ssyncadd.s32 $0xFFFFF000  }
0x48c: {  	[spmem:s3] =	stream.indirect.scatter.add.f32 [tilespmem:s9], [sflag:$0x12], $0x80, s12, s13, $0xb8;
	v63 =	vld [tilespmem:$0x0]  }
0x48d: {  	_ =	swait.ge [sflag:s7], $0x1000  }
0x48e: {  	s12 =	sld [smem:$0x79B]  }
0x48f: {  	[sflag:s7] =	ssyncset.done $0x0  }
0x490: {  	[sflag:s7] =	ssyncadd.s32 $0xFFFFF000  }
0x491: {  	[tilespmem:s9], [sflag:$0xA] =	stream.indirect.gather [hbm4b:s1+s13], $0x80, s12, s13, $0xb8;
	v63 =	vld [tilespmem:$0x0]  }
0x492: {  	_ =	swait.ge [sflag:s21], $0x1000  }
0x493: {  	s12 =	sld [smem:$0x79C]  }
0x494: {  	[sflag:s21] =	ssyncset.done $0x0  }
0x495: {  	[sflag:s21] =	ssyncadd.s32 $0xFFFFF000  }
0x496: {  	[spmem:s3] =	stream.indirect.scatter.add.f32 [tilespmem:s14], [sflag:$0xB], $0x80, s12, s13, $0xb8;
	v63 =	vld [tilespmem:$0x0]  }
0x497: {  	_ =	swait.ge [sflag:s23], $0x1000  }
0x498: {  	s12 =	sld [smem:$0x79D]  }
0x499: {  	[sflag:s23] =	ssyncset.done $0x0  }
0x49a: {  	[sflag:s23] =	ssyncadd.s32 $0xFFFFF000  }
0x49b: {  	[spmem:s3] =	stream.indirect.scatter.add.f32 [tilespmem:s15], [sflag:$0xC], $0x80, s12, s13, $0xb8;
	v63 =	vld [tilespmem:$0x0]  }
0x49c: {  	_ =	swait.ge [sflag:s25], $0x1000  }
0x49d: {  	s12 =	sld [smem:$0x79E]  }
0x49e: {  	[sflag:s25] =	ssyncset.done $0x0  }
0x49f: {  	[sflag:s25] =	ssyncadd.s32 $0xFFFFF000  }
0x4a0: {  	[spmem:s3] =	stream.indirect.scatter.add.f32 [tilespmem:s16], [sflag:$0xD], $0x80, s12, s13, $0xb8;
	v63 =	vld [tilespmem:$0x0]  }
0x4a1: {  	_ =	swait.ge [sflag:s28], $0x1000  }
0x4a2: {  	s12 =	sld [smem:$0x79F]  }
0x4a3: {  	[sflag:s28] =	ssyncset.done $0x0  }
0x4a4: {  	[sflag:s28] =	ssyncadd.s32 $0xFFFFF000  }
0x4a5: {  	[spmem:s3] =	stream.indirect.scatter.add.f32 [tilespmem:s17], [sflag:$0xE], $0x80, s12, s13, $0xb8;
	v63 =	vld [tilespmem:$0x0]  }
0x4a6: {  	_ =	swait.ge [sflag:s30], $0x1000  }
0x4a7: {  	s12 =	sld [smem:$0x7A0]  }
0x4a8: {  	[sflag:s30] =	ssyncset.done $0x0  }
0x4a9: {  	[sflag:s30] =	ssyncadd.s32 $0xFFFFF000  }
0x4aa: {  	[spmem:s3] =	stream.indirect.scatter.add.f32 [tilespmem:s18], [sflag:$0xF], $0x80, s12, s13, $0xb8;
	v63 =	vld [tilespmem:$0x0]  }
0x4ab: {  	_ =	swait.ge [sflag:s2], $0x1000  }
0x4ac: {  	s12 =	sld [smem:$0x7A1]  }
0x4ad: {  	[sflag:s2] =	ssyncset.done $0x0  }
0x4ae: {  	[sflag:s2] =	ssyncadd.s32 $0xFFFFF000  }
0x4af: {  	[spmem:s3] =	stream.indirect.scatter.add.f32 [tilespmem:s19], [sflag:$0x10], $0x80, s12, s13, $0xb8;
	v63 =	vld [tilespmem:$0x0]  }
0x4b0: {  	_ =	swait.ge [sflag:s10], $0x1000  }
0x4b1: {  	s12 =	sld [smem:$0x7A2]  }
0x4b2: {  	[sflag:s10] =	ssyncset.done $0x0  }
0x4b3: {  	[sflag:s10] =	ssyncadd.s32 $0xFFFFF000  }
0x4b4: {  	[spmem:s3] =	stream.indirect.scatter.add.f32 [tilespmem:s20], [sflag:$0x11], $0x80, s12, s13, $0xb8;
	v63 =	vld [tilespmem:$0x0]  }
0x4b5: {  	_ =	swait.ge [sflag:s0], $0x1000  }
0x4b6: {  	s12 =	sld [smem:$0x7A3]  }
0x4b7: {  	[sflag:s0] =	ssyncset.done $0x0  }
0x4b8: {  	[sflag:s0] =	ssyncadd.s32 $0xFFFFF000  }
0x4b9: {  	[spmem:s3] =	stream.indirect.scatter.add.f32 [tilespmem:s9], [sflag:$0x12], $0x80, s12, s13, $0xb8;
	v63 =	vld [tilespmem:$0x0]  }
0x4ba: {  	_ =	swait.ge [sflag:s22], $0x1000  }
0x4bb: {  	[sflag:s22] =	ssyncset.done $0x0  }
0x4bc: {  	[sflag:s22] =	ssyncadd.s32 $0xFFFFF000  }
0x4bd: {  	_ =	swait.ge [sflag:s24], $0x1000  }
0x4be: {  	[sflag:s24] =	ssyncset.done $0x0  }
0x4bf: {  	[sflag:s24] =	ssyncadd.s32 $0xFFFFF000  }
0x4c0: {  	_ =	swait.ge [sflag:s26], $0x1000  }
0x4c1: {  	[sflag:s26] =	ssyncset.done $0x0  }
0x4c2: {  	[sflag:s26] =	ssyncadd.s32 $0xFFFFF000  }
0x4c3: {  	_ =	swait.ge [sflag:s29], $0x1000  }
0x4c4: {  	[sflag:s29] =	ssyncset.done $0x0  }
0x4c5: {  	[sflag:s29] =	ssyncadd.s32 $0xFFFFF000  }
0x4c6: {  	_ =	swait.ge [sflag:s31], $0x1000  }
0x4c7: {  	[sflag:s31] =	ssyncset.done $0x0  }
0x4c8: {  	[sflag:s31] =	ssyncadd.s32 $0xFFFFF000  }
0x4c9: {  	_ =	swait.ge [sflag:s6], $0x1000  }
0x4ca: {  	[sflag:s6] =	ssyncset.done $0x0  }
0x4cb: {  	[sflag:s6] =	ssyncadd.s32 $0xFFFFF000  }
0x4cc: {  	_ =	swait.ge [sflag:s11], $0x1000  }
0x4cd: {  	[sflag:s11] =	ssyncset.done $0x0  }
0x4ce: {  	[sflag:s11] =	ssyncadd.s32 $0xFFFFF000  }
0x4cf: {  	_ =	swait.ge [sflag:s7], $0x1000  }
0x4d0: {  	s12 =	sld [smem:$0x77F];
	_ =	sdelay $0x2  }
0x4d1: {  	s12 =	smin.u32 s12, $0x7  }
0x4d2: {  	s8 =	rddreg [dreg:$0x4];
	s12 =	sshll.u32 s12, $0xC  }
0x4d3: {  	s8 =	sadd.s32 s12, s8;
	s12 =	sld [smem:$0x7CE];
	_ =	sdelay $0x1  }
0x4d4: {  	[sflag:s7] =	ssyncset.done $0x0;
	s8 =	sshrl.u32 s8, $0x3  }
0x4d5: {  	[sflag:s7] =	ssyncadd.s32 $0xFFFFF000;
	s8 =	sadd.s32 s12, s8  }
0x4d6: {  	[tilespmem:s4], [sflag:$0x1] =	stream.linear.gather [hbm4b:s8+s4], $0x1000, $0x38;
	v63 =	vld [tilespmem:$0x0]  }
0x4d7: {  	s12 =	simm.s32 $0x2000;
	s8 =	sadd.s32 $0x28000, s8  }
0x4d8: {  	[tilespmem:s12], [sflag:$0x1] =	stream.linear.gather [hbm4b:s8+s4], $0x1000, $0x38;
	v63 =	vld [tilespmem:$0x0]  }
0x4d9: {  	s8 =	simm.s32 $0x2  }
0x4da: {  	_ =	swait.ge [sflag:s8], $0x1000  }
0x4db: {  	[sflag:s8] =	ssyncset.done $0x0  }
0x4dc: {  	[sflag:s8] =	ssyncadd.s32 $0xFFFFF000  }
0x4dd: {  	_ =	swait.ge [sflag:s8], $0x1000  }
0x4de: {  	[sflag:s8] =	ssyncset.done $0x0  }
0x4df: {  	s12 =	simm.s32 $0x1000;
	[sflag:s8] =	ssyncadd.s32 $0xFFFFF000;
	s8 =	sld [smem:$0x7A4]  }
0x4e0: {  	[tilespmem:s14], [sflag:$0x3] =	stream.indirect.gather [hbm4b:s1+s13], $0x80, s12, s13, $0xb8;
	v63 =	vld [tilespmem:$0x0]  }
0x4e1: {  	s12 =	sld [smem:$0x7A5]  }
0x4e2: {  	[tilespmem:s15], [sflag:$0x4] =	stream.indirect.gather [hbm4b:s1+s13], $0x80, s8, s13, $0xb8;
	v63 =	vld [tilespmem:$0x0]  }
0x4e3: {  	s4 =	sld [smem:$0x7A6]  }
0x4e4: {  	[tilespmem:s16], [sflag:$0x5] =	stream.indirect.gather [hbm4b:s1+s13], $0x80, s12, s13, $0xb8;
	v63 =	vld [tilespmem:$0x0]  }
0x4e5: {  	s12 =	sld [smem:$0x7A7]  }
0x4e6: {  	[tilespmem:s17], [sflag:$0x6] =	stream.indirect.gather [hbm4b:s1+s13], $0x80, s4, s13, $0xb8;
	v63 =	vld [tilespmem:$0x0]  }
0x4e7: {  	s4 =	sld [smem:$0x7A8]  }
0x4e8: {  	[tilespmem:s18], [sflag:$0x7] =	stream.indirect.gather [hbm4b:s1+s13], $0x80, s12, s13, $0xb8;
	v63 =	vld [tilespmem:$0x0]  }
0x4e9: {  	s12 =	sld [smem:$0x7A9]  }
0x4ea: {  	[tilespmem:s19], [sflag:$0x8] =	stream.indirect.gather [hbm4b:s1+s13], $0x80, s4, s13, $0xb8;
	v63 =	vld [tilespmem:$0x0]  }
0x4eb: {  	s4 =	sld [smem:$0x7AA]  }
0x4ec: {  	[tilespmem:s20], [sflag:$0x9] =	stream.indirect.gather [hbm4b:s1+s13], $0x80, s12, s13, $0xb8;
	v63 =	vld [tilespmem:$0x0]  }
0x4ed: {  	_ = 	snop  }
0x4ee: {  	[tilespmem:s9], [sflag:$0xA] =	stream.indirect.gather [hbm4b:s1+s13], $0x80, s4, s13, $0xb8;
	v63 =	vld [tilespmem:$0x0]  }
0x4ef: {  	_ =	swait.ge [sflag:s21], $0x1000  }
0x4f0: {  	[sflag:s21] =	ssyncset.done $0x0  }
0x4f1: {  	s8 =	simm.s32 $0x3000;
	[sflag:s21] =	ssyncadd.s32 $0xFFFFF000  }
0x4f2: {  	[spmem:s3] =	stream.indirect.scatter.add.f32 [tilespmem:s14], [sflag:$0xB], $0x80, s8, s13, $0xb8;
	v63 =	vld [tilespmem:$0x0]  }
0x4f3: {  	_ =	swait.ge [sflag:s22], $0x1000  }
0x4f4: {  	s12 =	sld [smem:$0x7AB]  }
0x4f5: {  	[sflag:s22] =	ssyncset.done $0x0  }
0x4f6: {  	[sflag:s22] =	ssyncadd.s32 $0xFFFFF000  }
0x4f7: {  	[tilespmem:s14], [sflag:$0x3] =	stream.indirect.gather [hbm4b:s1+s13], $0x80, s12, s13, $0xb8;
	v63 =	vld [tilespmem:$0x0]  }
0x4f8: {  	_ =	swait.ge [sflag:s23], $0x1000  }
0x4f9: {  	s4 =	sld [smem:$0x7AC]  }
0x4fa: {  	[sflag:s23] =	ssyncset.done $0x0  }
0x4fb: {  	[sflag:s23] =	ssyncadd.s32 $0xFFFFF000  }
0x4fc: {  	[spmem:s3] =	stream.indirect.scatter.add.f32 [tilespmem:s15], [sflag:$0xC], $0x80, s4, s13, $0xb8;
	v63 =	vld [tilespmem:$0x0]  }
0x4fd: {  	_ =	swait.ge [sflag:s24], $0x1000  }
0x4fe: {  	s12 =	sld [smem:$0x7AD]  }
0x4ff: {  	[sflag:s24] =	ssyncset.done $0x0  }
0x500: {  	[sflag:s24] =	ssyncadd.s32 $0xFFFFF000  }
0x501: {  	[tilespmem:s15], [sflag:$0x4] =	stream.indirect.gather [hbm4b:s1+s13], $0x80, s12, s13, $0xb8;
	v63 =	vld [tilespmem:$0x0]  }
0x502: {  	_ =	swait.ge [sflag:s25], $0x1000  }
0x503: {  	s4 =	sld [smem:$0x7AE]  }
0x504: {  	[sflag:s25] =	ssyncset.done $0x0  }
0x505: {  	[sflag:s25] =	ssyncadd.s32 $0xFFFFF000  }
0x506: {  	[spmem:s3] =	stream.indirect.scatter.add.f32 [tilespmem:s16], [sflag:$0xD], $0x80, s4, s13, $0xb8;
	v63 =	vld [tilespmem:$0x0]  }
0x507: {  	_ =	swait.ge [sflag:s26], $0x1000  }
0x508: {  	s12 =	sld [smem:$0x7AF]  }
0x509: {  	[sflag:s26] =	ssyncset.done $0x0  }
0x50a: {  	[sflag:s26] =	ssyncadd.s32 $0xFFFFF000  }
0x50b: {  	[tilespmem:s16], [sflag:$0x5] =	stream.indirect.gather [hbm4b:s1+s13], $0x80, s12, s13, $0xb8;
	v63 =	vld [tilespmem:$0x0]  }
0x50c: {  	_ =	swait.ge [sflag:s28], $0x1000  }
0x50d: {  	s4 =	sld [smem:$0x7B0]  }
0x50e: {  	[sflag:s28] =	ssyncset.done $0x0  }
0x50f: {  	[sflag:s28] =	ssyncadd.s32 $0xFFFFF000  }
0x510: {  	[spmem:s3] =	stream.indirect.scatter.add.f32 [tilespmem:s17], [sflag:$0xE], $0x80, s4, s13, $0xb8;
	v63 =	vld [tilespmem:$0x0]  }
0x511: {  	_ =	swait.ge [sflag:s29], $0x1000  }
0x512: {  	s12 =	sld [smem:$0x7B1]  }
0x513: {  	[sflag:s29] =	ssyncset.done $0x0  }
0x514: {  	[sflag:s29] =	ssyncadd.s32 $0xFFFFF000  }
0x515: {  	[tilespmem:s17], [sflag:$0x6] =	stream.indirect.gather [hbm4b:s1+s13], $0x80, s12, s13, $0xb8;
	v63 =	vld [tilespmem:$0x0]  }
0x516: {  	_ =	swait.ge [sflag:s30], $0x1000  }
0x517: {  	s4 =	sld [smem:$0x7B2]  }
0x518: {  	[sflag:s30] =	ssyncset.done $0x0  }
0x519: {  	[sflag:s30] =	ssyncadd.s32 $0xFFFFF000  }
0x51a: {  	[spmem:s3] =	stream.indirect.scatter.add.f32 [tilespmem:s18], [sflag:$0xF], $0x80, s4, s13, $0xb8;
	v63 =	vld [tilespmem:$0x0]  }
0x51b: {  	_ =	swait.ge [sflag:s31], $0x1000  }
0x51c: {  	s12 =	sld [smem:$0x7B3]  }
0x51d: {  	[sflag:s31] =	ssyncset.done $0x0  }
0x51e: {  	[sflag:s31] =	ssyncadd.s32 $0xFFFFF000  }
0x51f: {  	[tilespmem:s18], [sflag:$0x7] =	stream.indirect.gather [hbm4b:s1+s13], $0x80, s12, s13, $0xb8;
	v63 =	vld [tilespmem:$0x0]  }
0x520: {  	_ =	swait.ge [sflag:s2], $0x1000  }
0x521: {  	s4 =	sld [smem:$0x7B4]  }
0x522: {  	[sflag:s2] =	ssyncset.done $0x0  }
0x523: {  	[sflag:s2] =	ssyncadd.s32 $0xFFFFF000  }
0x524: {  	[spmem:s3] =	stream.indirect.scatter.add.f32 [tilespmem:s19], [sflag:$0x10], $0x80, s4, s13, $0xb8;
	v63 =	vld [tilespmem:$0x0]  }
0x525: {  	_ =	swait.ge [sflag:s6], $0x1000  }
0x526: {  	s12 =	sld [smem:$0x7B5]  }
0x527: {  	[sflag:s6] =	ssyncset.done $0x0  }
0x528: {  	[sflag:s6] =	ssyncadd.s32 $0xFFFFF000  }
0x529: {  	[tilespmem:s19], [sflag:$0x8] =	stream.indirect.gather [hbm4b:s1+s13], $0x80, s12, s13, $0xb8;
	v63 =	vld [tilespmem:$0x0]  }
0x52a: {  	_ =	swait.ge [sflag:s10], $0x1000  }
0x52b: {  	s4 =	sld [smem:$0x7B6]  }
0x52c: {  	[sflag:s10] =	ssyncset.done $0x0  }
0x52d: {  	[sflag:s10] =	ssyncadd.s32 $0xFFFFF000  }
0x52e: {  	[spmem:s3] =	stream.indirect.scatter.add.f32 [tilespmem:s20], [sflag:$0x11], $0x80, s4, s13, $0xb8;
	v63 =	vld [tilespmem:$0x0]  }
0x52f: {  	_ =	swait.ge [sflag:s11], $0x1000  }
0x530: {  	s12 =	sld [smem:$0x7B7]  }
0x531: {  	[sflag:s11] =	ssyncset.done $0x0  }
0x532: {  	[sflag:s11] =	ssyncadd.s32 $0xFFFFF000  }
0x533: {  	[tilespmem:s20], [sflag:$0x9] =	stream.indirect.gather [hbm4b:s1+s13], $0x80, s12, s13, $0xb8;
	v63 =	vld [tilespmem:$0x0]  }
0x534: {  	_ =	swait.ge [sflag:s0], $0x1000  }
0x535: {  	s4 =	sld [smem:$0x7B8]  }
0x536: {  	[sflag:s0] =	ssyncset.done $0x0  }
0x537: {  	[sflag:s0] =	ssyncadd.s32 $0xFFFFF000  }
0x538: {  	[spmem:s3] =	stream.indirect.scatter.add.f32 [tilespmem:s9], [sflag:$0x12], $0x80, s4, s13, $0xb8;
	v63 =	vld [tilespmem:$0x0]  }
0x539: {  	_ =	swait.ge [sflag:s7], $0x1000  }
0x53a: {  	s12 =	sld [smem:$0x7B9]  }
0x53b: {  	[sflag:s7] =	ssyncset.done $0x0  }
0x53c: {  	[sflag:s7] =	ssyncadd.s32 $0xFFFFF000  }
0x53d: {  	[tilespmem:s9], [sflag:$0xA] =	stream.indirect.gather [hbm4b:s1+s13], $0x80, s12, s13, $0xb8;
	v63 =	vld [tilespmem:$0x0]  }
0x53e: {  	_ =	swait.ge [sflag:s21], $0x1000  }
0x53f: {  	s4 =	sld [smem:$0x7BA]  }
0x540: {  	[sflag:s21] =	ssyncset.done $0x0  }
0x541: {  	[sflag:s21] =	ssyncadd.s32 $0xFFFFF000  }
0x542: {  	[spmem:s3] =	stream.indirect.scatter.add.f32 [tilespmem:s14], [sflag:$0xB], $0x80, s4, s13, $0xb8;
	v63 =	vld [tilespmem:$0x0]  }
0x543: {  	_ =	swait.ge [sflag:s22], $0x1000  }
0x544: {  	s12 =	sld [smem:$0x7BB]  }
0x545: {  	[sflag:s22] =	ssyncset.done $0x0  }
0x546: {  	[sflag:s22] =	ssyncadd.s32 $0xFFFFF000  }
0x547: {  	[tilespmem:s14], [sflag:$0x3] =	stream.indirect.gather [hbm4b:s1+s13], $0x80, s12, s13, $0xb8;
	v63 =	vld [tilespmem:$0x0]  }
0x548: {  	_ =	swait.ge [sflag:s23], $0x1000  }
0x549: {  	s4 =	sld [smem:$0x7BC]  }
0x54a: {  	[sflag:s23] =	ssyncset.done $0x0  }
0x54b: {  	[sflag:s23] =	ssyncadd.s32 $0xFFFFF000  }
0x54c: {  	[spmem:s3] =	stream.indirect.scatter.add.f32 [tilespmem:s15], [sflag:$0xC], $0x80, s4, s13, $0xb8;
	v63 =	vld [tilespmem:$0x0]  }
0x54d: {  	_ =	swait.ge [sflag:s24], $0x1000  }
0x54e: {  	s12 =	sld [smem:$0x7BD]  }
0x54f: {  	[sflag:s24] =	ssyncset.done $0x0  }
0x550: {  	[sflag:s24] =	ssyncadd.s32 $0xFFFFF000  }
0x551: {  	[tilespmem:s15], [sflag:$0x4] =	stream.indirect.gather [hbm4b:s1+s13], $0x80, s12, s13, $0xb8;
	v63 =	vld [tilespmem:$0x0]  }
0x552: {  	_ =	swait.ge [sflag:s25], $0x1000  }
0x553: {  	s4 =	sld [smem:$0x7BE]  }
0x554: {  	[sflag:s25] =	ssyncset.done $0x0  }
0x555: {  	[sflag:s25] =	ssyncadd.s32 $0xFFFFF000  }
0x556: {  	[spmem:s3] =	stream.indirect.scatter.add.f32 [tilespmem:s16], [sflag:$0xD], $0x80, s4, s13, $0xb8;
	v63 =	vld [tilespmem:$0x0]  }
0x557: {  	_ =	swait.ge [sflag:s26], $0x1000  }
0x558: {  	s12 =	sld [smem:$0x7BF]  }
0x559: {  	[sflag:s26] =	ssyncset.done $0x0  }
0x55a: {  	[sflag:s26] =	ssyncadd.s32 $0xFFFFF000  }
0x55b: {  	[tilespmem:s16], [sflag:$0x5] =	stream.indirect.gather [hbm4b:s1+s13], $0x80, s12, s13, $0xb8;
	v63 =	vld [tilespmem:$0x0]  }
0x55c: {  	_ =	swait.ge [sflag:s28], $0x1000  }
0x55d: {  	s4 =	sld [smem:$0x7C0]  }
0x55e: {  	[sflag:s28] =	ssyncset.done $0x0  }
0x55f: {  	[sflag:s28] =	ssyncadd.s32 $0xFFFFF000  }
0x560: {  	[spmem:s3] =	stream.indirect.scatter.add.f32 [tilespmem:s17], [sflag:$0xE], $0x80, s4, s13, $0xb8;
	v63 =	vld [tilespmem:$0x0]  }
0x561: {  	_ =	swait.ge [sflag:s29], $0x1000  }
0x562: {  	s12 =	sld [smem:$0x7C1]  }
0x563: {  	[sflag:s29] =	ssyncset.done $0x0  }
0x564: {  	[sflag:s29] =	ssyncadd.s32 $0xFFFFF000  }
0x565: {  	[tilespmem:s17], [sflag:$0x6] =	stream.indirect.gather [hbm4b:s1+s13], $0x80, s12, s13, $0xb8;
	v63 =	vld [tilespmem:$0x0]  }
0x566: {  	_ =	swait.ge [sflag:s30], $0x1000  }
0x567: {  	s4 =	sld [smem:$0x7C2]  }
0x568: {  	[sflag:s30] =	ssyncset.done $0x0  }
0x569: {  	[sflag:s30] =	ssyncadd.s32 $0xFFFFF000  }
0x56a: {  	[spmem:s3] =	stream.indirect.scatter.add.f32 [tilespmem:s18], [sflag:$0xF], $0x80, s4, s13, $0xb8;
	v63 =	vld [tilespmem:$0x0]  }
0x56b: {  	_ =	swait.ge [sflag:s31], $0x1000  }
0x56c: {  	s12 =	sld [smem:$0x7C3]  }
0x56d: {  	[sflag:s31] =	ssyncset.done $0x0  }
0x56e: {  	[sflag:s31] =	ssyncadd.s32 $0xFFFFF000  }
0x56f: {  	[tilespmem:s18], [sflag:$0x7] =	stream.indirect.gather [hbm4b:s1+s13], $0x80, s12, s13, $0xb8;
	v63 =	vld [tilespmem:$0x0]  }
0x570: {  	_ =	swait.ge [sflag:s2], $0x1000  }
0x571: {  	s4 =	sld [smem:$0x7C4]  }
0x572: {  	[sflag:s2] =	ssyncset.done $0x0  }
0x573: {  	[sflag:s2] =	ssyncadd.s32 $0xFFFFF000  }
0x574: {  	[spmem:s3] =	stream.indirect.scatter.add.f32 [tilespmem:s19], [sflag:$0x10], $0x80, s4, s13, $0xb8;
	v63 =	vld [tilespmem:$0x0]  }
0x575: {  	_ =	swait.ge [sflag:s6], $0x1000  }
0x576: {  	s12 =	sld [smem:$0x7C5]  }
0x577: {  	[sflag:s6] =	ssyncset.done $0x0  }
0x578: {  	[sflag:s6] =	ssyncadd.s32 $0xFFFFF000  }
0x579: {  	[tilespmem:s19], [sflag:$0x8] =	stream.indirect.gather [hbm4b:s1+s13], $0x80, s12, s13, $0xb8;
	v63 =	vld [tilespmem:$0x0]  }
0x57a: {  	_ =	swait.ge [sflag:s10], $0x1000  }
0x57b: {  	s4 =	sld [smem:$0x7C6]  }
0x57c: {  	[sflag:s10] =	ssyncset.done $0x0  }
0x57d: {  	[sflag:s10] =	ssyncadd.s32 $0xFFFFF000  }
0x57e: {  	[spmem:s3] =	stream.indirect.scatter.add.f32 [tilespmem:s20], [sflag:$0x11], $0x80, s4, s13, $0xb8;
	v63 =	vld [tilespmem:$0x0]  }
0x57f: {  	_ =	swait.ge [sflag:s11], $0x1000  }
0x580: {  	s12 =	sld [smem:$0x7C7]  }
0x581: {  	[sflag:s11] =	ssyncset.done $0x0  }
0x582: {  	[sflag:s11] =	ssyncadd.s32 $0xFFFFF000  }
0x583: {  	[tilespmem:s20], [sflag:$0x9] =	stream.indirect.gather [hbm4b:s1+s13], $0x80, s12, s13, $0xb8;
	v63 =	vld [tilespmem:$0x0]  }
0x584: {  	_ =	swait.ge [sflag:s0], $0x1000  }
0x585: {  	s4 =	sld [smem:$0x7C8]  }
0x586: {  	[sflag:s0] =	ssyncset.done $0x0  }
0x587: {  	[sflag:s0] =	ssyncadd.s32 $0xFFFFF000  }
0x588: {  	[spmem:s3] =	stream.indirect.scatter.add.f32 [tilespmem:s9], [sflag:$0x12], $0x80, s4, s13, $0xb8;
	v63 =	vld [tilespmem:$0x0]  }
0x589: {  	_ =	swait.ge [sflag:s7], $0x1000  }
0x58a: {  	s12 =	sld [smem:$0x7C9]  }
0x58b: {  	[sflag:s7] =	ssyncset.done $0x0  }
0x58c: {  	[sflag:s7] =	ssyncadd.s32 $0xFFFFF000  }
0x58d: {  	[tilespmem:s9], [sflag:$0xA] =	stream.indirect.gather [hbm4b:s1+s13], $0x80, s12, s13, $0xb8;
	v63 =	vld [tilespmem:$0x0]  }
0x58e: {  	_ =	swait.ge [sflag:s21], $0x1000  }
0x58f: {  	s4 =	sld [smem:$0x7CA]  }
0x590: {  	[sflag:s21] =	ssyncset.done $0x0  }
0x591: {  	[sflag:s21] =	ssyncadd.s32 $0xFFFFF000  }
0x592: {  	[spmem:s3] =	stream.indirect.scatter.add.f32 [tilespmem:s14], [sflag:$0xB], $0x80, s4, s13, $0xb8;
	v63 =	vld [tilespmem:$0x0]  }
0x593: {  	_ =	swait.ge [sflag:s22], $0x1000  }
0x594: {  	s12 =	sld [smem:$0x7CB]  }
0x595: {  	[sflag:s22] =	ssyncset.done $0x0  }
0x596: {  	[sflag:s22] =	ssyncadd.s32 $0xFFFFF000  }
0x597: {  	[tilespmem:s14], [sflag:$0x3] =	stream.indirect.gather [hbm4b:s1+s13], $0x80, s12, s13, $0xb8;
	v63 =	vld [tilespmem:$0x0]  }
0x598: {  	_ =	swait.ge [sflag:s23], $0x1000  }
0x599: {  	s4 =	sld [smem:$0x7CC]  }
0x59a: {  	[sflag:s23] =	ssyncset.done $0x0  }
0x59b: {  	[sflag:s23] =	ssyncadd.s32 $0xFFFFF000  }
0x59c: {  	[spmem:s3] =	stream.indirect.scatter.add.f32 [tilespmem:s15], [sflag:$0xC], $0x80, s4, s13, $0xb8;
	v63 =	vld [tilespmem:$0x0]  }
0x59d: {  	_ =	swait.ge [sflag:s24], $0x1000  }
0x59e: {  	s12 =	sld [smem:$0x7CD]  }
0x59f: {  	[sflag:s24] =	ssyncset.done $0x0  }
0x5a0: {  	[sflag:s24] =	ssyncadd.s32 $0xFFFFF000  }
0x5a1: {  	[tilespmem:s15], [sflag:$0x4] =	stream.indirect.gather [hbm4b:s1+s13], $0x80, s12, s13, $0xb8;
	v63 =	vld [tilespmem:$0x0]  }
0x5a2: {  	_ =	swait.ge [sflag:s25], $0x1000  }
0x5a3: {  	s4 =	sld [smem:$0x7CF]  }
0x5a4: {  	[sflag:s25] =	ssyncset.done $0x0  }
0x5a5: {  	[sflag:s25] =	ssyncadd.s32 $0xFFFFF000  }
0x5a6: {  	[spmem:s3] =	stream.indirect.scatter.add.f32 [tilespmem:s16], [sflag:$0xD], $0x80, s4, s13, $0xb8;
	v63 =	vld [tilespmem:$0x0]  }
0x5a7: {  	_ =	swait.ge [sflag:s26], $0x1000  }
0x5a8: {  	s12 =	sld [smem:$0x7D1]  }
0x5a9: {  	[sflag:s26] =	ssyncset.done $0x0  }
0x5aa: {  	[sflag:s26] =	ssyncadd.s32 $0xFFFFF000  }
0x5ab: {  	[tilespmem:s16], [sflag:$0x5] =	stream.indirect.gather [hbm4b:s1+s13], $0x80, s12, s13, $0xb8;
	v63 =	vld [tilespmem:$0x0]  }
0x5ac: {  	_ =	swait.ge [sflag:s28], $0x1000  }
0x5ad: {  	s4 =	sld [smem:$0x7D3]  }
0x5ae: {  	[sflag:s28] =	ssyncset.done $0x0  }
0x5af: {  	[sflag:s28] =	ssyncadd.s32 $0xFFFFF000  }
0x5b0: {  	[spmem:s3] =	stream.indirect.scatter.add.f32 [tilespmem:s17], [sflag:$0xE], $0x80, s4, s13, $0xb8;
	v63 =	vld [tilespmem:$0x0]  }
0x5b1: {  	_ =	swait.ge [sflag:s29], $0x1000  }
0x5b2: {  	s12 =	sld [smem:$0x7D4]  }
0x5b3: {  	[sflag:s29] =	ssyncset.done $0x0  }
0x5b4: {  	[sflag:s29] =	ssyncadd.s32 $0xFFFFF000  }
0x5b5: {  	[tilespmem:s17], [sflag:$0x6] =	stream.indirect.gather [hbm4b:s1+s13], $0x80, s12, s13, $0xb8;
	v63 =	vld [tilespmem:$0x0]  }
0x5b6: {  	_ =	swait.ge [sflag:s30], $0x1000  }
0x5b7: {  	s4 =	sld [smem:$0x7D7]  }
0x5b8: {  	[sflag:s30] =	ssyncset.done $0x0  }
0x5b9: {  	[sflag:s30] =	ssyncadd.s32 $0xFFFFF000  }
0x5ba: {  	[spmem:s3] =	stream.indirect.scatter.add.f32 [tilespmem:s18], [sflag:$0xF], $0x80, s4, s13, $0xb8;
	v63 =	vld [tilespmem:$0x0]  }
0x5bb: {  	_ =	swait.ge [sflag:s31], $0x1000  }
0x5bc: {  	s12 =	sld [smem:$0x7D8]  }
0x5bd: {  	[sflag:s31] =	ssyncset.done $0x0  }
0x5be: {  	[sflag:s31] =	ssyncadd.s32 $0xFFFFF000  }
0x5bf: {  	[tilespmem:s18], [sflag:$0x7] =	stream.indirect.gather [hbm4b:s1+s13], $0x80, s12, s13, $0xb8;
	v63 =	vld [tilespmem:$0x0]  }
0x5c0: {  	_ =	swait.ge [sflag:s2], $0x1000  }
0x5c1: {  	s4 =	sld [smem:$0x7D9]  }
0x5c2: {  	[sflag:s2] =	ssyncset.done $0x0  }
0x5c3: {  	[sflag:s2] =	ssyncadd.s32 $0xFFFFF000  }
0x5c4: {  	[spmem:s3] =	stream.indirect.scatter.add.f32 [tilespmem:s19], [sflag:$0x10], $0x80, s4, s13, $0xb8;
	v63 =	vld [tilespmem:$0x0]  }
0x5c5: {  	_ =	swait.ge [sflag:s6], $0x1000  }
0x5c6: {  	s12 =	sld [smem:$0x7DB]  }
0x5c7: {  	[sflag:s6] =	ssyncset.done $0x0  }
0x5c8: {  	[sflag:s6] =	ssyncadd.s32 $0xFFFFF000  }
0x5c9: {  	[tilespmem:s19], [sflag:$0x8] =	stream.indirect.gather [hbm4b:s1+s13], $0x80, s12, s13, $0xb8;
	v63 =	vld [tilespmem:$0x0]  }
0x5ca: {  	_ =	swait.ge [sflag:s10], $0x1000  }
0x5cb: {  	s4 =	sld [smem:$0x7DD]  }
0x5cc: {  	[sflag:s10] =	ssyncset.done $0x0  }
0x5cd: {  	[sflag:s10] =	ssyncadd.s32 $0xFFFFF000  }
0x5ce: {  	[spmem:s3] =	stream.indirect.scatter.add.f32 [tilespmem:s20], [sflag:$0x11], $0x80, s4, s13, $0xb8;
	v63 =	vld [tilespmem:$0x0]  }
0x5cf: {  	_ =	swait.ge [sflag:s11], $0x1000  }
0x5d0: {  	s12 =	sld [smem:$0x7DF]  }
0x5d1: {  	[sflag:s11] =	ssyncset.done $0x0  }
0x5d2: {  	[sflag:s11] =	ssyncadd.s32 $0xFFFFF000  }
0x5d3: {  	[tilespmem:s20], [sflag:$0x9] =	stream.indirect.gather [hbm4b:s1+s13], $0x80, s12, s13, $0xb8;
	v63 =	vld [tilespmem:$0x0]  }
0x5d4: {  	_ =	swait.ge [sflag:s0], $0x1000  }
0x5d5: {  	s4 =	sld [smem:$0x7E1]  }
0x5d6: {  	[sflag:s0] =	ssyncset.done $0x0  }
0x5d7: {  	[sflag:s0] =	ssyncadd.s32 $0xFFFFF000  }
0x5d8: {  	[spmem:s3] =	stream.indirect.scatter.add.f32 [tilespmem:s9], [sflag:$0x12], $0x80, s4, s13, $0xb8;
	v63 =	vld [tilespmem:$0x0]  }
0x5d9: {  	_ =	swait.ge [sflag:s7], $0x1000  }
0x5da: {  	s12 =	sld [smem:$0x7E3]  }
0x5db: {  	[sflag:s7] =	ssyncset.done $0x0  }
0x5dc: {  	[sflag:s7] =	ssyncadd.s32 $0xFFFFF000  }
0x5dd: {  	[tilespmem:s9], [sflag:$0xA] =	stream.indirect.gather [hbm4b:s1+s13], $0x80, s12, s13, $0xb8;
	v63 =	vld [tilespmem:$0x0]  }
0x5de: {  	_ =	swait.ge [sflag:s21], $0x1000  }
0x5df: {  	s4 =	sld [smem:$0x7E5]  }
0x5e0: {  	[sflag:s21] =	ssyncset.done $0x0  }
0x5e1: {  	[sflag:s21] =	ssyncadd.s32 $0xFFFFF000  }
0x5e2: {  	[spmem:s3] =	stream.indirect.scatter.add.f32 [tilespmem:s14], [sflag:$0xB], $0x80, s4, s13, $0xb8;
	v63 =	vld [tilespmem:$0x0]  }
0x5e3: {  	_ =	swait.ge [sflag:s23], $0x1000  }
0x5e4: {  	s12 =	sld [smem:$0x7E7]  }
0x5e5: {  	[sflag:s23] =	ssyncset.done $0x0  }
0x5e6: {  	[sflag:s23] =	ssyncadd.s32 $0xFFFFF000  }
0x5e7: {  	[spmem:s3] =	stream.indirect.scatter.add.f32 [tilespmem:s15], [sflag:$0xC], $0x80, s12, s13, $0xb8;
	v63 =	vld [tilespmem:$0x0]  }
0x5e8: {  	_ =	swait.ge [sflag:s25], $0x1000  }
0x5e9: {  	s14 =	sld [smem:$0x7E9]  }
0x5ea: {  	[sflag:s25] =	ssyncset.done $0x0  }
0x5eb: {  	[sflag:s25] =	ssyncadd.s32 $0xFFFFF000  }
0x5ec: {  	[spmem:s3] =	stream.indirect.scatter.add.f32 [tilespmem:s16], [sflag:$0xD], $0x80, s14, s13, $0xb8;
	v63 =	vld [tilespmem:$0x0]  }
0x5ed: {  	_ =	swait.ge [sflag:s28], $0x1000  }
0x5ee: {  	s4 =	sld [smem:$0x7EB]  }
0x5ef: {  	[sflag:s28] =	ssyncset.done $0x0  }
0x5f0: {  	[sflag:s28] =	ssyncadd.s32 $0xFFFFF000  }
0x5f1: {  	[spmem:s3] =	stream.indirect.scatter.add.f32 [tilespmem:s17], [sflag:$0xE], $0x80, s4, s13, $0xb8;
	v63 =	vld [tilespmem:$0x0]  }
0x5f2: {  	_ =	swait.ge [sflag:s30], $0x1000  }
0x5f3: {  	s12 =	sld [smem:$0x7ED]  }
0x5f4: {  	[sflag:s30] =	ssyncset.done $0x0  }
0x5f5: {  	[sflag:s30] =	ssyncadd.s32 $0xFFFFF000  }
0x5f6: {  	[spmem:s3] =	stream.indirect.scatter.add.f32 [tilespmem:s18], [sflag:$0xF], $0x80, s12, s13, $0xb8;
	v63 =	vld [tilespmem:$0x0]  }
0x5f7: {  	_ =	swait.ge [sflag:s2], $0x1000  }
0x5f8: {  	s14 =	sld [smem:$0x7EF]  }
0x5f9: {  	[sflag:s2] =	ssyncset.done $0x0  }
0x5fa: {  	[sflag:s2] =	ssyncadd.s32 $0xFFFFF000  }
0x5fb: {  	[spmem:s3] =	stream.indirect.scatter.add.f32 [tilespmem:s19], [sflag:$0x10], $0x80, s14, s13, $0xb8;
	v63 =	vld [tilespmem:$0x0]  }
0x5fc: {  	_ =	swait.ge [sflag:s10], $0x1000  }
0x5fd: {  	s16 =	sld [smem:$0x7F1]  }
0x5fe: {  	[sflag:s10] =	ssyncset.done $0x0  }
0x5ff: {  	[sflag:s10] =	ssyncadd.s32 $0xFFFFF000  }
0x600: {  	[spmem:s3] =	stream.indirect.scatter.add.f32 [tilespmem:s20], [sflag:$0x11], $0x80, s16, s13, $0xb8;
	v63 =	vld [tilespmem:$0x0]  }
0x601: {  	_ =	swait.ge [sflag:s0], $0x1000  }
0x602: {  	s4 =	sld [smem:$0x7F2]  }
0x603: {  	[sflag:s0] =	ssyncset.done $0x0  }
0x604: {  	[sflag:s0] =	ssyncadd.s32 $0xFFFFF000  }
0x605: {  	[spmem:s3] =	stream.indirect.scatter.add.f32 [tilespmem:s9], [sflag:$0x12], $0x80, s4, s13, $0xb8;
	v63 =	vld [tilespmem:$0x0]  }
0x606: {  	_ =	swait.ge [sflag:s22], $0x1000  }
0x607: {  	[sflag:s22] =	ssyncset.done $0x0  }
0x608: {  	[sflag:s22] =	ssyncadd.s32 $0xFFFFF000  }
0x609: {  	_ =	swait.ge [sflag:s24], $0x1000  }
0x60a: {  	[sflag:s24] =	ssyncset.done $0x0  }
0x60b: {  	[sflag:s24] =	ssyncadd.s32 $0xFFFFF000  }
0x60c: {  	_ =	swait.ge [sflag:s26], $0x1000  }
0x60d: {  	[sflag:s26] =	ssyncset.done $0x0  }
0x60e: {  	[sflag:s26] =	ssyncadd.s32 $0xFFFFF000  }
0x60f: {  	_ =	swait.ge [sflag:s29], $0x1000  }
0x610: {  	[sflag:s29] =	ssyncset.done $0x0  }
0x611: {  	[sflag:s29] =	ssyncadd.s32 $0xFFFFF000  }
0x612: {  	_ =	swait.ge [sflag:s31], $0x1000  }
0x613: {  	[sflag:s31] =	ssyncset.done $0x0  }
0x614: {  	[sflag:s31] =	ssyncadd.s32 $0xFFFFF000  }
0x615: {  	_ =	swait.ge [sflag:s6], $0x1000  }
0x616: {  	[sflag:s6] =	ssyncset.done $0x0  }
0x617: {  	[sflag:s6] =	ssyncadd.s32 $0xFFFFF000  }
0x618: {  	_ =	swait.ge [sflag:s11], $0x1000  }
0x619: {  	[sflag:s11] =	ssyncset.done $0x0  }
0x61a: {  	[sflag:s11] =	ssyncadd.s32 $0xFFFFF000  }
0x61b: {  	_ =	swait.ge [sflag:s7], $0x1000  }
0x61c: {  	s14 =	sld [smem:$0x77F];
	_ =	sdelay $0x2  }
0x61d: {  	s12 =	rddreg [dreg:$0x5];
	s4 =	smin.u32 s14, $0x6  }
0x61e: {  	p0 =	sne.s32 s5, $0x8;
	s16 =	sld [smem:$0x7CE];
	s4 =	sshll.u32 s4, $0xC  }
.Ltmp1:
0x61f: {  	[sflag:s7] =	ssyncset.done $0x0;
	s4 =	sadd.s32 s4, s12;
	(pc) =	sbr.rel @p0 .LBB2_4-.Ltmp1, $4  }
0x620: {  	s5 =	sadd.s32 $0x2, s5;
	[sflag:s7] =	ssyncadd.s32 $0xFFFFF000;
	s4 =	sshrl.u32 s4, $0x3  }
0x621: {  	s14 =	simm.s32 $0x1000;
	s4 =	sadd.s32 s16, s4;
	s16 =	simm.s32 $0x0  }
0x622: {  	[tilespmem:s14], [sflag:$0x2] =	stream.linear.gather [hbm4b:s4+s16], $0x1000, $0x38;
	v63 =	vld [tilespmem:$0x0]  }
0x623: {  	s8 =	simm.s32 $0x3000;
	s12 =	simm.s32 $0x0;
	s4 =	sadd.s32 $0x28000, s4  }
0x624: {  	[tilespmem:s8], [sflag:$0x2] =	stream.linear.gather [hbm4b:s4+s12], $0x1000, $0x38;
	v63 =	vld [tilespmem:$0x0]  }
0x625: {  	s14 =	simm.s32 $0x1  }
0x626: {  	_ =	swait.ge [sflag:s14], $0x1000  }
0x627: {  	[sflag:s14] =	ssyncset.done $0x0  }
0x628: {  	[sflag:s14] =	ssyncadd.s32 $0xFFFFF000  }
0x629: {  	_ =	swait.ge [sflag:s14], $0x1000  }
0x62a: {  	[sflag:s14] =	ssyncset.done $0x0  }
0x62b: {  	s15 =	simm.s32 $0x2;
	[sflag:s14] =	ssyncadd.s32 $0xFFFFF000  }
0x62c: {  	_ =	swait.ge [sflag:s15], $0x1000  }
0x62d: {  	[sflag:s15] =	ssyncset.done $0x0  }
0x62e: {  	[sflag:s15] =	ssyncadd.s32 $0xFFFFF000  }
0x62f: {  	_ =	swait.ge [sflag:s15], $0x1000  }
0x630: {  	[sflag:s15] =	ssyncset.done $0x0  }
0x631: {  	[sflag:s15] =	ssyncadd.s32 $0xFFFFF000  }
0x632: {  	[bflag:$0x0] =	sbarrier.arrive $0xFFFF  }
0x633: {  	s12 =	sld [smem:$0x7FD]  }
0x634: {  	s16 =	stileid.u32;
	s17 =	sld [smem:$0x7F4]  }
0x635: {  	s4 =	sshll.u32 s16, $0x6  }
0x636: {  	s18 =	simm.s32 $0x13;
	s4 =	sor.u32 $0x1C13, s4;
	s5 =	sshrl.u32 s12, $0x3  }
0x637: {  	[hbm:s17], [sflag:s4] =	dma.local [spmem:s5], $0x2800  }
0x638: {  	_ =	swait.ge [sflag:s18], $0x2800  }
0x639: {  	s19 =	sld [smem:$0x7FC]  }
0x63a: {  	s20 =	sld [smem:$0x7F5];
	_ =	sdelay $0x1  }
0x63b: {  	s8 =	sadd.s32 $0x1, s19  }
0x63c: {  	p0 =	sne.s32 s8, s20  }
.Ltmp2:
0x63d: {  	_ = 	snop;
	(pc) =	sbr.rel @p0 .LBB2_1-.Ltmp2, $4  }
0x63e: {  	s9 =	simm.s32 $0x4000  }
0x63f: {  	s16 =	simm.s32 $0x7000;
	s14 =	simm.s32 $0x5000;
	s15 =	simm.s32 $0x6000  }
0x640: {  	s5 =	simm.s32 $0x1000;
	s17 =	simm.s32 $0x8000;
	[sflag:s18] =	ssyncset.done $0x0  }
0x641: {  	[sflag:s18] =	ssyncadd.s32 $0xFFFFD800;
	s18 =	simm.s32 $0x9000;
	[smem:$0x7FC] =	sst s8  }
0x642: {  	_ =	sfence.sel $0x180000  }
0x643: {  	[bflag:$0x0] =	sbarrier.arrive $0xFFFF  }
0x644: {  	_ =	strace $0x90000047  }
0x645: {  	s0 =	stileid.u32;
	[bflag:$0x2] =	sbarrier.arrive $0xFFFF  }
0x646: {  	p0 =	sne.s32 s0, $0x0;
	s0 =	rddreg [dreg:$0x3]  }
0x647: {  	s0 =	sadd.s32 @!p0 $0x100000, s0  }
0x648: {  	[sflag:s0] =	ssyncadd.tile.s32 @!p0 $0x1;
	_ =	shalt  }
.Lfunc_end2:
_tile_overlayer_lowered:
.L_overlay_start_2:
0x649: {  	(tag) =	ssettag $0x2  }
0x64a: {  	s0 =	rddreg [dreg:$0x0];
	s2 =	stileid.u32  }
0x64b: {  	s1 =	rddreg [dreg:$0x1];
	p0 =	sne.s32 s2, $0x0  }
0x64c: {  	s3 =	rddreg [dreg:$0x2];
	[bflag:$0x3] =	sbarrier.arrive $0xFFFF;
	s2 =	simm.s32 @!p0 $0x1C13  }
0x64d: {  	[timem:s3], [sflag:s2] =	dma.local @!p0 [hbm:s0], s1  }
0x64e: {  	s0 =	simm.s32 @!p0 $0x13  }
0x64f: {  	_ =	swait.ge @!p0 [sflag:s0], s1  }
0x650: {  	s1 =	ssub.s32 @!p0 $0x0, s1;
	[sflag:s0] =	ssyncset.done @!p0 $0x0  }
0x651: {  	[sflag:s0] =	ssyncadd.s32 @!p0 s1  }
0x652: {  	[bflag:$0x3] =	sbarrier.arrive $0xFFFF  }
0x653: {  	_ =	shalt  }

</sc_bundles>
